<compile_context>
chip_gen: v7x
topology: tpu7x:2x2x1
jax: 0.10.2.dev20260603
libtpu: 0.0.44.dev20260713+nightly
codegen_flags: <defaults>
</compile_context>

<pallas_src>
import jax
import jax.numpy as jnp
from jax import lax
from jax.experimental import pallas as pl
from jax.experimental.pallas import tpu as pltpu
from jax.experimental.pallas import tpu_sc as plsc

N = 10000
E = 320000
D = 128
NP = 10240
NC, NS = 2, 16
NW = NC * NS
EPT = E // NW
C = 80
NCHUNK = EPT // C
RPT = NP // NS
BM = 1024


def _fill_iden(iden, s, lane):
  nj = C // 16

  def mkid(t, _):
    k = t // nj
    j = t % nj
    iden[k, pl.ds(j * 16, 16)] = s * RPT + k * C + j * 16 + lane
    return 0

  lax.fori_loop(0, (RPT // C) * nj, mkid, 0)


def _fill_const(buf, val):
  v = jnp.full((16,), val, jnp.float32)

  def fill(i, _):
    for j in range(D // 16):
      buf[i, pl.ds(j * 16, 16)] = v
    return 0

  lax.fori_loop(0, C, fill, 0)


def _sc_agg_body(x_hbm, src_hbm, dst_hbm, agg_hbm, sidx, didx, rows,
                 sidx2, didx2, rows2, iden, sema, semb, acc_sh):
  c = lax.axis_index("c")
  s = lax.axis_index("s")
  wid = s * NC + c
  ebase = wid * EPT

  lane = lax.iota(jnp.int32, 16)
  _fill_iden(iden, s, lane)
  _fill_const(rows, 0.0)

  for k in range(RPT // C):
    pltpu.sync_copy(rows, acc_sh.at[iden.at[k]])
  plsc.subcore_barrier()

  def load_gather(i, si, di, ro, sem):
    base = pl.multiple_of(ebase + i * C, 8)
    pltpu.sync_copy(src_hbm.at[pl.ds(base, C)], si)
    pltpu.sync_copy(dst_hbm.at[pl.ds(base, C)], di)
    return pltpu.async_copy(x_hbm.at[si], ro, sem)

  load_gather(0, sidx, didx, rows, sema)

  def pair(p, _):
    i0 = 2 * p
    load_gather(i0 + 1, sidx2, didx2, rows2, semb)
    pltpu.make_async_copy(x_hbm.at[sidx], rows, sema).wait()
    pltpu.sync_copy(rows, acc_sh.at[didx], add=True)
    load_gather(i0 + 2, sidx, didx, rows, sema)
    pltpu.make_async_copy(x_hbm.at[sidx2], rows2, semb).wait()
    pltpu.sync_copy(rows2, acc_sh.at[didx2], add=True)
    return 0

  lax.fori_loop(0, NCHUNK // 2, pair, 0)
  pltpu.make_async_copy(x_hbm.at[sidx], rows, sema).wait()
  pltpu.sync_copy(rows, acc_sh.at[didx], add=True)
  plsc.subcore_barrier()

  for k in range(RPT // C):
    off = pl.multiple_of(s * RPT + k * C, 8)
    pltpu.sync_copy(acc_sh.at[iden.at[k]], rows)
    pltpu.sync_copy(rows, agg_hbm.at[c, pl.ds(off, C)])


_sc_agg = pl.kernel(
    _sc_agg_body,
    out_type=jax.ShapeDtypeStruct((NC, NP, D), jnp.float32),
    mesh=plsc.VectorSubcoreMesh(core_axis_name="c", subcore_axis_name="s"),
    scratch_types=[
        pltpu.VMEM((C,), jnp.int32),
        pltpu.VMEM((C,), jnp.int32),
        pltpu.VMEM((C, D), jnp.float32),
        pltpu.VMEM((C,), jnp.int32),
        pltpu.VMEM((C,), jnp.int32),
        pltpu.VMEM((C, D), jnp.float32),
        pltpu.VMEM((RPT // C, C), jnp.int32),
        pltpu.SemaphoreType.DMA,
        pltpu.SemaphoreType.DMA,
        pltpu.VMEM_SHARED((NP, D), jnp.float32),
    ],
)


def _sc_cnt_body(dst_hbm, cnt_hbm, didx, didx2, ones, zero, iden,
                 sema, semb, cnt_sh):
  c = lax.axis_index("c")
  s = lax.axis_index("s")
  wid = s * NC + c
  ebase = wid * EPT

  lane = lax.iota(jnp.int32, 16)
  _fill_iden(iden, s, lane)
  _fill_const(ones, 1.0)
  _fill_const(zero, 0.0)

  for k in range(RPT // C):
    pltpu.sync_copy(zero, cnt_sh.at[iden.at[k]])
  plsc.subcore_barrier()

  def load(i, di):
    base = pl.multiple_of(ebase + i * C, 8)
    pltpu.sync_copy(dst_hbm.at[pl.ds(base, C)], di)

  load(0, didx)
  pltpu.async_copy(ones, cnt_sh.at[didx], sema, add=True)

  def pair(p, _):
    i0 = 2 * p
    load(i0 + 1, didx2)
    pltpu.async_copy(ones, cnt_sh.at[didx2], semb, add=True)
    pltpu.make_async_copy(ones, cnt_sh.at[didx], sema).wait()
    load(i0 + 2, didx)
    pltpu.async_copy(ones, cnt_sh.at[didx], sema, add=True)
    pltpu.make_async_copy(ones, cnt_sh.at[didx2], semb).wait()
    return 0

  lax.fori_loop(0, NCHUNK // 2, pair, 0)
  pltpu.make_async_copy(ones, cnt_sh.at[didx], sema).wait()
  plsc.subcore_barrier()

  for k in range(RPT // C):
    off = pl.multiple_of(s * RPT + k * C, 8)
    pltpu.sync_copy(cnt_sh.at[iden.at[k]], zero)
    pltpu.sync_copy(zero, cnt_hbm.at[c, pl.ds(off, C)])


_sc_cnt = pl.kernel(
    _sc_cnt_body,
    out_type=jax.ShapeDtypeStruct((NC, NP, D), jnp.float32),
    mesh=plsc.VectorSubcoreMesh(core_axis_name="c", subcore_axis_name="s"),
    scratch_types=[
        pltpu.VMEM((C,), jnp.int32),
        pltpu.VMEM((C,), jnp.int32),
        pltpu.VMEM((C, D), jnp.float32),
        pltpu.VMEM((C, D), jnp.float32),
        pltpu.VMEM((RPT // C, C), jnp.int32),
        pltpu.SemaphoreType.DMA,
        pltpu.SemaphoreType.DMA,
        pltpu.VMEM_SHARED((NP, D), jnp.float32),
    ],
)


def _elu(h):
  return jnp.where(h > 0, h, jnp.exp(jnp.minimum(h, 0.0)) - 1.0)


def _tc1_body(agg_ref, cnt_ref, x_ref, wl_ref, bl_ref, wr_ref, o_ref):
  cnt = jnp.maximum(cnt_ref[:, 0] + cnt_ref[:, 1], 1.0)
  mean = (agg_ref[0] + agg_ref[1]) * (1.0 / cnt)[:, None]
  h = (jnp.dot(mean, wl_ref[...], preferred_element_type=jnp.float32)
       + jnp.dot(x_ref[...], wr_ref[...], preferred_element_type=jnp.float32)
       + bl_ref[...][None, :])
  o_ref[...] = _elu(h)


def _tc2_body(agg_ref, cnt_ref, h_ref, wl_ref, bl_ref, wr_ref,
              wf1_ref, bf1_ref, wf2_ref, bf2_ref, o_ref):
  cnt = jnp.maximum(cnt_ref[:, 0] + cnt_ref[:, 1], 1.0)
  mean = (agg_ref[0] + agg_ref[1]) * (1.0 / cnt)[:, None]
  h = (jnp.dot(mean, wl_ref[...], preferred_element_type=jnp.float32)
       + jnp.dot(h_ref[...], wr_ref[...], preferred_element_type=jnp.float32)
       + bl_ref[...][None, :])
  h = _elu(h)
  g = jnp.maximum(
      jnp.dot(h, wf1_ref[...], preferred_element_type=jnp.float32)
      + bf1_ref[...][None, :], 0.0)
  o_ref[...] = jnp.sum(g * wf2_ref[...][None, :], axis=1) + bf2_ref[...]


def kernel(x, edge_index, W1l, b1l, W1r, W2l, b2l, W2r, Wf1, bf1, Wf2, bf2):
  src = edge_index[0]
  dst = edge_index[1]

  cntp = _sc_cnt(dst)
  agg1 = _sc_agg(x, src, dst)
  cnt2 = cntp[:, :N, 0].T

  grid = (pl.cdiv(N, BM),)
  h1 = pl.pallas_call(
      _tc1_body,
      grid=grid,
      in_specs=[
          pl.BlockSpec((2, BM, D), lambda i: (0, i, 0)),
          pl.BlockSpec((BM, 2), lambda i: (i, 0)),
          pl.BlockSpec((BM, D), lambda i: (i, 0)),
          pl.BlockSpec((D, D), lambda i: (0, 0)),
          pl.BlockSpec((D,), lambda i: (0,)),
          pl.BlockSpec((D, D), lambda i: (0, 0)),
      ],
      out_specs=pl.BlockSpec((BM, D), lambda i: (i, 0)),
      out_shape=jax.ShapeDtypeStruct((N, D), jnp.float32),
  )(agg1, cnt2, x, W1l.T, b1l, W1r.T)

  agg2 = _sc_agg(h1, src, dst)

  out = pl.pallas_call(
      _tc2_body,
      grid=grid,
      in_specs=[
          pl.BlockSpec((2, BM, D), lambda i: (0, i, 0)),
          pl.BlockSpec((BM, 2), lambda i: (i, 0)),
          pl.BlockSpec((BM, D), lambda i: (i, 0)),
          pl.BlockSpec((D, D), lambda i: (0, 0)),
          pl.BlockSpec((D,), lambda i: (0,)),
          pl.BlockSpec((D, D), lambda i: (0, 0)),
          pl.BlockSpec((D, D // 2), lambda i: (0, 0)),
          pl.BlockSpec((D // 2,), lambda i: (0,)),
          pl.BlockSpec((D // 2,), lambda i: (0,)),
          pl.BlockSpec((1,), lambda i: (0,)),
      ],
      out_specs=pl.BlockSpec((BM,), lambda i: (i,)),
      out_shape=jax.ShapeDtypeStruct((N,), jnp.float32),
  )(agg2, cnt2, h1, W2l.T, b2l, W2r.T, Wf1.T, bf1, Wf2[0], bf2)

  return out

# --- scband reference (transcript-rebuilt; emitter-appended) ---
"""Pipeline reference for scband-hybrid-gnn-71442486002111 (READ-ONLY COPY).

The authoritative reference and input builder live on the scoring server;
editing this copy changes nothing except your own understanding.
"""

import jax, jax.numpy as jnp
import numpy as np

N = 10000
E = 320000
D = 128
H = 128
O = 1


def setup_inputs(seed: int = 0) -> dict:
    key = jax.random.key(seed)
    ks = jax.random.split(key, 12)
    x = jax.random.normal(ks[0], (N, D), dtype=jnp.float32)
    edge_index = jax.random.randint(ks[1], (2, E), 0, N, dtype=jnp.int32)
    # SAGEConv1: lin_l (neighbor aggregate, with bias), lin_r (root, no bias)
    W1l = jax.random.normal(ks[2], (H, D), dtype=jnp.float32) / np.sqrt(D)
    b1l = jnp.zeros((H,), dtype=jnp.float32)
    W1r = jax.random.normal(ks[3], (H, D), dtype=jnp.float32) / np.sqrt(D)
    # SAGEConv2
    W2l = jax.random.normal(ks[4], (H, H), dtype=jnp.float32) / np.sqrt(H)
    b2l = jnp.zeros((H,), dtype=jnp.float32)
    W2r = jax.random.normal(ks[5], (H, H), dtype=jnp.float32) / np.sqrt(H)
    # fc: Linear(H, H//2) -> ReLU -> Dropout(eval) -> Linear(H//2, O)
    Wf1 = jax.random.normal(ks[6], (H // 2, H), dtype=jnp.float32) / np.sqrt(H)
    bf1 = jnp.zeros((H // 2,), dtype=jnp.float32)
    Wf2 = jax.random.normal(ks[7], (O, H // 2), dtype=jnp.float32) / np.sqrt(H // 2)
    bf2 = jnp.zeros((O,), dtype=jnp.float32)
    return {"x": x, "edge_index": edge_index,
            "W1l": W1l, "b1l": b1l, "W1r": W1r,
            "W2l": W2l, "b2l": b2l, "W2r": W2r,
            "Wf1": Wf1, "bf1": bf1, "Wf2": Wf2, "bf2": bf2}


def _sage_conv(x, edge_index, Wl, bl, Wr):
    # PyG SAGEConv with aggr='mean': out = lin_l(mean_{j->i} x_j) + lin_r(x_i)
    src = edge_index[0]
    dst = edge_index[1]
    msg = jnp.take(x, src, axis=0)  # gather (SparseCore-friendly)
    agg = jax.ops.segment_sum(msg, dst, num_segments=N)  # scatter-add
    cnt = jax.ops.segment_sum(jnp.ones((edge_index.shape[1], 1), dtype=x.dtype), dst, num_segments=N)
    mean = agg / jnp.clip(cnt, 1.0, None)
    return mean @ Wl.T + bl + x @ Wr.T


def reference(x, edge_index, W1l, b1l, W1r, W2l, b2l, W2r, Wf1, bf1, Wf2, bf2):
    h = _sage_conv(x, edge_index, W1l, b1l, W1r)
    h = jax.nn.elu(h)
    # dropout p=0.3 is identity in eval mode
    h = _sage_conv(h, edge_index, W2l, b2l, W2r)
    h = jax.nn.elu(h)
    h = jax.nn.relu(h @ Wf1.T + bf1)
    out = h @ Wf2.T + bf2
    return jnp.squeeze(out)

if __name__ == "__main__":
    import jax
    _d = setup_inputs()
    print(jax.jit(kernel)(*tuple(_d.values())))

</pallas_src>

<mosaic_0001>
#map = affine_map<(d0, d1) -> (0)>
#map1 = affine_map<(d0, d1) -> (0, 0, 0)>
module attributes {stable_mosaic.version = 14 : i64} {
  func.func @_sc_cnt_body(%arg0: i32, %arg1: i32, %arg2: memref<320000xi32, #tpu.memory_space<hbm>>, %arg3: memref<2x10240x128xf32, #tpu.memory_space<hbm>>, %arg4: memref<80xi32, #tpu.memory_space<vmem>>, %arg5: memref<80xi32, #tpu.memory_space<vmem>>, %arg6: memref<80x128xf32, #tpu.memory_space<vmem>>, %arg7: memref<80x128xf32, #tpu.memory_space<vmem>>, %arg8: memref<8x80xi32, #tpu.memory_space<vmem>>, %arg9: memref<!tpu.dma_semaphore, #tpu.memory_space<semaphore_mem>>, %arg10: memref<!tpu.dma_semaphore, #tpu.memory_space<semaphore_mem>>, %arg11: memref<10240x128xf32, #tpu.memory_space<vmem_shared>>) attributes {dimension_semantics = [#tpu.dimension_semantics<core_parallel>, #tpu.dimension_semantics<subcore_parallel>], iteration_bounds = array<i64: 2, 16>, scalar_prefetch = 0 : i64, scratch_operands = 8 : i64, tpu.core_type = #tpu.core_type<sc_vector_subcore>, window_params = [{transform_indices = #map}, {transform_indices = #map1}]} {
    %mul3A = arith.constant 2 : i32
    %mul3A_0 = arith.muli %arg1, %mul3A : i32
    %add3A = arith.addi %mul3A_0, %arg0 : i32
    %mul3A_1 = arith.constant 10000 : i32
    %mul3A_2 = arith.muli %add3A, %mul3A_1 : i32
    %iota3A = tpu.iota {dimensions = array<i32: 0>} : vector<16xi32>
    %scan3A = arith.constant 0 : i32
    %scan3A_3 = arith.constant 0 : i32
    %scan3A_4 = arith.constant 40 : i32
    %scan3A_5 = arith.addi %scan3A_3, %scan3A_4 : i32
    %scan3A_6 = arith.constant 1 : i32
    %scan3A_7 = scf.for %scan3A_95 = %scan3A_3 to %scan3A_5 step %scan3A_6 iter_args(%scan3A_96 = %scan3A) -> (i32)  : i32 {
      %jit3A = arith.constant 5 : i32
      %div3A = arith.divsi %scan3A_95, %jit3A : i32
      %sign3A = arith.constant 0 : i32
      %sign3A_97 = arith.cmpi sgt, %scan3A_95, %sign3A : i32
      %sign3A_98 = arith.extui %sign3A_97 : i1 to i32
      %sign3A_99 = arith.constant 0 : i32
      %sign3A_100 = arith.cmpi slt, %scan3A_95, %sign3A_99 : i32
      %sign3A_101 = arith.extui %sign3A_100 : i1 to i32
      %sign3A_102 = arith.subi %sign3A_98, %sign3A_101 : i32
      %sign3A_103 = arith.constant 0 : i32
      %sign3A_104 = arith.cmpi sgt, %jit3A, %sign3A_103 : i32
      %sign3A_105 = arith.extui %sign3A_104 : i1 to i32
      %sign3A_106 = arith.constant 0 : i32
      %sign3A_107 = arith.cmpi slt, %jit3A, %sign3A_106 : i32
      %sign3A_108 = arith.extui %sign3A_107 : i1 to i32
      %sign3A_109 = arith.subi %sign3A_105, %sign3A_108 : i32
      %ne3A = arith.cmpi ne, %sign3A_102, %sign3A_109 : i32
      %rem3A = arith.remsi %scan3A_95, %jit3A : i32
      %ne3A_110 = arith.constant 0 : i32
      %ne3A_111 = arith.cmpi ne, %rem3A, %ne3A_110 : i32
      %and3A = arith.andi %ne3A, %ne3A_111 : i1
      %sub3A = arith.constant 1 : i32
      %sub3A_112 = arith.subi %div3A, %sub3A : i32
      %select_n3A = arith.select %and3A, %sub3A_112, %div3A : i32
      %jit3A_113 = arith.constant 5 : i32
      %eq3A = arith.constant 0 : i32
      %eq3A_114 = arith.cmpi eq, %jit3A_113, %eq3A : i32
      %jit3A_115 = arith.constant 1 : i32
      %select_n3A_116 = arith.select %eq3A_114, %jit3A_115, %jit3A_113 : i32
      %rem3A_117 = arith.remsi %scan3A_95, %select_n3A_116 : i32
      %ne3A_118 = arith.constant 0 : i32
      %ne3A_119 = arith.cmpi ne, %rem3A_117, %ne3A_118 : i32
      %lt3A = arith.constant 0 : i32
      %lt3A_120 = arith.cmpi slt, %rem3A_117, %lt3A : i32
      %lt3A_121 = arith.constant 0 : i32
      %lt3A_122 = arith.cmpi slt, %select_n3A_116, %lt3A_121 : i32
      %ne3A_123 = arith.xori %lt3A_120, %lt3A_122 : i1
      %and3A_124 = arith.andi %ne3A_123, %ne3A_119 : i1
      %add3A_125 = arith.addi %rem3A_117, %select_n3A_116 : i32
      %select_n3A_126 = arith.select %and3A_124, %add3A_125, %rem3A_117 : i32
      %mul3A_127 = arith.constant 640 : i32
      %mul3A_128 = arith.muli %arg1, %mul3A_127 : i32
      %mul3A_129 = arith.constant 80 : i32
      %mul3A_130 = arith.muli %select_n3A, %mul3A_129 : i32
      %add3A_131 = arith.addi %mul3A_128, %mul3A_130 : i32
      %mul3A_132 = arith.constant 16 : i32
      %mul3A_133 = arith.muli %select_n3A_126, %mul3A_132 : i32
      %add3A_134 = arith.addi %add3A_131, %mul3A_133 : i32
      %add3A_135 = vector.broadcast %add3A_134 : i32 to vector<16xi32>
      %add3A_136 = arith.addi %add3A_135, %iota3A : vector<16xi32>
      %mul3A_137 = arith.constant 16 : i32
      %mul3A_138 = arith.muli %select_n3A_126, %mul3A_137 : i32
      %swap3A = arith.index_cast %select_n3A : i32 to index
      %swap3A_139 = arith.index_cast %mul3A_138 : i32 to index
      %swap3A_140 = tpu.vector_load %arg8[%swap3A, %swap3A_139] {strides = array<i32>} : memref<8x80xi32, #tpu.memory_space<vmem>>, vector<1x16xi32>,
      %swap3A_141 = vector.shape_cast %swap3A_140 : vector<1x16xi32> to vector<16xi32>
      %swap3A_142 = vector.shape_cast %add3A_136 : vector<16xi32> to vector<1x16xi32>
      tpu.vector_store %arg8[%swap3A, %swap3A_139], %swap3A_142 {strides = array<i32>} : memref<8x80xi32, #tpu.memory_space<vmem>>, vector<1x16xi32>,
      %scan3A_143 = arith.constant 0 : i32
      scf.yield %scan3A_143 : i32
    }
    %scan3A_8 = arith.constant 40 : i32
    %broadcast_in_dim3A = arith.constant 1.000000e+00 : f32
    %broadcast_in_dim3A_9 = vector.broadcast %broadcast_in_dim3A : f32 to vector<16xf32>
    %scan3A_10 = arith.constant 0 : i32
    %scan3A_11 = arith.constant 0 : i32
    %scan3A_12 = arith.constant 80 : i32
    %scan3A_13 = arith.addi %scan3A_11, %scan3A_12 : i32
    %scan3A_14 = arith.constant 1 : i32
    %scan3A_15 = scf.for %scan3A_95 = %scan3A_11 to %scan3A_13 step %scan3A_14 iter_args(%scan3A_96 = %scan3A_10) -> (i32)  : i32 {
      %swap3A = arith.index_cast %scan3A_95 : i32 to index
      %swap3A_97 = arith.constant 0 : index
      %swap3A_98 = tpu.vector_load %arg6[%swap3A, %swap3A_97] {strides = array<i32>} : memref<80x128xf32, #tpu.memory_space<vmem>>, vector<1x16xf32>,
      %swap3A_99 = vector.shape_cast %swap3A_98 : vector<1x16xf32> to vector<16xf32>
      %swap3A_100 = vector.shape_cast %broadcast_in_dim3A_9 : vector<16xf32> to vector<1x16xf32>
      tpu.vector_store %arg6[%swap3A, %swap3A_97], %swap3A_100 {strides = array<i32>} : memref<80x128xf32, #tpu.memory_space<vmem>>, vector<1x16xf32>,
      %swap3A_101 = arith.index_cast %scan3A_95 : i32 to index
      %swap3A_102 = arith.constant 16 : index
      %swap3A_103 = tpu.vector_load %arg6[%swap3A_101, %swap3A_102] {strides = array<i32>} : memref<80x128xf32, #tpu.memory_space<vmem>>, vector<1x16xf32>,
      %swap3A_104 = vector.shape_cast %swap3A_103 : vector<1x16xf32> to vector<16xf32>
      %swap3A_105 = vector.shape_cast %broadcast_in_dim3A_9 : vector<16xf32> to vector<1x16xf32>
      tpu.vector_store %arg6[%swap3A_101, %swap3A_102], %swap3A_105 {strides = array<i32>} : memref<80x128xf32, #tpu.memory_space<vmem>>, vector<1x16xf32>,
      %swap3A_106 = arith.index_cast %scan3A_95 : i32 to index
      %swap3A_107 = arith.constant 32 : index
      %swap3A_108 = tpu.vector_load %arg6[%swap3A_106, %swap3A_107] {strides = array<i32>} : memref<80x128xf32, #tpu.memory_space<vmem>>, vector<1x16xf32>,
      %swap3A_109 = vector.shape_cast %swap3A_108 : vector<1x16xf32> to vector<16xf32>
      %swap3A_110 = vector.shape_cast %broadcast_in_dim3A_9 : vector<16xf32> to vector<1x16xf32>
      tpu.vector_store %arg6[%swap3A_106, %swap3A_107], %swap3A_110 {strides = array<i32>} : memref<80x128xf32, #tpu.memory_space<vmem>>, vector<1x16xf32>,
      %swap3A_111 = arith.index_cast %scan3A_95 : i32 to index
      %swap3A_112 = arith.constant 48 : index
      %swap3A_113 = tpu.vector_load %arg6[%swap3A_111, %swap3A_112] {strides = array<i32>} : memref<80x128xf32, #tpu.memory_space<vmem>>, vector<1x16xf32>,
      %swap3A_114 = vector.shape_cast %swap3A_113 : vector<1x16xf32> to vector<16xf32>
      %swap3A_115 = vector.shape_cast %broadcast_in_dim3A_9 : vector<16xf32> to vector<1x16xf32>
      tpu.vector_store %arg6[%swap3A_111, %swap3A_112], %swap3A_115 {strides = array<i32>} : memref<80x128xf32, #tpu.memory_space<vmem>>, vector<1x16xf32>,
      %swap3A_116 = arith.index_cast %scan3A_95 : i32 to index
      %swap3A_117 = arith.constant 64 : index
      %swap3A_118 = tpu.vector_load %arg6[%swap3A_116, %swap3A_117] {strides = array<i32>} : memref<80x128xf32, #tpu.memory_space<vmem>>, vector<1x16xf32>,
      %swap3A_119 = vector.shape_cast %swap3A_118 : vector<1x16xf32> to vector<16xf32>
      %swap3A_120 = vector.shape_cast %broadcast_in_dim3A_9 : vector<16xf32> to vector<1x16xf32>
      tpu.vector_store %arg6[%swap3A_116, %swap3A_117], %swap3A_120 {strides = array<i32>} : memref<80x128xf32, #tpu.memory_space<vmem>>, vector<1x16xf32>,
      %swap3A_121 = arith.index_cast %scan3A_95 : i32 to index
      %swap3A_122 = arith.constant 80 : index
      %swap3A_123 = tpu.vector_load %arg6[%swap3A_121, %swap3A_122] {strides = array<i32>} : memref<80x128xf32, #tpu.memory_space<vmem>>, vector<1x16xf32>,
      %swap3A_124 = vector.shape_cast %swap3A_123 : vector<1x16xf32> to vector<16xf32>
      %swap3A_125 = vector.shape_cast %broadcast_in_dim3A_9 : vector<16xf32> to vector<1x16xf32>
      tpu.vector_store %arg6[%swap3A_121, %swap3A_122], %swap3A_125 {strides = array<i32>} : memref<80x128xf32, #tpu.memory_space<vmem>>, vector<1x16xf32>,
      %swap3A_126 = arith.index_cast %scan3A_95 : i32 to index
      %swap3A_127 = arith.constant 96 : index
      %swap3A_128 = tpu.vector_load %arg6[%swap3A_126, %swap3A_127] {strides = array<i32>} : memref<80x128xf32, #tpu.memory_space<vmem>>, vector<1x16xf32>,
      %swap3A_129 = vector.shape_cast %swap3A_128 : vector<1x16xf32> to vector<16xf32>
      %swap3A_130 = vector.shape_cast %broadcast_in_dim3A_9 : vector<16xf32> to vector<1x16xf32>
      tpu.vector_store %arg6[%swap3A_126, %swap3A_127], %swap3A_130 {strides = array<i32>} : memref<80x128xf32, #tpu.memory_space<vmem>>, vector<1x16xf32>,
      %swap3A_131 = arith.index_cast %scan3A_95 : i32 to index
      %swap3A_132 = arith.constant 112 : index
      %swap3A_133 = tpu.vector_load %arg6[%swap3A_131, %swap3A_132] {strides = array<i32>} : memref<80x128xf32, #tpu.memory_space<vmem>>, vector<1x16xf32>,
      %swap3A_134 = vector.shape_cast %swap3A_133 : vector<1x16xf32> to vector<16xf32>
      %swap3A_135 = vector.shape_cast %broadcast_in_dim3A_9 : vector<16xf32> to vector<1x16xf32>
      tpu.vector_store %arg6[%swap3A_131, %swap3A_132], %swap3A_135 {strides = array<i32>} : memref<80x128xf32, #tpu.memory_space<vmem>>, vector<1x16xf32>,
      %scan3A_136 = arith.constant 0 : i32
      scf.yield %scan3A_136 : i32
    }
    %scan3A_16 = arith.constant 80 : i32
    %broadcast_in_dim3A_17 = arith.constant 0.000000e+00 : f32
    %broadcast_in_dim3A_18 = vector.broadcast %broadcast_in_dim3A_17 : f32 to vector<16xf32>
    %scan3A_19 = arith.constant 0 : i32
    %scan3A_20 = arith.constant 0 : i32
    %scan3A_21 = arith.constant 80 : i32
    %scan3A_22 = arith.addi %scan3A_20, %scan3A_21 : i32
    %scan3A_23 = arith.constant 1 : i32
    %scan3A_24 = scf.for %scan3A_95 = %scan3A_20 to %scan3A_22 step %scan3A_23 iter_args(%scan3A_96 = %scan3A_19) -> (i32)  : i32 {
      %swap3A = arith.index_cast %scan3A_95 : i32 to index
      %swap3A_97 = arith.constant 0 : index
      %swap3A_98 = tpu.vector_load %arg7[%swap3A, %swap3A_97] {strides = array<i32>} : memref<80x128xf32, #tpu.memory_space<vmem>>, vector<1x16xf32>,
      %swap3A_99 = vector.shape_cast %swap3A_98 : vector<1x16xf32> to vector<16xf32>
      %swap3A_100 = vector.shape_cast %broadcast_in_dim3A_18 : vector<16xf32> to vector<1x16xf32>
      tpu.vector_store %arg7[%swap3A, %swap3A_97], %swap3A_100 {strides = array<i32>} : memref<80x128xf32, #tpu.memory_space<vmem>>, vector<1x16xf32>,
      %swap3A_101 = arith.index_cast %scan3A_95 : i32 to index
      %swap3A_102 = arith.constant 16 : index
      %swap3A_103 = tpu.vector_load %arg7[%swap3A_101, %swap3A_102] {strides = array<i32>} : memref<80x128xf32, #tpu.memory_space<vmem>>, vector<1x16xf32>,
      %swap3A_104 = vector.shape_cast %swap3A_103 : vector<1x16xf32> to vector<16xf32>
      %swap3A_105 = vector.shape_cast %broadcast_in_dim3A_18 : vector<16xf32> to vector<1x16xf32>
      tpu.vector_store %arg7[%swap3A_101, %swap3A_102], %swap3A_105 {strides = array<i32>} : memref<80x128xf32, #tpu.memory_space<vmem>>, vector<1x16xf32>,
      %swap3A_106 = arith.index_cast %scan3A_95 : i32 to index
      %swap3A_107 = arith.constant 32 : index
      %swap3A_108 = tpu.vector_load %arg7[%swap3A_106, %swap3A_107] {strides = array<i32>} : memref<80x128xf32, #tpu.memory_space<vmem>>, vector<1x16xf32>,
      %swap3A_109 = vector.shape_cast %swap3A_108 : vector<1x16xf32> to vector<16xf32>
      %swap3A_110 = vector.shape_cast %broadcast_in_dim3A_18 : vector<16xf32> to vector<1x16xf32>
      tpu.vector_store %arg7[%swap3A_106, %swap3A_107], %swap3A_110 {strides = array<i32>} : memref<80x128xf32, #tpu.memory_space<vmem>>, vector<1x16xf32>,
      %swap3A_111 = arith.index_cast %scan3A_95 : i32 to index
      %swap3A_112 = arith.constant 48 : index
      %swap3A_113 = tpu.vector_load %arg7[%swap3A_111, %swap3A_112] {strides = array<i32>} : memref<80x128xf32, #tpu.memory_space<vmem>>, vector<1x16xf32>,
      %swap3A_114 = vector.shape_cast %swap3A_113 : vector<1x16xf32> to vector<16xf32>
      %swap3A_115 = vector.shape_cast %broadcast_in_dim3A_18 : vector<16xf32> to vector<1x16xf32>
      tpu.vector_store %arg7[%swap3A_111, %swap3A_112], %swap3A_115 {strides = array<i32>} : memref<80x128xf32, #tpu.memory_space<vmem>>, vector<1x16xf32>,
      %swap3A_116 = arith.index_cast %scan3A_95 : i32 to index
      %swap3A_117 = arith.constant 64 : index
      %swap3A_118 = tpu.vector_load %arg7[%swap3A_116, %swap3A_117] {strides = array<i32>} : memref<80x128xf32, #tpu.memory_space<vmem>>, vector<1x16xf32>,
      %swap3A_119 = vector.shape_cast %swap3A_118 : vector<1x16xf32> to vector<16xf32>
      %swap3A_120 = vector.shape_cast %broadcast_in_dim3A_18 : vector<16xf32> to vector<1x16xf32>
      tpu.vector_store %arg7[%swap3A_116, %swap3A_117], %swap3A_120 {strides = array<i32>} : memref<80x128xf32, #tpu.memory_space<vmem>>, vector<1x16xf32>,
      %swap3A_121 = arith.index_cast %scan3A_95 : i32 to index
      %swap3A_122 = arith.constant 80 : index
      %swap3A_123 = tpu.vector_load %arg7[%swap3A_121, %swap3A_122] {strides = array<i32>} : memref<80x128xf32, #tpu.memory_space<vmem>>, vector<1x16xf32>,
      %swap3A_124 = vector.shape_cast %swap3A_123 : vector<1x16xf32> to vector<16xf32>
      %swap3A_125 = vector.shape_cast %broadcast_in_dim3A_18 : vector<16xf32> to vector<1x16xf32>
      tpu.vector_store %arg7[%swap3A_121, %swap3A_122], %swap3A_125 {strides = array<i32>} : memref<80x128xf32, #tpu.memory_space<vmem>>, vector<1x16xf32>,
      %swap3A_126 = arith.index_cast %scan3A_95 : i32 to index
      %swap3A_127 = arith.constant 96 : index
      %swap3A_128 = tpu.vector_load %arg7[%swap3A_126, %swap3A_127] {strides = array<i32>} : memref<80x128xf32, #tpu.memory_space<vmem>>, vector<1x16xf32>,
      %swap3A_129 = vector.shape_cast %swap3A_128 : vector<1x16xf32> to vector<16xf32>
      %swap3A_130 = vector.shape_cast %broadcast_in_dim3A_18 : vector<16xf32> to vector<1x16xf32>
      tpu.vector_store %arg7[%swap3A_126, %swap3A_127], %swap3A_130 {strides = array<i32>} : memref<80x128xf32, #tpu.memory_space<vmem>>, vector<1x16xf32>,
      %swap3A_131 = arith.index_cast %scan3A_95 : i32 to index
      %swap3A_132 = arith.constant 112 : index
      %swap3A_133 = tpu.vector_load %arg7[%swap3A_131, %swap3A_132] {strides = array<i32>} : memref<80x128xf32, #tpu.memory_space<vmem>>, vector<1x16xf32>,
      %swap3A_134 = vector.shape_cast %swap3A_133 : vector<1x16xf32> to vector<16xf32>
      %swap3A_135 = vector.shape_cast %broadcast_in_dim3A_18 : vector<16xf32> to vector<1x16xf32>
      tpu.vector_store %arg7[%swap3A_131, %swap3A_132], %swap3A_135 {strides = array<i32>} : memref<80x128xf32, #tpu.memory_space<vmem>>, vector<1x16xf32>,
      %scan3A_136 = arith.constant 0 : i32
      scf.yield %scan3A_136 : i32
    }
    %scan3A_25 = arith.constant 80 : i32
    %run_scoped3A = arith.constant 0 : i32
    "tpu.region"() ({
      %run_scoped3A_95 = tpu.sem_alloc : memref<!tpu.dma_semaphore, #tpu.memory_space<semaphore_mem>>
      %dma_start3A_96 = arith.constant 0 : i32
      %dma_start3A_97 = tpu.memref_slice %arg8[%run_scoped3A, %dma_start3A_96] : memref<8x80xi32, #tpu.memory_space<vmem>> -> memref<1x80xi32, #tpu.memory_space<vmem>>
      %dma_start3A_98 = tpu.memref_squeeze %dma_start3A_97 : memref<1x80xi32, #tpu.memory_space<vmem>> -> memref<80xi32, #tpu.memory_space<vmem>>
      %dma_start3A_99 = arith.constant 0 : i32
      %dma_start3A_100 = arith.constant 0 : i32
      %dma_start3A_101 = tpu.memref_slice %arg11[%dma_start3A_99, %dma_start3A_100] : memref<10240x128xf32, #tpu.memory_space<vmem_shared>> -> memref<10240x128xf32, #tpu.memory_space<vmem_shared>>
      tpu.enqueue_indirect_dma source(%arg7 : memref<80x128xf32, #tpu.memory_space<vmem>>) target(%dma_start3A_101 : memref<10240x128xf32, #tpu.memory_space<vmem_shared>>) offsets(%dma_start3A_98 : memref<80xi32, #tpu.memory_space<vmem>>) semaphore(%run_scoped3A_95 : memref<!tpu.dma_semaphore, #tpu.memory_space<semaphore_mem>>)
      %dma_wait3A_102 = arith.constant 0 : i32
      %dma_wait3A_103 = tpu.memref_slice %arg8[%run_scoped3A, %dma_wait3A_102] : memref<8x80xi32, #tpu.memory_space<vmem>> -> memref<1x80xi32, #tpu.memory_space<vmem>>
      %dma_wait3A_104 = tpu.memref_squeeze %dma_wait3A_103 : memref<1x80xi32, #tpu.memory_space<vmem>> -> memref<80xi32, #tpu.memory_space<vmem>>
      %dma_wait3A_105 = arith.constant 0 : i32
      %dma_wait3A_106 = arith.constant 0 : i32
      %dma_wait3A_107 = tpu.memref_slice %arg11[%dma_wait3A_105, %dma_wait3A_106] : memref<10240x128xf32, #tpu.memory_space<vmem_shared>> -> memref<10240x128xf32, #tpu.memory_space<vmem_shared>>
      tpu.wait_indirect_dma semaphore(%run_scoped3A_95 : memref<!tpu.dma_semaphore, #tpu.memory_space<semaphore_mem>>) src(%arg7 : memref<80x128xf32, #tpu.memory_space<vmem>>) dst(%dma_wait3A_107 : memref<10240x128xf32, #tpu.memory_space<vmem_shared>>)
      tpu.yield
    }) : () -> ()
    %run_scoped3A_26 = arith.constant 1 : i32
    "tpu.region"() ({
      %run_scoped3A_95 = tpu.sem_alloc : memref<!tpu.dma_semaphore, #tpu.memory_space<semaphore_mem>>
      %dma_start3A_96 = arith.constant 0 : i32
      %dma_start3A_97 = tpu.memref_slice %arg8[%run_scoped3A_26, %dma_start3A_96] : memref<8x80xi32, #tpu.memory_space<vmem>> -> memref<1x80xi32, #tpu.memory_space<vmem>>
      %dma_start3A_98 = tpu.memref_squeeze %dma_start3A_97 : memref<1x80xi32, #tpu.memory_space<vmem>> -> memref<80xi32, #tpu.memory_space<vmem>>
      %dma_start3A_99 = arith.constant 0 : i32
      %dma_start3A_100 = arith.constant 0 : i32
      %dma_start3A_101 = tpu.memref_slice %arg11[%dma_start3A_99, %dma_start3A_100] : memref<10240x128xf32, #tpu.memory_space<vmem_shared>> -> memref<10240x128xf32, #tpu.memory_space<vmem_shared>>
      tpu.enqueue_indirect_dma source(%arg7 : memref<80x128xf32, #tpu.memory_space<vmem>>) target(%dma_start3A_101 : memref<10240x128xf32, #tpu.memory_space<vmem_shared>>) offsets(%dma_start3A_98 : memref<80xi32, #tpu.memory_space<vmem>>) semaphore(%run_scoped3A_95 : memref<!tpu.dma_semaphore, #tpu.memory_space<semaphore_mem>>)
      %dma_wait3A_102 = arith.constant 0 : i32
      %dma_wait3A_103 = tpu.memref_slice %arg8[%run_scoped3A_26, %dma_wait3A_102] : memref<8x80xi32, #tpu.memory_space<vmem>> -> memref<1x80xi32, #tpu.memory_space<vmem>>
      %dma_wait3A_104 = tpu.memref_squeeze %dma_wait3A_103 : memref<1x80xi32, #tpu.memory_space<vmem>> -> memref<80xi32, #tpu.memory_space<vmem>>
      %dma_wait3A_105 = arith.constant 0 : i32
      %dma_wait3A_106 = arith.constant 0 : i32
      %dma_wait3A_107 = tpu.memref_slice %arg11[%dma_wait3A_105, %dma_wait3A_106] : memref<10240x128xf32, #tpu.memory_space<vmem_shared>> -> memref<10240x128xf32, #tpu.memory_space<vmem_shared>>
      tpu.wait_indirect_dma semaphore(%run_scoped3A_95 : memref<!tpu.dma_semaphore, #tpu.memory_space<semaphore_mem>>) src(%arg7 : memref<80x128xf32, #tpu.memory_space<vmem>>) dst(%dma_wait3A_107 : memref<10240x128xf32, #tpu.memory_space<vmem_shared>>)
      tpu.yield
    }) : () -> ()
    %run_scoped3A_27 = arith.constant 2 : i32
    "tpu.region"() ({
      %run_scoped3A_95 = tpu.sem_alloc : memref<!tpu.dma_semaphore, #tpu.memory_space<semaphore_mem>>
      %dma_start3A_96 = arith.constant 0 : i32
      %dma_start3A_97 = tpu.memref_slice %arg8[%run_scoped3A_27, %dma_start3A_96] : memref<8x80xi32, #tpu.memory_space<vmem>> -> memref<1x80xi32, #tpu.memory_space<vmem>>
      %dma_start3A_98 = tpu.memref_squeeze %dma_start3A_97 : memref<1x80xi32, #tpu.memory_space<vmem>> -> memref<80xi32, #tpu.memory_space<vmem>>
      %dma_start3A_99 = arith.constant 0 : i32
      %dma_start3A_100 = arith.constant 0 : i32
      %dma_start3A_101 = tpu.memref_slice %arg11[%dma_start3A_99, %dma_start3A_100] : memref<10240x128xf32, #tpu.memory_space<vmem_shared>> -> memref<10240x128xf32, #tpu.memory_space<vmem_shared>>
      tpu.enqueue_indirect_dma source(%arg7 : memref<80x128xf32, #tpu.memory_space<vmem>>) target(%dma_start3A_101 : memref<10240x128xf32, #tpu.memory_space<vmem_shared>>) offsets(%dma_start3A_98 : memref<80xi32, #tpu.memory_space<vmem>>) semaphore(%run_scoped3A_95 : memref<!tpu.dma_semaphore, #tpu.memory_space<semaphore_mem>>)
      %dma_wait3A_102 = arith.constant 0 : i32
      %dma_wait3A_103 = tpu.memref_slice %arg8[%run_scoped3A_27, %dma_wait3A_102] : memref<8x80xi32, #tpu.memory_space<vmem>> -> memref<1x80xi32, #tpu.memory_space<vmem>>
      %dma_wait3A_104 = tpu.memref_squeeze %dma_wait3A_103 : memref<1x80xi32, #tpu.memory_space<vmem>> -> memref<80xi32, #tpu.memory_space<vmem>>
      %dma_wait3A_105 = arith.constant 0 : i32
      %dma_wait3A_106 = arith.constant 0 : i32
      %dma_wait3A_107 = tpu.memref_slice %arg11[%dma_wait3A_105, %dma_wait3A_106] : memref<10240x128xf32, #tpu.memory_space<vmem_shared>> -> memref<10240x128xf32, #tpu.memory_space<vmem_shared>>
      tpu.wait_indirect_dma semaphore(%run_scoped3A_95 : memref<!tpu.dma_semaphore, #tpu.memory_space<semaphore_mem>>) src(%arg7 : memref<80x128xf32, #tpu.memory_space<vmem>>) dst(%dma_wait3A_107 : memref<10240x128xf32, #tpu.memory_space<vmem_shared>>)
      tpu.yield
    }) : () -> ()
    %run_scoped3A_28 = arith.constant 3 : i32
    "tpu.region"() ({
      %run_scoped3A_95 = tpu.sem_alloc : memref<!tpu.dma_semaphore, #tpu.memory_space<semaphore_mem>>
      %dma_start3A_96 = arith.constant 0 : i32
      %dma_start3A_97 = tpu.memref_slice %arg8[%run_scoped3A_28, %dma_start3A_96] : memref<8x80xi32, #tpu.memory_space<vmem>> -> memref<1x80xi32, #tpu.memory_space<vmem>>
      %dma_start3A_98 = tpu.memref_squeeze %dma_start3A_97 : memref<1x80xi32, #tpu.memory_space<vmem>> -> memref<80xi32, #tpu.memory_space<vmem>>
      %dma_start3A_99 = arith.constant 0 : i32
      %dma_start3A_100 = arith.constant 0 : i32
      %dma_start3A_101 = tpu.memref_slice %arg11[%dma_start3A_99, %dma_start3A_100] : memref<10240x128xf32, #tpu.memory_space<vmem_shared>> -> memref<10240x128xf32, #tpu.memory_space<vmem_shared>>
      tpu.enqueue_indirect_dma source(%arg7 : memref<80x128xf32, #tpu.memory_space<vmem>>) target(%dma_start3A_101 : memref<10240x128xf32, #tpu.memory_space<vmem_shared>>) offsets(%dma_start3A_98 : memref<80xi32, #tpu.memory_space<vmem>>) semaphore(%run_scoped3A_95 : memref<!tpu.dma_semaphore, #tpu.memory_space<semaphore_mem>>)
      %dma_wait3A_102 = arith.constant 0 : i32
      %dma_wait3A_103 = tpu.memref_slice %arg8[%run_scoped3A_28, %dma_wait3A_102] : memref<8x80xi32, #tpu.memory_space<vmem>> -> memref<1x80xi32, #tpu.memory_space<vmem>>
      %dma_wait3A_104 = tpu.memref_squeeze %dma_wait3A_103 : memref<1x80xi32, #tpu.memory_space<vmem>> -> memref<80xi32, #tpu.memory_space<vmem>>
      %dma_wait3A_105 = arith.constant 0 : i32
      %dma_wait3A_106 = arith.constant 0 : i32
      %dma_wait3A_107 = tpu.memref_slice %arg11[%dma_wait3A_105, %dma_wait3A_106] : memref<10240x128xf32, #tpu.memory_space<vmem_shared>> -> memref<10240x128xf32, #tpu.memory_space<vmem_shared>>
      tpu.wait_indirect_dma semaphore(%run_scoped3A_95 : memref<!tpu.dma_semaphore, #tpu.memory_space<semaphore_mem>>) src(%arg7 : memref<80x128xf32, #tpu.memory_space<vmem>>) dst(%dma_wait3A_107 : memref<10240x128xf32, #tpu.memory_space<vmem_shared>>)
      tpu.yield
    }) : () -> ()
    %run_scoped3A_29 = arith.constant 4 : i32
    "tpu.region"() ({
      %run_scoped3A_95 = tpu.sem_alloc : memref<!tpu.dma_semaphore, #tpu.memory_space<semaphore_mem>>
      %dma_start3A_96 = arith.constant 0 : i32
      %dma_start3A_97 = tpu.memref_slice %arg8[%run_scoped3A_29, %dma_start3A_96] : memref<8x80xi32, #tpu.memory_space<vmem>> -> memref<1x80xi32, #tpu.memory_space<vmem>>
      %dma_start3A_98 = tpu.memref_squeeze %dma_start3A_97 : memref<1x80xi32, #tpu.memory_space<vmem>> -> memref<80xi32, #tpu.memory_space<vmem>>
      %dma_start3A_99 = arith.constant 0 : i32
      %dma_start3A_100 = arith.constant 0 : i32
      %dma_start3A_101 = tpu.memref_slice %arg11[%dma_start3A_99, %dma_start3A_100] : memref<10240x128xf32, #tpu.memory_space<vmem_shared>> -> memref<10240x128xf32, #tpu.memory_space<vmem_shared>>
      tpu.enqueue_indirect_dma source(%arg7 : memref<80x128xf32, #tpu.memory_space<vmem>>) target(%dma_start3A_101 : memref<10240x128xf32, #tpu.memory_space<vmem_shared>>) offsets(%dma_start3A_98 : memref<80xi32, #tpu.memory_space<vmem>>) semaphore(%run_scoped3A_95 : memref<!tpu.dma_semaphore, #tpu.memory_space<semaphore_mem>>)
      %dma_wait3A_102 = arith.constant 0 : i32
      %dma_wait3A_103 = tpu.memref_slice %arg8[%run_scoped3A_29, %dma_wait3A_102] : memref<8x80xi32, #tpu.memory_space<vmem>> -> memref<1x80xi32, #tpu.memory_space<vmem>>
      %dma_wait3A_104 = tpu.memref_squeeze %dma_wait3A_103 : memref<1x80xi32, #tpu.memory_space<vmem>> -> memref<80xi32, #tpu.memory_space<vmem>>
      %dma_wait3A_105 = arith.constant 0 : i32
      %dma_wait3A_106 = arith.constant 0 : i32
      %dma_wait3A_107 = tpu.memref_slice %arg11[%dma_wait3A_105, %dma_wait3A_106] : memref<10240x128xf32, #tpu.memory_space<vmem_shared>> -> memref<10240x128xf32, #tpu.memory_space<vmem_shared>>
      tpu.wait_indirect_dma semaphore(%run_scoped3A_95 : memref<!tpu.dma_semaphore, #tpu.memory_space<semaphore_mem>>) src(%arg7 : memref<80x128xf32, #tpu.memory_space<vmem>>) dst(%dma_wait3A_107 : memref<10240x128xf32, #tpu.memory_space<vmem_shared>>)
      tpu.yield
    }) : () -> ()
    %run_scoped3A_30 = arith.constant 5 : i32
    "tpu.region"() ({
      %run_scoped3A_95 = tpu.sem_alloc : memref<!tpu.dma_semaphore, #tpu.memory_space<semaphore_mem>>
      %dma_start3A_96 = arith.constant 0 : i32
      %dma_start3A_97 = tpu.memref_slice %arg8[%run_scoped3A_30, %dma_start3A_96] : memref<8x80xi32, #tpu.memory_space<vmem>> -> memref<1x80xi32, #tpu.memory_space<vmem>>
      %dma_start3A_98 = tpu.memref_squeeze %dma_start3A_97 : memref<1x80xi32, #tpu.memory_space<vmem>> -> memref<80xi32, #tpu.memory_space<vmem>>
      %dma_start3A_99 = arith.constant 0 : i32
      %dma_start3A_100 = arith.constant 0 : i32
      %dma_start3A_101 = tpu.memref_slice %arg11[%dma_start3A_99, %dma_start3A_100] : memref<10240x128xf32, #tpu.memory_space<vmem_shared>> -> memref<10240x128xf32, #tpu.memory_space<vmem_shared>>
      tpu.enqueue_indirect_dma source(%arg7 : memref<80x128xf32, #tpu.memory_space<vmem>>) target(%dma_start3A_101 : memref<10240x128xf32, #tpu.memory_space<vmem_shared>>) offsets(%dma_start3A_98 : memref<80xi32, #tpu.memory_space<vmem>>) semaphore(%run_scoped3A_95 : memref<!tpu.dma_semaphore, #tpu.memory_space<semaphore_mem>>)
      %dma_wait3A_102 = arith.constant 0 : i32
      %dma_wait3A_103 = tpu.memref_slice %arg8[%run_scoped3A_30, %dma_wait3A_102] : memref<8x80xi32, #tpu.memory_space<vmem>> -> memref<1x80xi32, #tpu.memory_space<vmem>>
      %dma_wait3A_104 = tpu.memref_squeeze %dma_wait3A_103 : memref<1x80xi32, #tpu.memory_space<vmem>> -> memref<80xi32, #tpu.memory_space<vmem>>
      %dma_wait3A_105 = arith.constant 0 : i32
      %dma_wait3A_106 = arith.constant 0 : i32
      %dma_wait3A_107 = tpu.memref_slice %arg11[%dma_wait3A_105, %dma_wait3A_106] : memref<10240x128xf32, #tpu.memory_space<vmem_shared>> -> memref<10240x128xf32, #tpu.memory_space<vmem_shared>>
      tpu.wait_indirect_dma semaphore(%run_scoped3A_95 : memref<!tpu.dma_semaphore, #tpu.memory_space<semaphore_mem>>) src(%arg7 : memref<80x128xf32, #tpu.memory_space<vmem>>) dst(%dma_wait3A_107 : memref<10240x128xf32, #tpu.memory_space<vmem_shared>>)
      tpu.yield
    }) : () -> ()
    %run_scoped3A_31 = arith.constant 6 : i32
    "tpu.region"() ({
      %run_scoped3A_95 = tpu.sem_alloc : memref<!tpu.dma_semaphore, #tpu.memory_space<semaphore_mem>>
      %dma_start3A_96 = arith.constant 0 : i32
      %dma_start3A_97 = tpu.memref_slice %arg8[%run_scoped3A_31, %dma_start3A_96] : memref<8x80xi32, #tpu.memory_space<vmem>> -> memref<1x80xi32, #tpu.memory_space<vmem>>
      %dma_start3A_98 = tpu.memref_squeeze %dma_start3A_97 : memref<1x80xi32, #tpu.memory_space<vmem>> -> memref<80xi32, #tpu.memory_space<vmem>>
      %dma_start3A_99 = arith.constant 0 : i32
      %dma_start3A_100 = arith.constant 0 : i32
      %dma_start3A_101 = tpu.memref_slice %arg11[%dma_start3A_99, %dma_start3A_100] : memref<10240x128xf32, #tpu.memory_space<vmem_shared>> -> memref<10240x128xf32, #tpu.memory_space<vmem_shared>>
      tpu.enqueue_indirect_dma source(%arg7 : memref<80x128xf32, #tpu.memory_space<vmem>>) target(%dma_start3A_101 : memref<10240x128xf32, #tpu.memory_space<vmem_shared>>) offsets(%dma_start3A_98 : memref<80xi32, #tpu.memory_space<vmem>>) semaphore(%run_scoped3A_95 : memref<!tpu.dma_semaphore, #tpu.memory_space<semaphore_mem>>)
      %dma_wait3A_102 = arith.constant 0 : i32
      %dma_wait3A_103 = tpu.memref_slice %arg8[%run_scoped3A_31, %dma_wait3A_102] : memref<8x80xi32, #tpu.memory_space<vmem>> -> memref<1x80xi32, #tpu.memory_space<vmem>>
      %dma_wait3A_104 = tpu.memref_squeeze %dma_wait3A_103 : memref<1x80xi32, #tpu.memory_space<vmem>> -> memref<80xi32, #tpu.memory_space<vmem>>
      %dma_wait3A_105 = arith.constant 0 : i32
      %dma_wait3A_106 = arith.constant 0 : i32
      %dma_wait3A_107 = tpu.memref_slice %arg11[%dma_wait3A_105, %dma_wait3A_106] : memref<10240x128xf32, #tpu.memory_space<vmem_shared>> -> memref<10240x128xf32, #tpu.memory_space<vmem_shared>>
      tpu.wait_indirect_dma semaphore(%run_scoped3A_95 : memref<!tpu.dma_semaphore, #tpu.memory_space<semaphore_mem>>) src(%arg7 : memref<80x128xf32, #tpu.memory_space<vmem>>) dst(%dma_wait3A_107 : memref<10240x128xf32, #tpu.memory_space<vmem_shared>>)
      tpu.yield
    }) : () -> ()
    %run_scoped3A_32 = arith.constant 7 : i32
    "tpu.region"() ({
      %run_scoped3A_95 = tpu.sem_alloc : memref<!tpu.dma_semaphore, #tpu.memory_space<semaphore_mem>>
      %dma_start3A_96 = arith.constant 0 : i32
      %dma_start3A_97 = tpu.memref_slice %arg8[%run_scoped3A_32, %dma_start3A_96] : memref<8x80xi32, #tpu.memory_space<vmem>> -> memref<1x80xi32, #tpu.memory_space<vmem>>
      %dma_start3A_98 = tpu.memref_squeeze %dma_start3A_97 : memref<1x80xi32, #tpu.memory_space<vmem>> -> memref<80xi32, #tpu.memory_space<vmem>>
      %dma_start3A_99 = arith.constant 0 : i32
      %dma_start3A_100 = arith.constant 0 : i32
      %dma_start3A_101 = tpu.memref_slice %arg11[%dma_start3A_99, %dma_start3A_100] : memref<10240x128xf32, #tpu.memory_space<vmem_shared>> -> memref<10240x128xf32, #tpu.memory_space<vmem_shared>>
      tpu.enqueue_indirect_dma source(%arg7 : memref<80x128xf32, #tpu.memory_space<vmem>>) target(%dma_start3A_101 : memref<10240x128xf32, #tpu.memory_space<vmem_shared>>) offsets(%dma_start3A_98 : memref<80xi32, #tpu.memory_space<vmem>>) semaphore(%run_scoped3A_95 : memref<!tpu.dma_semaphore, #tpu.memory_space<semaphore_mem>>)
      %dma_wait3A_102 = arith.constant 0 : i32
      %dma_wait3A_103 = tpu.memref_slice %arg8[%run_scoped3A_32, %dma_wait3A_102] : memref<8x80xi32, #tpu.memory_space<vmem>> -> memref<1x80xi32, #tpu.memory_space<vmem>>
      %dma_wait3A_104 = tpu.memref_squeeze %dma_wait3A_103 : memref<1x80xi32, #tpu.memory_space<vmem>> -> memref<80xi32, #tpu.memory_space<vmem>>
      %dma_wait3A_105 = arith.constant 0 : i32
      %dma_wait3A_106 = arith.constant 0 : i32
      %dma_wait3A_107 = tpu.memref_slice %arg11[%dma_wait3A_105, %dma_wait3A_106] : memref<10240x128xf32, #tpu.memory_space<vmem_shared>> -> memref<10240x128xf32, #tpu.memory_space<vmem_shared>>
      tpu.wait_indirect_dma semaphore(%run_scoped3A_95 : memref<!tpu.dma_semaphore, #tpu.memory_space<semaphore_mem>>) src(%arg7 : memref<80x128xf32, #tpu.memory_space<vmem>>) dst(%dma_wait3A_107 : memref<10240x128xf32, #tpu.memory_space<vmem_shared>>)
      tpu.yield
    }) : () -> ()
    %barrier3A = arith.constant 0 : index
    tpu.barrier barrier_id(%barrier3A)
    %add3A_33 = arith.constant 0 : i32
    %add3A_34 = arith.addi %mul3A_2, %add3A_33 : i32
    %multiple_of3A = tpu.assume_multiple %add3A_34, 8 : i32
    "tpu.region"() ({
      %run_scoped3A_95 = tpu.sem_alloc : memref<!tpu.dma_semaphore, #tpu.memory_space<semaphore_mem>>
      %dma_start3A_96 = tpu.memref_slice %arg2[%multiple_of3A] : memref<320000xi32, #tpu.memory_space<hbm>> -> memref<80xi32, #tpu.memory_space<hbm>>
      %dma_start3A_97 = tpu.memref_slice %arg2[%multiple_of3A] : memref<320000xi32, #tpu.memory_space<hbm>> -> memref<80xi32, #tpu.memory_space<hbm>>
      tpu.enqueue_dma source(%dma_start3A_97 : memref<80xi32, #tpu.memory_space<hbm>>) target(%arg4 : memref<80xi32, #tpu.memory_space<vmem>>) target_semaphore(%run_scoped3A_95 : memref<!tpu.dma_semaphore, #tpu.memory_space<semaphore_mem>>)
      %dma_wait3A_98 = tpu.memref_slice %arg2[%multiple_of3A] : memref<320000xi32, #tpu.memory_space<hbm>> -> memref<80xi32, #tpu.memory_space<hbm>>
      %dma_wait3A_99 = tpu.memref_slice %arg2[%multiple_of3A] : memref<320000xi32, #tpu.memory_space<hbm>> -> memref<80xi32, #tpu.memory_space<hbm>>
      tpu.wait_dma2 semaphore(%run_scoped3A_95 : memref<!tpu.dma_semaphore, #tpu.memory_space<semaphore_mem>>) src(%dma_wait3A_99 : memref<80xi32, #tpu.memory_space<hbm>>) dst(%arg4 : memref<80xi32, #tpu.memory_space<vmem>>)
      tpu.yield
    }) : () -> ()
    %dma_start3A = arith.constant 0 : i32
    %dma_start3A_35 = arith.constant 0 : i32
    %dma_start3A_36 = tpu.memref_slice %arg11[%dma_start3A, %dma_start3A_35] : memref<10240x128xf32, #tpu.memory_space<vmem_shared>> -> memref<10240x128xf32, #tpu.memory_space<vmem_shared>>
    tpu.enqueue_indirect_dma source(%arg6 : memref<80x128xf32, #tpu.memory_space<vmem>>) target(%dma_start3A_36 : memref<10240x128xf32, #tpu.memory_space<vmem_shared>>) offsets(%arg4 : memref<80xi32, #tpu.memory_space<vmem>>) semaphore(%arg9 : memref<!tpu.dma_semaphore, #tpu.memory_space<semaphore_mem>>) {add = true}
    %scan3A_37 = arith.constant 0 : i32
    %scan3A_38 = arith.constant 0 : i32
    %scan3A_39 = arith.constant 62 : i32
    %scan3A_40 = arith.addi %scan3A_38, %scan3A_39 : i32
    %scan3A_41 = arith.constant 1 : i32
    %scan3A_42 = scf.for %scan3A_95 = %scan3A_38 to %scan3A_40 step %scan3A_41 iter_args(%scan3A_96 = %scan3A_37) -> (i32)  : i32 {
      %mul3A_97 = arith.constant 2 : i32
      %mul3A_98 = arith.muli %mul3A_97, %scan3A_95 : i32
      %add3A_99 = arith.constant 1 : i32
      %add3A_100 = arith.addi %mul3A_98, %add3A_99 : i32
      %mul3A_101 = arith.constant 80 : i32
      %mul3A_102 = arith.muli %add3A_100, %mul3A_101 : i32
      %add3A_103 = arith.addi %mul3A_2, %mul3A_102 : i32
      %multiple_of3A_104 = tpu.assume_multiple %add3A_103, 8 : i32
      "tpu.region"() ({
        %run_scoped3A_124 = tpu.sem_alloc : memref<!tpu.dma_semaphore, #tpu.memory_space<semaphore_mem>>
        %dma_start3A_125 = tpu.memref_slice %arg2[%multiple_of3A_104] : memref<320000xi32, #tpu.memory_space<hbm>> -> memref<80xi32, #tpu.memory_space<hbm>>
        %dma_start3A_126 = tpu.memref_slice %arg2[%multiple_of3A_104] : memref<320000xi32, #tpu.memory_space<hbm>> -> memref<80xi32, #tpu.memory_space<hbm>>
        tpu.enqueue_dma source(%dma_start3A_126 : memref<80xi32, #tpu.memory_space<hbm>>) target(%arg5 : memref<80xi32, #tpu.memory_space<vmem>>) target_semaphore(%run_scoped3A_124 : memref<!tpu.dma_semaphore, #tpu.memory_space<semaphore_mem>>)
        %dma_wait3A_127 = tpu.memref_slice %arg2[%multiple_of3A_104] : memref<320000xi32, #tpu.memory_space<hbm>> -> memref<80xi32, #tpu.memory_space<hbm>>
        %dma_wait3A_128 = tpu.memref_slice %arg2[%multiple_of3A_104] : memref<320000xi32, #tpu.memory_space<hbm>> -> memref<80xi32, #tpu.memory_space<hbm>>
        tpu.wait_dma2 semaphore(%run_scoped3A_124 : memref<!tpu.dma_semaphore, #tpu.memory_space<semaphore_mem>>) src(%dma_wait3A_128 : memref<80xi32, #tpu.memory_space<hbm>>) dst(%arg5 : memref<80xi32, #tpu.memory_space<vmem>>)
        tpu.yield
      }) : () -> ()
      %dma_start3A_105 = arith.constant 0 : i32
      %dma_start3A_106 = arith.constant 0 : i32
      %dma_start3A_107 = tpu.memref_slice %arg11[%dma_start3A_105, %dma_start3A_106] : memref<10240x128xf32, #tpu.memory_space<vmem_shared>> -> memref<10240x128xf32, #tpu.memory_space<vmem_shared>>
      tpu.enqueue_indirect_dma source(%arg6 : memref<80x128xf32, #tpu.memory_space<vmem>>) target(%dma_start3A_107 : memref<10240x128xf32, #tpu.memory_space<vmem_shared>>) offsets(%arg5 : memref<80xi32, #tpu.memory_space<vmem>>) semaphore(%arg10 : memref<!tpu.dma_semaphore, #tpu.memory_space<semaphore_mem>>) {add = true}
      %dma_wait3A_108 = arith.constant 0 : i32
      %dma_wait3A_109 = arith.constant 0 : i32
      %dma_wait3A_110 = tpu.memref_slice %arg11[%dma_wait3A_108, %dma_wait3A_109] : memref<10240x128xf32, #tpu.memory_space<vmem_shared>> -> memref<10240x128xf32, #tpu.memory_space<vmem_shared>>
      tpu.wait_indirect_dma semaphore(%arg9 : memref<!tpu.dma_semaphore, #tpu.memory_space<semaphore_mem>>) src(%arg6 : memref<80x128xf32, #tpu.memory_space<vmem>>) dst(%dma_wait3A_110 : memref<10240x128xf32, #tpu.memory_space<vmem_shared>>)
      %add3A_111 = arith.constant 2 : i32
      %add3A_112 = arith.addi %mul3A_98, %add3A_111 : i32
      %mul3A_113 = arith.constant 80 : i32
      %mul3A_114 = arith.muli %add3A_112, %mul3A_113 : i32
      %add3A_115 = arith.addi %mul3A_2, %mul3A_114 : i32
      %multiple_of3A_116 = tpu.assume_multiple %add3A_115, 8 : i32
      "tpu.region"() ({
        %run_scoped3A_124 = tpu.sem_alloc : memref<!tpu.dma_semaphore, #tpu.memory_space<semaphore_mem>>
        %dma_start3A_125 = tpu.memref_slice %arg2[%multiple_of3A_116] : memref<320000xi32, #tpu.memory_space<hbm>> -> memref<80xi32, #tpu.memory_space<hbm>>
        %dma_start3A_126 = tpu.memref_slice %arg2[%multiple_of3A_116] : memref<320000xi32, #tpu.memory_space<hbm>> -> memref<80xi32, #tpu.memory_space<hbm>>
        tpu.enqueue_dma source(%dma_start3A_126 : memref<80xi32, #tpu.memory_space<hbm>>) target(%arg4 : memref<80xi32, #tpu.memory_space<vmem>>) target_semaphore(%run_scoped3A_124 : memref<!tpu.dma_semaphore, #tpu.memory_space<semaphore_mem>>)
        %dma_wait3A_127 = tpu.memref_slice %arg2[%multiple_of3A_116] : memref<320000xi32, #tpu.memory_space<hbm>> -> memref<80xi32, #tpu.memory_space<hbm>>
        %dma_wait3A_128 = tpu.memref_slice %arg2[%multiple_of3A_116] : memref<320000xi32, #tpu.memory_space<hbm>> -> memref<80xi32, #tpu.memory_space<hbm>>
        tpu.wait_dma2 semaphore(%run_scoped3A_124 : memref<!tpu.dma_semaphore, #tpu.memory_space<semaphore_mem>>) src(%dma_wait3A_128 : memref<80xi32, #tpu.memory_space<hbm>>) dst(%arg4 : memref<80xi32, #tpu.memory_space<vmem>>)
        tpu.yield
      }) : () -> ()
      %dma_start3A_117 = arith.constant 0 : i32
      %dma_start3A_118 = arith.constant 0 : i32
      %dma_start3A_119 = tpu.memref_slice %arg11[%dma_start3A_117, %dma_start3A_118] : memref<10240x128xf32, #tpu.memory_space<vmem_shared>> -> memref<10240x128xf32, #tpu.memory_space<vmem_shared>>
      tpu.enqueue_indirect_dma source(%arg6 : memref<80x128xf32, #tpu.memory_space<vmem>>) target(%dma_start3A_119 : memref<10240x128xf32, #tpu.memory_space<vmem_shared>>) offsets(%arg4 : memref<80xi32, #tpu.memory_space<vmem>>) semaphore(%arg9 : memref<!tpu.dma_semaphore, #tpu.memory_space<semaphore_mem>>) {add = true}
      %dma_wait3A_120 = arith.constant 0 : i32
      %dma_wait3A_121 = arith.constant 0 : i32
      %dma_wait3A_122 = tpu.memref_slice %arg11[%dma_wait3A_120, %dma_wait3A_121] : memref<10240x128xf32, #tpu.memory_space<vmem_shared>> -> memref<10240x128xf32, #tpu.memory_space<vmem_shared>>
      tpu.wait_indirect_dma semaphore(%arg10 : memref<!tpu.dma_semaphore, #tpu.memory_space<semaphore_mem>>) src(%arg6 : memref<80x128xf32, #tpu.memory_space<vmem>>) dst(%dma_wait3A_122 : memref<10240x128xf32, #tpu.memory_space<vmem_shared>>)
      %scan3A_123 = arith.constant 0 : i32
      scf.yield %scan3A_123 : i32
    }
    %scan3A_43 = arith.constant 62 : i32
    %dma_wait3A = arith.constant 0 : i32
    %dma_wait3A_44 = arith.constant 0 : i32
    %dma_wait3A_45 = tpu.memref_slice %arg11[%dma_wait3A, %dma_wait3A_44] : memref<10240x128xf32, #tpu.memory_space<vmem_shared>> -> memref<10240x128xf32, #tpu.memory_space<vmem_shared>>
    tpu.wait_indirect_dma semaphore(%arg9 : memref<!tpu.dma_semaphore, #tpu.memory_space<semaphore_mem>>) src(%arg6 : memref<80x128xf32, #tpu.memory_space<vmem>>) dst(%dma_wait3A_45 : memref<10240x128xf32, #tpu.memory_space<vmem_shared>>)
    %barrier3A_46 = arith.constant 0 : index
    tpu.barrier barrier_id(%barrier3A_46)
    %mul3A_47 = arith.constant 640 : i32
    %mul3A_48 = arith.muli %arg1, %mul3A_47 : i32
    %add3A_49 = arith.constant 0 : i32
    %add3A_50 = arith.addi %mul3A_48, %add3A_49 : i32
    %multiple_of3A_51 = tpu.assume_multiple %add3A_50, 8 : i32
    %run_scoped3A_52 = arith.constant 0 : i32
    "tpu.region"() ({
      %run_scoped3A_95 = tpu.sem_alloc : memref<!tpu.dma_semaphore, #tpu.memory_space<semaphore_mem>>
      %dma_start3A_96 = arith.constant 0 : i32
      %dma_start3A_97 = tpu.memref_slice %arg8[%run_scoped3A_52, %dma_start3A_96] : memref<8x80xi32, #tpu.memory_space<vmem>> -> memref<1x80xi32, #tpu.memory_space<vmem>>
      %dma_start3A_98 = tpu.memref_squeeze %dma_start3A_97 : memref<1x80xi32, #tpu.memory_space<vmem>> -> memref<80xi32, #tpu.memory_space<vmem>>
      %dma_start3A_99 = arith.constant 0 : i32
      %dma_start3A_100 = arith.constant 0 : i32
      %dma_start3A_101 = tpu.memref_slice %arg11[%dma_start3A_99, %dma_start3A_100] : memref<10240x128xf32, #tpu.memory_space<vmem_shared>> -> memref<10240x128xf32, #tpu.memory_space<vmem_shared>>
      tpu.enqueue_indirect_dma source(%dma_start3A_101 : memref<10240x128xf32, #tpu.memory_space<vmem_shared>>) target(%arg7 : memref<80x128xf32, #tpu.memory_space<vmem>>) offsets(%dma_start3A_98 : memref<80xi32, #tpu.memory_space<vmem>>) semaphore(%run_scoped3A_95 : memref<!tpu.dma_semaphore, #tpu.memory_space<semaphore_mem>>)
      %dma_wait3A_102 = arith.constant 0 : i32
      %dma_wait3A_103 = tpu.memref_slice %arg8[%run_scoped3A_52, %dma_wait3A_102] : memref<8x80xi32, #tpu.memory_space<vmem>> -> memref<1x80xi32, #tpu.memory_space<vmem>>
      %dma_wait3A_104 = tpu.memref_squeeze %dma_wait3A_103 : memref<1x80xi32, #tpu.memory_space<vmem>> -> memref<80xi32, #tpu.memory_space<vmem>>
      %dma_wait3A_105 = arith.constant 0 : i32
      %dma_wait3A_106 = arith.constant 0 : i32
      %dma_wait3A_107 = tpu.memref_slice %arg11[%dma_wait3A_105, %dma_wait3A_106] : memref<10240x128xf32, #tpu.memory_space<vmem_shared>> -> memref<10240x128xf32, #tpu.memory_space<vmem_shared>>
      tpu.wait_indirect_dma semaphore(%run_scoped3A_95 : memref<!tpu.dma_semaphore, #tpu.memory_space<semaphore_mem>>) src(%dma_wait3A_107 : memref<10240x128xf32, #tpu.memory_space<vmem_shared>>) dst(%arg7 : memref<80x128xf32, #tpu.memory_space<vmem>>)
      tpu.yield
    }) : () -> ()
    "tpu.region"() ({
      %run_scoped3A_95 = tpu.sem_alloc : memref<!tpu.dma_semaphore, #tpu.memory_space<semaphore_mem>>
      %dma_start3A_96 = arith.constant 0 : i32
      %dma_start3A_97 = tpu.memref_slice %arg3[%arg0, %multiple_of3A_51, %dma_start3A_96] : memref<2x10240x128xf32, #tpu.memory_space<hbm>> -> memref<1x80x128xf32, #tpu.memory_space<hbm>>
      %dma_start3A_98 = tpu.memref_squeeze %dma_start3A_97 : memref<1x80x128xf32, #tpu.memory_space<hbm>> -> memref<80x128xf32, #tpu.memory_space<hbm>>
      %dma_start3A_99 = arith.constant 0 : i32
      %dma_start3A_100 = tpu.memref_slice %arg3[%arg0, %multiple_of3A_51, %dma_start3A_99] : memref<2x10240x128xf32, #tpu.memory_space<hbm>> -> memref<1x80x128xf32, #tpu.memory_space<hbm>>
      %dma_start3A_101 = tpu.memref_squeeze %dma_start3A_100 : memref<1x80x128xf32, #tpu.memory_space<hbm>> -> memref<80x128xf32, #tpu.memory_space<hbm>>
      tpu.enqueue_dma source(%arg7 : memref<80x128xf32, #tpu.memory_space<vmem>>) target(%dma_start3A_101 : memref<80x128xf32, #tpu.memory_space<hbm>>) target_semaphore(%run_scoped3A_95 : memref<!tpu.dma_semaphore, #tpu.memory_space<semaphore_mem>>)
      %dma_wait3A_102 = arith.constant 0 : i32
      %dma_wait3A_103 = tpu.memref_slice %arg3[%arg0, %multiple_of3A_51, %dma_wait3A_102] : memref<2x10240x128xf32, #tpu.memory_space<hbm>> -> memref<1x80x128xf32, #tpu.memory_space<hbm>>
      %dma_wait3A_104 = tpu.memref_squeeze %dma_wait3A_103 : memref<1x80x128xf32, #tpu.memory_space<hbm>> -> memref<80x128xf32, #tpu.memory_space<hbm>>
      %dma_wait3A_105 = arith.constant 0 : i32
      %dma_wait3A_106 = tpu.memref_slice %arg3[%arg0, %multiple_of3A_51, %dma_wait3A_105] : memref<2x10240x128xf32, #tpu.memory_space<hbm>> -> memref<1x80x128xf32, #tpu.memory_space<hbm>>
      %dma_wait3A_107 = tpu.memref_squeeze %dma_wait3A_106 : memref<1x80x128xf32, #tpu.memory_space<hbm>> -> memref<80x128xf32, #tpu.memory_space<hbm>>
      tpu.wait_dma2 semaphore(%run_scoped3A_95 : memref<!tpu.dma_semaphore, #tpu.memory_space<semaphore_mem>>) src(%arg7 : memref<80x128xf32, #tpu.memory_space<vmem>>) dst(%dma_wait3A_107 : memref<80x128xf32, #tpu.memory_space<hbm>>)
      tpu.yield
    }) : () -> ()
    %mul3A_53 = arith.constant 640 : i32
    %mul3A_54 = arith.muli %arg1, %mul3A_53 : i32
    %add3A_55 = arith.constant 80 : i32
    %add3A_56 = arith.addi %mul3A_54, %add3A_55 : i32
    %multiple_of3A_57 = tpu.assume_multiple %add3A_56, 8 : i32
    %run_scoped3A_58 = arith.constant 1 : i32
    "tpu.region"() ({
      %run_scoped3A_95 = tpu.sem_alloc : memref<!tpu.dma_semaphore, #tpu.memory_space<semaphore_mem>>
      %dma_start3A_96 = arith.constant 0 : i32
      %dma_start3A_97 = tpu.memref_slice %arg8[%run_scoped3A_58, %dma_start3A_96] : memref<8x80xi32, #tpu.memory_space<vmem>> -> memref<1x80xi32, #tpu.memory_space<vmem>>
      %dma_start3A_98 = tpu.memref_squeeze %dma_start3A_97 : memref<1x80xi32, #tpu.memory_space<vmem>> -> memref<80xi32, #tpu.memory_space<vmem>>
      %dma_start3A_99 = arith.constant 0 : i32
      %dma_start3A_100 = arith.constant 0 : i32
      %dma_start3A_101 = tpu.memref_slice %arg11[%dma_start3A_99, %dma_start3A_100] : memref<10240x128xf32, #tpu.memory_space<vmem_shared>> -> memref<10240x128xf32, #tpu.memory_space<vmem_shared>>
      tpu.enqueue_indirect_dma source(%dma_start3A_101 : memref<10240x128xf32, #tpu.memory_space<vmem_shared>>) target(%arg7 : memref<80x128xf32, #tpu.memory_space<vmem>>) offsets(%dma_start3A_98 : memref<80xi32, #tpu.memory_space<vmem>>) semaphore(%run_scoped3A_95 : memref<!tpu.dma_semaphore, #tpu.memory_space<semaphore_mem>>)
      %dma_wait3A_102 = arith.constant 0 : i32
      %dma_wait3A_103 = tpu.memref_slice %arg8[%run_scoped3A_58, %dma_wait3A_102] : memref<8x80xi32, #tpu.memory_space<vmem>> -> memref<1x80xi32, #tpu.memory_space<vmem>>
      %dma_wait3A_104 = tpu.memref_squeeze %dma_wait3A_103 : memref<1x80xi32, #tpu.memory_space<vmem>> -> memref<80xi32, #tpu.memory_space<vmem>>
      %dma_wait3A_105 = arith.constant 0 : i32
      %dma_wait3A_106 = arith.constant 0 : i32
      %dma_wait3A_107 = tpu.memref_slice %arg11[%dma_wait3A_105, %dma_wait3A_106] : memref<10240x128xf32, #tpu.memory_space<vmem_shared>> -> memref<10240x128xf32, #tpu.memory_space<vmem_shared>>
      tpu.wait_indirect_dma semaphore(%run_scoped3A_95 : memref<!tpu.dma_semaphore, #tpu.memory_space<semaphore_mem>>) src(%dma_wait3A_107 : memref<10240x128xf32, #tpu.memory_space<vmem_shared>>) dst(%arg7 : memref<80x128xf32, #tpu.memory_space<vmem>>)
      tpu.yield
    }) : () -> ()
    "tpu.region"() ({
      %run_scoped3A_95 = tpu.sem_alloc : memref<!tpu.dma_semaphore, #tpu.memory_space<semaphore_mem>>
      %dma_start3A_96 = arith.constant 0 : i32
      %dma_start3A_97 = tpu.memref_slice %arg3[%arg0, %multiple_of3A_57, %dma_start3A_96] : memref<2x10240x128xf32, #tpu.memory_space<hbm>> -> memref<1x80x128xf32, #tpu.memory_space<hbm>>
      %dma_start3A_98 = tpu.memref_squeeze %dma_start3A_97 : memref<1x80x128xf32, #tpu.memory_space<hbm>> -> memref<80x128xf32, #tpu.memory_space<hbm>>
      %dma_start3A_99 = arith.constant 0 : i32
      %dma_start3A_100 = tpu.memref_slice %arg3[%arg0, %multiple_of3A_57, %dma_start3A_99] : memref<2x10240x128xf32, #tpu.memory_space<hbm>> -> memref<1x80x128xf32, #tpu.memory_space<hbm>>
      %dma_start3A_101 = tpu.memref_squeeze %dma_start3A_100 : memref<1x80x128xf32, #tpu.memory_space<hbm>> -> memref<80x128xf32, #tpu.memory_space<hbm>>
      tpu.enqueue_dma source(%arg7 : memref<80x128xf32, #tpu.memory_space<vmem>>) target(%dma_start3A_101 : memref<80x128xf32, #tpu.memory_space<hbm>>) target_semaphore(%run_scoped3A_95 : memref<!tpu.dma_semaphore, #tpu.memory_space<semaphore_mem>>)
      %dma_wait3A_102 = arith.constant 0 : i32
      %dma_wait3A_103 = tpu.memref_slice %arg3[%arg0, %multiple_of3A_57, %dma_wait3A_102] : memref<2x10240x128xf32, #tpu.memory_space<hbm>> -> memref<1x80x128xf32, #tpu.memory_space<hbm>>
      %dma_wait3A_104 = tpu.memref_squeeze %dma_wait3A_103 : memref<1x80x128xf32, #tpu.memory_space<hbm>> -> memref<80x128xf32, #tpu.memory_space<hbm>>
      %dma_wait3A_105 = arith.constant 0 : i32
      %dma_wait3A_106 = tpu.memref_slice %arg3[%arg0, %multiple_of3A_57, %dma_wait3A_105] : memref<2x10240x128xf32, #tpu.memory_space<hbm>> -> memref<1x80x128xf32, #tpu.memory_space<hbm>>
      %dma_wait3A_107 = tpu.memref_squeeze %dma_wait3A_106 : memref<1x80x128xf32, #tpu.memory_space<hbm>> -> memref<80x128xf32, #tpu.memory_space<hbm>>
      tpu.wait_dma2 semaphore(%run_scoped3A_95 : memref<!tpu.dma_semaphore, #tpu.memory_space<semaphore_mem>>) src(%arg7 : memref<80x128xf32, #tpu.memory_space<vmem>>) dst(%dma_wait3A_107 : memref<80x128xf32, #tpu.memory_space<hbm>>)
      tpu.yield
    }) : () -> ()
    %mul3A_59 = arith.constant 640 : i32
    %mul3A_60 = arith.muli %arg1, %mul3A_59 : i32
    %add3A_61 = arith.constant 160 : i32
    %add3A_62 = arith.addi %mul3A_60, %add3A_61 : i32
    %multiple_of3A_63 = tpu.assume_multiple %add3A_62, 8 : i32
    %run_scoped3A_64 = arith.constant 2 : i32
    "tpu.region"() ({
      %run_scoped3A_95 = tpu.sem_alloc : memref<!tpu.dma_semaphore, #tpu.memory_space<semaphore_mem>>
      %dma_start3A_96 = arith.constant 0 : i32
      %dma_start3A_97 = tpu.memref_slice %arg8[%run_scoped3A_64, %dma_start3A_96] : memref<8x80xi32, #tpu.memory_space<vmem>> -> memref<1x80xi32, #tpu.memory_space<vmem>>
      %dma_start3A_98 = tpu.memref_squeeze %dma_start3A_97 : memref<1x80xi32, #tpu.memory_space<vmem>> -> memref<80xi32, #tpu.memory_space<vmem>>
      %dma_start3A_99 = arith.constant 0 : i32
      %dma_start3A_100 = arith.constant 0 : i32
      %dma_start3A_101 = tpu.memref_slice %arg11[%dma_start3A_99, %dma_start3A_100] : memref<10240x128xf32, #tpu.memory_space<vmem_shared>> -> memref<10240x128xf32, #tpu.memory_space<vmem_shared>>
      tpu.enqueue_indirect_dma source(%dma_start3A_101 : memref<10240x128xf32, #tpu.memory_space<vmem_shared>>) target(%arg7 : memref<80x128xf32, #tpu.memory_space<vmem>>) offsets(%dma_start3A_98 : memref<80xi32, #tpu.memory_space<vmem>>) semaphore(%run_scoped3A_95 : memref<!tpu.dma_semaphore, #tpu.memory_space<semaphore_mem>>)
      %dma_wait3A_102 = arith.constant 0 : i32
      %dma_wait3A_103 = tpu.memref_slice %arg8[%run_scoped3A_64, %dma_wait3A_102] : memref<8x80xi32, #tpu.memory_space<vmem>> -> memref<1x80xi32, #tpu.memory_space<vmem>>
      %dma_wait3A_104 = tpu.memref_squeeze %dma_wait3A_103 : memref<1x80xi32, #tpu.memory_space<vmem>> -> memref<80xi32, #tpu.memory_space<vmem>>
      %dma_wait3A_105 = arith.constant 0 : i32
      %dma_wait3A_106 = arith.constant 0 : i32
      %dma_wait3A_107 = tpu.memref_slice %arg11[%dma_wait3A_105, %dma_wait3A_106] : memref<10240x128xf32, #tpu.memory_space<vmem_shared>> -> memref<10240x128xf32, #tpu.memory_space<vmem_shared>>
      tpu.wait_indirect_dma semaphore(%run_scoped3A_95 : memref<!tpu.dma_semaphore, #tpu.memory_space<semaphore_mem>>) src(%dma_wait3A_107 : memref<10240x128xf32, #tpu.memory_space<vmem_shared>>) dst(%arg7 : memref<80x128xf32, #tpu.memory_space<vmem>>)
      tpu.yield
    }) : () -> ()
    "tpu.region"() ({
      %run_scoped3A_95 = tpu.sem_alloc : memref<!tpu.dma_semaphore, #tpu.memory_space<semaphore_mem>>
      %dma_start3A_96 = arith.constant 0 : i32
      %dma_start3A_97 = tpu.memref_slice %arg3[%arg0, %multiple_of3A_63, %dma_start3A_96] : memref<2x10240x128xf32, #tpu.memory_space<hbm>> -> memref<1x80x128xf32, #tpu.memory_space<hbm>>
      %dma_start3A_98 = tpu.memref_squeeze %dma_start3A_97 : memref<1x80x128xf32, #tpu.memory_space<hbm>> -> memref<80x128xf32, #tpu.memory_space<hbm>>
      %dma_start3A_99 = arith.constant 0 : i32
      %dma_start3A_100 = tpu.memref_slice %arg3[%arg0, %multiple_of3A_63, %dma_start3A_99] : memref<2x10240x128xf32, #tpu.memory_space<hbm>> -> memref<1x80x128xf32, #tpu.memory_space<hbm>>
      %dma_start3A_101 = tpu.memref_squeeze %dma_start3A_100 : memref<1x80x128xf32, #tpu.memory_space<hbm>> -> memref<80x128xf32, #tpu.memory_space<hbm>>
      tpu.enqueue_dma source(%arg7 : memref<80x128xf32, #tpu.memory_space<vmem>>) target(%dma_start3A_101 : memref<80x128xf32, #tpu.memory_space<hbm>>) target_semaphore(%run_scoped3A_95 : memref<!tpu.dma_semaphore, #tpu.memory_space<semaphore_mem>>)
      %dma_wait3A_102 = arith.constant 0 : i32
      %dma_wait3A_103 = tpu.memref_slice %arg3[%arg0, %multiple_of3A_63, %dma_wait3A_102] : memref<2x10240x128xf32, #tpu.memory_space<hbm>> -> memref<1x80x128xf32, #tpu.memory_space<hbm>>
      %dma_wait3A_104 = tpu.memref_squeeze %dma_wait3A_103 : memref<1x80x128xf32, #tpu.memory_space<hbm>> -> memref<80x128xf32, #tpu.memory_space<hbm>>
      %dma_wait3A_105 = arith.constant 0 : i32
      %dma_wait3A_106 = tpu.memref_slice %arg3[%arg0, %multiple_of3A_63, %dma_wait3A_105] : memref<2x10240x128xf32, #tpu.memory_space<hbm>> -> memref<1x80x128xf32, #tpu.memory_space<hbm>>
      %dma_wait3A_107 = tpu.memref_squeeze %dma_wait3A_106 : memref<1x80x128xf32, #tpu.memory_space<hbm>> -> memref<80x128xf32, #tpu.memory_space<hbm>>
      tpu.wait_dma2 semaphore(%run_scoped3A_95 : memref<!tpu.dma_semaphore, #tpu.memory_space<semaphore_mem>>) src(%arg7 : memref<80x128xf32, #tpu.memory_space<vmem>>) dst(%dma_wait3A_107 : memref<80x128xf32, #tpu.memory_space<hbm>>)
      tpu.yield
    }) : () -> ()
    %mul3A_65 = arith.constant 640 : i32
    %mul3A_66 = arith.muli %arg1, %mul3A_65 : i32
    %add3A_67 = arith.constant 240 : i32
    %add3A_68 = arith.addi %mul3A_66, %add3A_67 : i32
    %multiple_of3A_69 = tpu.assume_multiple %add3A_68, 8 : i32
    %run_scoped3A_70 = arith.constant 3 : i32
    "tpu.region"() ({
      %run_scoped3A_95 = tpu.sem_alloc : memref<!tpu.dma_semaphore, #tpu.memory_space<semaphore_mem>>
      %dma_start3A_96 = arith.constant 0 : i32
      %dma_start3A_97 = tpu.memref_slice %arg8[%run_scoped3A_70, %dma_start3A_96] : memref<8x80xi32, #tpu.memory_space<vmem>> -> memref<1x80xi32, #tpu.memory_space<vmem>>
      %dma_start3A_98 = tpu.memref_squeeze %dma_start3A_97 : memref<1x80xi32, #tpu.memory_space<vmem>> -> memref<80xi32, #tpu.memory_space<vmem>>
      %dma_start3A_99 = arith.constant 0 : i32
      %dma_start3A_100 = arith.constant 0 : i32
      %dma_start3A_101 = tpu.memref_slice %arg11[%dma_start3A_99, %dma_start3A_100] : memref<10240x128xf32, #tpu.memory_space<vmem_shared>> -> memref<10240x128xf32, #tpu.memory_space<vmem_shared>>
      tpu.enqueue_indirect_dma source(%dma_start3A_101 : memref<10240x128xf32, #tpu.memory_space<vmem_shared>>) target(%arg7 : memref<80x128xf32, #tpu.memory_space<vmem>>) offsets(%dma_start3A_98 : memref<80xi32, #tpu.memory_space<vmem>>) semaphore(%run_scoped3A_95 : memref<!tpu.dma_semaphore, #tpu.memory_space<semaphore_mem>>)
      %dma_wait3A_102 = arith.constant 0 : i32
      %dma_wait3A_103 = tpu.memref_slice %arg8[%run_scoped3A_70, %dma_wait3A_102] : memref<8x80xi32, #tpu.memory_space<vmem>> -> memref<1x80xi32, #tpu.memory_space<vmem>>
      %dma_wait3A_104 = tpu.memref_squeeze %dma_wait3A_103 : memref<1x80xi32, #tpu.memory_space<vmem>> -> memref<80xi32, #tpu.memory_space<vmem>>
      %dma_wait3A_105 = arith.constant 0 : i32
      %dma_wait3A_106 = arith.constant 0 : i32
      %dma_wait3A_107 = tpu.memref_slice %arg11[%dma_wait3A_105, %dma_wait3A_106] : memref<10240x128xf32, #tpu.memory_space<vmem_shared>> -> memref<10240x128xf32, #tpu.memory_space<vmem_shared>>
      tpu.wait_indirect_dma semaphore(%run_scoped3A_95 : memref<!tpu.dma_semaphore, #tpu.memory_space<semaphore_mem>>) src(%dma_wait3A_107 : memref<10240x128xf32, #tpu.memory_space<vmem_shared>>) dst(%arg7 : memref<80x128xf32, #tpu.memory_space<vmem>>)
      tpu.yield
    }) : () -> ()
    "tpu.region"() ({
      %run_scoped3A_95 = tpu.sem_alloc : memref<!tpu.dma_semaphore, #tpu.memory_space<semaphore_mem>>
      %dma_start3A_96 = arith.constant 0 : i32
      %dma_start3A_97 = tpu.memref_slice %arg3[%arg0, %multiple_of3A_69, %dma_start3A_96] : memref<2x10240x128xf32, #tpu.memory_space<hbm>> -> memref<1x80x128xf32, #tpu.memory_space<hbm>>
      %dma_start3A_98 = tpu.memref_squeeze %dma_start3A_97 : memref<1x80x128xf32, #tpu.memory_space<hbm>> -> memref<80x128xf32, #tpu.memory_space<hbm>>
      %dma_start3A_99 = arith.constant 0 : i32
      %dma_start3A_100 = tpu.memref_slice %arg3[%arg0, %multiple_of3A_69, %dma_start3A_99] : memref<2x10240x128xf32, #tpu.memory_space<hbm>> -> memref<1x80x128xf32, #tpu.memory_space<hbm>>
      %dma_start3A_101 = tpu.memref_squeeze %dma_start3A_100 : memref<1x80x128xf32, #tpu.memory_space<hbm>> -> memref<80x128xf32, #tpu.memory_space<hbm>>
      tpu.enqueue_dma source(%arg7 : memref<80x128xf32, #tpu.memory_space<vmem>>) target(%dma_start3A_101 : memref<80x128xf32, #tpu.memory_space<hbm>>) target_semaphore(%run_scoped3A_95 : memref<!tpu.dma_semaphore, #tpu.memory_space<semaphore_mem>>)
      %dma_wait3A_102 = arith.constant 0 : i32
      %dma_wait3A_103 = tpu.memref_slice %arg3[%arg0, %multiple_of3A_69, %dma_wait3A_102] : memref<2x10240x128xf32, #tpu.memory_space<hbm>> -> memref<1x80x128xf32, #tpu.memory_space<hbm>>
      %dma_wait3A_104 = tpu.memref_squeeze %dma_wait3A_103 : memref<1x80x128xf32, #tpu.memory_space<hbm>> -> memref<80x128xf32, #tpu.memory_space<hbm>>
      %dma_wait3A_105 = arith.constant 0 : i32
      %dma_wait3A_106 = tpu.memref_slice %arg3[%arg0, %multiple_of3A_69, %dma_wait3A_105] : memref<2x10240x128xf32, #tpu.memory_space<hbm>> -> memref<1x80x128xf32, #tpu.memory_space<hbm>>
      %dma_wait3A_107 = tpu.memref_squeeze %dma_wait3A_106 : memref<1x80x128xf32, #tpu.memory_space<hbm>> -> memref<80x128xf32, #tpu.memory_space<hbm>>
      tpu.wait_dma2 semaphore(%run_scoped3A_95 : memref<!tpu.dma_semaphore, #tpu.memory_space<semaphore_mem>>) src(%arg7 : memref<80x128xf32, #tpu.memory_space<vmem>>) dst(%dma_wait3A_107 : memref<80x128xf32, #tpu.memory_space<hbm>>)
      tpu.yield
    }) : () -> ()
    %mul3A_71 = arith.constant 640 : i32
    %mul3A_72 = arith.muli %arg1, %mul3A_71 : i32
    %add3A_73 = arith.constant 320 : i32
    %add3A_74 = arith.addi %mul3A_72, %add3A_73 : i32
    %multiple_of3A_75 = tpu.assume_multiple %add3A_74, 8 : i32
    %run_scoped3A_76 = arith.constant 4 : i32
    "tpu.region"() ({
      %run_scoped3A_95 = tpu.sem_alloc : memref<!tpu.dma_semaphore, #tpu.memory_space<semaphore_mem>>
      %dma_start3A_96 = arith.constant 0 : i32
      %dma_start3A_97 = tpu.memref_slice %arg8[%run_scoped3A_76, %dma_start3A_96] : memref<8x80xi32, #tpu.memory_space<vmem>> -> memref<1x80xi32, #tpu.memory_space<vmem>>
      %dma_start3A_98 = tpu.memref_squeeze %dma_start3A_97 : memref<1x80xi32, #tpu.memory_space<vmem>> -> memref<80xi32, #tpu.memory_space<vmem>>
      %dma_start3A_99 = arith.constant 0 : i32
      %dma_start3A_100 = arith.constant 0 : i32
      %dma_start3A_101 = tpu.memref_slice %arg11[%dma_start3A_99, %dma_start3A_100] : memref<10240x128xf32, #tpu.memory_space<vmem_shared>> -> memref<10240x128xf32, #tpu.memory_space<vmem_shared>>
      tpu.enqueue_indirect_dma source(%dma_start3A_101 : memref<10240x128xf32, #tpu.memory_space<vmem_shared>>) target(%arg7 : memref<80x128xf32, #tpu.memory_space<vmem>>) offsets(%dma_start3A_98 : memref<80xi32, #tpu.memory_space<vmem>>) semaphore(%run_scoped3A_95 : memref<!tpu.dma_semaphore, #tpu.memory_space<semaphore_mem>>)
      %dma_wait3A_102 = arith.constant 0 : i32
      %dma_wait3A_103 = tpu.memref_slice %arg8[%run_scoped3A_76, %dma_wait3A_102] : memref<8x80xi32, #tpu.memory_space<vmem>> -> memref<1x80xi32, #tpu.memory_space<vmem>>
      %dma_wait3A_104 = tpu.memref_squeeze %dma_wait3A_103 : memref<1x80xi32, #tpu.memory_space<vmem>> -> memref<80xi32, #tpu.memory_space<vmem>>
      %dma_wait3A_105 = arith.constant 0 : i32
      %dma_wait3A_106 = arith.constant 0 : i32
      %dma_wait3A_107 = tpu.memref_slice %arg11[%dma_wait3A_105, %dma_wait3A_106] : memref<10240x128xf32, #tpu.memory_space<vmem_shared>> -> memref<10240x128xf32, #tpu.memory_space<vmem_shared>>
      tpu.wait_indirect_dma semaphore(%run_scoped3A_95 : memref<!tpu.dma_semaphore, #tpu.memory_space<semaphore_mem>>) src(%dma_wait3A_107 : memref<10240x128xf32, #tpu.memory_space<vmem_shared>>) dst(%arg7 : memref<80x128xf32, #tpu.memory_space<vmem>>)
      tpu.yield
    }) : () -> ()
    "tpu.region"() ({
      %run_scoped3A_95 = tpu.sem_alloc : memref<!tpu.dma_semaphore, #tpu.memory_space<semaphore_mem>>
      %dma_start3A_96 = arith.constant 0 : i32
      %dma_start3A_97 = tpu.memref_slice %arg3[%arg0, %multiple_of3A_75, %dma_start3A_96] : memref<2x10240x128xf32, #tpu.memory_space<hbm>> -> memref<1x80x128xf32, #tpu.memory_space<hbm>>
      %dma_start3A_98 = tpu.memref_squeeze %dma_start3A_97 : memref<1x80x128xf32, #tpu.memory_space<hbm>> -> memref<80x128xf32, #tpu.memory_space<hbm>>
      %dma_start3A_99 = arith.constant 0 : i32
      %dma_start3A_100 = tpu.memref_slice %arg3[%arg0, %multiple_of3A_75, %dma_start3A_99] : memref<2x10240x128xf32, #tpu.memory_space<hbm>> -> memref<1x80x128xf32, #tpu.memory_space<hbm>>
      %dma_start3A_101 = tpu.memref_squeeze %dma_start3A_100 : memref<1x80x128xf32, #tpu.memory_space<hbm>> -> memref<80x128xf32, #tpu.memory_space<hbm>>
      tpu.enqueue_dma source(%arg7 : memref<80x128xf32, #tpu.memory_space<vmem>>) target(%dma_start3A_101 : memref<80x128xf32, #tpu.memory_space<hbm>>) target_semaphore(%run_scoped3A_95 : memref<!tpu.dma_semaphore, #tpu.memory_space<semaphore_mem>>)
      %dma_wait3A_102 = arith.constant 0 : i32
      %dma_wait3A_103 = tpu.memref_slice %arg3[%arg0, %multiple_of3A_75, %dma_wait3A_102] : memref<2x10240x128xf32, #tpu.memory_space<hbm>> -> memref<1x80x128xf32, #tpu.memory_space<hbm>>
      %dma_wait3A_104 = tpu.memref_squeeze %dma_wait3A_103 : memref<1x80x128xf32, #tpu.memory_space<hbm>> -> memref<80x128xf32, #tpu.memory_space<hbm>>
      %dma_wait3A_105 = arith.constant 0 : i32
      %dma_wait3A_106 = tpu.memref_slice %arg3[%arg0, %multiple_of3A_75, %dma_wait3A_105] : memref<2x10240x128xf32, #tpu.memory_space<hbm>> -> memref<1x80x128xf32, #tpu.memory_space<hbm>>
      %dma_wait3A_107 = tpu.memref_squeeze %dma_wait3A_106 : memref<1x80x128xf32, #tpu.memory_space<hbm>> -> memref<80x128xf32, #tpu.memory_space<hbm>>
      tpu.wait_dma2 semaphore(%run_scoped3A_95 : memref<!tpu.dma_semaphore, #tpu.memory_space<semaphore_mem>>) src(%arg7 : memref<80x128xf32, #tpu.memory_space<vmem>>) dst(%dma_wait3A_107 : memref<80x128xf32, #tpu.memory_space<hbm>>)
      tpu.yield
    }) : () -> ()
    %mul3A_77 = arith.constant 640 : i32
    %mul3A_78 = arith.muli %arg1, %mul3A_77 : i32
    %add3A_79 = arith.constant 400 : i32
    %add3A_80 = arith.addi %mul3A_78, %add3A_79 : i32
    %multiple_of3A_81 = tpu.assume_multiple %add3A_80, 8 : i32
    %run_scoped3A_82 = arith.constant 5 : i32
    "tpu.region"() ({
      %run_scoped3A_95 = tpu.sem_alloc : memref<!tpu.dma_semaphore, #tpu.memory_space<semaphore_mem>>
      %dma_start3A_96 = arith.constant 0 : i32
      %dma_start3A_97 = tpu.memref_slice %arg8[%run_scoped3A_82, %dma_start3A_96] : memref<8x80xi32, #tpu.memory_space<vmem>> -> memref<1x80xi32, #tpu.memory_space<vmem>>
      %dma_start3A_98 = tpu.memref_squeeze %dma_start3A_97 : memref<1x80xi32, #tpu.memory_space<vmem>> -> memref<80xi32, #tpu.memory_space<vmem>>
      %dma_start3A_99 = arith.constant 0 : i32
      %dma_start3A_100 = arith.constant 0 : i32
      %dma_start3A_101 = tpu.memref_slice %arg11[%dma_start3A_99, %dma_start3A_100] : memref<10240x128xf32, #tpu.memory_space<vmem_shared>> -> memref<10240x128xf32, #tpu.memory_space<vmem_shared>>
      tpu.enqueue_indirect_dma source(%dma_start3A_101 : memref<10240x128xf32, #tpu.memory_space<vmem_shared>>) target(%arg7 : memref<80x128xf32, #tpu.memory_space<vmem>>) offsets(%dma_start3A_98 : memref<80xi32, #tpu.memory_space<vmem>>) semaphore(%run_scoped3A_95 : memref<!tpu.dma_semaphore, #tpu.memory_space<semaphore_mem>>)
      %dma_wait3A_102 = arith.constant 0 : i32
      %dma_wait3A_103 = tpu.memref_slice %arg8[%run_scoped3A_82, %dma_wait3A_102] : memref<8x80xi32, #tpu.memory_space<vmem>> -> memref<1x80xi32, #tpu.memory_space<vmem>>
      %dma_wait3A_104 = tpu.memref_squeeze %dma_wait3A_103 : memref<1x80xi32, #tpu.memory_space<vmem>> -> memref<80xi32, #tpu.memory_space<vmem>>
      %dma_wait3A_105 = arith.constant 0 : i32
      %dma_wait3A_106 = arith.constant 0 : i32
      %dma_wait3A_107 = tpu.memref_slice %arg11[%dma_wait3A_105, %dma_wait3A_106] : memref<10240x128xf32, #tpu.memory_space<vmem_shared>> -> memref<10240x128xf32, #tpu.memory_space<vmem_shared>>
      tpu.wait_indirect_dma semaphore(%run_scoped3A_95 : memref<!tpu.dma_semaphore, #tpu.memory_space<semaphore_mem>>) src(%dma_wait3A_107 : memref<10240x128xf32, #tpu.memory_space<vmem_shared>>) dst(%arg7 : memref<80x128xf32, #tpu.memory_space<vmem>>)
      tpu.yield
    }) : () -> ()
    "tpu.region"() ({
      %run_scoped3A_95 = tpu.sem_alloc : memref<!tpu.dma_semaphore, #tpu.memory_space<semaphore_mem>>
      %dma_start3A_96 = arith.constant 0 : i32
      %dma_start3A_97 = tpu.memref_slice %arg3[%arg0, %multiple_of3A_81, %dma_start3A_96] : memref<2x10240x128xf32, #tpu.memory_space<hbm>> -> memref<1x80x128xf32, #tpu.memory_space<hbm>>
      %dma_start3A_98 = tpu.memref_squeeze %dma_start3A_97 : memref<1x80x128xf32, #tpu.memory_space<hbm>> -> memref<80x128xf32, #tpu.memory_space<hbm>>
      %dma_start3A_99 = arith.constant 0 : i32
      %dma_start3A_100 = tpu.memref_slice %arg3[%arg0, %multiple_of3A_81, %dma_start3A_99] : memref<2x10240x128xf32, #tpu.memory_space<hbm>> -> memref<1x80x128xf32, #tpu.memory_space<hbm>>
      %dma_start3A_101 = tpu.memref_squeeze %dma_start3A_100 : memref<1x80x128xf32, #tpu.memory_space<hbm>> -> memref<80x128xf32, #tpu.memory_space<hbm>>
      tpu.enqueue_dma source(%arg7 : memref<80x128xf32, #tpu.memory_space<vmem>>) target(%dma_start3A_101 : memref<80x128xf32, #tpu.memory_space<hbm>>) target_semaphore(%run_scoped3A_95 : memref<!tpu.dma_semaphore, #tpu.memory_space<semaphore_mem>>)
      %dma_wait3A_102 = arith.constant 0 : i32
      %dma_wait3A_103 = tpu.memref_slice %arg3[%arg0, %multiple_of3A_81, %dma_wait3A_102] : memref<2x10240x128xf32, #tpu.memory_space<hbm>> -> memref<1x80x128xf32, #tpu.memory_space<hbm>>
      %dma_wait3A_104 = tpu.memref_squeeze %dma_wait3A_103 : memref<1x80x128xf32, #tpu.memory_space<hbm>> -> memref<80x128xf32, #tpu.memory_space<hbm>>
      %dma_wait3A_105 = arith.constant 0 : i32
      %dma_wait3A_106 = tpu.memref_slice %arg3[%arg0, %multiple_of3A_81, %dma_wait3A_105] : memref<2x10240x128xf32, #tpu.memory_space<hbm>> -> memref<1x80x128xf32, #tpu.memory_space<hbm>>
      %dma_wait3A_107 = tpu.memref_squeeze %dma_wait3A_106 : memref<1x80x128xf32, #tpu.memory_space<hbm>> -> memref<80x128xf32, #tpu.memory_space<hbm>>
      tpu.wait_dma2 semaphore(%run_scoped3A_95 : memref<!tpu.dma_semaphore, #tpu.memory_space<semaphore_mem>>) src(%arg7 : memref<80x128xf32, #tpu.memory_space<vmem>>) dst(%dma_wait3A_107 : memref<80x128xf32, #tpu.memory_space<hbm>>)
      tpu.yield
    }) : () -> ()
    %mul3A_83 = arith.constant 640 : i32
    %mul3A_84 = arith.muli %arg1, %mul3A_83 : i32
    %add3A_85 = arith.constant 480 : i32
    %add3A_86 = arith.addi %mul3A_84, %add3A_85 : i32
    %multiple_of3A_87 = tpu.assume_multiple %add3A_86, 8 : i32
    %run_scoped3A_88 = arith.constant 6 : i32
    "tpu.region"() ({
      %run_scoped3A_95 = tpu.sem_alloc : memref<!tpu.dma_semaphore, #tpu.memory_space<semaphore_mem>>
      %dma_start3A_96 = arith.constant 0 : i32
      %dma_start3A_97 = tpu.memref_slice %arg8[%run_scoped3A_88, %dma_start3A_96] : memref<8x80xi32, #tpu.memory_space<vmem>> -> memref<1x80xi32, #tpu.memory_space<vmem>>
      %dma_start3A_98 = tpu.memref_squeeze %dma_start3A_97 : memref<1x80xi32, #tpu.memory_space<vmem>> -> memref<80xi32, #tpu.memory_space<vmem>>
      %dma_start3A_99 = arith.constant 0 : i32
      %dma_start3A_100 = arith.constant 0 : i32
      %dma_start3A_101 = tpu.memref_slice %arg11[%dma_start3A_99, %dma_start3A_100] : memref<10240x128xf32, #tpu.memory_space<vmem_shared>> -> memref<10240x128xf32, #tpu.memory_space<vmem_shared>>
      tpu.enqueue_indirect_dma source(%dma_start3A_101 : memref<10240x128xf32, #tpu.memory_space<vmem_shared>>) target(%arg7 : memref<80x128xf32, #tpu.memory_space<vmem>>) offsets(%dma_start3A_98 : memref<80xi32, #tpu.memory_space<vmem>>) semaphore(%run_scoped3A_95 : memref<!tpu.dma_semaphore, #tpu.memory_space<semaphore_mem>>)
      %dma_wait3A_102 = arith.constant 0 : i32
      %dma_wait3A_103 = tpu.memref_slice %arg8[%run_scoped3A_88, %dma_wait3A_102] : memref<8x80xi32, #tpu.memory_space<vmem>> -> memref<1x80xi32, #tpu.memory_space<vmem>>
      %dma_wait3A_104 = tpu.memref_squeeze %dma_wait3A_103 : memref<1x80xi32, #tpu.memory_space<vmem>> -> memref<80xi32, #tpu.memory_space<vmem>>
      %dma_wait3A_105 = arith.constant 0 : i32
      %dma_wait3A_106 = arith.constant 0 : i32
      %dma_wait3A_107 = tpu.memref_slice %arg11[%dma_wait3A_105, %dma_wait3A_106] : memref<10240x128xf32, #tpu.memory_space<vmem_shared>> -> memref<10240x128xf32, #tpu.memory_space<vmem_shared>>
      tpu.wait_indirect_dma semaphore(%run_scoped3A_95 : memref<!tpu.dma_semaphore, #tpu.memory_space<semaphore_mem>>) src(%dma_wait3A_107 : memref<10240x128xf32, #tpu.memory_space<vmem_shared>>) dst(%arg7 : memref<80x128xf32, #tpu.memory_space<vmem>>)
      tpu.yield
    }) : () -> ()
    "tpu.region"() ({
      %run_scoped3A_95 = tpu.sem_alloc : memref<!tpu.dma_semaphore, #tpu.memory_space<semaphore_mem>>
      %dma_start3A_96 = arith.constant 0 : i32
      %dma_start3A_97 = tpu.memref_slice %arg3[%arg0, %multiple_of3A_87, %dma_start3A_96] : memref<2x10240x128xf32, #tpu.memory_space<hbm>> -> memref<1x80x128xf32, #tpu.memory_space<hbm>>
      %dma_start3A_98 = tpu.memref_squeeze %dma_start3A_97 : memref<1x80x128xf32, #tpu.memory_space<hbm>> -> memref<80x128xf32, #tpu.memory_space<hbm>>
      %dma_start3A_99 = arith.constant 0 : i32
      %dma_start3A_100 = tpu.memref_slice %arg3[%arg0, %multiple_of3A_87, %dma_start3A_99] : memref<2x10240x128xf32, #tpu.memory_space<hbm>> -> memref<1x80x128xf32, #tpu.memory_space<hbm>>
      %dma_start3A_101 = tpu.memref_squeeze %dma_start3A_100 : memref<1x80x128xf32, #tpu.memory_space<hbm>> -> memref<80x128xf32, #tpu.memory_space<hbm>>
      tpu.enqueue_dma source(%arg7 : memref<80x128xf32, #tpu.memory_space<vmem>>) target(%dma_start3A_101 : memref<80x128xf32, #tpu.memory_space<hbm>>) target_semaphore(%run_scoped3A_95 : memref<!tpu.dma_semaphore, #tpu.memory_space<semaphore_mem>>)
      %dma_wait3A_102 = arith.constant 0 : i32
      %dma_wait3A_103 = tpu.memref_slice %arg3[%arg0, %multiple_of3A_87, %dma_wait3A_102] : memref<2x10240x128xf32, #tpu.memory_space<hbm>> -> memref<1x80x128xf32, #tpu.memory_space<hbm>>
      %dma_wait3A_104 = tpu.memref_squeeze %dma_wait3A_103 : memref<1x80x128xf32, #tpu.memory_space<hbm>> -> memref<80x128xf32, #tpu.memory_space<hbm>>
      %dma_wait3A_105 = arith.constant 0 : i32
      %dma_wait3A_106 = tpu.memref_slice %arg3[%arg0, %multiple_of3A_87, %dma_wait3A_105] : memref<2x10240x128xf32, #tpu.memory_space<hbm>> -> memref<1x80x128xf32, #tpu.memory_space<hbm>>
      %dma_wait3A_107 = tpu.memref_squeeze %dma_wait3A_106 : memref<1x80x128xf32, #tpu.memory_space<hbm>> -> memref<80x128xf32, #tpu.memory_space<hbm>>
      tpu.wait_dma2 semaphore(%run_scoped3A_95 : memref<!tpu.dma_semaphore, #tpu.memory_space<semaphore_mem>>) src(%arg7 : memref<80x128xf32, #tpu.memory_space<vmem>>) dst(%dma_wait3A_107 : memref<80x128xf32, #tpu.memory_space<hbm>>)
      tpu.yield
    }) : () -> ()
    %mul3A_89 = arith.constant 640 : i32
    %mul3A_90 = arith.muli %arg1, %mul3A_89 : i32
    %add3A_91 = arith.constant 560 : i32
    %add3A_92 = arith.addi %mul3A_90, %add3A_91 : i32
    %multiple_of3A_93 = tpu.assume_multiple %add3A_92, 8 : i32
    %run_scoped3A_94 = arith.constant 7 : i32
    "tpu.region"() ({
      %run_scoped3A_95 = tpu.sem_alloc : memref<!tpu.dma_semaphore, #tpu.memory_space<semaphore_mem>>
      %dma_start3A_96 = arith.constant 0 : i32
      %dma_start3A_97 = tpu.memref_slice %arg8[%run_scoped3A_94, %dma_start3A_96] : memref<8x80xi32, #tpu.memory_space<vmem>> -> memref<1x80xi32, #tpu.memory_space<vmem>>
      %dma_start3A_98 = tpu.memref_squeeze %dma_start3A_97 : memref<1x80xi32, #tpu.memory_space<vmem>> -> memref<80xi32, #tpu.memory_space<vmem>>
      %dma_start3A_99 = arith.constant 0 : i32
      %dma_start3A_100 = arith.constant 0 : i32
      %dma_start3A_101 = tpu.memref_slice %arg11[%dma_start3A_99, %dma_start3A_100] : memref<10240x128xf32, #tpu.memory_space<vmem_shared>> -> memref<10240x128xf32, #tpu.memory_space<vmem_shared>>
      tpu.enqueue_indirect_dma source(%dma_start3A_101 : memref<10240x128xf32, #tpu.memory_space<vmem_shared>>) target(%arg7 : memref<80x128xf32, #tpu.memory_space<vmem>>) offsets(%dma_start3A_98 : memref<80xi32, #tpu.memory_space<vmem>>) semaphore(%run_scoped3A_95 : memref<!tpu.dma_semaphore, #tpu.memory_space<semaphore_mem>>)
      %dma_wait3A_102 = arith.constant 0 : i32
      %dma_wait3A_103 = tpu.memref_slice %arg8[%run_scoped3A_94, %dma_wait3A_102] : memref<8x80xi32, #tpu.memory_space<vmem>> -> memref<1x80xi32, #tpu.memory_space<vmem>>
      %dma_wait3A_104 = tpu.memref_squeeze %dma_wait3A_103 : memref<1x80xi32, #tpu.memory_space<vmem>> -> memref<80xi32, #tpu.memory_space<vmem>>
      %dma_wait3A_105 = arith.constant 0 : i32
      %dma_wait3A_106 = arith.constant 0 : i32
      %dma_wait3A_107 = tpu.memref_slice %arg11[%dma_wait3A_105, %dma_wait3A_106] : memref<10240x128xf32, #tpu.memory_space<vmem_shared>> -> memref<10240x128xf32, #tpu.memory_space<vmem_shared>>
      tpu.wait_indirect_dma semaphore(%run_scoped3A_95 : memref<!tpu.dma_semaphore, #tpu.memory_space<semaphore_mem>>) src(%dma_wait3A_107 : memref<10240x128xf32, #tpu.memory_space<vmem_shared>>) dst(%arg7 : memref<80x128xf32, #tpu.memory_space<vmem>>)
      tpu.yield
    }) : () -> ()
    "tpu.region"() ({
      %run_scoped3A_95 = tpu.sem_alloc : memref<!tpu.dma_semaphore, #tpu.memory_space<semaphore_mem>>
      %dma_start3A_96 = arith.constant 0 : i32
      %dma_start3A_97 = tpu.memref_slice %arg3[%arg0, %multiple_of3A_93, %dma_start3A_96] : memref<2x10240x128xf32, #tpu.memory_space<hbm>> -> memref<1x80x128xf32, #tpu.memory_space<hbm>>
      %dma_start3A_98 = tpu.memref_squeeze %dma_start3A_97 : memref<1x80x128xf32, #tpu.memory_space<hbm>> -> memref<80x128xf32, #tpu.memory_space<hbm>>
      %dma_start3A_99 = arith.constant 0 : i32
      %dma_start3A_100 = tpu.memref_slice %arg3[%arg0, %multiple_of3A_93, %dma_start3A_99] : memref<2x10240x128xf32, #tpu.memory_space<hbm>> -> memref<1x80x128xf32, #tpu.memory_space<hbm>>
      %dma_start3A_101 = tpu.memref_squeeze %dma_start3A_100 : memref<1x80x128xf32, #tpu.memory_space<hbm>> -> memref<80x128xf32, #tpu.memory_space<hbm>>
      tpu.enqueue_dma source(%arg7 : memref<80x128xf32, #tpu.memory_space<vmem>>) target(%dma_start3A_101 : memref<80x128xf32, #tpu.memory_space<hbm>>) target_semaphore(%run_scoped3A_95 : memref<!tpu.dma_semaphore, #tpu.memory_space<semaphore_mem>>)
      %dma_wait3A_102 = arith.constant 0 : i32
      %dma_wait3A_103 = tpu.memref_slice %arg3[%arg0, %multiple_of3A_93, %dma_wait3A_102] : memref<2x10240x128xf32, #tpu.memory_space<hbm>> -> memref<1x80x128xf32, #tpu.memory_space<hbm>>
      %dma_wait3A_104 = tpu.memref_squeeze %dma_wait3A_103 : memref<1x80x128xf32, #tpu.memory_space<hbm>> -> memref<80x128xf32, #tpu.memory_space<hbm>>
      %dma_wait3A_105 = arith.constant 0 : i32
      %dma_wait3A_106 = tpu.memref_slice %arg3[%arg0, %multiple_of3A_93, %dma_wait3A_105] : memref<2x10240x128xf32, #tpu.memory_space<hbm>> -> memref<1x80x128xf32, #tpu.memory_space<hbm>>
      %dma_wait3A_107 = tpu.memref_squeeze %dma_wait3A_106 : memref<1x80x128xf32, #tpu.memory_space<hbm>> -> memref<80x128xf32, #tpu.memory_space<hbm>>
      tpu.wait_dma2 semaphore(%run_scoped3A_95 : memref<!tpu.dma_semaphore, #tpu.memory_space<semaphore_mem>>) src(%arg7 : memref<80x128xf32, #tpu.memory_space<vmem>>) dst(%dma_wait3A_107 : memref<80x128xf32, #tpu.memory_space<hbm>>)
      tpu.yield
    }) : () -> ()
    return
  }
}

#map = affine_map<(d0, d1) -> (0, 0)>
#map1 = affine_map<(d0, d1) -> (0)>
#map2 = affine_map<(d0, d1) -> (0, 0, 0)>
module attributes {stable_mosaic.version = 14 : i64} {
  func.func @_sc_agg_body(%arg0: i32, %arg1: i32, %arg2: memref<10000x128xf32, #tpu.memory_space<hbm>>, %arg3: memref<320000xi32, #tpu.memory_space<hbm>>, %arg4: memref<320000xi32, #tpu.memory_space<hbm>>, %arg5: memref<2x10240x128xf32, #tpu.memory_space<hbm>>, %arg6: memref<80xi32, #tpu.memory_space<vmem>>, %arg7: memref<80xi32, #tpu.memory_space<vmem>>, %arg8: memref<80x128xf32, #tpu.memory_space<vmem>>, %arg9: memref<80xi32, #tpu.memory_space<vmem>>, %arg10: memref<80xi32, #tpu.memory_space<vmem>>, %arg11: memref<80x128xf32, #tpu.memory_space<vmem>>, %arg12: memref<8x80xi32, #tpu.memory_space<vmem>>, %arg13: memref<!tpu.dma_semaphore, #tpu.memory_space<semaphore_mem>>, %arg14: memref<!tpu.dma_semaphore, #tpu.memory_space<semaphore_mem>>, %arg15: memref<10240x128xf32, #tpu.memory_space<vmem_shared>>) attributes {dimension_semantics = [#tpu.dimension_semantics<core_parallel>, #tpu.dimension_semantics<subcore_parallel>], iteration_bounds = array<i64: 2, 16>, scalar_prefetch = 0 : i64, scratch_operands = 10 : i64, tpu.core_type = #tpu.core_type<sc_vector_subcore>, window_params = [{transform_indices = #map}, {transform_indices = #map1}, {transform_indices = #map1}, {transform_indices = #map2}]} {
    %mul3A = arith.constant 2 : i32
    %mul3A_0 = arith.muli %arg1, %mul3A : i32
    %add3A = arith.addi %mul3A_0, %arg0 : i32
    %mul3A_1 = arith.constant 10000 : i32
    %mul3A_2 = arith.muli %add3A, %mul3A_1 : i32
    %iota3A = tpu.iota {dimensions = array<i32: 0>} : vector<16xi32>
    %scan3A = arith.constant 0 : i32
    %scan3A_3 = arith.constant 0 : i32
    %scan3A_4 = arith.constant 40 : i32
    %scan3A_5 = arith.addi %scan3A_3, %scan3A_4 : i32
    %scan3A_6 = arith.constant 1 : i32
    %scan3A_7 = scf.for %scan3A_86 = %scan3A_3 to %scan3A_5 step %scan3A_6 iter_args(%scan3A_87 = %scan3A) -> (i32)  : i32 {
      %jit3A = arith.constant 5 : i32
      %div3A = arith.divsi %scan3A_86, %jit3A : i32
      %sign3A = arith.constant 0 : i32
      %sign3A_88 = arith.cmpi sgt, %scan3A_86, %sign3A : i32
      %sign3A_89 = arith.extui %sign3A_88 : i1 to i32
      %sign3A_90 = arith.constant 0 : i32
      %sign3A_91 = arith.cmpi slt, %scan3A_86, %sign3A_90 : i32
      %sign3A_92 = arith.extui %sign3A_91 : i1 to i32
      %sign3A_93 = arith.subi %sign3A_89, %sign3A_92 : i32
      %sign3A_94 = arith.constant 0 : i32
      %sign3A_95 = arith.cmpi sgt, %jit3A, %sign3A_94 : i32
      %sign3A_96 = arith.extui %sign3A_95 : i1 to i32
      %sign3A_97 = arith.constant 0 : i32
      %sign3A_98 = arith.cmpi slt, %jit3A, %sign3A_97 : i32
      %sign3A_99 = arith.extui %sign3A_98 : i1 to i32
      %sign3A_100 = arith.subi %sign3A_96, %sign3A_99 : i32
      %ne3A = arith.cmpi ne, %sign3A_93, %sign3A_100 : i32
      %rem3A = arith.remsi %scan3A_86, %jit3A : i32
      %ne3A_101 = arith.constant 0 : i32
      %ne3A_102 = arith.cmpi ne, %rem3A, %ne3A_101 : i32
      %and3A = arith.andi %ne3A, %ne3A_102 : i1
      %sub3A = arith.constant 1 : i32
      %sub3A_103 = arith.subi %div3A, %sub3A : i32
      %select_n3A = arith.select %and3A, %sub3A_103, %div3A : i32
      %jit3A_104 = arith.constant 5 : i32
      %eq3A = arith.constant 0 : i32
      %eq3A_105 = arith.cmpi eq, %jit3A_104, %eq3A : i32
      %jit3A_106 = arith.constant 1 : i32
      %select_n3A_107 = arith.select %eq3A_105, %jit3A_106, %jit3A_104 : i32
      %rem3A_108 = arith.remsi %scan3A_86, %select_n3A_107 : i32
      %ne3A_109 = arith.constant 0 : i32
      %ne3A_110 = arith.cmpi ne, %rem3A_108, %ne3A_109 : i32
      %lt3A = arith.constant 0 : i32
      %lt3A_111 = arith.cmpi slt, %rem3A_108, %lt3A : i32
      %lt3A_112 = arith.constant 0 : i32
      %lt3A_113 = arith.cmpi slt, %select_n3A_107, %lt3A_112 : i32
      %ne3A_114 = arith.xori %lt3A_111, %lt3A_113 : i1
      %and3A_115 = arith.andi %ne3A_114, %ne3A_110 : i1
      %add3A_116 = arith.addi %rem3A_108, %select_n3A_107 : i32
      %select_n3A_117 = arith.select %and3A_115, %add3A_116, %rem3A_108 : i32
      %mul3A_118 = arith.constant 640 : i32
      %mul3A_119 = arith.muli %arg1, %mul3A_118 : i32
      %mul3A_120 = arith.constant 80 : i32
      %mul3A_121 = arith.muli %select_n3A, %mul3A_120 : i32
      %add3A_122 = arith.addi %mul3A_119, %mul3A_121 : i32
      %mul3A_123 = arith.constant 16 : i32
      %mul3A_124 = arith.muli %select_n3A_117, %mul3A_123 : i32
      %add3A_125 = arith.addi %add3A_122, %mul3A_124 : i32
      %add3A_126 = vector.broadcast %add3A_125 : i32 to vector<16xi32>
      %add3A_127 = arith.addi %add3A_126, %iota3A : vector<16xi32>
      %mul3A_128 = arith.constant 16 : i32
      %mul3A_129 = arith.muli %select_n3A_117, %mul3A_128 : i32
      %swap3A = arith.index_cast %select_n3A : i32 to index
      %swap3A_130 = arith.index_cast %mul3A_129 : i32 to index
      %swap3A_131 = tpu.vector_load %arg12[%swap3A, %swap3A_130] {strides = array<i32>} : memref<8x80xi32, #tpu.memory_space<vmem>>, vector<1x16xi32>,
      %swap3A_132 = vector.shape_cast %swap3A_131 : vector<1x16xi32> to vector<16xi32>
      %swap3A_133 = vector.shape_cast %add3A_127 : vector<16xi32> to vector<1x16xi32>
      tpu.vector_store %arg12[%swap3A, %swap3A_130], %swap3A_133 {strides = array<i32>} : memref<8x80xi32, #tpu.memory_space<vmem>>, vector<1x16xi32>,
      %scan3A_134 = arith.constant 0 : i32
      scf.yield %scan3A_134 : i32
    }
    %scan3A_8 = arith.constant 40 : i32
    %broadcast_in_dim3A = arith.constant 0.000000e+00 : f32
    %broadcast_in_dim3A_9 = vector.broadcast %broadcast_in_dim3A : f32 to vector<16xf32>
    %scan3A_10 = arith.constant 0 : i32
    %scan3A_11 = arith.constant 0 : i32
    %scan3A_12 = arith.constant 80 : i32
    %scan3A_13 = arith.addi %scan3A_11, %scan3A_12 : i32
    %scan3A_14 = arith.constant 1 : i32
    %scan3A_15 = scf.for %scan3A_86 = %scan3A_11 to %scan3A_13 step %scan3A_14 iter_args(%scan3A_87 = %scan3A_10) -> (i32)  : i32 {
      %swap3A = arith.index_cast %scan3A_86 : i32 to index
      %swap3A_88 = arith.constant 0 : index
      %swap3A_89 = tpu.vector_load %arg8[%swap3A, %swap3A_88] {strides = array<i32>} : memref<80x128xf32, #tpu.memory_space<vmem>>, vector<1x16xf32>,
      %swap3A_90 = vector.shape_cast %swap3A_89 : vector<1x16xf32> to vector<16xf32>
      %swap3A_91 = vector.shape_cast %broadcast_in_dim3A_9 : vector<16xf32> to vector<1x16xf32>
      tpu.vector_store %arg8[%swap3A, %swap3A_88], %swap3A_91 {strides = array<i32>} : memref<80x128xf32, #tpu.memory_space<vmem>>, vector<1x16xf32>,
      %swap3A_92 = arith.index_cast %scan3A_86 : i32 to index
      %swap3A_93 = arith.constant 16 : index
      %swap3A_94 = tpu.vector_load %arg8[%swap3A_92, %swap3A_93] {strides = array<i32>} : memref<80x128xf32, #tpu.memory_space<vmem>>, vector<1x16xf32>,
      %swap3A_95 = vector.shape_cast %swap3A_94 : vector<1x16xf32> to vector<16xf32>
      %swap3A_96 = vector.shape_cast %broadcast_in_dim3A_9 : vector<16xf32> to vector<1x16xf32>
      tpu.vector_store %arg8[%swap3A_92, %swap3A_93], %swap3A_96 {strides = array<i32>} : memref<80x128xf32, #tpu.memory_space<vmem>>, vector<1x16xf32>,
      %swap3A_97 = arith.index_cast %scan3A_86 : i32 to index
      %swap3A_98 = arith.constant 32 : index
      %swap3A_99 = tpu.vector_load %arg8[%swap3A_97, %swap3A_98] {strides = array<i32>} : memref<80x128xf32, #tpu.memory_space<vmem>>, vector<1x16xf32>,
      %swap3A_100 = vector.shape_cast %swap3A_99 : vector<1x16xf32> to vector<16xf32>
      %swap3A_101 = vector.shape_cast %broadcast_in_dim3A_9 : vector<16xf32> to vector<1x16xf32>
      tpu.vector_store %arg8[%swap3A_97, %swap3A_98], %swap3A_101 {strides = array<i32>} : memref<80x128xf32, #tpu.memory_space<vmem>>, vector<1x16xf32>,
      %swap3A_102 = arith.index_cast %scan3A_86 : i32 to index
      %swap3A_103 = arith.constant 48 : index
      %swap3A_104 = tpu.vector_load %arg8[%swap3A_102, %swap3A_103] {strides = array<i32>} : memref<80x128xf32, #tpu.memory_space<vmem>>, vector<1x16xf32>,
      %swap3A_105 = vector.shape_cast %swap3A_104 : vector<1x16xf32> to vector<16xf32>
      %swap3A_106 = vector.shape_cast %broadcast_in_dim3A_9 : vector<16xf32> to vector<1x16xf32>
      tpu.vector_store %arg8[%swap3A_102, %swap3A_103], %swap3A_106 {strides = array<i32>} : memref<80x128xf32, #tpu.memory_space<vmem>>, vector<1x16xf32>,
      %swap3A_107 = arith.index_cast %scan3A_86 : i32 to index
      %swap3A_108 = arith.constant 64 : index
      %swap3A_109 = tpu.vector_load %arg8[%swap3A_107, %swap3A_108] {strides = array<i32>} : memref<80x128xf32, #tpu.memory_space<vmem>>, vector<1x16xf32>,
      %swap3A_110 = vector.shape_cast %swap3A_109 : vector<1x16xf32> to vector<16xf32>
      %swap3A_111 = vector.shape_cast %broadcast_in_dim3A_9 : vector<16xf32> to vector<1x16xf32>
      tpu.vector_store %arg8[%swap3A_107, %swap3A_108], %swap3A_111 {strides = array<i32>} : memref<80x128xf32, #tpu.memory_space<vmem>>, vector<1x16xf32>,
      %swap3A_112 = arith.index_cast %scan3A_86 : i32 to index
      %swap3A_113 = arith.constant 80 : index
      %swap3A_114 = tpu.vector_load %arg8[%swap3A_112, %swap3A_113] {strides = array<i32>} : memref<80x128xf32, #tpu.memory_space<vmem>>, vector<1x16xf32>,
      %swap3A_115 = vector.shape_cast %swap3A_114 : vector<1x16xf32> to vector<16xf32>
      %swap3A_116 = vector.shape_cast %broadcast_in_dim3A_9 : vector<16xf32> to vector<1x16xf32>
      tpu.vector_store %arg8[%swap3A_112, %swap3A_113], %swap3A_116 {strides = array<i32>} : memref<80x128xf32, #tpu.memory_space<vmem>>, vector<1x16xf32>,
      %swap3A_117 = arith.index_cast %scan3A_86 : i32 to index
      %swap3A_118 = arith.constant 96 : index
      %swap3A_119 = tpu.vector_load %arg8[%swap3A_117, %swap3A_118] {strides = array<i32>} : memref<80x128xf32, #tpu.memory_space<vmem>>, vector<1x16xf32>,
      %swap3A_120 = vector.shape_cast %swap3A_119 : vector<1x16xf32> to vector<16xf32>
      %swap3A_121 = vector.shape_cast %broadcast_in_dim3A_9 : vector<16xf32> to vector<1x16xf32>
      tpu.vector_store %arg8[%swap3A_117, %swap3A_118], %swap3A_121 {strides = array<i32>} : memref<80x128xf32, #tpu.memory_space<vmem>>, vector<1x16xf32>,
      %swap3A_122 = arith.index_cast %scan3A_86 : i32 to index
      %swap3A_123 = arith.constant 112 : index
      %swap3A_124 = tpu.vector_load %arg8[%swap3A_122, %swap3A_123] {strides = array<i32>} : memref<80x128xf32, #tpu.memory_space<vmem>>, vector<1x16xf32>,
      %swap3A_125 = vector.shape_cast %swap3A_124 : vector<1x16xf32> to vector<16xf32>
      %swap3A_126 = vector.shape_cast %broadcast_in_dim3A_9 : vector<16xf32> to vector<1x16xf32>
      tpu.vector_store %arg8[%swap3A_122, %swap3A_123], %swap3A_126 {strides = array<i32>} : memref<80x128xf32, #tpu.memory_space<vmem>>, vector<1x16xf32>,
      %scan3A_127 = arith.constant 0 : i32
      scf.yield %scan3A_127 : i32
    }
    %scan3A_16 = arith.constant 80 : i32
    %run_scoped3A = arith.constant 0 : i32
    "tpu.region"() ({
      %run_scoped3A_86 = tpu.sem_alloc : memref<!tpu.dma_semaphore, #tpu.memory_space<semaphore_mem>>
      %dma_start3A_87 = arith.constant 0 : i32
      %dma_start3A_88 = tpu.memref_slice %arg12[%run_scoped3A, %dma_start3A_87] : memref<8x80xi32, #tpu.memory_space<vmem>> -> memref<1x80xi32, #tpu.memory_space<vmem>>
      %dma_start3A_89 = tpu.memref_squeeze %dma_start3A_88 : memref<1x80xi32, #tpu.memory_space<vmem>> -> memref<80xi32, #tpu.memory_space<vmem>>
      %dma_start3A_90 = arith.constant 0 : i32
      %dma_start3A_91 = arith.constant 0 : i32
      %dma_start3A_92 = tpu.memref_slice %arg15[%dma_start3A_90, %dma_start3A_91] : memref<10240x128xf32, #tpu.memory_space<vmem_shared>> -> memref<10240x128xf32, #tpu.memory_space<vmem_shared>>
      tpu.enqueue_indirect_dma source(%arg8 : memref<80x128xf32, #tpu.memory_space<vmem>>) target(%dma_start3A_92 : memref<10240x128xf32, #tpu.memory_space<vmem_shared>>) offsets(%dma_start3A_89 : memref<80xi32, #tpu.memory_space<vmem>>) semaphore(%run_scoped3A_86 : memref<!tpu.dma_semaphore, #tpu.memory_space<semaphore_mem>>)
      %dma_wait3A_93 = arith.constant 0 : i32
      %dma_wait3A_94 = tpu.memref_slice %arg12[%run_scoped3A, %dma_wait3A_93] : memref<8x80xi32, #tpu.memory_space<vmem>> -> memref<1x80xi32, #tpu.memory_space<vmem>>
      %dma_wait3A_95 = tpu.memref_squeeze %dma_wait3A_94 : memref<1x80xi32, #tpu.memory_space<vmem>> -> memref<80xi32, #tpu.memory_space<vmem>>
      %dma_wait3A_96 = arith.constant 0 : i32
      %dma_wait3A_97 = arith.constant 0 : i32
      %dma_wait3A_98 = tpu.memref_slice %arg15[%dma_wait3A_96, %dma_wait3A_97] : memref<10240x128xf32, #tpu.memory_space<vmem_shared>> -> memref<10240x128xf32, #tpu.memory_space<vmem_shared>>
      tpu.wait_indirect_dma semaphore(%run_scoped3A_86 : memref<!tpu.dma_semaphore, #tpu.memory_space<semaphore_mem>>) src(%arg8 : memref<80x128xf32, #tpu.memory_space<vmem>>) dst(%dma_wait3A_98 : memref<10240x128xf32, #tpu.memory_space<vmem_shared>>)
      tpu.yield
    }) : () -> ()
    %run_scoped3A_17 = arith.constant 1 : i32
    "tpu.region"() ({
      %run_scoped3A_86 = tpu.sem_alloc : memref<!tpu.dma_semaphore, #tpu.memory_space<semaphore_mem>>
      %dma_start3A_87 = arith.constant 0 : i32
      %dma_start3A_88 = tpu.memref_slice %arg12[%run_scoped3A_17, %dma_start3A_87] : memref<8x80xi32, #tpu.memory_space<vmem>> -> memref<1x80xi32, #tpu.memory_space<vmem>>
      %dma_start3A_89 = tpu.memref_squeeze %dma_start3A_88 : memref<1x80xi32, #tpu.memory_space<vmem>> -> memref<80xi32, #tpu.memory_space<vmem>>
      %dma_start3A_90 = arith.constant 0 : i32
      %dma_start3A_91 = arith.constant 0 : i32
      %dma_start3A_92 = tpu.memref_slice %arg15[%dma_start3A_90, %dma_start3A_91] : memref<10240x128xf32, #tpu.memory_space<vmem_shared>> -> memref<10240x128xf32, #tpu.memory_space<vmem_shared>>
      tpu.enqueue_indirect_dma source(%arg8 : memref<80x128xf32, #tpu.memory_space<vmem>>) target(%dma_start3A_92 : memref<10240x128xf32, #tpu.memory_space<vmem_shared>>) offsets(%dma_start3A_89 : memref<80xi32, #tpu.memory_space<vmem>>) semaphore(%run_scoped3A_86 : memref<!tpu.dma_semaphore, #tpu.memory_space<semaphore_mem>>)
      %dma_wait3A_93 = arith.constant 0 : i32
      %dma_wait3A_94 = tpu.memref_slice %arg12[%run_scoped3A_17, %dma_wait3A_93] : memref<8x80xi32, #tpu.memory_space<vmem>> -> memref<1x80xi32, #tpu.memory_space<vmem>>
      %dma_wait3A_95 = tpu.memref_squeeze %dma_wait3A_94 : memref<1x80xi32, #tpu.memory_space<vmem>> -> memref<80xi32, #tpu.memory_space<vmem>>
      %dma_wait3A_96 = arith.constant 0 : i32
      %dma_wait3A_97 = arith.constant 0 : i32
      %dma_wait3A_98 = tpu.memref_slice %arg15[%dma_wait3A_96, %dma_wait3A_97] : memref<10240x128xf32, #tpu.memory_space<vmem_shared>> -> memref<10240x128xf32, #tpu.memory_space<vmem_shared>>
      tpu.wait_indirect_dma semaphore(%run_scoped3A_86 : memref<!tpu.dma_semaphore, #tpu.memory_space<semaphore_mem>>) src(%arg8 : memref<80x128xf32, #tpu.memory_space<vmem>>) dst(%dma_wait3A_98 : memref<10240x128xf32, #tpu.memory_space<vmem_shared>>)
      tpu.yield
    }) : () -> ()
    %run_scoped3A_18 = arith.constant 2 : i32
    "tpu.region"() ({
      %run_scoped3A_86 = tpu.sem_alloc : memref<!tpu.dma_semaphore, #tpu.memory_space<semaphore_mem>>
      %dma_start3A_87 = arith.constant 0 : i32
      %dma_start3A_88 = tpu.memref_slice %arg12[%run_scoped3A_18, %dma_start3A_87] : memref<8x80xi32, #tpu.memory_space<vmem>> -> memref<1x80xi32, #tpu.memory_space<vmem>>
      %dma_start3A_89 = tpu.memref_squeeze %dma_start3A_88 : memref<1x80xi32, #tpu.memory_space<vmem>> -> memref<80xi32, #tpu.memory_space<vmem>>
      %dma_start3A_90 = arith.constant 0 : i32
      %dma_start3A_91 = arith.constant 0 : i32
      %dma_start3A_92 = tpu.memref_slice %arg15[%dma_start3A_90, %dma_start3A_91] : memref<10240x128xf32, #tpu.memory_space<vmem_shared>> -> memref<10240x128xf32, #tpu.memory_space<vmem_shared>>
      tpu.enqueue_indirect_dma source(%arg8 : memref<80x128xf32, #tpu.memory_space<vmem>>) target(%dma_start3A_92 : memref<10240x128xf32, #tpu.memory_space<vmem_shared>>) offsets(%dma_start3A_89 : memref<80xi32, #tpu.memory_space<vmem>>) semaphore(%run_scoped3A_86 : memref<!tpu.dma_semaphore, #tpu.memory_space<semaphore_mem>>)
      %dma_wait3A_93 = arith.constant 0 : i32
      %dma_wait3A_94 = tpu.memref_slice %arg12[%run_scoped3A_18, %dma_wait3A_93] : memref<8x80xi32, #tpu.memory_space<vmem>> -> memref<1x80xi32, #tpu.memory_space<vmem>>
      %dma_wait3A_95 = tpu.memref_squeeze %dma_wait3A_94 : memref<1x80xi32, #tpu.memory_space<vmem>> -> memref<80xi32, #tpu.memory_space<vmem>>
      %dma_wait3A_96 = arith.constant 0 : i32
      %dma_wait3A_97 = arith.constant 0 : i32
      %dma_wait3A_98 = tpu.memref_slice %arg15[%dma_wait3A_96, %dma_wait3A_97] : memref<10240x128xf32, #tpu.memory_space<vmem_shared>> -> memref<10240x128xf32, #tpu.memory_space<vmem_shared>>
      tpu.wait_indirect_dma semaphore(%run_scoped3A_86 : memref<!tpu.dma_semaphore, #tpu.memory_space<semaphore_mem>>) src(%arg8 : memref<80x128xf32, #tpu.memory_space<vmem>>) dst(%dma_wait3A_98 : memref<10240x128xf32, #tpu.memory_space<vmem_shared>>)
      tpu.yield
    }) : () -> ()
    %run_scoped3A_19 = arith.constant 3 : i32
    "tpu.region"() ({
      %run_scoped3A_86 = tpu.sem_alloc : memref<!tpu.dma_semaphore, #tpu.memory_space<semaphore_mem>>
      %dma_start3A_87 = arith.constant 0 : i32
      %dma_start3A_88 = tpu.memref_slice %arg12[%run_scoped3A_19, %dma_start3A_87] : memref<8x80xi32, #tpu.memory_space<vmem>> -> memref<1x80xi32, #tpu.memory_space<vmem>>
      %dma_start3A_89 = tpu.memref_squeeze %dma_start3A_88 : memref<1x80xi32, #tpu.memory_space<vmem>> -> memref<80xi32, #tpu.memory_space<vmem>>
      %dma_start3A_90 = arith.constant 0 : i32
      %dma_start3A_91 = arith.constant 0 : i32
      %dma_start3A_92 = tpu.memref_slice %arg15[%dma_start3A_90, %dma_start3A_91] : memref<10240x128xf32, #tpu.memory_space<vmem_shared>> -> memref<10240x128xf32, #tpu.memory_space<vmem_shared>>
      tpu.enqueue_indirect_dma source(%arg8 : memref<80x128xf32, #tpu.memory_space<vmem>>) target(%dma_start3A_92 : memref<10240x128xf32, #tpu.memory_space<vmem_shared>>) offsets(%dma_start3A_89 : memref<80xi32, #tpu.memory_space<vmem>>) semaphore(%run_scoped3A_86 : memref<!tpu.dma_semaphore, #tpu.memory_space<semaphore_mem>>)
      %dma_wait3A_93 = arith.constant 0 : i32
      %dma_wait3A_94 = tpu.memref_slice %arg12[%run_scoped3A_19, %dma_wait3A_93] : memref<8x80xi32, #tpu.memory_space<vmem>> -> memref<1x80xi32, #tpu.memory_space<vmem>>
      %dma_wait3A_95 = tpu.memref_squeeze %dma_wait3A_94 : memref<1x80xi32, #tpu.memory_space<vmem>> -> memref<80xi32, #tpu.memory_space<vmem>>
      %dma_wait3A_96 = arith.constant 0 : i32
      %dma_wait3A_97 = arith.constant 0 : i32
      %dma_wait3A_98 = tpu.memref_slice %arg15[%dma_wait3A_96, %dma_wait3A_97] : memref<10240x128xf32, #tpu.memory_space<vmem_shared>> -> memref<10240x128xf32, #tpu.memory_space<vmem_shared>>
      tpu.wait_indirect_dma semaphore(%run_scoped3A_86 : memref<!tpu.dma_semaphore, #tpu.memory_space<semaphore_mem>>) src(%arg8 : memref<80x128xf32, #tpu.memory_space<vmem>>) dst(%dma_wait3A_98 : memref<10240x128xf32, #tpu.memory_space<vmem_shared>>)
      tpu.yield
    }) : () -> ()
    %run_scoped3A_20 = arith.constant 4 : i32
    "tpu.region"() ({
      %run_scoped3A_86 = tpu.sem_alloc : memref<!tpu.dma_semaphore, #tpu.memory_space<semaphore_mem>>
      %dma_start3A_87 = arith.constant 0 : i32
      %dma_start3A_88 = tpu.memref_slice %arg12[%run_scoped3A_20, %dma_start3A_87] : memref<8x80xi32, #tpu.memory_space<vmem>> -> memref<1x80xi32, #tpu.memory_space<vmem>>
      %dma_start3A_89 = tpu.memref_squeeze %dma_start3A_88 : memref<1x80xi32, #tpu.memory_space<vmem>> -> memref<80xi32, #tpu.memory_space<vmem>>
      %dma_start3A_90 = arith.constant 0 : i32
      %dma_start3A_91 = arith.constant 0 : i32
      %dma_start3A_92 = tpu.memref_slice %arg15[%dma_start3A_90, %dma_start3A_91] : memref<10240x128xf32, #tpu.memory_space<vmem_shared>> -> memref<10240x128xf32, #tpu.memory_space<vmem_shared>>
      tpu.enqueue_indirect_dma source(%arg8 : memref<80x128xf32, #tpu.memory_space<vmem>>) target(%dma_start3A_92 : memref<10240x128xf32, #tpu.memory_space<vmem_shared>>) offsets(%dma_start3A_89 : memref<80xi32, #tpu.memory_space<vmem>>) semaphore(%run_scoped3A_86 : memref<!tpu.dma_semaphore, #tpu.memory_space<semaphore_mem>>)
      %dma_wait3A_93 = arith.constant 0 : i32
      %dma_wait3A_94 = tpu.memref_slice %arg12[%run_scoped3A_20, %dma_wait3A_93] : memref<8x80xi32, #tpu.memory_space<vmem>> -> memref<1x80xi32, #tpu.memory_space<vmem>>
      %dma_wait3A_95 = tpu.memref_squeeze %dma_wait3A_94 : memref<1x80xi32, #tpu.memory_space<vmem>> -> memref<80xi32, #tpu.memory_space<vmem>>
      %dma_wait3A_96 = arith.constant 0 : i32
      %dma_wait3A_97 = arith.constant 0 : i32
      %dma_wait3A_98 = tpu.memref_slice %arg15[%dma_wait3A_96, %dma_wait3A_97] : memref<10240x128xf32, #tpu.memory_space<vmem_shared>> -> memref<10240x128xf32, #tpu.memory_space<vmem_shared>>
      tpu.wait_indirect_dma semaphore(%run_scoped3A_86 : memref<!tpu.dma_semaphore, #tpu.memory_space<semaphore_mem>>) src(%arg8 : memref<80x128xf32, #tpu.memory_space<vmem>>) dst(%dma_wait3A_98 : memref<10240x128xf32, #tpu.memory_space<vmem_shared>>)
      tpu.yield
    }) : () -> ()
    %run_scoped3A_21 = arith.constant 5 : i32
    "tpu.region"() ({
      %run_scoped3A_86 = tpu.sem_alloc : memref<!tpu.dma_semaphore, #tpu.memory_space<semaphore_mem>>
      %dma_start3A_87 = arith.constant 0 : i32
      %dma_start3A_88 = tpu.memref_slice %arg12[%run_scoped3A_21, %dma_start3A_87] : memref<8x80xi32, #tpu.memory_space<vmem>> -> memref<1x80xi32, #tpu.memory_space<vmem>>
      %dma_start3A_89 = tpu.memref_squeeze %dma_start3A_88 : memref<1x80xi32, #tpu.memory_space<vmem>> -> memref<80xi32, #tpu.memory_space<vmem>>
      %dma_start3A_90 = arith.constant 0 : i32
      %dma_start3A_91 = arith.constant 0 : i32
      %dma_start3A_92 = tpu.memref_slice %arg15[%dma_start3A_90, %dma_start3A_91] : memref<10240x128xf32, #tpu.memory_space<vmem_shared>> -> memref<10240x128xf32, #tpu.memory_space<vmem_shared>>
      tpu.enqueue_indirect_dma source(%arg8 : memref<80x128xf32, #tpu.memory_space<vmem>>) target(%dma_start3A_92 : memref<10240x128xf32, #tpu.memory_space<vmem_shared>>) offsets(%dma_start3A_89 : memref<80xi32, #tpu.memory_space<vmem>>) semaphore(%run_scoped3A_86 : memref<!tpu.dma_semaphore, #tpu.memory_space<semaphore_mem>>)
      %dma_wait3A_93 = arith.constant 0 : i32
      %dma_wait3A_94 = tpu.memref_slice %arg12[%run_scoped3A_21, %dma_wait3A_93] : memref<8x80xi32, #tpu.memory_space<vmem>> -> memref<1x80xi32, #tpu.memory_space<vmem>>
      %dma_wait3A_95 = tpu.memref_squeeze %dma_wait3A_94 : memref<1x80xi32, #tpu.memory_space<vmem>> -> memref<80xi32, #tpu.memory_space<vmem>>
      %dma_wait3A_96 = arith.constant 0 : i32
      %dma_wait3A_97 = arith.constant 0 : i32
      %dma_wait3A_98 = tpu.memref_slice %arg15[%dma_wait3A_96, %dma_wait3A_97] : memref<10240x128xf32, #tpu.memory_space<vmem_shared>> -> memref<10240x128xf32, #tpu.memory_space<vmem_shared>>
      tpu.wait_indirect_dma semaphore(%run_scoped3A_86 : memref<!tpu.dma_semaphore, #tpu.memory_space<semaphore_mem>>) src(%arg8 : memref<80x128xf32, #tpu.memory_space<vmem>>) dst(%dma_wait3A_98 : memref<10240x128xf32, #tpu.memory_space<vmem_shared>>)
      tpu.yield
    }) : () -> ()
    %run_scoped3A_22 = arith.constant 6 : i32
    "tpu.region"() ({
      %run_scoped3A_86 = tpu.sem_alloc : memref<!tpu.dma_semaphore, #tpu.memory_space<semaphore_mem>>
      %dma_start3A_87 = arith.constant 0 : i32
      %dma_start3A_88 = tpu.memref_slice %arg12[%run_scoped3A_22, %dma_start3A_87] : memref<8x80xi32, #tpu.memory_space<vmem>> -> memref<1x80xi32, #tpu.memory_space<vmem>>
      %dma_start3A_89 = tpu.memref_squeeze %dma_start3A_88 : memref<1x80xi32, #tpu.memory_space<vmem>> -> memref<80xi32, #tpu.memory_space<vmem>>
      %dma_start3A_90 = arith.constant 0 : i32
      %dma_start3A_91 = arith.constant 0 : i32
      %dma_start3A_92 = tpu.memref_slice %arg15[%dma_start3A_90, %dma_start3A_91] : memref<10240x128xf32, #tpu.memory_space<vmem_shared>> -> memref<10240x128xf32, #tpu.memory_space<vmem_shared>>
      tpu.enqueue_indirect_dma source(%arg8 : memref<80x128xf32, #tpu.memory_space<vmem>>) target(%dma_start3A_92 : memref<10240x128xf32, #tpu.memory_space<vmem_shared>>) offsets(%dma_start3A_89 : memref<80xi32, #tpu.memory_space<vmem>>) semaphore(%run_scoped3A_86 : memref<!tpu.dma_semaphore, #tpu.memory_space<semaphore_mem>>)
      %dma_wait3A_93 = arith.constant 0 : i32
      %dma_wait3A_94 = tpu.memref_slice %arg12[%run_scoped3A_22, %dma_wait3A_93] : memref<8x80xi32, #tpu.memory_space<vmem>> -> memref<1x80xi32, #tpu.memory_space<vmem>>
      %dma_wait3A_95 = tpu.memref_squeeze %dma_wait3A_94 : memref<1x80xi32, #tpu.memory_space<vmem>> -> memref<80xi32, #tpu.memory_space<vmem>>
      %dma_wait3A_96 = arith.constant 0 : i32
      %dma_wait3A_97 = arith.constant 0 : i32
      %dma_wait3A_98 = tpu.memref_slice %arg15[%dma_wait3A_96, %dma_wait3A_97] : memref<10240x128xf32, #tpu.memory_space<vmem_shared>> -> memref<10240x128xf32, #tpu.memory_space<vmem_shared>>
      tpu.wait_indirect_dma semaphore(%run_scoped3A_86 : memref<!tpu.dma_semaphore, #tpu.memory_space<semaphore_mem>>) src(%arg8 : memref<80x128xf32, #tpu.memory_space<vmem>>) dst(%dma_wait3A_98 : memref<10240x128xf32, #tpu.memory_space<vmem_shared>>)
      tpu.yield
    }) : () -> ()
    %run_scoped3A_23 = arith.constant 7 : i32
    "tpu.region"() ({
      %run_scoped3A_86 = tpu.sem_alloc : memref<!tpu.dma_semaphore, #tpu.memory_space<semaphore_mem>>
      %dma_start3A_87 = arith.constant 0 : i32
      %dma_start3A_88 = tpu.memref_slice %arg12[%run_scoped3A_23, %dma_start3A_87] : memref<8x80xi32, #tpu.memory_space<vmem>> -> memref<1x80xi32, #tpu.memory_space<vmem>>
      %dma_start3A_89 = tpu.memref_squeeze %dma_start3A_88 : memref<1x80xi32, #tpu.memory_space<vmem>> -> memref<80xi32, #tpu.memory_space<vmem>>
      %dma_start3A_90 = arith.constant 0 : i32
      %dma_start3A_91 = arith.constant 0 : i32
      %dma_start3A_92 = tpu.memref_slice %arg15[%dma_start3A_90, %dma_start3A_91] : memref<10240x128xf32, #tpu.memory_space<vmem_shared>> -> memref<10240x128xf32, #tpu.memory_space<vmem_shared>>
      tpu.enqueue_indirect_dma source(%arg8 : memref<80x128xf32, #tpu.memory_space<vmem>>) target(%dma_start3A_92 : memref<10240x128xf32, #tpu.memory_space<vmem_shared>>) offsets(%dma_start3A_89 : memref<80xi32, #tpu.memory_space<vmem>>) semaphore(%run_scoped3A_86 : memref<!tpu.dma_semaphore, #tpu.memory_space<semaphore_mem>>)
      %dma_wait3A_93 = arith.constant 0 : i32
      %dma_wait3A_94 = tpu.memref_slice %arg12[%run_scoped3A_23, %dma_wait3A_93] : memref<8x80xi32, #tpu.memory_space<vmem>> -> memref<1x80xi32, #tpu.memory_space<vmem>>
      %dma_wait3A_95 = tpu.memref_squeeze %dma_wait3A_94 : memref<1x80xi32, #tpu.memory_space<vmem>> -> memref<80xi32, #tpu.memory_space<vmem>>
      %dma_wait3A_96 = arith.constant 0 : i32
      %dma_wait3A_97 = arith.constant 0 : i32
      %dma_wait3A_98 = tpu.memref_slice %arg15[%dma_wait3A_96, %dma_wait3A_97] : memref<10240x128xf32, #tpu.memory_space<vmem_shared>> -> memref<10240x128xf32, #tpu.memory_space<vmem_shared>>
      tpu.wait_indirect_dma semaphore(%run_scoped3A_86 : memref<!tpu.dma_semaphore, #tpu.memory_space<semaphore_mem>>) src(%arg8 : memref<80x128xf32, #tpu.memory_space<vmem>>) dst(%dma_wait3A_98 : memref<10240x128xf32, #tpu.memory_space<vmem_shared>>)
      tpu.yield
    }) : () -> ()
    %barrier3A = arith.constant 0 : index
    tpu.barrier barrier_id(%barrier3A)
    %add3A_24 = arith.constant 0 : i32
    %add3A_25 = arith.addi %mul3A_2, %add3A_24 : i32
    %multiple_of3A = tpu.assume_multiple %add3A_25, 8 : i32
    "tpu.region"() ({
      %run_scoped3A_86 = tpu.sem_alloc : memref<!tpu.dma_semaphore, #tpu.memory_space<semaphore_mem>>
      %dma_start3A_87 = tpu.memref_slice %arg3[%multiple_of3A] : memref<320000xi32, #tpu.memory_space<hbm>> -> memref<80xi32, #tpu.memory_space<hbm>>
      %dma_start3A_88 = tpu.memref_slice %arg3[%multiple_of3A] : memref<320000xi32, #tpu.memory_space<hbm>> -> memref<80xi32, #tpu.memory_space<hbm>>
      tpu.enqueue_dma source(%dma_start3A_88 : memref<80xi32, #tpu.memory_space<hbm>>) target(%arg6 : memref<80xi32, #tpu.memory_space<vmem>>) target_semaphore(%run_scoped3A_86 : memref<!tpu.dma_semaphore, #tpu.memory_space<semaphore_mem>>)
      %dma_wait3A_89 = tpu.memref_slice %arg3[%multiple_of3A] : memref<320000xi32, #tpu.memory_space<hbm>> -> memref<80xi32, #tpu.memory_space<hbm>>
      %dma_wait3A_90 = tpu.memref_slice %arg3[%multiple_of3A] : memref<320000xi32, #tpu.memory_space<hbm>> -> memref<80xi32, #tpu.memory_space<hbm>>
      tpu.wait_dma2 semaphore(%run_scoped3A_86 : memref<!tpu.dma_semaphore, #tpu.memory_space<semaphore_mem>>) src(%dma_wait3A_90 : memref<80xi32, #tpu.memory_space<hbm>>) dst(%arg6 : memref<80xi32, #tpu.memory_space<vmem>>)
      tpu.yield
    }) : () -> ()
    "tpu.region"() ({
      %run_scoped3A_86 = tpu.sem_alloc : memref<!tpu.dma_semaphore, #tpu.memory_space<semaphore_mem>>
      %dma_start3A_87 = tpu.memref_slice %arg4[%multiple_of3A] : memref<320000xi32, #tpu.memory_space<hbm>> -> memref<80xi32, #tpu.memory_space<hbm>>
      %dma_start3A_88 = tpu.memref_slice %arg4[%multiple_of3A] : memref<320000xi32, #tpu.memory_space<hbm>> -> memref<80xi32, #tpu.memory_space<hbm>>
      tpu.enqueue_dma source(%dma_start3A_88 : memref<80xi32, #tpu.memory_space<hbm>>) target(%arg7 : memref<80xi32, #tpu.memory_space<vmem>>) target_semaphore(%run_scoped3A_86 : memref<!tpu.dma_semaphore, #tpu.memory_space<semaphore_mem>>)
      %dma_wait3A_89 = tpu.memref_slice %arg4[%multiple_of3A] : memref<320000xi32, #tpu.memory_space<hbm>> -> memref<80xi32, #tpu.memory_space<hbm>>
      %dma_wait3A_90 = tpu.memref_slice %arg4[%multiple_of3A] : memref<320000xi32, #tpu.memory_space<hbm>> -> memref<80xi32, #tpu.memory_space<hbm>>
      tpu.wait_dma2 semaphore(%run_scoped3A_86 : memref<!tpu.dma_semaphore, #tpu.memory_space<semaphore_mem>>) src(%dma_wait3A_90 : memref<80xi32, #tpu.memory_space<hbm>>) dst(%arg7 : memref<80xi32, #tpu.memory_space<vmem>>)
      tpu.yield
    }) : () -> ()
    %dma_start3A = arith.constant 0 : i32
    %dma_start3A_26 = arith.constant 0 : i32
    %dma_start3A_27 = tpu.memref_slice %arg2[%dma_start3A, %dma_start3A_26] : memref<10000x128xf32, #tpu.memory_space<hbm>> -> memref<10000x128xf32, #tpu.memory_space<hbm>>
    tpu.enqueue_indirect_dma source(%dma_start3A_27 : memref<10000x128xf32, #tpu.memory_space<hbm>>) target(%arg8 : memref<80x128xf32, #tpu.memory_space<vmem>>) offsets(%arg6 : memref<80xi32, #tpu.memory_space<vmem>>) semaphore(%arg13 : memref<!tpu.dma_semaphore, #tpu.memory_space<semaphore_mem>>)
    %scan3A_28 = arith.constant 0 : i32
    %scan3A_29 = arith.constant 0 : i32
    %scan3A_30 = arith.constant 62 : i32
    %scan3A_31 = arith.addi %scan3A_29, %scan3A_30 : i32
    %scan3A_32 = arith.constant 1 : i32
    %scan3A_33 = scf.for %scan3A_86 = %scan3A_29 to %scan3A_31 step %scan3A_32 iter_args(%scan3A_87 = %scan3A_28) -> (i32)  : i32 {
      %mul3A_88 = arith.constant 2 : i32
      %mul3A_89 = arith.muli %mul3A_88, %scan3A_86 : i32
      %add3A_90 = arith.constant 1 : i32
      %add3A_91 = arith.addi %mul3A_89, %add3A_90 : i32
      %mul3A_92 = arith.constant 80 : i32
      %mul3A_93 = arith.muli %add3A_91, %mul3A_92 : i32
      %add3A_94 = arith.addi %mul3A_2, %mul3A_93 : i32
      %multiple_of3A_95 = tpu.assume_multiple %add3A_94, 8 : i32
      "tpu.region"() ({
        %run_scoped3A_115 = tpu.sem_alloc : memref<!tpu.dma_semaphore, #tpu.memory_space<semaphore_mem>>
        %dma_start3A_116 = tpu.memref_slice %arg3[%multiple_of3A_95] : memref<320000xi32, #tpu.memory_space<hbm>> -> memref<80xi32, #tpu.memory_space<hbm>>
        %dma_start3A_117 = tpu.memref_slice %arg3[%multiple_of3A_95] : memref<320000xi32, #tpu.memory_space<hbm>> -> memref<80xi32, #tpu.memory_space<hbm>>
        tpu.enqueue_dma source(%dma_start3A_117 : memref<80xi32, #tpu.memory_space<hbm>>) target(%arg9 : memref<80xi32, #tpu.memory_space<vmem>>) target_semaphore(%run_scoped3A_115 : memref<!tpu.dma_semaphore, #tpu.memory_space<semaphore_mem>>)
        %dma_wait3A_118 = tpu.memref_slice %arg3[%multiple_of3A_95] : memref<320000xi32, #tpu.memory_space<hbm>> -> memref<80xi32, #tpu.memory_space<hbm>>
        %dma_wait3A_119 = tpu.memref_slice %arg3[%multiple_of3A_95] : memref<320000xi32, #tpu.memory_space<hbm>> -> memref<80xi32, #tpu.memory_space<hbm>>
        tpu.wait_dma2 semaphore(%run_scoped3A_115 : memref<!tpu.dma_semaphore, #tpu.memory_space<semaphore_mem>>) src(%dma_wait3A_119 : memref<80xi32, #tpu.memory_space<hbm>>) dst(%arg9 : memref<80xi32, #tpu.memory_space<vmem>>)
        tpu.yield
      }) : () -> ()
      "tpu.region"() ({
        %run_scoped3A_115 = tpu.sem_alloc : memref<!tpu.dma_semaphore, #tpu.memory_space<semaphore_mem>>
        %dma_start3A_116 = tpu.memref_slice %arg4[%multiple_of3A_95] : memref<320000xi32, #tpu.memory_space<hbm>> -> memref<80xi32, #tpu.memory_space<hbm>>
        %dma_start3A_117 = tpu.memref_slice %arg4[%multiple_of3A_95] : memref<320000xi32, #tpu.memory_space<hbm>> -> memref<80xi32, #tpu.memory_space<hbm>>
        tpu.enqueue_dma source(%dma_start3A_117 : memref<80xi32, #tpu.memory_space<hbm>>) target(%arg10 : memref<80xi32, #tpu.memory_space<vmem>>) target_semaphore(%run_scoped3A_115 : memref<!tpu.dma_semaphore, #tpu.memory_space<semaphore_mem>>)
        %dma_wait3A_118 = tpu.memref_slice %arg4[%multiple_of3A_95] : memref<320000xi32, #tpu.memory_space<hbm>> -> memref<80xi32, #tpu.memory_space<hbm>>
        %dma_wait3A_119 = tpu.memref_slice %arg4[%multiple_of3A_95] : memref<320000xi32, #tpu.memory_space<hbm>> -> memref<80xi32, #tpu.memory_space<hbm>>
        tpu.wait_dma2 semaphore(%run_scoped3A_115 : memref<!tpu.dma_semaphore, #tpu.memory_space<semaphore_mem>>) src(%dma_wait3A_119 : memref<80xi32, #tpu.memory_space<hbm>>) dst(%arg10 : memref<80xi32, #tpu.memory_space<vmem>>)
        tpu.yield
      }) : () -> ()
      %dma_start3A_96 = arith.constant 0 : i32
      %dma_start3A_97 = arith.constant 0 : i32
      %dma_start3A_98 = tpu.memref_slice %arg2[%dma_start3A_96, %dma_start3A_97] : memref<10000x128xf32, #tpu.memory_space<hbm>> -> memref<10000x128xf32, #tpu.memory_space<hbm>>
      tpu.enqueue_indirect_dma source(%dma_start3A_98 : memref<10000x128xf32, #tpu.memory_space<hbm>>) target(%arg11 : memref<80x128xf32, #tpu.memory_space<vmem>>) offsets(%arg9 : memref<80xi32, #tpu.memory_space<vmem>>) semaphore(%arg14 : memref<!tpu.dma_semaphore, #tpu.memory_space<semaphore_mem>>)
      %dma_wait3A_99 = arith.constant 0 : i32
      %dma_wait3A_100 = arith.constant 0 : i32
      %dma_wait3A_101 = tpu.memref_slice %arg2[%dma_wait3A_99, %dma_wait3A_100] : memref<10000x128xf32, #tpu.memory_space<hbm>> -> memref<10000x128xf32, #tpu.memory_space<hbm>>
      tpu.wait_indirect_dma semaphore(%arg13 : memref<!tpu.dma_semaphore, #tpu.memory_space<semaphore_mem>>) src(%dma_wait3A_101 : memref<10000x128xf32, #tpu.memory_space<hbm>>) dst(%arg8 : memref<80x128xf32, #tpu.memory_space<vmem>>)
      "tpu.region"() ({
        %run_scoped3A_115 = tpu.sem_alloc : memref<!tpu.dma_semaphore, #tpu.memory_space<semaphore_mem>>
        %dma_start3A_116 = arith.constant 0 : i32
        %dma_start3A_117 = arith.constant 0 : i32
        %dma_start3A_118 = tpu.memref_slice %arg15[%dma_start3A_116, %dma_start3A_117] : memref<10240x128xf32, #tpu.memory_space<vmem_shared>> -> memref<10240x128xf32, #tpu.memory_space<vmem_shared>>
        tpu.enqueue_indirect_dma source(%arg8 : memref<80x128xf32, #tpu.memory_space<vmem>>) target(%dma_start3A_118 : memref<10240x128xf32, #tpu.memory_space<vmem_shared>>) offsets(%arg7 : memref<80xi32, #tpu.memory_space<vmem>>) semaphore(%run_scoped3A_115 : memref<!tpu.dma_semaphore, #tpu.memory_space<semaphore_mem>>) {add = true}
        %dma_wait3A_119 = arith.constant 0 : i32
        %dma_wait3A_120 = arith.constant 0 : i32
        %dma_wait3A_121 = tpu.memref_slice %arg15[%dma_wait3A_119, %dma_wait3A_120] : memref<10240x128xf32, #tpu.memory_space<vmem_shared>> -> memref<10240x128xf32, #tpu.memory_space<vmem_shared>>
        tpu.wait_indirect_dma semaphore(%run_scoped3A_115 : memref<!tpu.dma_semaphore, #tpu.memory_space<semaphore_mem>>) src(%arg8 : memref<80x128xf32, #tpu.memory_space<vmem>>) dst(%dma_wait3A_121 : memref<10240x128xf32, #tpu.memory_space<vmem_shared>>)
        tpu.yield
      }) : () -> ()
      %add3A_102 = arith.constant 2 : i32
      %add3A_103 = arith.addi %mul3A_89, %add3A_102 : i32
      %mul3A_104 = arith.constant 80 : i32
      %mul3A_105 = arith.muli %add3A_103, %mul3A_104 : i32
      %add3A_106 = arith.addi %mul3A_2, %mul3A_105 : i32
      %multiple_of3A_107 = tpu.assume_multiple %add3A_106, 8 : i32
      "tpu.region"() ({
        %run_scoped3A_115 = tpu.sem_alloc : memref<!tpu.dma_semaphore, #tpu.memory_space<semaphore_mem>>
        %dma_start3A_116 = tpu.memref_slice %arg3[%multiple_of3A_107] : memref<320000xi32, #tpu.memory_space<hbm>> -> memref<80xi32, #tpu.memory_space<hbm>>
        %dma_start3A_117 = tpu.memref_slice %arg3[%multiple_of3A_107] : memref<320000xi32, #tpu.memory_space<hbm>> -> memref<80xi32, #tpu.memory_space<hbm>>
        tpu.enqueue_dma source(%dma_start3A_117 : memref<80xi32, #tpu.memory_space<hbm>>) target(%arg6 : memref<80xi32, #tpu.memory_space<vmem>>) target_semaphore(%run_scoped3A_115 : memref<!tpu.dma_semaphore, #tpu.memory_space<semaphore_mem>>)
        %dma_wait3A_118 = tpu.memref_slice %arg3[%multiple_of3A_107] : memref<320000xi32, #tpu.memory_space<hbm>> -> memref<80xi32, #tpu.memory_space<hbm>>
        %dma_wait3A_119 = tpu.memref_slice %arg3[%multiple_of3A_107] : memref<320000xi32, #tpu.memory_space<hbm>> -> memref<80xi32, #tpu.memory_space<hbm>>
        tpu.wait_dma2 semaphore(%run_scoped3A_115 : memref<!tpu.dma_semaphore, #tpu.memory_space<semaphore_mem>>) src(%dma_wait3A_119 : memref<80xi32, #tpu.memory_space<hbm>>) dst(%arg6 : memref<80xi32, #tpu.memory_space<vmem>>)
        tpu.yield
      }) : () -> ()
      "tpu.region"() ({
        %run_scoped3A_115 = tpu.sem_alloc : memref<!tpu.dma_semaphore, #tpu.memory_space<semaphore_mem>>
        %dma_start3A_116 = tpu.memref_slice %arg4[%multiple_of3A_107] : memref<320000xi32, #tpu.memory_space<hbm>> -> memref<80xi32, #tpu.memory_space<hbm>>
        %dma_start3A_117 = tpu.memref_slice %arg4[%multiple_of3A_107] : memref<320000xi32, #tpu.memory_space<hbm>> -> memref<80xi32, #tpu.memory_space<hbm>>
        tpu.enqueue_dma source(%dma_start3A_117 : memref<80xi32, #tpu.memory_space<hbm>>) target(%arg7 : memref<80xi32, #tpu.memory_space<vmem>>) target_semaphore(%run_scoped3A_115 : memref<!tpu.dma_semaphore, #tpu.memory_space<semaphore_mem>>)
        %dma_wait3A_118 = tpu.memref_slice %arg4[%multiple_of3A_107] : memref<320000xi32, #tpu.memory_space<hbm>> -> memref<80xi32, #tpu.memory_space<hbm>>
        %dma_wait3A_119 = tpu.memref_slice %arg4[%multiple_of3A_107] : memref<320000xi32, #tpu.memory_space<hbm>> -> memref<80xi32, #tpu.memory_space<hbm>>
        tpu.wait_dma2 semaphore(%run_scoped3A_115 : memref<!tpu.dma_semaphore, #tpu.memory_space<semaphore_mem>>) src(%dma_wait3A_119 : memref<80xi32, #tpu.memory_space<hbm>>) dst(%arg7 : memref<80xi32, #tpu.memory_space<vmem>>)
        tpu.yield
      }) : () -> ()
      %dma_start3A_108 = arith.constant 0 : i32
      %dma_start3A_109 = arith.constant 0 : i32
      %dma_start3A_110 = tpu.memref_slice %arg2[%dma_start3A_108, %dma_start3A_109] : memref<10000x128xf32, #tpu.memory_space<hbm>> -> memref<10000x128xf32, #tpu.memory_space<hbm>>
      tpu.enqueue_indirect_dma source(%dma_start3A_110 : memref<10000x128xf32, #tpu.memory_space<hbm>>) target(%arg8 : memref<80x128xf32, #tpu.memory_space<vmem>>) offsets(%arg6 : memref<80xi32, #tpu.memory_space<vmem>>) semaphore(%arg13 : memref<!tpu.dma_semaphore, #tpu.memory_space<semaphore_mem>>)
      %dma_wait3A_111 = arith.constant 0 : i32
      %dma_wait3A_112 = arith.constant 0 : i32
      %dma_wait3A_113 = tpu.memref_slice %arg2[%dma_wait3A_111, %dma_wait3A_112] : memref<10000x128xf32, #tpu.memory_space<hbm>> -> memref<10000x128xf32, #tpu.memory_space<hbm>>
      tpu.wait_indirect_dma semaphore(%arg14 : memref<!tpu.dma_semaphore, #tpu.memory_space<semaphore_mem>>) src(%dma_wait3A_113 : memref<10000x128xf32, #tpu.memory_space<hbm>>) dst(%arg11 : memref<80x128xf32, #tpu.memory_space<vmem>>)
      "tpu.region"() ({
        %run_scoped3A_115 = tpu.sem_alloc : memref<!tpu.dma_semaphore, #tpu.memory_space<semaphore_mem>>
        %dma_start3A_116 = arith.constant 0 : i32
        %dma_start3A_117 = arith.constant 0 : i32
        %dma_start3A_118 = tpu.memref_slice %arg15[%dma_start3A_116, %dma_start3A_117] : memref<10240x128xf32, #tpu.memory_space<vmem_shared>> -> memref<10240x128xf32, #tpu.memory_space<vmem_shared>>
        tpu.enqueue_indirect_dma source(%arg11 : memref<80x128xf32, #tpu.memory_space<vmem>>) target(%dma_start3A_118 : memref<10240x128xf32, #tpu.memory_space<vmem_shared>>) offsets(%arg10 : memref<80xi32, #tpu.memory_space<vmem>>) semaphore(%run_scoped3A_115 : memref<!tpu.dma_semaphore, #tpu.memory_space<semaphore_mem>>) {add = true}
        %dma_wait3A_119 = arith.constant 0 : i32
        %dma_wait3A_120 = arith.constant 0 : i32
        %dma_wait3A_121 = tpu.memref_slice %arg15[%dma_wait3A_119, %dma_wait3A_120] : memref<10240x128xf32, #tpu.memory_space<vmem_shared>> -> memref<10240x128xf32, #tpu.memory_space<vmem_shared>>
        tpu.wait_indirect_dma semaphore(%run_scoped3A_115 : memref<!tpu.dma_semaphore, #tpu.memory_space<semaphore_mem>>) src(%arg11 : memref<80x128xf32, #tpu.memory_space<vmem>>) dst(%dma_wait3A_121 : memref<10240x128xf32, #tpu.memory_space<vmem_shared>>)
        tpu.yield
      }) : () -> ()
      %scan3A_114 = arith.constant 0 : i32
      scf.yield %scan3A_114 : i32
    }
    %scan3A_34 = arith.constant 62 : i32
    %dma_wait3A = arith.constant 0 : i32
    %dma_wait3A_35 = arith.constant 0 : i32
    %dma_wait3A_36 = tpu.memref_slice %arg2[%dma_wait3A, %dma_wait3A_35] : memref<10000x128xf32, #tpu.memory_space<hbm>> -> memref<10000x128xf32, #tpu.memory_space<hbm>>
    tpu.wait_indirect_dma semaphore(%arg13 : memref<!tpu.dma_semaphore, #tpu.memory_space<semaphore_mem>>) src(%dma_wait3A_36 : memref<10000x128xf32, #tpu.memory_space<hbm>>) dst(%arg8 : memref<80x128xf32, #tpu.memory_space<vmem>>)
    "tpu.region"() ({
      %run_scoped3A_86 = tpu.sem_alloc : memref<!tpu.dma_semaphore, #tpu.memory_space<semaphore_mem>>
      %dma_start3A_87 = arith.constant 0 : i32
      %dma_start3A_88 = arith.constant 0 : i32
      %dma_start3A_89 = tpu.memref_slice %arg15[%dma_start3A_87, %dma_start3A_88] : memref<10240x128xf32, #tpu.memory_space<vmem_shared>> -> memref<10240x128xf32, #tpu.memory_space<vmem_shared>>
      tpu.enqueue_indirect_dma source(%arg8 : memref<80x128xf32, #tpu.memory_space<vmem>>) target(%dma_start3A_89 : memref<10240x128xf32, #tpu.memory_space<vmem_shared>>) offsets(%arg7 : memref<80xi32, #tpu.memory_space<vmem>>) semaphore(%run_scoped3A_86 : memref<!tpu.dma_semaphore, #tpu.memory_space<semaphore_mem>>) {add = true}
      %dma_wait3A_90 = arith.constant 0 : i32
      %dma_wait3A_91 = arith.constant 0 : i32
      %dma_wait3A_92 = tpu.memref_slice %arg15[%dma_wait3A_90, %dma_wait3A_91] : memref<10240x128xf32, #tpu.memory_space<vmem_shared>> -> memref<10240x128xf32, #tpu.memory_space<vmem_shared>>
      tpu.wait_indirect_dma semaphore(%run_scoped3A_86 : memref<!tpu.dma_semaphore, #tpu.memory_space<semaphore_mem>>) src(%arg8 : memref<80x128xf32, #tpu.memory_space<vmem>>) dst(%dma_wait3A_92 : memref<10240x128xf32, #tpu.memory_space<vmem_shared>>)
      tpu.yield
    }) : () -> ()
    %barrier3A_37 = arith.constant 0 : index
    tpu.barrier barrier_id(%barrier3A_37)
    %mul3A_38 = arith.constant 640 : i32
    %mul3A_39 = arith.muli %arg1, %mul3A_38 : i32
    %add3A_40 = arith.constant 0 : i32
    %add3A_41 = arith.addi %mul3A_39, %add3A_40 : i32
    %multiple_of3A_42 = tpu.assume_multiple %add3A_41, 8 : i32
    %run_scoped3A_43 = arith.constant 0 : i32
    "tpu.region"() ({
      %run_scoped3A_86 = tpu.sem_alloc : memref<!tpu.dma_semaphore, #tpu.memory_space<semaphore_mem>>
      %dma_start3A_87 = arith.constant 0 : i32
      %dma_start3A_88 = tpu.memref_slice %arg12[%run_scoped3A_43, %dma_start3A_87] : memref<8x80xi32, #tpu.memory_space<vmem>> -> memref<1x80xi32, #tpu.memory_space<vmem>>
      %dma_start3A_89 = tpu.memref_squeeze %dma_start3A_88 : memref<1x80xi32, #tpu.memory_space<vmem>> -> memref<80xi32, #tpu.memory_space<vmem>>
      %dma_start3A_90 = arith.constant 0 : i32
      %dma_start3A_91 = arith.constant 0 : i32
      %dma_start3A_92 = tpu.memref_slice %arg15[%dma_start3A_90, %dma_start3A_91] : memref<10240x128xf32, #tpu.memory_space<vmem_shared>> -> memref<10240x128xf32, #tpu.memory_space<vmem_shared>>
      tpu.enqueue_indirect_dma source(%dma_start3A_92 : memref<10240x128xf32, #tpu.memory_space<vmem_shared>>) target(%arg8 : memref<80x128xf32, #tpu.memory_space<vmem>>) offsets(%dma_start3A_89 : memref<80xi32, #tpu.memory_space<vmem>>) semaphore(%run_scoped3A_86 : memref<!tpu.dma_semaphore, #tpu.memory_space<semaphore_mem>>)
      %dma_wait3A_93 = arith.constant 0 : i32
      %dma_wait3A_94 = tpu.memref_slice %arg12[%run_scoped3A_43, %dma_wait3A_93] : memref<8x80xi32, #tpu.memory_space<vmem>> -> memref<1x80xi32, #tpu.memory_space<vmem>>
      %dma_wait3A_95 = tpu.memref_squeeze %dma_wait3A_94 : memref<1x80xi32, #tpu.memory_space<vmem>> -> memref<80xi32, #tpu.memory_space<vmem>>
      %dma_wait3A_96 = arith.constant 0 : i32
      %dma_wait3A_97 = arith.constant 0 : i32
      %dma_wait3A_98 = tpu.memref_slice %arg15[%dma_wait3A_96, %dma_wait3A_97] : memref<10240x128xf32, #tpu.memory_space<vmem_shared>> -> memref<10240x128xf32, #tpu.memory_space<vmem_shared>>
      tpu.wait_indirect_dma semaphore(%run_scoped3A_86 : memref<!tpu.dma_semaphore, #tpu.memory_space<semaphore_mem>>) src(%dma_wait3A_98 : memref<10240x128xf32, #tpu.memory_space<vmem_shared>>) dst(%arg8 : memref<80x128xf32, #tpu.memory_space<vmem>>)
      tpu.yield
    }) : () -> ()
    "tpu.region"() ({
      %run_scoped3A_86 = tpu.sem_alloc : memref<!tpu.dma_semaphore, #tpu.memory_space<semaphore_mem>>
      %dma_start3A_87 = arith.constant 0 : i32
      %dma_start3A_88 = tpu.memref_slice %arg5[%arg0, %multiple_of3A_42, %dma_start3A_87] : memref<2x10240x128xf32, #tpu.memory_space<hbm>> -> memref<1x80x128xf32, #tpu.memory_space<hbm>>
      %dma_start3A_89 = tpu.memref_squeeze %dma_start3A_88 : memref<1x80x128xf32, #tpu.memory_space<hbm>> -> memref<80x128xf32, #tpu.memory_space<hbm>>
      %dma_start3A_90 = arith.constant 0 : i32
      %dma_start3A_91 = tpu.memref_slice %arg5[%arg0, %multiple_of3A_42, %dma_start3A_90] : memref<2x10240x128xf32, #tpu.memory_space<hbm>> -> memref<1x80x128xf32, #tpu.memory_space<hbm>>
      %dma_start3A_92 = tpu.memref_squeeze %dma_start3A_91 : memref<1x80x128xf32, #tpu.memory_space<hbm>> -> memref<80x128xf32, #tpu.memory_space<hbm>>
      tpu.enqueue_dma source(%arg8 : memref<80x128xf32, #tpu.memory_space<vmem>>) target(%dma_start3A_92 : memref<80x128xf32, #tpu.memory_space<hbm>>) target_semaphore(%run_scoped3A_86 : memref<!tpu.dma_semaphore, #tpu.memory_space<semaphore_mem>>)
      %dma_wait3A_93 = arith.constant 0 : i32
      %dma_wait3A_94 = tpu.memref_slice %arg5[%arg0, %multiple_of3A_42, %dma_wait3A_93] : memref<2x10240x128xf32, #tpu.memory_space<hbm>> -> memref<1x80x128xf32, #tpu.memory_space<hbm>>
      %dma_wait3A_95 = tpu.memref_squeeze %dma_wait3A_94 : memref<1x80x128xf32, #tpu.memory_space<hbm>> -> memref<80x128xf32, #tpu.memory_space<hbm>>
      %dma_wait3A_96 = arith.constant 0 : i32
      %dma_wait3A_97 = tpu.memref_slice %arg5[%arg0, %multiple_of3A_42, %dma_wait3A_96] : memref<2x10240x128xf32, #tpu.memory_space<hbm>> -> memref<1x80x128xf32, #tpu.memory_space<hbm>>
      %dma_wait3A_98 = tpu.memref_squeeze %dma_wait3A_97 : memref<1x80x128xf32, #tpu.memory_space<hbm>> -> memref<80x128xf32, #tpu.memory_space<hbm>>
      tpu.wait_dma2 semaphore(%run_scoped3A_86 : memref<!tpu.dma_semaphore, #tpu.memory_space<semaphore_mem>>) src(%arg8 : memref<80x128xf32, #tpu.memory_space<vmem>>) dst(%dma_wait3A_98 : memref<80x128xf32, #tpu.memory_space<hbm>>)
      tpu.yield
    }) : () -> ()
    %mul3A_44 = arith.constant 640 : i32
    %mul3A_45 = arith.muli %arg1, %mul3A_44 : i32
    %add3A_46 = arith.constant 80 : i32
    %add3A_47 = arith.addi %mul3A_45, %add3A_46 : i32
    %multiple_of3A_48 = tpu.assume_multiple %add3A_47, 8 : i32
    %run_scoped3A_49 = arith.constant 1 : i32
    "tpu.region"() ({
      %run_scoped3A_86 = tpu.sem_alloc : memref<!tpu.dma_semaphore, #tpu.memory_space<semaphore_mem>>
      %dma_start3A_87 = arith.constant 0 : i32
      %dma_start3A_88 = tpu.memref_slice %arg12[%run_scoped3A_49, %dma_start3A_87] : memref<8x80xi32, #tpu.memory_space<vmem>> -> memref<1x80xi32, #tpu.memory_space<vmem>>
      %dma_start3A_89 = tpu.memref_squeeze %dma_start3A_88 : memref<1x80xi32, #tpu.memory_space<vmem>> -> memref<80xi32, #tpu.memory_space<vmem>>
      %dma_start3A_90 = arith.constant 0 : i32
      %dma_start3A_91 = arith.constant 0 : i32
      %dma_start3A_92 = tpu.memref_slice %arg15[%dma_start3A_90, %dma_start3A_91] : memref<10240x128xf32, #tpu.memory_space<vmem_shared>> -> memref<10240x128xf32, #tpu.memory_space<vmem_shared>>
      tpu.enqueue_indirect_dma source(%dma_start3A_92 : memref<10240x128xf32, #tpu.memory_space<vmem_shared>>) target(%arg8 : memref<80x128xf32, #tpu.memory_space<vmem>>) offsets(%dma_start3A_89 : memref<80xi32, #tpu.memory_space<vmem>>) semaphore(%run_scoped3A_86 : memref<!tpu.dma_semaphore, #tpu.memory_space<semaphore_mem>>)
      %dma_wait3A_93 = arith.constant 0 : i32
      %dma_wait3A_94 = tpu.memref_slice %arg12[%run_scoped3A_49, %dma_wait3A_93] : memref<8x80xi32, #tpu.memory_space<vmem>> -> memref<1x80xi32, #tpu.memory_space<vmem>>
      %dma_wait3A_95 = tpu.memref_squeeze %dma_wait3A_94 : memref<1x80xi32, #tpu.memory_space<vmem>> -> memref<80xi32, #tpu.memory_space<vmem>>
      %dma_wait3A_96 = arith.constant 0 : i32
      %dma_wait3A_97 = arith.constant 0 : i32
      %dma_wait3A_98 = tpu.memref_slice %arg15[%dma_wait3A_96, %dma_wait3A_97] : memref<10240x128xf32, #tpu.memory_space<vmem_shared>> -> memref<10240x128xf32, #tpu.memory_space<vmem_shared>>
      tpu.wait_indirect_dma semaphore(%run_scoped3A_86 : memref<!tpu.dma_semaphore, #tpu.memory_space<semaphore_mem>>) src(%dma_wait3A_98 : memref<10240x128xf32, #tpu.memory_space<vmem_shared>>) dst(%arg8 : memref<80x128xf32, #tpu.memory_space<vmem>>)
      tpu.yield
    }) : () -> ()
    "tpu.region"() ({
      %run_scoped3A_86 = tpu.sem_alloc : memref<!tpu.dma_semaphore, #tpu.memory_space<semaphore_mem>>
      %dma_start3A_87 = arith.constant 0 : i32
      %dma_start3A_88 = tpu.memref_slice %arg5[%arg0, %multiple_of3A_48, %dma_start3A_87] : memref<2x10240x128xf32, #tpu.memory_space<hbm>> -> memref<1x80x128xf32, #tpu.memory_space<hbm>>
      %dma_start3A_89 = tpu.memref_squeeze %dma_start3A_88 : memref<1x80x128xf32, #tpu.memory_space<hbm>> -> memref<80x128xf32, #tpu.memory_space<hbm>>
      %dma_start3A_90 = arith.constant 0 : i32
      %dma_start3A_91 = tpu.memref_slice %arg5[%arg0, %multiple_of3A_48, %dma_start3A_90] : memref<2x10240x128xf32, #tpu.memory_space<hbm>> -> memref<1x80x128xf32, #tpu.memory_space<hbm>>
      %dma_start3A_92 = tpu.memref_squeeze %dma_start3A_91 : memref<1x80x128xf32, #tpu.memory_space<hbm>> -> memref<80x128xf32, #tpu.memory_space<hbm>>
      tpu.enqueue_dma source(%arg8 : memref<80x128xf32, #tpu.memory_space<vmem>>) target(%dma_start3A_92 : memref<80x128xf32, #tpu.memory_space<hbm>>) target_semaphore(%run_scoped3A_86 : memref<!tpu.dma_semaphore, #tpu.memory_space<semaphore_mem>>)
      %dma_wait3A_93 = arith.constant 0 : i32
      %dma_wait3A_94 = tpu.memref_slice %arg5[%arg0, %multiple_of3A_48, %dma_wait3A_93] : memref<2x10240x128xf32, #tpu.memory_space<hbm>> -> memref<1x80x128xf32, #tpu.memory_space<hbm>>
      %dma_wait3A_95 = tpu.memref_squeeze %dma_wait3A_94 : memref<1x80x128xf32, #tpu.memory_space<hbm>> -> memref<80x128xf32, #tpu.memory_space<hbm>>
      %dma_wait3A_96 = arith.constant 0 : i32
      %dma_wait3A_97 = tpu.memref_slice %arg5[%arg0, %multiple_of3A_48, %dma_wait3A_96] : memref<2x10240x128xf32, #tpu.memory_space<hbm>> -> memref<1x80x128xf32, #tpu.memory_space<hbm>>
      %dma_wait3A_98 = tpu.memref_squeeze %dma_wait3A_97 : memref<1x80x128xf32, #tpu.memory_space<hbm>> -> memref<80x128xf32, #tpu.memory_space<hbm>>
      tpu.wait_dma2 semaphore(%run_scoped3A_86 : memref<!tpu.dma_semaphore, #tpu.memory_space<semaphore_mem>>) src(%arg8 : memref<80x128xf32, #tpu.memory_space<vmem>>) dst(%dma_wait3A_98 : memref<80x128xf32, #tpu.memory_space<hbm>>)
      tpu.yield
    }) : () -> ()
    %mul3A_50 = arith.constant 640 : i32
    %mul3A_51 = arith.muli %arg1, %mul3A_50 : i32
    %add3A_52 = arith.constant 160 : i32
    %add3A_53 = arith.addi %mul3A_51, %add3A_52 : i32
    %multiple_of3A_54 = tpu.assume_multiple %add3A_53, 8 : i32
    %run_scoped3A_55 = arith.constant 2 : i32
    "tpu.region"() ({
      %run_scoped3A_86 = tpu.sem_alloc : memref<!tpu.dma_semaphore, #tpu.memory_space<semaphore_mem>>
      %dma_start3A_87 = arith.constant 0 : i32
      %dma_start3A_88 = tpu.memref_slice %arg12[%run_scoped3A_55, %dma_start3A_87] : memref<8x80xi32, #tpu.memory_space<vmem>> -> memref<1x80xi32, #tpu.memory_space<vmem>>
      %dma_start3A_89 = tpu.memref_squeeze %dma_start3A_88 : memref<1x80xi32, #tpu.memory_space<vmem>> -> memref<80xi32, #tpu.memory_space<vmem>>
      %dma_start3A_90 = arith.constant 0 : i32
      %dma_start3A_91 = arith.constant 0 : i32
      %dma_start3A_92 = tpu.memref_slice %arg15[%dma_start3A_90, %dma_start3A_91] : memref<10240x128xf32, #tpu.memory_space<vmem_shared>> -> memref<10240x128xf32, #tpu.memory_space<vmem_shared>>
      tpu.enqueue_indirect_dma source(%dma_start3A_92 : memref<10240x128xf32, #tpu.memory_space<vmem_shared>>) target(%arg8 : memref<80x128xf32, #tpu.memory_space<vmem>>) offsets(%dma_start3A_89 : memref<80xi32, #tpu.memory_space<vmem>>) semaphore(%run_scoped3A_86 : memref<!tpu.dma_semaphore, #tpu.memory_space<semaphore_mem>>)
      %dma_wait3A_93 = arith.constant 0 : i32
      %dma_wait3A_94 = tpu.memref_slice %arg12[%run_scoped3A_55, %dma_wait3A_93] : memref<8x80xi32, #tpu.memory_space<vmem>> -> memref<1x80xi32, #tpu.memory_space<vmem>>
      %dma_wait3A_95 = tpu.memref_squeeze %dma_wait3A_94 : memref<1x80xi32, #tpu.memory_space<vmem>> -> memref<80xi32, #tpu.memory_space<vmem>>
      %dma_wait3A_96 = arith.constant 0 : i32
      %dma_wait3A_97 = arith.constant 0 : i32
      %dma_wait3A_98 = tpu.memref_slice %arg15[%dma_wait3A_96, %dma_wait3A_97] : memref<10240x128xf32, #tpu.memory_space<vmem_shared>> -> memref<10240x128xf32, #tpu.memory_space<vmem_shared>>
      tpu.wait_indirect_dma semaphore(%run_scoped3A_86 : memref<!tpu.dma_semaphore, #tpu.memory_space<semaphore_mem>>) src(%dma_wait3A_98 : memref<10240x128xf32, #tpu.memory_space<vmem_shared>>) dst(%arg8 : memref<80x128xf32, #tpu.memory_space<vmem>>)
      tpu.yield
    }) : () -> ()
    "tpu.region"() ({
      %run_scoped3A_86 = tpu.sem_alloc : memref<!tpu.dma_semaphore, #tpu.memory_space<semaphore_mem>>
      %dma_start3A_87 = arith.constant 0 : i32
      %dma_start3A_88 = tpu.memref_slice %arg5[%arg0, %multiple_of3A_54, %dma_start3A_87] : memref<2x10240x128xf32, #tpu.memory_space<hbm>> -> memref<1x80x128xf32, #tpu.memory_space<hbm>>
      %dma_start3A_89 = tpu.memref_squeeze %dma_start3A_88 : memref<1x80x128xf32, #tpu.memory_space<hbm>> -> memref<80x128xf32, #tpu.memory_space<hbm>>
      %dma_start3A_90 = arith.constant 0 : i32
      %dma_start3A_91 = tpu.memref_slice %arg5[%arg0, %multiple_of3A_54, %dma_start3A_90] : memref<2x10240x128xf32, #tpu.memory_space<hbm>> -> memref<1x80x128xf32, #tpu.memory_space<hbm>>
      %dma_start3A_92 = tpu.memref_squeeze %dma_start3A_91 : memref<1x80x128xf32, #tpu.memory_space<hbm>> -> memref<80x128xf32, #tpu.memory_space<hbm>>
      tpu.enqueue_dma source(%arg8 : memref<80x128xf32, #tpu.memory_space<vmem>>) target(%dma_start3A_92 : memref<80x128xf32, #tpu.memory_space<hbm>>) target_semaphore(%run_scoped3A_86 : memref<!tpu.dma_semaphore, #tpu.memory_space<semaphore_mem>>)
      %dma_wait3A_93 = arith.constant 0 : i32
      %dma_wait3A_94 = tpu.memref_slice %arg5[%arg0, %multiple_of3A_54, %dma_wait3A_93] : memref<2x10240x128xf32, #tpu.memory_space<hbm>> -> memref<1x80x128xf32, #tpu.memory_space<hbm>>
      %dma_wait3A_95 = tpu.memref_squeeze %dma_wait3A_94 : memref<1x80x128xf32, #tpu.memory_space<hbm>> -> memref<80x128xf32, #tpu.memory_space<hbm>>
      %dma_wait3A_96 = arith.constant 0 : i32
      %dma_wait3A_97 = tpu.memref_slice %arg5[%arg0, %multiple_of3A_54, %dma_wait3A_96] : memref<2x10240x128xf32, #tpu.memory_space<hbm>> -> memref<1x80x128xf32, #tpu.memory_space<hbm>>
      %dma_wait3A_98 = tpu.memref_squeeze %dma_wait3A_97 : memref<1x80x128xf32, #tpu.memory_space<hbm>> -> memref<80x128xf32, #tpu.memory_space<hbm>>
      tpu.wait_dma2 semaphore(%run_scoped3A_86 : memref<!tpu.dma_semaphore, #tpu.memory_space<semaphore_mem>>) src(%arg8 : memref<80x128xf32, #tpu.memory_space<vmem>>) dst(%dma_wait3A_98 : memref<80x128xf32, #tpu.memory_space<hbm>>)
      tpu.yield
    }) : () -> ()
    %mul3A_56 = arith.constant 640 : i32
    %mul3A_57 = arith.muli %arg1, %mul3A_56 : i32
    %add3A_58 = arith.constant 240 : i32
    %add3A_59 = arith.addi %mul3A_57, %add3A_58 : i32
    %multiple_of3A_60 = tpu.assume_multiple %add3A_59, 8 : i32
    %run_scoped3A_61 = arith.constant 3 : i32
    "tpu.region"() ({
      %run_scoped3A_86 = tpu.sem_alloc : memref<!tpu.dma_semaphore, #tpu.memory_space<semaphore_mem>>
      %dma_start3A_87 = arith.constant 0 : i32
      %dma_start3A_88 = tpu.memref_slice %arg12[%run_scoped3A_61, %dma_start3A_87] : memref<8x80xi32, #tpu.memory_space<vmem>> -> memref<1x80xi32, #tpu.memory_space<vmem>>
      %dma_start3A_89 = tpu.memref_squeeze %dma_start3A_88 : memref<1x80xi32, #tpu.memory_space<vmem>> -> memref<80xi32, #tpu.memory_space<vmem>>
      %dma_start3A_90 = arith.constant 0 : i32
      %dma_start3A_91 = arith.constant 0 : i32
      %dma_start3A_92 = tpu.memref_slice %arg15[%dma_start3A_90, %dma_start3A_91] : memref<10240x128xf32, #tpu.memory_space<vmem_shared>> -> memref<10240x128xf32, #tpu.memory_space<vmem_shared>>
      tpu.enqueue_indirect_dma source(%dma_start3A_92 : memref<10240x128xf32, #tpu.memory_space<vmem_shared>>) target(%arg8 : memref<80x128xf32, #tpu.memory_space<vmem>>) offsets(%dma_start3A_89 : memref<80xi32, #tpu.memory_space<vmem>>) semaphore(%run_scoped3A_86 : memref<!tpu.dma_semaphore, #tpu.memory_space<semaphore_mem>>)
      %dma_wait3A_93 = arith.constant 0 : i32
      %dma_wait3A_94 = tpu.memref_slice %arg12[%run_scoped3A_61, %dma_wait3A_93] : memref<8x80xi32, #tpu.memory_space<vmem>> -> memref<1x80xi32, #tpu.memory_space<vmem>>
      %dma_wait3A_95 = tpu.memref_squeeze %dma_wait3A_94 : memref<1x80xi32, #tpu.memory_space<vmem>> -> memref<80xi32, #tpu.memory_space<vmem>>
      %dma_wait3A_96 = arith.constant 0 : i32
      %dma_wait3A_97 = arith.constant 0 : i32
      %dma_wait3A_98 = tpu.memref_slice %arg15[%dma_wait3A_96, %dma_wait3A_97] : memref<10240x128xf32, #tpu.memory_space<vmem_shared>> -> memref<10240x128xf32, #tpu.memory_space<vmem_shared>>
      tpu.wait_indirect_dma semaphore(%run_scoped3A_86 : memref<!tpu.dma_semaphore, #tpu.memory_space<semaphore_mem>>) src(%dma_wait3A_98 : memref<10240x128xf32, #tpu.memory_space<vmem_shared>>) dst(%arg8 : memref<80x128xf32, #tpu.memory_space<vmem>>)
      tpu.yield
    }) : () -> ()
    "tpu.region"() ({
      %run_scoped3A_86 = tpu.sem_alloc : memref<!tpu.dma_semaphore, #tpu.memory_space<semaphore_mem>>
      %dma_start3A_87 = arith.constant 0 : i32
      %dma_start3A_88 = tpu.memref_slice %arg5[%arg0, %multiple_of3A_60, %dma_start3A_87] : memref<2x10240x128xf32, #tpu.memory_space<hbm>> -> memref<1x80x128xf32, #tpu.memory_space<hbm>>
      %dma_start3A_89 = tpu.memref_squeeze %dma_start3A_88 : memref<1x80x128xf32, #tpu.memory_space<hbm>> -> memref<80x128xf32, #tpu.memory_space<hbm>>
      %dma_start3A_90 = arith.constant 0 : i32
      %dma_start3A_91 = tpu.memref_slice %arg5[%arg0, %multiple_of3A_60, %dma_start3A_90] : memref<2x10240x128xf32, #tpu.memory_space<hbm>> -> memref<1x80x128xf32, #tpu.memory_space<hbm>>
      %dma_start3A_92 = tpu.memref_squeeze %dma_start3A_91 : memref<1x80x128xf32, #tpu.memory_space<hbm>> -> memref<80x128xf32, #tpu.memory_space<hbm>>
      tpu.enqueue_dma source(%arg8 : memref<80x128xf32, #tpu.memory_space<vmem>>) target(%dma_start3A_92 : memref<80x128xf32, #tpu.memory_space<hbm>>) target_semaphore(%run_scoped3A_86 : memref<!tpu.dma_semaphore, #tpu.memory_space<semaphore_mem>>)
      %dma_wait3A_93 = arith.constant 0 : i32
      %dma_wait3A_94 = tpu.memref_slice %arg5[%arg0, %multiple_of3A_60, %dma_wait3A_93] : memref<2x10240x128xf32, #tpu.memory_space<hbm>> -> memref<1x80x128xf32, #tpu.memory_space<hbm>>
      %dma_wait3A_95 = tpu.memref_squeeze %dma_wait3A_94 : memref<1x80x128xf32, #tpu.memory_space<hbm>> -> memref<80x128xf32, #tpu.memory_space<hbm>>
      %dma_wait3A_96 = arith.constant 0 : i32
      %dma_wait3A_97 = tpu.memref_slice %arg5[%arg0, %multiple_of3A_60, %dma_wait3A_96] : memref<2x10240x128xf32, #tpu.memory_space<hbm>> -> memref<1x80x128xf32, #tpu.memory_space<hbm>>
      %dma_wait3A_98 = tpu.memref_squeeze %dma_wait3A_97 : memref<1x80x128xf32, #tpu.memory_space<hbm>> -> memref<80x128xf32, #tpu.memory_space<hbm>>
      tpu.wait_dma2 semaphore(%run_scoped3A_86 : memref<!tpu.dma_semaphore, #tpu.memory_space<semaphore_mem>>) src(%arg8 : memref<80x128xf32, #tpu.memory_space<vmem>>) dst(%dma_wait3A_98 : memref<80x128xf32, #tpu.memory_space<hbm>>)
      tpu.yield
    }) : () -> ()
    %mul3A_62 = arith.constant 640 : i32
    %mul3A_63 = arith.muli %arg1, %mul3A_62 : i32
    %add3A_64 = arith.constant 320 : i32
    %add3A_65 = arith.addi %mul3A_63, %add3A_64 : i32
    %multiple_of3A_66 = tpu.assume_multiple %add3A_65, 8 : i32
    %run_scoped3A_67 = arith.constant 4 : i32
    "tpu.region"() ({
      %run_scoped3A_86 = tpu.sem_alloc : memref<!tpu.dma_semaphore, #tpu.memory_space<semaphore_mem>>
      %dma_start3A_87 = arith.constant 0 : i32
      %dma_start3A_88 = tpu.memref_slice %arg12[%run_scoped3A_67, %dma_start3A_87] : memref<8x80xi32, #tpu.memory_space<vmem>> -> memref<1x80xi32, #tpu.memory_space<vmem>>
      %dma_start3A_89 = tpu.memref_squeeze %dma_start3A_88 : memref<1x80xi32, #tpu.memory_space<vmem>> -> memref<80xi32, #tpu.memory_space<vmem>>
      %dma_start3A_90 = arith.constant 0 : i32
      %dma_start3A_91 = arith.constant 0 : i32
      %dma_start3A_92 = tpu.memref_slice %arg15[%dma_start3A_90, %dma_start3A_91] : memref<10240x128xf32, #tpu.memory_space<vmem_shared>> -> memref<10240x128xf32, #tpu.memory_space<vmem_shared>>
      tpu.enqueue_indirect_dma source(%dma_start3A_92 : memref<10240x128xf32, #tpu.memory_space<vmem_shared>>) target(%arg8 : memref<80x128xf32, #tpu.memory_space<vmem>>) offsets(%dma_start3A_89 : memref<80xi32, #tpu.memory_space<vmem>>) semaphore(%run_scoped3A_86 : memref<!tpu.dma_semaphore, #tpu.memory_space<semaphore_mem>>)
      %dma_wait3A_93 = arith.constant 0 : i32
      %dma_wait3A_94 = tpu.memref_slice %arg12[%run_scoped3A_67, %dma_wait3A_93] : memref<8x80xi32, #tpu.memory_space<vmem>> -> memref<1x80xi32, #tpu.memory_space<vmem>>
      %dma_wait3A_95 = tpu.memref_squeeze %dma_wait3A_94 : memref<1x80xi32, #tpu.memory_space<vmem>> -> memref<80xi32, #tpu.memory_space<vmem>>
      %dma_wait3A_96 = arith.constant 0 : i32
      %dma_wait3A_97 = arith.constant 0 : i32
      %dma_wait3A_98 = tpu.memref_slice %arg15[%dma_wait3A_96, %dma_wait3A_97] : memref<10240x128xf32, #tpu.memory_space<vmem_shared>> -> memref<10240x128xf32, #tpu.memory_space<vmem_shared>>
      tpu.wait_indirect_dma semaphore(%run_scoped3A_86 : memref<!tpu.dma_semaphore, #tpu.memory_space<semaphore_mem>>) src(%dma_wait3A_98 : memref<10240x128xf32, #tpu.memory_space<vmem_shared>>) dst(%arg8 : memref<80x128xf32, #tpu.memory_space<vmem>>)
      tpu.yield
    }) : () -> ()
    "tpu.region"() ({
      %run_scoped3A_86 = tpu.sem_alloc : memref<!tpu.dma_semaphore, #tpu.memory_space<semaphore_mem>>
      %dma_start3A_87 = arith.constant 0 : i32
      %dma_start3A_88 = tpu.memref_slice %arg5[%arg0, %multiple_of3A_66, %dma_start3A_87] : memref<2x10240x128xf32, #tpu.memory_space<hbm>> -> memref<1x80x128xf32, #tpu.memory_space<hbm>>
      %dma_start3A_89 = tpu.memref_squeeze %dma_start3A_88 : memref<1x80x128xf32, #tpu.memory_space<hbm>> -> memref<80x128xf32, #tpu.memory_space<hbm>>
      %dma_start3A_90 = arith.constant 0 : i32
      %dma_start3A_91 = tpu.memref_slice %arg5[%arg0, %multiple_of3A_66, %dma_start3A_90] : memref<2x10240x128xf32, #tpu.memory_space<hbm>> -> memref<1x80x128xf32, #tpu.memory_space<hbm>>
      %dma_start3A_92 = tpu.memref_squeeze %dma_start3A_91 : memref<1x80x128xf32, #tpu.memory_space<hbm>> -> memref<80x128xf32, #tpu.memory_space<hbm>>
      tpu.enqueue_dma source(%arg8 : memref<80x128xf32, #tpu.memory_space<vmem>>) target(%dma_start3A_92 : memref<80x128xf32, #tpu.memory_space<hbm>>) target_semaphore(%run_scoped3A_86 : memref<!tpu.dma_semaphore, #tpu.memory_space<semaphore_mem>>)
      %dma_wait3A_93 = arith.constant 0 : i32
      %dma_wait3A_94 = tpu.memref_slice %arg5[%arg0, %multiple_of3A_66, %dma_wait3A_93] : memref<2x10240x128xf32, #tpu.memory_space<hbm>> -> memref<1x80x128xf32, #tpu.memory_space<hbm>>
      %dma_wait3A_95 = tpu.memref_squeeze %dma_wait3A_94 : memref<1x80x128xf32, #tpu.memory_space<hbm>> -> memref<80x128xf32, #tpu.memory_space<hbm>>
      %dma_wait3A_96 = arith.constant 0 : i32
      %dma_wait3A_97 = tpu.memref_slice %arg5[%arg0, %multiple_of3A_66, %dma_wait3A_96] : memref<2x10240x128xf32, #tpu.memory_space<hbm>> -> memref<1x80x128xf32, #tpu.memory_space<hbm>>
      %dma_wait3A_98 = tpu.memref_squeeze %dma_wait3A_97 : memref<1x80x128xf32, #tpu.memory_space<hbm>> -> memref<80x128xf32, #tpu.memory_space<hbm>>
      tpu.wait_dma2 semaphore(%run_scoped3A_86 : memref<!tpu.dma_semaphore, #tpu.memory_space<semaphore_mem>>) src(%arg8 : memref<80x128xf32, #tpu.memory_space<vmem>>) dst(%dma_wait3A_98 : memref<80x128xf32, #tpu.memory_space<hbm>>)
      tpu.yield
    }) : () -> ()
    %mul3A_68 = arith.constant 640 : i32
    %mul3A_69 = arith.muli %arg1, %mul3A_68 : i32
    %add3A_70 = arith.constant 400 : i32
    %add3A_71 = arith.addi %mul3A_69, %add3A_70 : i32
    %multiple_of3A_72 = tpu.assume_multiple %add3A_71, 8 : i32
    %run_scoped3A_73 = arith.constant 5 : i32
    "tpu.region"() ({
      %run_scoped3A_86 = tpu.sem_alloc : memref<!tpu.dma_semaphore, #tpu.memory_space<semaphore_mem>>
      %dma_start3A_87 = arith.constant 0 : i32
      %dma_start3A_88 = tpu.memref_slice %arg12[%run_scoped3A_73, %dma_start3A_87] : memref<8x80xi32, #tpu.memory_space<vmem>> -> memref<1x80xi32, #tpu.memory_space<vmem>>
      %dma_start3A_89 = tpu.memref_squeeze %dma_start3A_88 : memref<1x80xi32, #tpu.memory_space<vmem>> -> memref<80xi32, #tpu.memory_space<vmem>>
      %dma_start3A_90 = arith.constant 0 : i32
      %dma_start3A_91 = arith.constant 0 : i32
      %dma_start3A_92 = tpu.memref_slice %arg15[%dma_start3A_90, %dma_start3A_91] : memref<10240x128xf32, #tpu.memory_space<vmem_shared>> -> memref<10240x128xf32, #tpu.memory_space<vmem_shared>>
      tpu.enqueue_indirect_dma source(%dma_start3A_92 : memref<10240x128xf32, #tpu.memory_space<vmem_shared>>) target(%arg8 : memref<80x128xf32, #tpu.memory_space<vmem>>) offsets(%dma_start3A_89 : memref<80xi32, #tpu.memory_space<vmem>>) semaphore(%run_scoped3A_86 : memref<!tpu.dma_semaphore, #tpu.memory_space<semaphore_mem>>)
      %dma_wait3A_93 = arith.constant 0 : i32
      %dma_wait3A_94 = tpu.memref_slice %arg12[%run_scoped3A_73, %dma_wait3A_93] : memref<8x80xi32, #tpu.memory_space<vmem>> -> memref<1x80xi32, #tpu.memory_space<vmem>>
      %dma_wait3A_95 = tpu.memref_squeeze %dma_wait3A_94 : memref<1x80xi32, #tpu.memory_space<vmem>> -> memref<80xi32, #tpu.memory_space<vmem>>
      %dma_wait3A_96 = arith.constant 0 : i32
      %dma_wait3A_97 = arith.constant 0 : i32
      %dma_wait3A_98 = tpu.memref_slice %arg15[%dma_wait3A_96, %dma_wait3A_97] : memref<10240x128xf32, #tpu.memory_space<vmem_shared>> -> memref<10240x128xf32, #tpu.memory_space<vmem_shared>>
      tpu.wait_indirect_dma semaphore(%run_scoped3A_86 : memref<!tpu.dma_semaphore, #tpu.memory_space<semaphore_mem>>) src(%dma_wait3A_98 : memref<10240x128xf32, #tpu.memory_space<vmem_shared>>) dst(%arg8 : memref<80x128xf32, #tpu.memory_space<vmem>>)
      tpu.yield
    }) : () -> ()
    "tpu.region"() ({
      %run_scoped3A_86 = tpu.sem_alloc : memref<!tpu.dma_semaphore, #tpu.memory_space<semaphore_mem>>
      %dma_start3A_87 = arith.constant 0 : i32
      %dma_start3A_88 = tpu.memref_slice %arg5[%arg0, %multiple_of3A_72, %dma_start3A_87] : memref<2x10240x128xf32, #tpu.memory_space<hbm>> -> memref<1x80x128xf32, #tpu.memory_space<hbm>>
      %dma_start3A_89 = tpu.memref_squeeze %dma_start3A_88 : memref<1x80x128xf32, #tpu.memory_space<hbm>> -> memref<80x128xf32, #tpu.memory_space<hbm>>
      %dma_start3A_90 = arith.constant 0 : i32
      %dma_start3A_91 = tpu.memref_slice %arg5[%arg0, %multiple_of3A_72, %dma_start3A_90] : memref<2x10240x128xf32, #tpu.memory_space<hbm>> -> memref<1x80x128xf32, #tpu.memory_space<hbm>>
      %dma_start3A_92 = tpu.memref_squeeze %dma_start3A_91 : memref<1x80x128xf32, #tpu.memory_space<hbm>> -> memref<80x128xf32, #tpu.memory_space<hbm>>
      tpu.enqueue_dma source(%arg8 : memref<80x128xf32, #tpu.memory_space<vmem>>) target(%dma_start3A_92 : memref<80x128xf32, #tpu.memory_space<hbm>>) target_semaphore(%run_scoped3A_86 : memref<!tpu.dma_semaphore, #tpu.memory_space<semaphore_mem>>)
      %dma_wait3A_93 = arith.constant 0 : i32
      %dma_wait3A_94 = tpu.memref_slice %arg5[%arg0, %multiple_of3A_72, %dma_wait3A_93] : memref<2x10240x128xf32, #tpu.memory_space<hbm>> -> memref<1x80x128xf32, #tpu.memory_space<hbm>>
      %dma_wait3A_95 = tpu.memref_squeeze %dma_wait3A_94 : memref<1x80x128xf32, #tpu.memory_space<hbm>> -> memref<80x128xf32, #tpu.memory_space<hbm>>
      %dma_wait3A_96 = arith.constant 0 : i32
      %dma_wait3A_97 = tpu.memref_slice %arg5[%arg0, %multiple_of3A_72, %dma_wait3A_96] : memref<2x10240x128xf32, #tpu.memory_space<hbm>> -> memref<1x80x128xf32, #tpu.memory_space<hbm>>
      %dma_wait3A_98 = tpu.memref_squeeze %dma_wait3A_97 : memref<1x80x128xf32, #tpu.memory_space<hbm>> -> memref<80x128xf32, #tpu.memory_space<hbm>>
      tpu.wait_dma2 semaphore(%run_scoped3A_86 : memref<!tpu.dma_semaphore, #tpu.memory_space<semaphore_mem>>) src(%arg8 : memref<80x128xf32, #tpu.memory_space<vmem>>) dst(%dma_wait3A_98 : memref<80x128xf32, #tpu.memory_space<hbm>>)
      tpu.yield
    }) : () -> ()
    %mul3A_74 = arith.constant 640 : i32
    %mul3A_75 = arith.muli %arg1, %mul3A_74 : i32
    %add3A_76 = arith.constant 480 : i32
    %add3A_77 = arith.addi %mul3A_75, %add3A_76 : i32
    %multiple_of3A_78 = tpu.assume_multiple %add3A_77, 8 : i32
    %run_scoped3A_79 = arith.constant 6 : i32
    "tpu.region"() ({
      %run_scoped3A_86 = tpu.sem_alloc : memref<!tpu.dma_semaphore, #tpu.memory_space<semaphore_mem>>
      %dma_start3A_87 = arith.constant 0 : i32
      %dma_start3A_88 = tpu.memref_slice %arg12[%run_scoped3A_79, %dma_start3A_87] : memref<8x80xi32, #tpu.memory_space<vmem>> -> memref<1x80xi32, #tpu.memory_space<vmem>>
      %dma_start3A_89 = tpu.memref_squeeze %dma_start3A_88 : memref<1x80xi32, #tpu.memory_space<vmem>> -> memref<80xi32, #tpu.memory_space<vmem>>
      %dma_start3A_90 = arith.constant 0 : i32
      %dma_start3A_91 = arith.constant 0 : i32
      %dma_start3A_92 = tpu.memref_slice %arg15[%dma_start3A_90, %dma_start3A_91] : memref<10240x128xf32, #tpu.memory_space<vmem_shared>> -> memref<10240x128xf32, #tpu.memory_space<vmem_shared>>
      tpu.enqueue_indirect_dma source(%dma_start3A_92 : memref<10240x128xf32, #tpu.memory_space<vmem_shared>>) target(%arg8 : memref<80x128xf32, #tpu.memory_space<vmem>>) offsets(%dma_start3A_89 : memref<80xi32, #tpu.memory_space<vmem>>) semaphore(%run_scoped3A_86 : memref<!tpu.dma_semaphore, #tpu.memory_space<semaphore_mem>>)
      %dma_wait3A_93 = arith.constant 0 : i32
      %dma_wait3A_94 = tpu.memref_slice %arg12[%run_scoped3A_79, %dma_wait3A_93] : memref<8x80xi32, #tpu.memory_space<vmem>> -> memref<1x80xi32, #tpu.memory_space<vmem>>
      %dma_wait3A_95 = tpu.memref_squeeze %dma_wait3A_94 : memref<1x80xi32, #tpu.memory_space<vmem>> -> memref<80xi32, #tpu.memory_space<vmem>>
      %dma_wait3A_96 = arith.constant 0 : i32
      %dma_wait3A_97 = arith.constant 0 : i32
      %dma_wait3A_98 = tpu.memref_slice %arg15[%dma_wait3A_96, %dma_wait3A_97] : memref<10240x128xf32, #tpu.memory_space<vmem_shared>> -> memref<10240x128xf32, #tpu.memory_space<vmem_shared>>
      tpu.wait_indirect_dma semaphore(%run_scoped3A_86 : memref<!tpu.dma_semaphore, #tpu.memory_space<semaphore_mem>>) src(%dma_wait3A_98 : memref<10240x128xf32, #tpu.memory_space<vmem_shared>>) dst(%arg8 : memref<80x128xf32, #tpu.memory_space<vmem>>)
      tpu.yield
    }) : () -> ()
    "tpu.region"() ({
      %run_scoped3A_86 = tpu.sem_alloc : memref<!tpu.dma_semaphore, #tpu.memory_space<semaphore_mem>>
      %dma_start3A_87 = arith.constant 0 : i32
      %dma_start3A_88 = tpu.memref_slice %arg5[%arg0, %multiple_of3A_78, %dma_start3A_87] : memref<2x10240x128xf32, #tpu.memory_space<hbm>> -> memref<1x80x128xf32, #tpu.memory_space<hbm>>
      %dma_start3A_89 = tpu.memref_squeeze %dma_start3A_88 : memref<1x80x128xf32, #tpu.memory_space<hbm>> -> memref<80x128xf32, #tpu.memory_space<hbm>>
      %dma_start3A_90 = arith.constant 0 : i32
      %dma_start3A_91 = tpu.memref_slice %arg5[%arg0, %multiple_of3A_78, %dma_start3A_90] : memref<2x10240x128xf32, #tpu.memory_space<hbm>> -> memref<1x80x128xf32, #tpu.memory_space<hbm>>
      %dma_start3A_92 = tpu.memref_squeeze %dma_start3A_91 : memref<1x80x128xf32, #tpu.memory_space<hbm>> -> memref<80x128xf32, #tpu.memory_space<hbm>>
      tpu.enqueue_dma source(%arg8 : memref<80x128xf32, #tpu.memory_space<vmem>>) target(%dma_start3A_92 : memref<80x128xf32, #tpu.memory_space<hbm>>) target_semaphore(%run_scoped3A_86 : memref<!tpu.dma_semaphore, #tpu.memory_space<semaphore_mem>>)
      %dma_wait3A_93 = arith.constant 0 : i32
      %dma_wait3A_94 = tpu.memref_slice %arg5[%arg0, %multiple_of3A_78, %dma_wait3A_93] : memref<2x10240x128xf32, #tpu.memory_space<hbm>> -> memref<1x80x128xf32, #tpu.memory_space<hbm>>
      %dma_wait3A_95 = tpu.memref_squeeze %dma_wait3A_94 : memref<1x80x128xf32, #tpu.memory_space<hbm>> -> memref<80x128xf32, #tpu.memory_space<hbm>>
      %dma_wait3A_96 = arith.constant 0 : i32
      %dma_wait3A_97 = tpu.memref_slice %arg5[%arg0, %multiple_of3A_78, %dma_wait3A_96] : memref<2x10240x128xf32, #tpu.memory_space<hbm>> -> memref<1x80x128xf32, #tpu.memory_space<hbm>>
      %dma_wait3A_98 = tpu.memref_squeeze %dma_wait3A_97 : memref<1x80x128xf32, #tpu.memory_space<hbm>> -> memref<80x128xf32, #tpu.memory_space<hbm>>
      tpu.wait_dma2 semaphore(%run_scoped3A_86 : memref<!tpu.dma_semaphore, #tpu.memory_space<semaphore_mem>>) src(%arg8 : memref<80x128xf32, #tpu.memory_space<vmem>>) dst(%dma_wait3A_98 : memref<80x128xf32, #tpu.memory_space<hbm>>)
      tpu.yield
    }) : () -> ()
    %mul3A_80 = arith.constant 640 : i32
    %mul3A_81 = arith.muli %arg1, %mul3A_80 : i32
    %add3A_82 = arith.constant 560 : i32
    %add3A_83 = arith.addi %mul3A_81, %add3A_82 : i32
    %multiple_of3A_84 = tpu.assume_multiple %add3A_83, 8 : i32
    %run_scoped3A_85 = arith.constant 7 : i32
    "tpu.region"() ({
      %run_scoped3A_86 = tpu.sem_alloc : memref<!tpu.dma_semaphore, #tpu.memory_space<semaphore_mem>>
      %dma_start3A_87 = arith.constant 0 : i32
      %dma_start3A_88 = tpu.memref_slice %arg12[%run_scoped3A_85, %dma_start3A_87] : memref<8x80xi32, #tpu.memory_space<vmem>> -> memref<1x80xi32, #tpu.memory_space<vmem>>
      %dma_start3A_89 = tpu.memref_squeeze %dma_start3A_88 : memref<1x80xi32, #tpu.memory_space<vmem>> -> memref<80xi32, #tpu.memory_space<vmem>>
      %dma_start3A_90 = arith.constant 0 : i32
      %dma_start3A_91 = arith.constant 0 : i32
      %dma_start3A_92 = tpu.memref_slice %arg15[%dma_start3A_90, %dma_start3A_91] : memref<10240x128xf32, #tpu.memory_space<vmem_shared>> -> memref<10240x128xf32, #tpu.memory_space<vmem_shared>>
      tpu.enqueue_indirect_dma source(%dma_start3A_92 : memref<10240x128xf32, #tpu.memory_space<vmem_shared>>) target(%arg8 : memref<80x128xf32, #tpu.memory_space<vmem>>) offsets(%dma_start3A_89 : memref<80xi32, #tpu.memory_space<vmem>>) semaphore(%run_scoped3A_86 : memref<!tpu.dma_semaphore, #tpu.memory_space<semaphore_mem>>)
      %dma_wait3A_93 = arith.constant 0 : i32
      %dma_wait3A_94 = tpu.memref_slice %arg12[%run_scoped3A_85, %dma_wait3A_93] : memref<8x80xi32, #tpu.memory_space<vmem>> -> memref<1x80xi32, #tpu.memory_space<vmem>>
      %dma_wait3A_95 = tpu.memref_squeeze %dma_wait3A_94 : memref<1x80xi32, #tpu.memory_space<vmem>> -> memref<80xi32, #tpu.memory_space<vmem>>
      %dma_wait3A_96 = arith.constant 0 : i32
      %dma_wait3A_97 = arith.constant 0 : i32
      %dma_wait3A_98 = tpu.memref_slice %arg15[%dma_wait3A_96, %dma_wait3A_97] : memref<10240x128xf32, #tpu.memory_space<vmem_shared>> -> memref<10240x128xf32, #tpu.memory_space<vmem_shared>>
      tpu.wait_indirect_dma semaphore(%run_scoped3A_86 : memref<!tpu.dma_semaphore, #tpu.memory_space<semaphore_mem>>) src(%dma_wait3A_98 : memref<10240x128xf32, #tpu.memory_space<vmem_shared>>) dst(%arg8 : memref<80x128xf32, #tpu.memory_space<vmem>>)
      tpu.yield
    }) : () -> ()
    "tpu.region"() ({
      %run_scoped3A_86 = tpu.sem_alloc : memref<!tpu.dma_semaphore, #tpu.memory_space<semaphore_mem>>
      %dma_start3A_87 = arith.constant 0 : i32
      %dma_start3A_88 = tpu.memref_slice %arg5[%arg0, %multiple_of3A_84, %dma_start3A_87] : memref<2x10240x128xf32, #tpu.memory_space<hbm>> -> memref<1x80x128xf32, #tpu.memory_space<hbm>>
      %dma_start3A_89 = tpu.memref_squeeze %dma_start3A_88 : memref<1x80x128xf32, #tpu.memory_space<hbm>> -> memref<80x128xf32, #tpu.memory_space<hbm>>
      %dma_start3A_90 = arith.constant 0 : i32
      %dma_start3A_91 = tpu.memref_slice %arg5[%arg0, %multiple_of3A_84, %dma_start3A_90] : memref<2x10240x128xf32, #tpu.memory_space<hbm>> -> memref<1x80x128xf32, #tpu.memory_space<hbm>>
      %dma_start3A_92 = tpu.memref_squeeze %dma_start3A_91 : memref<1x80x128xf32, #tpu.memory_space<hbm>> -> memref<80x128xf32, #tpu.memory_space<hbm>>
      tpu.enqueue_dma source(%arg8 : memref<80x128xf32, #tpu.memory_space<vmem>>) target(%dma_start3A_92 : memref<80x128xf32, #tpu.memory_space<hbm>>) target_semaphore(%run_scoped3A_86 : memref<!tpu.dma_semaphore, #tpu.memory_space<semaphore_mem>>)
      %dma_wait3A_93 = arith.constant 0 : i32
      %dma_wait3A_94 = tpu.memref_slice %arg5[%arg0, %multiple_of3A_84, %dma_wait3A_93] : memref<2x10240x128xf32, #tpu.memory_space<hbm>> -> memref<1x80x128xf32, #tpu.memory_space<hbm>>
      %dma_wait3A_95 = tpu.memref_squeeze %dma_wait3A_94 : memref<1x80x128xf32, #tpu.memory_space<hbm>> -> memref<80x128xf32, #tpu.memory_space<hbm>>
      %dma_wait3A_96 = arith.constant 0 : i32
      %dma_wait3A_97 = tpu.memref_slice %arg5[%arg0, %multiple_of3A_84, %dma_wait3A_96] : memref<2x10240x128xf32, #tpu.memory_space<hbm>> -> memref<1x80x128xf32, #tpu.memory_space<hbm>>
      %dma_wait3A_98 = tpu.memref_squeeze %dma_wait3A_97 : memref<1x80x128xf32, #tpu.memory_space<hbm>> -> memref<80x128xf32, #tpu.memory_space<hbm>>
      tpu.wait_dma2 semaphore(%run_scoped3A_86 : memref<!tpu.dma_semaphore, #tpu.memory_space<semaphore_mem>>) src(%arg8 : memref<80x128xf32, #tpu.memory_space<vmem>>) dst(%dma_wait3A_98 : memref<80x128xf32, #tpu.memory_space<hbm>>)
      tpu.yield
    }) : () -> ()
    return
  }
}

#map = affine_map<(d0, d1) -> (0, 0)>
#map1 = affine_map<(d0, d1) -> (0)>
#map2 = affine_map<(d0, d1) -> (0, 0, 0)>
module attributes {stable_mosaic.version = 14 : i64} {
  func.func @_sc_agg_body(%arg0: i32, %arg1: i32, %arg2: memref<10000x128xf32, #tpu.memory_space<hbm>>, %arg3: memref<320000xi32, #tpu.memory_space<hbm>>, %arg4: memref<320000xi32, #tpu.memory_space<hbm>>, %arg5: memref<2x10240x128xf32, #tpu.memory_space<hbm>>, %arg6: memref<80xi32, #tpu.memory_space<vmem>>, %arg7: memref<80xi32, #tpu.memory_space<vmem>>, %arg8: memref<80x128xf32, #tpu.memory_space<vmem>>, %arg9: memref<80xi32, #tpu.memory_space<vmem>>, %arg10: memref<80xi32, #tpu.memory_space<vmem>>, %arg11: memref<80x128xf32, #tpu.memory_space<vmem>>, %arg12: memref<8x80xi32, #tpu.memory_space<vmem>>, %arg13: memref<!tpu.dma_semaphore, #tpu.memory_space<semaphore_mem>>, %arg14: memref<!tpu.dma_semaphore, #tpu.memory_space<semaphore_mem>>, %arg15: memref<10240x128xf32, #tpu.memory_space<vmem_shared>>) attributes {dimension_semantics = [#tpu.dimension_semantics<core_parallel>, #tpu.dimension_semantics<subcore_parallel>], iteration_bounds = array<i64: 2, 16>, scalar_prefetch = 0 : i64, scratch_operands = 10 : i64, tpu.core_type = #tpu.core_type<sc_vector_subcore>, window_params = [{transform_indices = #map}, {transform_indices = #map1}, {transform_indices = #map1}, {transform_indices = #map2}]} {
    %mul3A = arith.constant 2 : i32
    %mul3A_0 = arith.muli %arg1, %mul3A : i32
    %add3A = arith.addi %mul3A_0, %arg0 : i32
    %mul3A_1 = arith.constant 10000 : i32
    %mul3A_2 = arith.muli %add3A, %mul3A_1 : i32
    %iota3A = tpu.iota {dimensions = array<i32: 0>} : vector<16xi32>
    %scan3A = arith.constant 0 : i32
    %scan3A_3 = arith.constant 0 : i32
    %scan3A_4 = arith.constant 40 : i32
    %scan3A_5 = arith.addi %scan3A_3, %scan3A_4 : i32
    %scan3A_6 = arith.constant 1 : i32
    %scan3A_7 = scf.for %scan3A_86 = %scan3A_3 to %scan3A_5 step %scan3A_6 iter_args(%scan3A_87 = %scan3A) -> (i32)  : i32 {
      %jit3A = arith.constant 5 : i32
      %div3A = arith.divsi %scan3A_86, %jit3A : i32
      %sign3A = arith.constant 0 : i32
      %sign3A_88 = arith.cmpi sgt, %scan3A_86, %sign3A : i32
      %sign3A_89 = arith.extui %sign3A_88 : i1 to i32
      %sign3A_90 = arith.constant 0 : i32
      %sign3A_91 = arith.cmpi slt, %scan3A_86, %sign3A_90 : i32
      %sign3A_92 = arith.extui %sign3A_91 : i1 to i32
      %sign3A_93 = arith.subi %sign3A_89, %sign3A_92 : i32
      %sign3A_94 = arith.constant 0 : i32
      %sign3A_95 = arith.cmpi sgt, %jit3A, %sign3A_94 : i32
      %sign3A_96 = arith.extui %sign3A_95 : i1 to i32
      %sign3A_97 = arith.constant 0 : i32
      %sign3A_98 = arith.cmpi slt, %jit3A, %sign3A_97 : i32
      %sign3A_99 = arith.extui %sign3A_98 : i1 to i32
      %sign3A_100 = arith.subi %sign3A_96, %sign3A_99 : i32
      %ne3A = arith.cmpi ne, %sign3A_93, %sign3A_100 : i32
      %rem3A = arith.remsi %scan3A_86, %jit3A : i32
      %ne3A_101 = arith.constant 0 : i32
      %ne3A_102 = arith.cmpi ne, %rem3A, %ne3A_101 : i32
      %and3A = arith.andi %ne3A, %ne3A_102 : i1
      %sub3A = arith.constant 1 : i32
      %sub3A_103 = arith.subi %div3A, %sub3A : i32
      %select_n3A = arith.select %and3A, %sub3A_103, %div3A : i32
      %jit3A_104 = arith.constant 5 : i32
      %eq3A = arith.constant 0 : i32
      %eq3A_105 = arith.cmpi eq, %jit3A_104, %eq3A : i32
      %jit3A_106 = arith.constant 1 : i32
      %select_n3A_107 = arith.select %eq3A_105, %jit3A_106, %jit3A_104 : i32
      %rem3A_108 = arith.remsi %scan3A_86, %select_n3A_107 : i32
      %ne3A_109 = arith.constant 0 : i32
      %ne3A_110 = arith.cmpi ne, %rem3A_108, %ne3A_109 : i32
      %lt3A = arith.constant 0 : i32
      %lt3A_111 = arith.cmpi slt, %rem3A_108, %lt3A : i32
      %lt3A_112 = arith.constant 0 : i32
      %lt3A_113 = arith.cmpi slt, %select_n3A_107, %lt3A_112 : i32
      %ne3A_114 = arith.xori %lt3A_111, %lt3A_113 : i1
      %and3A_115 = arith.andi %ne3A_114, %ne3A_110 : i1
      %add3A_116 = arith.addi %rem3A_108, %select_n3A_107 : i32
      %select_n3A_117 = arith.select %and3A_115, %add3A_116, %rem3A_108 : i32
      %mul3A_118 = arith.constant 640 : i32
      %mul3A_119 = arith.muli %arg1, %mul3A_118 : i32
      %mul3A_120 = arith.constant 80 : i32
      %mul3A_121 = arith.muli %select_n3A, %mul3A_120 : i32
      %add3A_122 = arith.addi %mul3A_119, %mul3A_121 : i32
      %mul3A_123 = arith.constant 16 : i32
      %mul3A_124 = arith.muli %select_n3A_117, %mul3A_123 : i32
      %add3A_125 = arith.addi %add3A_122, %mul3A_124 : i32
      %add3A_126 = vector.broadcast %add3A_125 : i32 to vector<16xi32>
      %add3A_127 = arith.addi %add3A_126, %iota3A : vector<16xi32>
      %mul3A_128 = arith.constant 16 : i32
      %mul3A_129 = arith.muli %select_n3A_117, %mul3A_128 : i32
      %swap3A = arith.index_cast %select_n3A : i32 to index
      %swap3A_130 = arith.index_cast %mul3A_129 : i32 to index
      %swap3A_131 = tpu.vector_load %arg12[%swap3A, %swap3A_130] {strides = array<i32>} : memref<8x80xi32, #tpu.memory_space<vmem>>, vector<1x16xi32>,
      %swap3A_132 = vector.shape_cast %swap3A_131 : vector<1x16xi32> to vector<16xi32>
      %swap3A_133 = vector.shape_cast %add3A_127 : vector<16xi32> to vector<1x16xi32>
      tpu.vector_store %arg12[%swap3A, %swap3A_130], %swap3A_133 {strides = array<i32>} : memref<8x80xi32, #tpu.memory_space<vmem>>, vector<1x16xi32>,
      %scan3A_134 = arith.constant 0 : i32
      scf.yield %scan3A_134 : i32
    }
    %scan3A_8 = arith.constant 40 : i32
    %broadcast_in_dim3A = arith.constant 0.000000e+00 : f32
    %broadcast_in_dim3A_9 = vector.broadcast %broadcast_in_dim3A : f32 to vector<16xf32>
    %scan3A_10 = arith.constant 0 : i32
    %scan3A_11 = arith.constant 0 : i32
    %scan3A_12 = arith.constant 80 : i32
    %scan3A_13 = arith.addi %scan3A_11, %scan3A_12 : i32
    %scan3A_14 = arith.constant 1 : i32
    %scan3A_15 = scf.for %scan3A_86 = %scan3A_11 to %scan3A_13 step %scan3A_14 iter_args(%scan3A_87 = %scan3A_10) -> (i32)  : i32 {
      %swap3A = arith.index_cast %scan3A_86 : i32 to index
      %swap3A_88 = arith.constant 0 : index
      %swap3A_89 = tpu.vector_load %arg8[%swap3A, %swap3A_88] {strides = array<i32>} : memref<80x128xf32, #tpu.memory_space<vmem>>, vector<1x16xf32>,
      %swap3A_90 = vector.shape_cast %swap3A_89 : vector<1x16xf32> to vector<16xf32>
      %swap3A_91 = vector.shape_cast %broadcast_in_dim3A_9 : vector<16xf32> to vector<1x16xf32>
      tpu.vector_store %arg8[%swap3A, %swap3A_88], %swap3A_91 {strides = array<i32>} : memref<80x128xf32, #tpu.memory_space<vmem>>, vector<1x16xf32>,
      %swap3A_92 = arith.index_cast %scan3A_86 : i32 to index
      %swap3A_93 = arith.constant 16 : index
      %swap3A_94 = tpu.vector_load %arg8[%swap3A_92, %swap3A_93] {strides = array<i32>} : memref<80x128xf32, #tpu.memory_space<vmem>>, vector<1x16xf32>,
      %swap3A_95 = vector.shape_cast %swap3A_94 : vector<1x16xf32> to vector<16xf32>
      %swap3A_96 = vector.shape_cast %broadcast_in_dim3A_9 : vector<16xf32> to vector<1x16xf32>
      tpu.vector_store %arg8[%swap3A_92, %swap3A_93], %swap3A_96 {strides = array<i32>} : memref<80x128xf32, #tpu.memory_space<vmem>>, vector<1x16xf32>,
      %swap3A_97 = arith.index_cast %scan3A_86 : i32 to index
      %swap3A_98 = arith.constant 32 : index
      %swap3A_99 = tpu.vector_load %arg8[%swap3A_97, %swap3A_98] {strides = array<i32>} : memref<80x128xf32, #tpu.memory_space<vmem>>, vector<1x16xf32>,
      %swap3A_100 = vector.shape_cast %swap3A_99 : vector<1x16xf32> to vector<16xf32>
      %swap3A_101 = vector.shape_cast %broadcast_in_dim3A_9 : vector<16xf32> to vector<1x16xf32>
      tpu.vector_store %arg8[%swap3A_97, %swap3A_98], %swap3A_101 {strides = array<i32>} : memref<80x128xf32, #tpu.memory_space<vmem>>, vector<1x16xf32>,
      %swap3A_102 = arith.index_cast %scan3A_86 : i32 to index
      %swap3A_103 = arith.constant 48 : index
      %swap3A_104 = tpu.vector_load %arg8[%swap3A_102, %swap3A_103] {strides = array<i32>} : memref<80x128xf32, #tpu.memory_space<vmem>>, vector<1x16xf32>,
      %swap3A_105 = vector.shape_cast %swap3A_104 : vector<1x16xf32> to vector<16xf32>
      %swap3A_106 = vector.shape_cast %broadcast_in_dim3A_9 : vector<16xf32> to vector<1x16xf32>
      tpu.vector_store %arg8[%swap3A_102, %swap3A_103], %swap3A_106 {strides = array<i32>} : memref<80x128xf32, #tpu.memory_space<vmem>>, vector<1x16xf32>,
      %swap3A_107 = arith.index_cast %scan3A_86 : i32 to index
      %swap3A_108 = arith.constant 64 : index
      %swap3A_109 = tpu.vector_load %arg8[%swap3A_107, %swap3A_108] {strides = array<i32>} : memref<80x128xf32, #tpu.memory_space<vmem>>, vector<1x16xf32>,
      %swap3A_110 = vector.shape_cast %swap3A_109 : vector<1x16xf32> to vector<16xf32>
      %swap3A_111 = vector.shape_cast %broadcast_in_dim3A_9 : vector<16xf32> to vector<1x16xf32>
      tpu.vector_store %arg8[%swap3A_107, %swap3A_108], %swap3A_111 {strides = array<i32>} : memref<80x128xf32, #tpu.memory_space<vmem>>, vector<1x16xf32>,
      %swap3A_112 = arith.index_cast %scan3A_86 : i32 to index
      %swap3A_113 = arith.constant 80 : index
      %swap3A_114 = tpu.vector_load %arg8[%swap3A_112, %swap3A_113] {strides = array<i32>} : memref<80x128xf32, #tpu.memory_space<vmem>>, vector<1x16xf32>,
      %swap3A_115 = vector.shape_cast %swap3A_114 : vector<1x16xf32> to vector<16xf32>
      %swap3A_116 = vector.shape_cast %broadcast_in_dim3A_9 : vector<16xf32> to vector<1x16xf32>
      tpu.vector_store %arg8[%swap3A_112, %swap3A_113], %swap3A_116 {strides = array<i32>} : memref<80x128xf32, #tpu.memory_space<vmem>>, vector<1x16xf32>,
      %swap3A_117 = arith.index_cast %scan3A_86 : i32 to index
      %swap3A_118 = arith.constant 96 : index
      %swap3A_119 = tpu.vector_load %arg8[%swap3A_117, %swap3A_118] {strides = array<i32>} : memref<80x128xf32, #tpu.memory_space<vmem>>, vector<1x16xf32>,
      %swap3A_120 = vector.shape_cast %swap3A_119 : vector<1x16xf32> to vector<16xf32>
      %swap3A_121 = vector.shape_cast %broadcast_in_dim3A_9 : vector<16xf32> to vector<1x16xf32>
      tpu.vector_store %arg8[%swap3A_117, %swap3A_118], %swap3A_121 {strides = array<i32>} : memref<80x128xf32, #tpu.memory_space<vmem>>, vector<1x16xf32>,
      %swap3A_122 = arith.index_cast %scan3A_86 : i32 to index
      %swap3A_123 = arith.constant 112 : index
      %swap3A_124 = tpu.vector_load %arg8[%swap3A_122, %swap3A_123] {strides = array<i32>} : memref<80x128xf32, #tpu.memory_space<vmem>>, vector<1x16xf32>,
      %swap3A_125 = vector.shape_cast %swap3A_124 : vector<1x16xf32> to vector<16xf32>
      %swap3A_126 = vector.shape_cast %broadcast_in_dim3A_9 : vector<16xf32> to vector<1x16xf32>
      tpu.vector_store %arg8[%swap3A_122, %swap3A_123], %swap3A_126 {strides = array<i32>} : memref<80x128xf32, #tpu.memory_space<vmem>>, vector<1x16xf32>,
      %scan3A_127 = arith.constant 0 : i32
      scf.yield %scan3A_127 : i32
    }
    %scan3A_16 = arith.constant 80 : i32
    %run_scoped3A = arith.constant 0 : i32
    "tpu.region"() ({
      %run_scoped3A_86 = tpu.sem_alloc : memref<!tpu.dma_semaphore, #tpu.memory_space<semaphore_mem>>
      %dma_start3A_87 = arith.constant 0 : i32
      %dma_start3A_88 = tpu.memref_slice %arg12[%run_scoped3A, %dma_start3A_87] : memref<8x80xi32, #tpu.memory_space<vmem>> -> memref<1x80xi32, #tpu.memory_space<vmem>>
      %dma_start3A_89 = tpu.memref_squeeze %dma_start3A_88 : memref<1x80xi32, #tpu.memory_space<vmem>> -> memref<80xi32, #tpu.memory_space<vmem>>
      %dma_start3A_90 = arith.constant 0 : i32
      %dma_start3A_91 = arith.constant 0 : i32
      %dma_start3A_92 = tpu.memref_slice %arg15[%dma_start3A_90, %dma_start3A_91] : memref<10240x128xf32, #tpu.memory_space<vmem_shared>> -> memref<10240x128xf32, #tpu.memory_space<vmem_shared>>
      tpu.enqueue_indirect_dma source(%arg8 : memref<80x128xf32, #tpu.memory_space<vmem>>) target(%dma_start3A_92 : memref<10240x128xf32, #tpu.memory_space<vmem_shared>>) offsets(%dma_start3A_89 : memref<80xi32, #tpu.memory_space<vmem>>) semaphore(%run_scoped3A_86 : memref<!tpu.dma_semaphore, #tpu.memory_space<semaphore_mem>>)
      %dma_wait3A_93 = arith.constant 0 : i32
      %dma_wait3A_94 = tpu.memref_slice %arg12[%run_scoped3A, %dma_wait3A_93] : memref<8x80xi32, #tpu.memory_space<vmem>> -> memref<1x80xi32, #tpu.memory_space<vmem>>
      %dma_wait3A_95 = tpu.memref_squeeze %dma_wait3A_94 : memref<1x80xi32, #tpu.memory_space<vmem>> -> memref<80xi32, #tpu.memory_space<vmem>>
      %dma_wait3A_96 = arith.constant 0 : i32
      %dma_wait3A_97 = arith.constant 0 : i32
      %dma_wait3A_98 = tpu.memref_slice %arg15[%dma_wait3A_96, %dma_wait3A_97] : memref<10240x128xf32, #tpu.memory_space<vmem_shared>> -> memref<10240x128xf32, #tpu.memory_space<vmem_shared>>
      tpu.wait_indirect_dma semaphore(%run_scoped3A_86 : memref<!tpu.dma_semaphore, #tpu.memory_space<semaphore_mem>>) src(%arg8 : memref<80x128xf32, #tpu.memory_space<vmem>>) dst(%dma_wait3A_98 : memref<10240x128xf32, #tpu.memory_space<vmem_shared>>)
      tpu.yield
    }) : () -> ()
    %run_scoped3A_17 = arith.constant 1 : i32
    "tpu.region"() ({
      %run_scoped3A_86 = tpu.sem_alloc : memref<!tpu.dma_semaphore, #tpu.memory_space<semaphore_mem>>
      %dma_start3A_87 = arith.constant 0 : i32
      %dma_start3A_88 = tpu.memref_slice %arg12[%run_scoped3A_17, %dma_start3A_87] : memref<8x80xi32, #tpu.memory_space<vmem>> -> memref<1x80xi32, #tpu.memory_space<vmem>>
      %dma_start3A_89 = tpu.memref_squeeze %dma_start3A_88 : memref<1x80xi32, #tpu.memory_space<vmem>> -> memref<80xi32, #tpu.memory_space<vmem>>
      %dma_start3A_90 = arith.constant 0 : i32
      %dma_start3A_91 = arith.constant 0 : i32
      %dma_start3A_92 = tpu.memref_slice %arg15[%dma_start3A_90, %dma_start3A_91] : memref<10240x128xf32, #tpu.memory_space<vmem_shared>> -> memref<10240x128xf32, #tpu.memory_space<vmem_shared>>
      tpu.enqueue_indirect_dma source(%arg8 : memref<80x128xf32, #tpu.memory_space<vmem>>) target(%dma_start3A_92 : memref<10240x128xf32, #tpu.memory_space<vmem_shared>>) offsets(%dma_start3A_89 : memref<80xi32, #tpu.memory_space<vmem>>) semaphore(%run_scoped3A_86 : memref<!tpu.dma_semaphore, #tpu.memory_space<semaphore_mem>>)
      %dma_wait3A_93 = arith.constant 0 : i32
      %dma_wait3A_94 = tpu.memref_slice %arg12[%run_scoped3A_17, %dma_wait3A_93] : memref<8x80xi32, #tpu.memory_space<vmem>> -> memref<1x80xi32, #tpu.memory_space<vmem>>
      %dma_wait3A_95 = tpu.memref_squeeze %dma_wait3A_94 : memref<1x80xi32, #tpu.memory_space<vmem>> -> memref<80xi32, #tpu.memory_space<vmem>>
      %dma_wait3A_96 = arith.constant 0 : i32
      %dma_wait3A_97 = arith.constant 0 : i32
      %dma_wait3A_98 = tpu.memref_slice %arg15[%dma_wait3A_96, %dma_wait3A_97] : memref<10240x128xf32, #tpu.memory_space<vmem_shared>> -> memref<10240x128xf32, #tpu.memory_space<vmem_shared>>
      tpu.wait_indirect_dma semaphore(%run_scoped3A_86 : memref<!tpu.dma_semaphore, #tpu.memory_space<semaphore_mem>>) src(%arg8 : memref<80x128xf32, #tpu.memory_space<vmem>>) dst(%dma_wait3A_98 : memref<10240x128xf32, #tpu.memory_space<vmem_shared>>)
      tpu.yield
    }) : () -> ()
    %run_scoped3A_18 = arith.constant 2 : i32
    "tpu.region"() ({
      %run_scoped3A_86 = tpu.sem_alloc : memref<!tpu.dma_semaphore, #tpu.memory_space<semaphore_mem>>
      %dma_start3A_87 = arith.constant 0 : i32
      %dma_start3A_88 = tpu.memref_slice %arg12[%run_scoped3A_18, %dma_start3A_87] : memref<8x80xi32, #tpu.memory_space<vmem>> -> memref<1x80xi32, #tpu.memory_space<vmem>>
      %dma_start3A_89 = tpu.memref_squeeze %dma_start3A_88 : memref<1x80xi32, #tpu.memory_space<vmem>> -> memref<80xi32, #tpu.memory_space<vmem>>
      %dma_start3A_90 = arith.constant 0 : i32
      %dma_start3A_91 = arith.constant 0 : i32
      %dma_start3A_92 = tpu.memref_slice %arg15[%dma_start3A_90, %dma_start3A_91] : memref<10240x128xf32, #tpu.memory_space<vmem_shared>> -> memref<10240x128xf32, #tpu.memory_space<vmem_shared>>
      tpu.enqueue_indirect_dma source(%arg8 : memref<80x128xf32, #tpu.memory_space<vmem>>) target(%dma_start3A_92 : memref<10240x128xf32, #tpu.memory_space<vmem_shared>>) offsets(%dma_start3A_89 : memref<80xi32, #tpu.memory_space<vmem>>) semaphore(%run_scoped3A_86 : memref<!tpu.dma_semaphore, #tpu.memory_space<semaphore_mem>>)
      %dma_wait3A_93 = arith.constant 0 : i32
      %dma_wait3A_94 = tpu.memref_slice %arg12[%run_scoped3A_18, %dma_wait3A_93] : memref<8x80xi32, #tpu.memory_space<vmem>> -> memref<1x80xi32, #tpu.memory_space<vmem>>
      %dma_wait3A_95 = tpu.memref_squeeze %dma_wait3A_94 : memref<1x80xi32, #tpu.memory_space<vmem>> -> memref<80xi32, #tpu.memory_space<vmem>>
      %dma_wait3A_96 = arith.constant 0 : i32
      %dma_wait3A_97 = arith.constant 0 : i32
      %dma_wait3A_98 = tpu.memref_slice %arg15[%dma_wait3A_96, %dma_wait3A_97] : memref<10240x128xf32, #tpu.memory_space<vmem_shared>> -> memref<10240x128xf32, #tpu.memory_space<vmem_shared>>
      tpu.wait_indirect_dma semaphore(%run_scoped3A_86 : memref<!tpu.dma_semaphore, #tpu.memory_space<semaphore_mem>>) src(%arg8 : memref<80x128xf32, #tpu.memory_space<vmem>>) dst(%dma_wait3A_98 : memref<10240x128xf32, #tpu.memory_space<vmem_shared>>)
      tpu.yield
    }) : () -> ()
    %run_scoped3A_19 = arith.constant 3 : i32
    "tpu.region"() ({
      %run_scoped3A_86 = tpu.sem_alloc : memref<!tpu.dma_semaphore, #tpu.memory_space<semaphore_mem>>
      %dma_start3A_87 = arith.constant 0 : i32
      %dma_start3A_88 = tpu.memref_slice %arg12[%run_scoped3A_19, %dma_start3A_87] : memref<8x80xi32, #tpu.memory_space<vmem>> -> memref<1x80xi32, #tpu.memory_space<vmem>>
      %dma_start3A_89 = tpu.memref_squeeze %dma_start3A_88 : memref<1x80xi32, #tpu.memory_space<vmem>> -> memref<80xi32, #tpu.memory_space<vmem>>
      %dma_start3A_90 = arith.constant 0 : i32
      %dma_start3A_91 = arith.constant 0 : i32
      %dma_start3A_92 = tpu.memref_slice %arg15[%dma_start3A_90, %dma_start3A_91] : memref<10240x128xf32, #tpu.memory_space<vmem_shared>> -> memref<10240x128xf32, #tpu.memory_space<vmem_shared>>
      tpu.enqueue_indirect_dma source(%arg8 : memref<80x128xf32, #tpu.memory_space<vmem>>) target(%dma_start3A_92 : memref<10240x128xf32, #tpu.memory_space<vmem_shared>>) offsets(%dma_start3A_89 : memref<80xi32, #tpu.memory_space<vmem>>) semaphore(%run_scoped3A_86 : memref<!tpu.dma_semaphore, #tpu.memory_space<semaphore_mem>>)
      %dma_wait3A_93 = arith.constant 0 : i32
      %dma_wait3A_94 = tpu.memref_slice %arg12[%run_scoped3A_19, %dma_wait3A_93] : memref<8x80xi32, #tpu.memory_space<vmem>> -> memref<1x80xi32, #tpu.memory_space<vmem>>
      %dma_wait3A_95 = tpu.memref_squeeze %dma_wait3A_94 : memref<1x80xi32, #tpu.memory_space<vmem>> -> memref<80xi32, #tpu.memory_space<vmem>>
      %dma_wait3A_96 = arith.constant 0 : i32
      %dma_wait3A_97 = arith.constant 0 : i32
      %dma_wait3A_98 = tpu.memref_slice %arg15[%dma_wait3A_96, %dma_wait3A_97] : memref<10240x128xf32, #tpu.memory_space<vmem_shared>> -> memref<10240x128xf32, #tpu.memory_space<vmem_shared>>
      tpu.wait_indirect_dma semaphore(%run_scoped3A_86 : memref<!tpu.dma_semaphore, #tpu.memory_space<semaphore_mem>>) src(%arg8 : memref<80x128xf32, #tpu.memory_space<vmem>>) dst(%dma_wait3A_98 : memref<10240x128xf32, #tpu.memory_space<vmem_shared>>)
      tpu.yield
    }) : () -> ()
    %run_scoped3A_20 = arith.constant 4 : i32
    "tpu.region"() ({
      %run_scoped3A_86 = tpu.sem_alloc : memref<!tpu.dma_semaphore, #tpu.memory_space<semaphore_mem>>
      %dma_start3A_87 = arith.constant 0 : i32
      %dma_start3A_88 = tpu.memref_slice %arg12[%run_scoped3A_20, %dma_start3A_87] : memref<8x80xi32, #tpu.memory_space<vmem>> -> memref<1x80xi32, #tpu.memory_space<vmem>>
      %dma_start3A_89 = tpu.memref_squeeze %dma_start3A_88 : memref<1x80xi32, #tpu.memory_space<vmem>> -> memref<80xi32, #tpu.memory_space<vmem>>
      %dma_start3A_90 = arith.constant 0 : i32
      %dma_start3A_91 = arith.constant 0 : i32
      %dma_start3A_92 = tpu.memref_slice %arg15[%dma_start3A_90, %dma_start3A_91] : memref<10240x128xf32, #tpu.memory_space<vmem_shared>> -> memref<10240x128xf32, #tpu.memory_space<vmem_shared>>
      tpu.enqueue_indirect_dma source(%arg8 : memref<80x128xf32, #tpu.memory_space<vmem>>) target(%dma_start3A_92 : memref<10240x128xf32, #tpu.memory_space<vmem_shared>>) offsets(%dma_start3A_89 : memref<80xi32, #tpu.memory_space<vmem>>) semaphore(%run_scoped3A_86 : memref<!tpu.dma_semaphore, #tpu.memory_space<semaphore_mem>>)
      %dma_wait3A_93 = arith.constant 0 : i32
      %dma_wait3A_94 = tpu.memref_slice %arg12[%run_scoped3A_20, %dma_wait3A_93] : memref<8x80xi32, #tpu.memory_space<vmem>> -> memref<1x80xi32, #tpu.memory_space<vmem>>
      %dma_wait3A_95 = tpu.memref_squeeze %dma_wait3A_94 : memref<1x80xi32, #tpu.memory_space<vmem>> -> memref<80xi32, #tpu.memory_space<vmem>>
      %dma_wait3A_96 = arith.constant 0 : i32
      %dma_wait3A_97 = arith.constant 0 : i32
      %dma_wait3A_98 = tpu.memref_slice %arg15[%dma_wait3A_96, %dma_wait3A_97] : memref<10240x128xf32, #tpu.memory_space<vmem_shared>> -> memref<10240x128xf32, #tpu.memory_space<vmem_shared>>
      tpu.wait_indirect_dma semaphore(%run_scoped3A_86 : memref<!tpu.dma_semaphore, #tpu.memory_space<semaphore_mem>>) src(%arg8 : memref<80x128xf32, #tpu.memory_space<vmem>>) dst(%dma_wait3A_98 : memref<10240x128xf32, #tpu.memory_space<vmem_shared>>)
      tpu.yield
    }) : () -> ()
    %run_scoped3A_21 = arith.constant 5 : i32
    "tpu.region"() ({
      %run_scoped3A_86 = tpu.sem_alloc : memref<!tpu.dma_semaphore, #tpu.memory_space<semaphore_mem>>
      %dma_start3A_87 = arith.constant 0 : i32
      %dma_start3A_88 = tpu.memref_slice %arg12[%run_scoped3A_21, %dma_start3A_87] : memref<8x80xi32, #tpu.memory_space<vmem>> -> memref<1x80xi32, #tpu.memory_space<vmem>>
      %dma_start3A_89 = tpu.memref_squeeze %dma_start3A_88 : memref<1x80xi32, #tpu.memory_space<vmem>> -> memref<80xi32, #tpu.memory_space<vmem>>
      %dma_start3A_90 = arith.constant 0 : i32
      %dma_start3A_91 = arith.constant 0 : i32
      %dma_start3A_92 = tpu.memref_slice %arg15[%dma_start3A_90, %dma_start3A_91] : memref<10240x128xf32, #tpu.memory_space<vmem_shared>> -> memref<10240x128xf32, #tpu.memory_space<vmem_shared>>
      tpu.enqueue_indirect_dma source(%arg8 : memref<80x128xf32, #tpu.memory_space<vmem>>) target(%dma_start3A_92 : memref<10240x128xf32, #tpu.memory_space<vmem_shared>>) offsets(%dma_start3A_89 : memref<80xi32, #tpu.memory_space<vmem>>) semaphore(%run_scoped3A_86 : memref<!tpu.dma_semaphore, #tpu.memory_space<semaphore_mem>>)
      %dma_wait3A_93 = arith.constant 0 : i32
      %dma_wait3A_94 = tpu.memref_slice %arg12[%run_scoped3A_21, %dma_wait3A_93] : memref<8x80xi32, #tpu.memory_space<vmem>> -> memref<1x80xi32, #tpu.memory_space<vmem>>
      %dma_wait3A_95 = tpu.memref_squeeze %dma_wait3A_94 : memref<1x80xi32, #tpu.memory_space<vmem>> -> memref<80xi32, #tpu.memory_space<vmem>>
      %dma_wait3A_96 = arith.constant 0 : i32
      %dma_wait3A_97 = arith.constant 0 : i32
      %dma_wait3A_98 = tpu.memref_slice %arg15[%dma_wait3A_96, %dma_wait3A_97] : memref<10240x128xf32, #tpu.memory_space<vmem_shared>> -> memref<10240x128xf32, #tpu.memory_space<vmem_shared>>
      tpu.wait_indirect_dma semaphore(%run_scoped3A_86 : memref<!tpu.dma_semaphore, #tpu.memory_space<semaphore_mem>>) src(%arg8 : memref<80x128xf32, #tpu.memory_space<vmem>>) dst(%dma_wait3A_98 : memref<10240x128xf32, #tpu.memory_space<vmem_shared>>)
      tpu.yield
    }) : () -> ()
    %run_scoped3A_22 = arith.constant 6 : i32
    "tpu.region"() ({
      %run_scoped3A_86 = tpu.sem_alloc : memref<!tpu.dma_semaphore, #tpu.memory_space<semaphore_mem>>
      %dma_start3A_87 = arith.constant 0 : i32
      %dma_start3A_88 = tpu.memref_slice %arg12[%run_scoped3A_22, %dma_start3A_87] : memref<8x80xi32, #tpu.memory_space<vmem>> -> memref<1x80xi32, #tpu.memory_space<vmem>>
      %dma_start3A_89 = tpu.memref_squeeze %dma_start3A_88 : memref<1x80xi32, #tpu.memory_space<vmem>> -> memref<80xi32, #tpu.memory_space<vmem>>
      %dma_start3A_90 = arith.constant 0 : i32
      %dma_start3A_91 = arith.constant 0 : i32
      %dma_start3A_92 = tpu.memref_slice %arg15[%dma_start3A_90, %dma_start3A_91] : memref<10240x128xf32, #tpu.memory_space<vmem_shared>> -> memref<10240x128xf32, #tpu.memory_space<vmem_shared>>
      tpu.enqueue_indirect_dma source(%arg8 : memref<80x128xf32, #tpu.memory_space<vmem>>) target(%dma_start3A_92 : memref<10240x128xf32, #tpu.memory_space<vmem_shared>>) offsets(%dma_start3A_89 : memref<80xi32, #tpu.memory_space<vmem>>) semaphore(%run_scoped3A_86 : memref<!tpu.dma_semaphore, #tpu.memory_space<semaphore_mem>>)
      %dma_wait3A_93 = arith.constant 0 : i32
      %dma_wait3A_94 = tpu.memref_slice %arg12[%run_scoped3A_22, %dma_wait3A_93] : memref<8x80xi32, #tpu.memory_space<vmem>> -> memref<1x80xi32, #tpu.memory_space<vmem>>
      %dma_wait3A_95 = tpu.memref_squeeze %dma_wait3A_94 : memref<1x80xi32, #tpu.memory_space<vmem>> -> memref<80xi32, #tpu.memory_space<vmem>>
      %dma_wait3A_96 = arith.constant 0 : i32
      %dma_wait3A_97 = arith.constant 0 : i32
      %dma_wait3A_98 = tpu.memref_slice %arg15[%dma_wait3A_96, %dma_wait3A_97] : memref<10240x128xf32, #tpu.memory_space<vmem_shared>> -> memref<10240x128xf32, #tpu.memory_space<vmem_shared>>
      tpu.wait_indirect_dma semaphore(%run_scoped3A_86 : memref<!tpu.dma_semaphore, #tpu.memory_space<semaphore_mem>>) src(%arg8 : memref<80x128xf32, #tpu.memory_space<vmem>>) dst(%dma_wait3A_98 : memref<10240x128xf32, #tpu.memory_space<vmem_shared>>)
      tpu.yield
    }) : () -> ()
    %run_scoped3A_23 = arith.constant 7 : i32
    "tpu.region"() ({
      %run_scoped3A_86 = tpu.sem_alloc : memref<!tpu.dma_semaphore, #tpu.memory_space<semaphore_mem>>
      %dma_start3A_87 = arith.constant 0 : i32
      %dma_start3A_88 = tpu.memref_slice %arg12[%run_scoped3A_23, %dma_start3A_87] : memref<8x80xi32, #tpu.memory_space<vmem>> -> memref<1x80xi32, #tpu.memory_space<vmem>>
      %dma_start3A_89 = tpu.memref_squeeze %dma_start3A_88 : memref<1x80xi32, #tpu.memory_space<vmem>> -> memref<80xi32, #tpu.memory_space<vmem>>
      %dma_start3A_90 = arith.constant 0 : i32
      %dma_start3A_91 = arith.constant 0 : i32
      %dma_start3A_92 = tpu.memref_slice %arg15[%dma_start3A_90, %dma_start3A_91] : memref<10240x128xf32, #tpu.memory_space<vmem_shared>> -> memref<10240x128xf32, #tpu.memory_space<vmem_shared>>
      tpu.enqueue_indirect_dma source(%arg8 : memref<80x128xf32, #tpu.memory_space<vmem>>) target(%dma_start3A_92 : memref<10240x128xf32, #tpu.memory_space<vmem_shared>>) offsets(%dma_start3A_89 : memref<80xi32, #tpu.memory_space<vmem>>) semaphore(%run_scoped3A_86 : memref<!tpu.dma_semaphore, #tpu.memory_space<semaphore_mem>>)
      %dma_wait3A_93 = arith.constant 0 : i32
      %dma_wait3A_94 = tpu.memref_slice %arg12[%run_scoped3A_23, %dma_wait3A_93] : memref<8x80xi32, #tpu.memory_space<vmem>> -> memref<1x80xi32, #tpu.memory_space<vmem>>
      %dma_wait3A_95 = tpu.memref_squeeze %dma_wait3A_94 : memref<1x80xi32, #tpu.memory_space<vmem>> -> memref<80xi32, #tpu.memory_space<vmem>>
      %dma_wait3A_96 = arith.constant 0 : i32
      %dma_wait3A_97 = arith.constant 0 : i32
      %dma_wait3A_98 = tpu.memref_slice %arg15[%dma_wait3A_96, %dma_wait3A_97] : memref<10240x128xf32, #tpu.memory_space<vmem_shared>> -> memref<10240x128xf32, #tpu.memory_space<vmem_shared>>
      tpu.wait_indirect_dma semaphore(%run_scoped3A_86 : memref<!tpu.dma_semaphore, #tpu.memory_space<semaphore_mem>>) src(%arg8 : memref<80x128xf32, #tpu.memory_space<vmem>>) dst(%dma_wait3A_98 : memref<10240x128xf32, #tpu.memory_space<vmem_shared>>)
      tpu.yield
    }) : () -> ()
    %barrier3A = arith.constant 0 : index
    tpu.barrier barrier_id(%barrier3A)
    %add3A_24 = arith.constant 0 : i32
    %add3A_25 = arith.addi %mul3A_2, %add3A_24 : i32
    %multiple_of3A = tpu.assume_multiple %add3A_25, 8 : i32
    "tpu.region"() ({
      %run_scoped3A_86 = tpu.sem_alloc : memref<!tpu.dma_semaphore, #tpu.memory_space<semaphore_mem>>
      %dma_start3A_87 = tpu.memref_slice %arg3[%multiple_of3A] : memref<320000xi32, #tpu.memory_space<hbm>> -> memref<80xi32, #tpu.memory_space<hbm>>
      %dma_start3A_88 = tpu.memref_slice %arg3[%multiple_of3A] : memref<320000xi32, #tpu.memory_space<hbm>> -> memref<80xi32, #tpu.memory_space<hbm>>
      tpu.enqueue_dma source(%dma_start3A_88 : memref<80xi32, #tpu.memory_space<hbm>>) target(%arg6 : memref<80xi32, #tpu.memory_space<vmem>>) target_semaphore(%run_scoped3A_86 : memref<!tpu.dma_semaphore, #tpu.memory_space<semaphore_mem>>)
      %dma_wait3A_89 = tpu.memref_slice %arg3[%multiple_of3A] : memref<320000xi32, #tpu.memory_space<hbm>> -> memref<80xi32, #tpu.memory_space<hbm>>
      %dma_wait3A_90 = tpu.memref_slice %arg3[%multiple_of3A] : memref<320000xi32, #tpu.memory_space<hbm>> -> memref<80xi32, #tpu.memory_space<hbm>>
      tpu.wait_dma2 semaphore(%run_scoped3A_86 : memref<!tpu.dma_semaphore, #tpu.memory_space<semaphore_mem>>) src(%dma_wait3A_90 : memref<80xi32, #tpu.memory_space<hbm>>) dst(%arg6 : memref<80xi32, #tpu.memory_space<vmem>>)
      tpu.yield
    }) : () -> ()
    "tpu.region"() ({
      %run_scoped3A_86 = tpu.sem_alloc : memref<!tpu.dma_semaphore, #tpu.memory_space<semaphore_mem>>
      %dma_start3A_87 = tpu.memref_slice %arg4[%multiple_of3A] : memref<320000xi32, #tpu.memory_space<hbm>> -> memref<80xi32, #tpu.memory_space<hbm>>
      %dma_start3A_88 = tpu.memref_slice %arg4[%multiple_of3A] : memref<320000xi32, #tpu.memory_space<hbm>> -> memref<80xi32, #tpu.memory_space<hbm>>
      tpu.enqueue_dma source(%dma_start3A_88 : memref<80xi32, #tpu.memory_space<hbm>>) target(%arg7 : memref<80xi32, #tpu.memory_space<vmem>>) target_semaphore(%run_scoped3A_86 : memref<!tpu.dma_semaphore, #tpu.memory_space<semaphore_mem>>)
      %dma_wait3A_89 = tpu.memref_slice %arg4[%multiple_of3A] : memref<320000xi32, #tpu.memory_space<hbm>> -> memref<80xi32, #tpu.memory_space<hbm>>
      %dma_wait3A_90 = tpu.memref_slice %arg4[%multiple_of3A] : memref<320000xi32, #tpu.memory_space<hbm>> -> memref<80xi32, #tpu.memory_space<hbm>>
      tpu.wait_dma2 semaphore(%run_scoped3A_86 : memref<!tpu.dma_semaphore, #tpu.memory_space<semaphore_mem>>) src(%dma_wait3A_90 : memref<80xi32, #tpu.memory_space<hbm>>) dst(%arg7 : memref<80xi32, #tpu.memory_space<vmem>>)
      tpu.yield
    }) : () -> ()
    %dma_start3A = arith.constant 0 : i32
    %dma_start3A_26 = arith.constant 0 : i32
    %dma_start3A_27 = tpu.memref_slice %arg2[%dma_start3A, %dma_start3A_26] : memref<10000x128xf32, #tpu.memory_space<hbm>> -> memref<10000x128xf32, #tpu.memory_space<hbm>>
    tpu.enqueue_indirect_dma source(%dma_start3A_27 : memref<10000x128xf32, #tpu.memory_space<hbm>>) target(%arg8 : memref<80x128xf32, #tpu.memory_space<vmem>>) offsets(%arg6 : memref<80xi32, #tpu.memory_space<vmem>>) semaphore(%arg13 : memref<!tpu.dma_semaphore, #tpu.memory_space<semaphore_mem>>)
    %scan3A_28 = arith.constant 0 : i32
    %scan3A_29 = arith.constant 0 : i32
    %scan3A_30 = arith.constant 62 : i32
    %scan3A_31 = arith.addi %scan3A_29, %scan3A_30 : i32
    %scan3A_32 = arith.constant 1 : i32
    %scan3A_33 = scf.for %scan3A_86 = %scan3A_29 to %scan3A_31 step %scan3A_32 iter_args(%scan3A_87 = %scan3A_28) -> (i32)  : i32 {
      %mul3A_88 = arith.constant 2 : i32
      %mul3A_89 = arith.muli %mul3A_88, %scan3A_86 : i32
      %add3A_90 = arith.constant 1 : i32
      %add3A_91 = arith.addi %mul3A_89, %add3A_90 : i32
      %mul3A_92 = arith.constant 80 : i32
      %mul3A_93 = arith.muli %add3A_91, %mul3A_92 : i32
      %add3A_94 = arith.addi %mul3A_2, %mul3A_93 : i32
      %multiple_of3A_95 = tpu.assume_multiple %add3A_94, 8 : i32
      "tpu.region"() ({
        %run_scoped3A_115 = tpu.sem_alloc : memref<!tpu.dma_semaphore, #tpu.memory_space<semaphore_mem>>
        %dma_start3A_116 = tpu.memref_slice %arg3[%multiple_of3A_95] : memref<320000xi32, #tpu.memory_space<hbm>> -> memref<80xi32, #tpu.memory_space<hbm>>
        %dma_start3A_117 = tpu.memref_slice %arg3[%multiple_of3A_95] : memref<320000xi32, #tpu.memory_space<hbm>> -> memref<80xi32, #tpu.memory_space<hbm>>
        tpu.enqueue_dma source(%dma_start3A_117 : memref<80xi32, #tpu.memory_space<hbm>>) target(%arg9 : memref<80xi32, #tpu.memory_space<vmem>>) target_semaphore(%run_scoped3A_115 : memref<!tpu.dma_semaphore, #tpu.memory_space<semaphore_mem>>)
        %dma_wait3A_118 = tpu.memref_slice %arg3[%multiple_of3A_95] : memref<320000xi32, #tpu.memory_space<hbm>> -> memref<80xi32, #tpu.memory_space<hbm>>
        %dma_wait3A_119 = tpu.memref_slice %arg3[%multiple_of3A_95] : memref<320000xi32, #tpu.memory_space<hbm>> -> memref<80xi32, #tpu.memory_space<hbm>>
        tpu.wait_dma2 semaphore(%run_scoped3A_115 : memref<!tpu.dma_semaphore, #tpu.memory_space<semaphore_mem>>) src(%dma_wait3A_119 : memref<80xi32, #tpu.memory_space<hbm>>) dst(%arg9 : memref<80xi32, #tpu.memory_space<vmem>>)
        tpu.yield
      }) : () -> ()
      "tpu.region"() ({
        %run_scoped3A_115 = tpu.sem_alloc : memref<!tpu.dma_semaphore, #tpu.memory_space<semaphore_mem>>
        %dma_start3A_116 = tpu.memref_slice %arg4[%multiple_of3A_95] : memref<320000xi32, #tpu.memory_space<hbm>> -> memref<80xi32, #tpu.memory_space<hbm>>
        %dma_start3A_117 = tpu.memref_slice %arg4[%multiple_of3A_95] : memref<320000xi32, #tpu.memory_space<hbm>> -> memref<80xi32, #tpu.memory_space<hbm>>
        tpu.enqueue_dma source(%dma_start3A_117 : memref<80xi32, #tpu.memory_space<hbm>>) target(%arg10 : memref<80xi32, #tpu.memory_space<vmem>>) target_semaphore(%run_scoped3A_115 : memref<!tpu.dma_semaphore, #tpu.memory_space<semaphore_mem>>)
        %dma_wait3A_118 = tpu.memref_slice %arg4[%multiple_of3A_95] : memref<320000xi32, #tpu.memory_space<hbm>> -> memref<80xi32, #tpu.memory_space<hbm>>
        %dma_wait3A_119 = tpu.memref_slice %arg4[%multiple_of3A_95] : memref<320000xi32, #tpu.memory_space<hbm>> -> memref<80xi32, #tpu.memory_space<hbm>>
        tpu.wait_dma2 semaphore(%run_scoped3A_115 : memref<!tpu.dma_semaphore, #tpu.memory_space<semaphore_mem>>) src(%dma_wait3A_119 : memref<80xi32, #tpu.memory_space<hbm>>) dst(%arg10 : memref<80xi32, #tpu.memory_space<vmem>>)
        tpu.yield
      }) : () -> ()
      %dma_start3A_96 = arith.constant 0 : i32
      %dma_start3A_97 = arith.constant 0 : i32
      %dma_start3A_98 = tpu.memref_slice %arg2[%dma_start3A_96, %dma_start3A_97] : memref<10000x128xf32, #tpu.memory_space<hbm>> -> memref<10000x128xf32, #tpu.memory_space<hbm>>
      tpu.enqueue_indirect_dma source(%dma_start3A_98 : memref<10000x128xf32, #tpu.memory_space<hbm>>) target(%arg11 : memref<80x128xf32, #tpu.memory_space<vmem>>) offsets(%arg9 : memref<80xi32, #tpu.memory_space<vmem>>) semaphore(%arg14 : memref<!tpu.dma_semaphore, #tpu.memory_space<semaphore_mem>>)
      %dma_wait3A_99 = arith.constant 0 : i32
      %dma_wait3A_100 = arith.constant 0 : i32
      %dma_wait3A_101 = tpu.memref_slice %arg2[%dma_wait3A_99, %dma_wait3A_100] : memref<10000x128xf32, #tpu.memory_space<hbm>> -> memref<10000x128xf32, #tpu.memory_space<hbm>>
      tpu.wait_indirect_dma semaphore(%arg13 : memref<!tpu.dma_semaphore, #tpu.memory_space<semaphore_mem>>) src(%dma_wait3A_101 : memref<10000x128xf32, #tpu.memory_space<hbm>>) dst(%arg8 : memref<80x128xf32, #tpu.memory_space<vmem>>)
      "tpu.region"() ({
        %run_scoped3A_115 = tpu.sem_alloc : memref<!tpu.dma_semaphore, #tpu.memory_space<semaphore_mem>>
        %dma_start3A_116 = arith.constant 0 : i32
        %dma_start3A_117 = arith.constant 0 : i32
        %dma_start3A_118 = tpu.memref_slice %arg15[%dma_start3A_116, %dma_start3A_117] : memref<10240x128xf32, #tpu.memory_space<vmem_shared>> -> memref<10240x128xf32, #tpu.memory_space<vmem_shared>>
        tpu.enqueue_indirect_dma source(%arg8 : memref<80x128xf32, #tpu.memory_space<vmem>>) target(%dma_start3A_118 : memref<10240x128xf32, #tpu.memory_space<vmem_shared>>) offsets(%arg7 : memref<80xi32, #tpu.memory_space<vmem>>) semaphore(%run_scoped3A_115 : memref<!tpu.dma_semaphore, #tpu.memory_space<semaphore_mem>>) {add = true}
        %dma_wait3A_119 = arith.constant 0 : i32
        %dma_wait3A_120 = arith.constant 0 : i32
        %dma_wait3A_121 = tpu.memref_slice %arg15[%dma_wait3A_119, %dma_wait3A_120] : memref<10240x128xf32, #tpu.memory_space<vmem_shared>> -> memref<10240x128xf32, #tpu.memory_space<vmem_shared>>
        tpu.wait_indirect_dma semaphore(%run_scoped3A_115 : memref<!tpu.dma_semaphore, #tpu.memory_space<semaphore_mem>>) src(%arg8 : memref<80x128xf32, #tpu.memory_space<vmem>>) dst(%dma_wait3A_121 : memref<10240x128xf32, #tpu.memory_space<vmem_shared>>)
        tpu.yield
      }) : () -> ()
      %add3A_102 = arith.constant 2 : i32
      %add3A_103 = arith.addi %mul3A_89, %add3A_102 : i32
      %mul3A_104 = arith.constant 80 : i32
      %mul3A_105 = arith.muli %add3A_103, %mul3A_104 : i32
      %add3A_106 = arith.addi %mul3A_2, %mul3A_105 : i32
      %multiple_of3A_107 = tpu.assume_multiple %add3A_106, 8 : i32
      "tpu.region"() ({
        %run_scoped3A_115 = tpu.sem_alloc : memref<!tpu.dma_semaphore, #tpu.memory_space<semaphore_mem>>
        %dma_start3A_116 = tpu.memref_slice %arg3[%multiple_of3A_107] : memref<320000xi32, #tpu.memory_space<hbm>> -> memref<80xi32, #tpu.memory_space<hbm>>
        %dma_start3A_117 = tpu.memref_slice %arg3[%multiple_of3A_107] : memref<320000xi32, #tpu.memory_space<hbm>> -> memref<80xi32, #tpu.memory_space<hbm>>
        tpu.enqueue_dma source(%dma_start3A_117 : memref<80xi32, #tpu.memory_space<hbm>>) target(%arg6 : memref<80xi32, #tpu.memory_space<vmem>>) target_semaphore(%run_scoped3A_115 : memref<!tpu.dma_semaphore, #tpu.memory_space<semaphore_mem>>)
        %dma_wait3A_118 = tpu.memref_slice %arg3[%multiple_of3A_107] : memref<320000xi32, #tpu.memory_space<hbm>> -> memref<80xi32, #tpu.memory_space<hbm>>
        %dma_wait3A_119 = tpu.memref_slice %arg3[%multiple_of3A_107] : memref<320000xi32, #tpu.memory_space<hbm>> -> memref<80xi32, #tpu.memory_space<hbm>>
        tpu.wait_dma2 semaphore(%run_scoped3A_115 : memref<!tpu.dma_semaphore, #tpu.memory_space<semaphore_mem>>) src(%dma_wait3A_119 : memref<80xi32, #tpu.memory_space<hbm>>) dst(%arg6 : memref<80xi32, #tpu.memory_space<vmem>>)
        tpu.yield
      }) : () -> ()
      "tpu.region"() ({
        %run_scoped3A_115 = tpu.sem_alloc : memref<!tpu.dma_semaphore, #tpu.memory_space<semaphore_mem>>
        %dma_start3A_116 = tpu.memref_slice %arg4[%multiple_of3A_107] : memref<320000xi32, #tpu.memory_space<hbm>> -> memref<80xi32, #tpu.memory_space<hbm>>
        %dma_start3A_117 = tpu.memref_slice %arg4[%multiple_of3A_107] : memref<320000xi32, #tpu.memory_space<hbm>> -> memref<80xi32, #tpu.memory_space<hbm>>
        tpu.enqueue_dma source(%dma_start3A_117 : memref<80xi32, #tpu.memory_space<hbm>>) target(%arg7 : memref<80xi32, #tpu.memory_space<vmem>>) target_semaphore(%run_scoped3A_115 : memref<!tpu.dma_semaphore, #tpu.memory_space<semaphore_mem>>)
        %dma_wait3A_118 = tpu.memref_slice %arg4[%multiple_of3A_107] : memref<320000xi32, #tpu.memory_space<hbm>> -> memref<80xi32, #tpu.memory_space<hbm>>
        %dma_wait3A_119 = tpu.memref_slice %arg4[%multiple_of3A_107] : memref<320000xi32, #tpu.memory_space<hbm>> -> memref<80xi32, #tpu.memory_space<hbm>>
        tpu.wait_dma2 semaphore(%run_scoped3A_115 : memref<!tpu.dma_semaphore, #tpu.memory_space<semaphore_mem>>) src(%dma_wait3A_119 : memref<80xi32, #tpu.memory_space<hbm>>) dst(%arg7 : memref<80xi32, #tpu.memory_space<vmem>>)
        tpu.yield
      }) : () -> ()
      %dma_start3A_108 = arith.constant 0 : i32
      %dma_start3A_109 = arith.constant 0 : i32
      %dma_start3A_110 = tpu.memref_slice %arg2[%dma_start3A_108, %dma_start3A_109] : memref<10000x128xf32, #tpu.memory_space<hbm>> -> memref<10000x128xf32, #tpu.memory_space<hbm>>
      tpu.enqueue_indirect_dma source(%dma_start3A_110 : memref<10000x128xf32, #tpu.memory_space<hbm>>) target(%arg8 : memref<80x128xf32, #tpu.memory_space<vmem>>) offsets(%arg6 : memref<80xi32, #tpu.memory_space<vmem>>) semaphore(%arg13 : memref<!tpu.dma_semaphore, #tpu.memory_space<semaphore_mem>>)
      %dma_wait3A_111 = arith.constant 0 : i32
      %dma_wait3A_112 = arith.constant 0 : i32
      %dma_wait3A_113 = tpu.memref_slice %arg2[%dma_wait3A_111, %dma_wait3A_112] : memref<10000x128xf32, #tpu.memory_space<hbm>> -> memref<10000x128xf32, #tpu.memory_space<hbm>>
      tpu.wait_indirect_dma semaphore(%arg14 : memref<!tpu.dma_semaphore, #tpu.memory_space<semaphore_mem>>) src(%dma_wait3A_113 : memref<10000x128xf32, #tpu.memory_space<hbm>>) dst(%arg11 : memref<80x128xf32, #tpu.memory_space<vmem>>)
      "tpu.region"() ({
        %run_scoped3A_115 = tpu.sem_alloc : memref<!tpu.dma_semaphore, #tpu.memory_space<semaphore_mem>>
        %dma_start3A_116 = arith.constant 0 : i32
        %dma_start3A_117 = arith.constant 0 : i32
        %dma_start3A_118 = tpu.memref_slice %arg15[%dma_start3A_116, %dma_start3A_117] : memref<10240x128xf32, #tpu.memory_space<vmem_shared>> -> memref<10240x128xf32, #tpu.memory_space<vmem_shared>>
        tpu.enqueue_indirect_dma source(%arg11 : memref<80x128xf32, #tpu.memory_space<vmem>>) target(%dma_start3A_118 : memref<10240x128xf32, #tpu.memory_space<vmem_shared>>) offsets(%arg10 : memref<80xi32, #tpu.memory_space<vmem>>) semaphore(%run_scoped3A_115 : memref<!tpu.dma_semaphore, #tpu.memory_space<semaphore_mem>>) {add = true}
        %dma_wait3A_119 = arith.constant 0 : i32
        %dma_wait3A_120 = arith.constant 0 : i32
        %dma_wait3A_121 = tpu.memref_slice %arg15[%dma_wait3A_119, %dma_wait3A_120] : memref<10240x128xf32, #tpu.memory_space<vmem_shared>> -> memref<10240x128xf32, #tpu.memory_space<vmem_shared>>
        tpu.wait_indirect_dma semaphore(%run_scoped3A_115 : memref<!tpu.dma_semaphore, #tpu.memory_space<semaphore_mem>>) src(%arg11 : memref<80x128xf32, #tpu.memory_space<vmem>>) dst(%dma_wait3A_121 : memref<10240x128xf32, #tpu.memory_space<vmem_shared>>)
        tpu.yield
      }) : () -> ()
      %scan3A_114 = arith.constant 0 : i32
      scf.yield %scan3A_114 : i32
    }
    %scan3A_34 = arith.constant 62 : i32
    %dma_wait3A = arith.constant 0 : i32
    %dma_wait3A_35 = arith.constant 0 : i32
    %dma_wait3A_36 = tpu.memref_slice %arg2[%dma_wait3A, %dma_wait3A_35] : memref<10000x128xf32, #tpu.memory_space<hbm>> -> memref<10000x128xf32, #tpu.memory_space<hbm>>
    tpu.wait_indirect_dma semaphore(%arg13 : memref<!tpu.dma_semaphore, #tpu.memory_space<semaphore_mem>>) src(%dma_wait3A_36 : memref<10000x128xf32, #tpu.memory_space<hbm>>) dst(%arg8 : memref<80x128xf32, #tpu.memory_space<vmem>>)
    "tpu.region"() ({
      %run_scoped3A_86 = tpu.sem_alloc : memref<!tpu.dma_semaphore, #tpu.memory_space<semaphore_mem>>
      %dma_start3A_87 = arith.constant 0 : i32
      %dma_start3A_88 = arith.constant 0 : i32
      %dma_start3A_89 = tpu.memref_slice %arg15[%dma_start3A_87, %dma_start3A_88] : memref<10240x128xf32, #tpu.memory_space<vmem_shared>> -> memref<10240x128xf32, #tpu.memory_space<vmem_shared>>
      tpu.enqueue_indirect_dma source(%arg8 : memref<80x128xf32, #tpu.memory_space<vmem>>) target(%dma_start3A_89 : memref<10240x128xf32, #tpu.memory_space<vmem_shared>>) offsets(%arg7 : memref<80xi32, #tpu.memory_space<vmem>>) semaphore(%run_scoped3A_86 : memref<!tpu.dma_semaphore, #tpu.memory_space<semaphore_mem>>) {add = true}
      %dma_wait3A_90 = arith.constant 0 : i32
      %dma_wait3A_91 = arith.constant 0 : i32
      %dma_wait3A_92 = tpu.memref_slice %arg15[%dma_wait3A_90, %dma_wait3A_91] : memref<10240x128xf32, #tpu.memory_space<vmem_shared>> -> memref<10240x128xf32, #tpu.memory_space<vmem_shared>>
      tpu.wait_indirect_dma semaphore(%run_scoped3A_86 : memref<!tpu.dma_semaphore, #tpu.memory_space<semaphore_mem>>) src(%arg8 : memref<80x128xf32, #tpu.memory_space<vmem>>) dst(%dma_wait3A_92 : memref<10240x128xf32, #tpu.memory_space<vmem_shared>>)
      tpu.yield
    }) : () -> ()
    %barrier3A_37 = arith.constant 0 : index
    tpu.barrier barrier_id(%barrier3A_37)
    %mul3A_38 = arith.constant 640 : i32
    %mul3A_39 = arith.muli %arg1, %mul3A_38 : i32
    %add3A_40 = arith.constant 0 : i32
    %add3A_41 = arith.addi %mul3A_39, %add3A_40 : i32
    %multiple_of3A_42 = tpu.assume_multiple %add3A_41, 8 : i32
    %run_scoped3A_43 = arith.constant 0 : i32
    "tpu.region"() ({
      %run_scoped3A_86 = tpu.sem_alloc : memref<!tpu.dma_semaphore, #tpu.memory_space<semaphore_mem>>
      %dma_start3A_87 = arith.constant 0 : i32
      %dma_start3A_88 = tpu.memref_slice %arg12[%run_scoped3A_43, %dma_start3A_87] : memref<8x80xi32, #tpu.memory_space<vmem>> -> memref<1x80xi32, #tpu.memory_space<vmem>>
      %dma_start3A_89 = tpu.memref_squeeze %dma_start3A_88 : memref<1x80xi32, #tpu.memory_space<vmem>> -> memref<80xi32, #tpu.memory_space<vmem>>
      %dma_start3A_90 = arith.constant 0 : i32
      %dma_start3A_91 = arith.constant 0 : i32
      %dma_start3A_92 = tpu.memref_slice %arg15[%dma_start3A_90, %dma_start3A_91] : memref<10240x128xf32, #tpu.memory_space<vmem_shared>> -> memref<10240x128xf32, #tpu.memory_space<vmem_shared>>
      tpu.enqueue_indirect_dma source(%dma_start3A_92 : memref<10240x128xf32, #tpu.memory_space<vmem_shared>>) target(%arg8 : memref<80x128xf32, #tpu.memory_space<vmem>>) offsets(%dma_start3A_89 : memref<80xi32, #tpu.memory_space<vmem>>) semaphore(%run_scoped3A_86 : memref<!tpu.dma_semaphore, #tpu.memory_space<semaphore_mem>>)
      %dma_wait3A_93 = arith.constant 0 : i32
      %dma_wait3A_94 = tpu.memref_slice %arg12[%run_scoped3A_43, %dma_wait3A_93] : memref<8x80xi32, #tpu.memory_space<vmem>> -> memref<1x80xi32, #tpu.memory_space<vmem>>
      %dma_wait3A_95 = tpu.memref_squeeze %dma_wait3A_94 : memref<1x80xi32, #tpu.memory_space<vmem>> -> memref<80xi32, #tpu.memory_space<vmem>>
      %dma_wait3A_96 = arith.constant 0 : i32
      %dma_wait3A_97 = arith.constant 0 : i32
      %dma_wait3A_98 = tpu.memref_slice %arg15[%dma_wait3A_96, %dma_wait3A_97] : memref<10240x128xf32, #tpu.memory_space<vmem_shared>> -> memref<10240x128xf32, #tpu.memory_space<vmem_shared>>
      tpu.wait_indirect_dma semaphore(%run_scoped3A_86 : memref<!tpu.dma_semaphore, #tpu.memory_space<semaphore_mem>>) src(%dma_wait3A_98 : memref<10240x128xf32, #tpu.memory_space<vmem_shared>>) dst(%arg8 : memref<80x128xf32, #tpu.memory_space<vmem>>)
      tpu.yield
    }) : () -> ()
    "tpu.region"() ({
      %run_scoped3A_86 = tpu.sem_alloc : memref<!tpu.dma_semaphore, #tpu.memory_space<semaphore_mem>>
      %dma_start3A_87 = arith.constant 0 : i32
      %dma_start3A_88 = tpu.memref_slice %arg5[%arg0, %multiple_of3A_42, %dma_start3A_87] : memref<2x10240x128xf32, #tpu.memory_space<hbm>> -> memref<1x80x128xf32, #tpu.memory_space<hbm>>
      %dma_start3A_89 = tpu.memref_squeeze %dma_start3A_88 : memref<1x80x128xf32, #tpu.memory_space<hbm>> -> memref<80x128xf32, #tpu.memory_space<hbm>>
      %dma_start3A_90 = arith.constant 0 : i32
      %dma_start3A_91 = tpu.memref_slice %arg5[%arg0, %multiple_of3A_42, %dma_start3A_90] : memref<2x10240x128xf32, #tpu.memory_space<hbm>> -> memref<1x80x128xf32, #tpu.memory_space<hbm>>
      %dma_start3A_92 = tpu.memref_squeeze %dma_start3A_91 : memref<1x80x128xf32, #tpu.memory_space<hbm>> -> memref<80x128xf32, #tpu.memory_space<hbm>>
      tpu.enqueue_dma source(%arg8 : memref<80x128xf32, #tpu.memory_space<vmem>>) target(%dma_start3A_92 : memref<80x128xf32, #tpu.memory_space<hbm>>) target_semaphore(%run_scoped3A_86 : memref<!tpu.dma_semaphore, #tpu.memory_space<semaphore_mem>>)
      %dma_wait3A_93 = arith.constant 0 : i32
      %dma_wait3A_94 = tpu.memref_slice %arg5[%arg0, %multiple_of3A_42, %dma_wait3A_93] : memref<2x10240x128xf32, #tpu.memory_space<hbm>> -> memref<1x80x128xf32, #tpu.memory_space<hbm>>
      %dma_wait3A_95 = tpu.memref_squeeze %dma_wait3A_94 : memref<1x80x128xf32, #tpu.memory_space<hbm>> -> memref<80x128xf32, #tpu.memory_space<hbm>>
      %dma_wait3A_96 = arith.constant 0 : i32
      %dma_wait3A_97 = tpu.memref_slice %arg5[%arg0, %multiple_of3A_42, %dma_wait3A_96] : memref<2x10240x128xf32, #tpu.memory_space<hbm>> -> memref<1x80x128xf32, #tpu.memory_space<hbm>>
      %dma_wait3A_98 = tpu.memref_squeeze %dma_wait3A_97 : memref<1x80x128xf32, #tpu.memory_space<hbm>> -> memref<80x128xf32, #tpu.memory_space<hbm>>
      tpu.wait_dma2 semaphore(%run_scoped3A_86 : memref<!tpu.dma_semaphore, #tpu.memory_space<semaphore_mem>>) src(%arg8 : memref<80x128xf32, #tpu.memory_space<vmem>>) dst(%dma_wait3A_98 : memref<80x128xf32, #tpu.memory_space<hbm>>)
      tpu.yield
    }) : () -> ()
    %mul3A_44 = arith.constant 640 : i32
    %mul3A_45 = arith.muli %arg1, %mul3A_44 : i32
    %add3A_46 = arith.constant 80 : i32
    %add3A_47 = arith.addi %mul3A_45, %add3A_46 : i32
    %multiple_of3A_48 = tpu.assume_multiple %add3A_47, 8 : i32
    %run_scoped3A_49 = arith.constant 1 : i32
    "tpu.region"() ({
      %run_scoped3A_86 = tpu.sem_alloc : memref<!tpu.dma_semaphore, #tpu.memory_space<semaphore_mem>>
      %dma_start3A_87 = arith.constant 0 : i32
      %dma_start3A_88 = tpu.memref_slice %arg12[%run_scoped3A_49, %dma_start3A_87] : memref<8x80xi32, #tpu.memory_space<vmem>> -> memref<1x80xi32, #tpu.memory_space<vmem>>
      %dma_start3A_89 = tpu.memref_squeeze %dma_start3A_88 : memref<1x80xi32, #tpu.memory_space<vmem>> -> memref<80xi32, #tpu.memory_space<vmem>>
      %dma_start3A_90 = arith.constant 0 : i32
      %dma_start3A_91 = arith.constant 0 : i32
      %dma_start3A_92 = tpu.memref_slice %arg15[%dma_start3A_90, %dma_start3A_91] : memref<10240x128xf32, #tpu.memory_space<vmem_shared>> -> memref<10240x128xf32, #tpu.memory_space<vmem_shared>>
      tpu.enqueue_indirect_dma source(%dma_start3A_92 : memref<10240x128xf32, #tpu.memory_space<vmem_shared>>) target(%arg8 : memref<80x128xf32, #tpu.memory_space<vmem>>) offsets(%dma_start3A_89 : memref<80xi32, #tpu.memory_space<vmem>>) semaphore(%run_scoped3A_86 : memref<!tpu.dma_semaphore, #tpu.memory_space<semaphore_mem>>)
      %dma_wait3A_93 = arith.constant 0 : i32
      %dma_wait3A_94 = tpu.memref_slice %arg12[%run_scoped3A_49, %dma_wait3A_93] : memref<8x80xi32, #tpu.memory_space<vmem>> -> memref<1x80xi32, #tpu.memory_space<vmem>>
      %dma_wait3A_95 = tpu.memref_squeeze %dma_wait3A_94 : memref<1x80xi32, #tpu.memory_space<vmem>> -> memref<80xi32, #tpu.memory_space<vmem>>
      %dma_wait3A_96 = arith.constant 0 : i32
      %dma_wait3A_97 = arith.constant 0 : i32
      %dma_wait3A_98 = tpu.memref_slice %arg15[%dma_wait3A_96, %dma_wait3A_97] : memref<10240x128xf32, #tpu.memory_space<vmem_shared>> -> memref<10240x128xf32, #tpu.memory_space<vmem_shared>>
      tpu.wait_indirect_dma semaphore(%run_scoped3A_86 : memref<!tpu.dma_semaphore, #tpu.memory_space<semaphore_mem>>) src(%dma_wait3A_98 : memref<10240x128xf32, #tpu.memory_space<vmem_shared>>) dst(%arg8 : memref<80x128xf32, #tpu.memory_space<vmem>>)
      tpu.yield
    }) : () -> ()
    "tpu.region"() ({
      %run_scoped3A_86 = tpu.sem_alloc : memref<!tpu.dma_semaphore, #tpu.memory_space<semaphore_mem>>
      %dma_start3A_87 = arith.constant 0 : i32
      %dma_start3A_88 = tpu.memref_slice %arg5[%arg0, %multiple_of3A_48, %dma_start3A_87] : memref<2x10240x128xf32, #tpu.memory_space<hbm>> -> memref<1x80x128xf32, #tpu.memory_space<hbm>>
      %dma_start3A_89 = tpu.memref_squeeze %dma_start3A_88 : memref<1x80x128xf32, #tpu.memory_space<hbm>> -> memref<80x128xf32, #tpu.memory_space<hbm>>
      %dma_start3A_90 = arith.constant 0 : i32
      %dma_start3A_91 = tpu.memref_slice %arg5[%arg0, %multiple_of3A_48, %dma_start3A_90] : memref<2x10240x128xf32, #tpu.memory_space<hbm>> -> memref<1x80x128xf32, #tpu.memory_space<hbm>>
      %dma_start3A_92 = tpu.memref_squeeze %dma_start3A_91 : memref<1x80x128xf32, #tpu.memory_space<hbm>> -> memref<80x128xf32, #tpu.memory_space<hbm>>
      tpu.enqueue_dma source(%arg8 : memref<80x128xf32, #tpu.memory_space<vmem>>) target(%dma_start3A_92 : memref<80x128xf32, #tpu.memory_space<hbm>>) target_semaphore(%run_scoped3A_86 : memref<!tpu.dma_semaphore, #tpu.memory_space<semaphore_mem>>)
      %dma_wait3A_93 = arith.constant 0 : i32
      %dma_wait3A_94 = tpu.memref_slice %arg5[%arg0, %multiple_of3A_48, %dma_wait3A_93] : memref<2x10240x128xf32, #tpu.memory_space<hbm>> -> memref<1x80x128xf32, #tpu.memory_space<hbm>>
      %dma_wait3A_95 = tpu.memref_squeeze %dma_wait3A_94 : memref<1x80x128xf32, #tpu.memory_space<hbm>> -> memref<80x128xf32, #tpu.memory_space<hbm>>
      %dma_wait3A_96 = arith.constant 0 : i32
      %dma_wait3A_97 = tpu.memref_slice %arg5[%arg0, %multiple_of3A_48, %dma_wait3A_96] : memref<2x10240x128xf32, #tpu.memory_space<hbm>> -> memref<1x80x128xf32, #tpu.memory_space<hbm>>
      %dma_wait3A_98 = tpu.memref_squeeze %dma_wait3A_97 : memref<1x80x128xf32, #tpu.memory_space<hbm>> -> memref<80x128xf32, #tpu.memory_space<hbm>>
      tpu.wait_dma2 semaphore(%run_scoped3A_86 : memref<!tpu.dma_semaphore, #tpu.memory_space<semaphore_mem>>) src(%arg8 : memref<80x128xf32, #tpu.memory_space<vmem>>) dst(%dma_wait3A_98 : memref<80x128xf32, #tpu.memory_space<hbm>>)
      tpu.yield
    }) : () -> ()
    %mul3A_50 = arith.constant 640 : i32
    %mul3A_51 = arith.muli %arg1, %mul3A_50 : i32
    %add3A_52 = arith.constant 160 : i32
    %add3A_53 = arith.addi %mul3A_51, %add3A_52 : i32
    %multiple_of3A_54 = tpu.assume_multiple %add3A_53, 8 : i32
    %run_scoped3A_55 = arith.constant 2 : i32
    "tpu.region"() ({
      %run_scoped3A_86 = tpu.sem_alloc : memref<!tpu.dma_semaphore, #tpu.memory_space<semaphore_mem>>
      %dma_start3A_87 = arith.constant 0 : i32
      %dma_start3A_88 = tpu.memref_slice %arg12[%run_scoped3A_55, %dma_start3A_87] : memref<8x80xi32, #tpu.memory_space<vmem>> -> memref<1x80xi32, #tpu.memory_space<vmem>>
      %dma_start3A_89 = tpu.memref_squeeze %dma_start3A_88 : memref<1x80xi32, #tpu.memory_space<vmem>> -> memref<80xi32, #tpu.memory_space<vmem>>
      %dma_start3A_90 = arith.constant 0 : i32
      %dma_start3A_91 = arith.constant 0 : i32
      %dma_start3A_92 = tpu.memref_slice %arg15[%dma_start3A_90, %dma_start3A_91] : memref<10240x128xf32, #tpu.memory_space<vmem_shared>> -> memref<10240x128xf32, #tpu.memory_space<vmem_shared>>
      tpu.enqueue_indirect_dma source(%dma_start3A_92 : memref<10240x128xf32, #tpu.memory_space<vmem_shared>>) target(%arg8 : memref<80x128xf32, #tpu.memory_space<vmem>>) offsets(%dma_start3A_89 : memref<80xi32, #tpu.memory_space<vmem>>) semaphore(%run_scoped3A_86 : memref<!tpu.dma_semaphore, #tpu.memory_space<semaphore_mem>>)
      %dma_wait3A_93 = arith.constant 0 : i32
      %dma_wait3A_94 = tpu.memref_slice %arg12[%run_scoped3A_55, %dma_wait3A_93] : memref<8x80xi32, #tpu.memory_space<vmem>> -> memref<1x80xi32, #tpu.memory_space<vmem>>
      %dma_wait3A_95 = tpu.memref_squeeze %dma_wait3A_94 : memref<1x80xi32, #tpu.memory_space<vmem>> -> memref<80xi32, #tpu.memory_space<vmem>>
      %dma_wait3A_96 = arith.constant 0 : i32
      %dma_wait3A_97 = arith.constant 0 : i32
      %dma_wait3A_98 = tpu.memref_slice %arg15[%dma_wait3A_96, %dma_wait3A_97] : memref<10240x128xf32, #tpu.memory_space<vmem_shared>> -> memref<10240x128xf32, #tpu.memory_space<vmem_shared>>
      tpu.wait_indirect_dma semaphore(%run_scoped3A_86 : memref<!tpu.dma_semaphore, #tpu.memory_space<semaphore_mem>>) src(%dma_wait3A_98 : memref<10240x128xf32, #tpu.memory_space<vmem_shared>>) dst(%arg8 : memref<80x128xf32, #tpu.memory_space<vmem>>)
      tpu.yield
    }) : () -> ()
    "tpu.region"() ({
      %run_scoped3A_86 = tpu.sem_alloc : memref<!tpu.dma_semaphore, #tpu.memory_space<semaphore_mem>>
      %dma_start3A_87 = arith.constant 0 : i32
      %dma_start3A_88 = tpu.memref_slice %arg5[%arg0, %multiple_of3A_54, %dma_start3A_87] : memref<2x10240x128xf32, #tpu.memory_space<hbm>> -> memref<1x80x128xf32, #tpu.memory_space<hbm>>
      %dma_start3A_89 = tpu.memref_squeeze %dma_start3A_88 : memref<1x80x128xf32, #tpu.memory_space<hbm>> -> memref<80x128xf32, #tpu.memory_space<hbm>>
      %dma_start3A_90 = arith.constant 0 : i32
      %dma_start3A_91 = tpu.memref_slice %arg5[%arg0, %multiple_of3A_54, %dma_start3A_90] : memref<2x10240x128xf32, #tpu.memory_space<hbm>> -> memref<1x80x128xf32, #tpu.memory_space<hbm>>
      %dma_start3A_92 = tpu.memref_squeeze %dma_start3A_91 : memref<1x80x128xf32, #tpu.memory_space<hbm>> -> memref<80x128xf32, #tpu.memory_space<hbm>>
      tpu.enqueue_dma source(%arg8 : memref<80x128xf32, #tpu.memory_space<vmem>>) target(%dma_start3A_92 : memref<80x128xf32, #tpu.memory_space<hbm>>) target_semaphore(%run_scoped3A_86 : memref<!tpu.dma_semaphore, #tpu.memory_space<semaphore_mem>>)
      %dma_wait3A_93 = arith.constant 0 : i32
      %dma_wait3A_94 = tpu.memref_slice %arg5[%arg0, %multiple_of3A_54, %dma_wait3A_93] : memref<2x10240x128xf32, #tpu.memory_space<hbm>> -> memref<1x80x128xf32, #tpu.memory_space<hbm>>
      %dma_wait3A_95 = tpu.memref_squeeze %dma_wait3A_94 : memref<1x80x128xf32, #tpu.memory_space<hbm>> -> memref<80x128xf32, #tpu.memory_space<hbm>>
      %dma_wait3A_96 = arith.constant 0 : i32
      %dma_wait3A_97 = tpu.memref_slice %arg5[%arg0, %multiple_of3A_54, %dma_wait3A_96] : memref<2x10240x128xf32, #tpu.memory_space<hbm>> -> memref<1x80x128xf32, #tpu.memory_space<hbm>>
      %dma_wait3A_98 = tpu.memref_squeeze %dma_wait3A_97 : memref<1x80x128xf32, #tpu.memory_space<hbm>> -> memref<80x128xf32, #tpu.memory_space<hbm>>
      tpu.wait_dma2 semaphore(%run_scoped3A_86 : memref<!tpu.dma_semaphore, #tpu.memory_space<semaphore_mem>>) src(%arg8 : memref<80x128xf32, #tpu.memory_space<vmem>>) dst(%dma_wait3A_98 : memref<80x128xf32, #tpu.memory_space<hbm>>)
      tpu.yield
    }) : () -> ()
    %mul3A_56 = arith.constant 640 : i32
    %mul3A_57 = arith.muli %arg1, %mul3A_56 : i32
    %add3A_58 = arith.constant 240 : i32
    %add3A_59 = arith.addi %mul3A_57, %add3A_58 : i32
    %multiple_of3A_60 = tpu.assume_multiple %add3A_59, 8 : i32
    %run_scoped3A_61 = arith.constant 3 : i32
    "tpu.region"() ({
      %run_scoped3A_86 = tpu.sem_alloc : memref<!tpu.dma_semaphore, #tpu.memory_space<semaphore_mem>>
      %dma_start3A_87 = arith.constant 0 : i32
      %dma_start3A_88 = tpu.memref_slice %arg12[%run_scoped3A_61, %dma_start3A_87] : memref<8x80xi32, #tpu.memory_space<vmem>> -> memref<1x80xi32, #tpu.memory_space<vmem>>
      %dma_start3A_89 = tpu.memref_squeeze %dma_start3A_88 : memref<1x80xi32, #tpu.memory_space<vmem>> -> memref<80xi32, #tpu.memory_space<vmem>>
      %dma_start3A_90 = arith.constant 0 : i32
      %dma_start3A_91 = arith.constant 0 : i32
      %dma_start3A_92 = tpu.memref_slice %arg15[%dma_start3A_90, %dma_start3A_91] : memref<10240x128xf32, #tpu.memory_space<vmem_shared>> -> memref<10240x128xf32, #tpu.memory_space<vmem_shared>>
      tpu.enqueue_indirect_dma source(%dma_start3A_92 : memref<10240x128xf32, #tpu.memory_space<vmem_shared>>) target(%arg8 : memref<80x128xf32, #tpu.memory_space<vmem>>) offsets(%dma_start3A_89 : memref<80xi32, #tpu.memory_space<vmem>>) semaphore(%run_scoped3A_86 : memref<!tpu.dma_semaphore, #tpu.memory_space<semaphore_mem>>)
      %dma_wait3A_93 = arith.constant 0 : i32
      %dma_wait3A_94 = tpu.memref_slice %arg12[%run_scoped3A_61, %dma_wait3A_93] : memref<8x80xi32, #tpu.memory_space<vmem>> -> memref<1x80xi32, #tpu.memory_space<vmem>>
      %dma_wait3A_95 = tpu.memref_squeeze %dma_wait3A_94 : memref<1x80xi32, #tpu.memory_space<vmem>> -> memref<80xi32, #tpu.memory_space<vmem>>
      %dma_wait3A_96 = arith.constant 0 : i32
      %dma_wait3A_97 = arith.constant 0 : i32
      %dma_wait3A_98 = tpu.memref_slice %arg15[%dma_wait3A_96, %dma_wait3A_97] : memref<10240x128xf32, #tpu.memory_space<vmem_shared>> -> memref<10240x128xf32, #tpu.memory_space<vmem_shared>>
      tpu.wait_indirect_dma semaphore(%run_scoped3A_86 : memref<!tpu.dma_semaphore, #tpu.memory_space<semaphore_mem>>) src(%dma_wait3A_98 : memref<10240x128xf32, #tpu.memory_space<vmem_shared>>) dst(%arg8 : memref<80x128xf32, #tpu.memory_space<vmem>>)
      tpu.yield
    }) : () -> ()
    "tpu.region"() ({
      %run_scoped3A_86 = tpu.sem_alloc : memref<!tpu.dma_semaphore, #tpu.memory_space<semaphore_mem>>
      %dma_start3A_87 = arith.constant 0 : i32
      %dma_start3A_88 = tpu.memref_slice %arg5[%arg0, %multiple_of3A_60, %dma_start3A_87] : memref<2x10240x128xf32, #tpu.memory_space<hbm>> -> memref<1x80x128xf32, #tpu.memory_space<hbm>>
      %dma_start3A_89 = tpu.memref_squeeze %dma_start3A_88 : memref<1x80x128xf32, #tpu.memory_space<hbm>> -> memref<80x128xf32, #tpu.memory_space<hbm>>
      %dma_start3A_90 = arith.constant 0 : i32
      %dma_start3A_91 = tpu.memref_slice %arg5[%arg0, %multiple_of3A_60, %dma_start3A_90] : memref<2x10240x128xf32, #tpu.memory_space<hbm>> -> memref<1x80x128xf32, #tpu.memory_space<hbm>>
      %dma_start3A_92 = tpu.memref_squeeze %dma_start3A_91 : memref<1x80x128xf32, #tpu.memory_space<hbm>> -> memref<80x128xf32, #tpu.memory_space<hbm>>
      tpu.enqueue_dma source(%arg8 : memref<80x128xf32, #tpu.memory_space<vmem>>) target(%dma_start3A_92 : memref<80x128xf32, #tpu.memory_space<hbm>>) target_semaphore(%run_scoped3A_86 : memref<!tpu.dma_semaphore, #tpu.memory_space<semaphore_mem>>)
      %dma_wait3A_93 = arith.constant 0 : i32
      %dma_wait3A_94 = tpu.memref_slice %arg5[%arg0, %multiple_of3A_60, %dma_wait3A_93] : memref<2x10240x128xf32, #tpu.memory_space<hbm>> -> memref<1x80x128xf32, #tpu.memory_space<hbm>>
      %dma_wait3A_95 = tpu.memref_squeeze %dma_wait3A_94 : memref<1x80x128xf32, #tpu.memory_space<hbm>> -> memref<80x128xf32, #tpu.memory_space<hbm>>
      %dma_wait3A_96 = arith.constant 0 : i32
      %dma_wait3A_97 = tpu.memref_slice %arg5[%arg0, %multiple_of3A_60, %dma_wait3A_96] : memref<2x10240x128xf32, #tpu.memory_space<hbm>> -> memref<1x80x128xf32, #tpu.memory_space<hbm>>
      %dma_wait3A_98 = tpu.memref_squeeze %dma_wait3A_97 : memref<1x80x128xf32, #tpu.memory_space<hbm>> -> memref<80x128xf32, #tpu.memory_space<hbm>>
      tpu.wait_dma2 semaphore(%run_scoped3A_86 : memref<!tpu.dma_semaphore, #tpu.memory_space<semaphore_mem>>) src(%arg8 : memref<80x128xf32, #tpu.memory_space<vmem>>) dst(%dma_wait3A_98 : memref<80x128xf32, #tpu.memory_space<hbm>>)
      tpu.yield
    }) : () -> ()
    %mul3A_62 = arith.constant 640 : i32
    %mul3A_63 = arith.muli %arg1, %mul3A_62 : i32
    %add3A_64 = arith.constant 320 : i32
    %add3A_65 = arith.addi %mul3A_63, %add3A_64 : i32
    %multiple_of3A_66 = tpu.assume_multiple %add3A_65, 8 : i32
    %run_scoped3A_67 = arith.constant 4 : i32
    "tpu.region"() ({
      %run_scoped3A_86 = tpu.sem_alloc : memref<!tpu.dma_semaphore, #tpu.memory_space<semaphore_mem>>
      %dma_start3A_87 = arith.constant 0 : i32
      %dma_start3A_88 = tpu.memref_slice %arg12[%run_scoped3A_67, %dma_start3A_87] : memref<8x80xi32, #tpu.memory_space<vmem>> -> memref<1x80xi32, #tpu.memory_space<vmem>>
      %dma_start3A_89 = tpu.memref_squeeze %dma_start3A_88 : memref<1x80xi32, #tpu.memory_space<vmem>> -> memref<80xi32, #tpu.memory_space<vmem>>
      %dma_start3A_90 = arith.constant 0 : i32
      %dma_start3A_91 = arith.constant 0 : i32
      %dma_start3A_92 = tpu.memref_slice %arg15[%dma_start3A_90, %dma_start3A_91] : memref<10240x128xf32, #tpu.memory_space<vmem_shared>> -> memref<10240x128xf32, #tpu.memory_space<vmem_shared>>
      tpu.enqueue_indirect_dma source(%dma_start3A_92 : memref<10240x128xf32, #tpu.memory_space<vmem_shared>>) target(%arg8 : memref<80x128xf32, #tpu.memory_space<vmem>>) offsets(%dma_start3A_89 : memref<80xi32, #tpu.memory_space<vmem>>) semaphore(%run_scoped3A_86 : memref<!tpu.dma_semaphore, #tpu.memory_space<semaphore_mem>>)
      %dma_wait3A_93 = arith.constant 0 : i32
      %dma_wait3A_94 = tpu.memref_slice %arg12[%run_scoped3A_67, %dma_wait3A_93] : memref<8x80xi32, #tpu.memory_space<vmem>> -> memref<1x80xi32, #tpu.memory_space<vmem>>
      %dma_wait3A_95 = tpu.memref_squeeze %dma_wait3A_94 : memref<1x80xi32, #tpu.memory_space<vmem>> -> memref<80xi32, #tpu.memory_space<vmem>>
      %dma_wait3A_96 = arith.constant 0 : i32
      %dma_wait3A_97 = arith.constant 0 : i32
      %dma_wait3A_98 = tpu.memref_slice %arg15[%dma_wait3A_96, %dma_wait3A_97] : memref<10240x128xf32, #tpu.memory_space<vmem_shared>> -> memref<10240x128xf32, #tpu.memory_space<vmem_shared>>
      tpu.wait_indirect_dma semaphore(%run_scoped3A_86 : memref<!tpu.dma_semaphore, #tpu.memory_space<semaphore_mem>>) src(%dma_wait3A_98 : memref<10240x128xf32, #tpu.memory_space<vmem_shared>>) dst(%arg8 : memref<80x128xf32, #tpu.memory_space<vmem>>)
      tpu.yield
    }) : () -> ()
    "tpu.region"() ({
      %run_scoped3A_86 = tpu.sem_alloc : memref<!tpu.dma_semaphore, #tpu.memory_space<semaphore_mem>>
      %dma_start3A_87 = arith.constant 0 : i32
      %dma_start3A_88 = tpu.memref_slice %arg5[%arg0, %multiple_of3A_66, %dma_start3A_87] : memref<2x10240x128xf32, #tpu.memory_space<hbm>> -> memref<1x80x128xf32, #tpu.memory_space<hbm>>
      %dma_start3A_89 = tpu.memref_squeeze %dma_start3A_88 : memref<1x80x128xf32, #tpu.memory_space<hbm>> -> memref<80x128xf32, #tpu.memory_space<hbm>>
      %dma_start3A_90 = arith.constant 0 : i32
      %dma_start3A_91 = tpu.memref_slice %arg5[%arg0, %multiple_of3A_66, %dma_start3A_90] : memref<2x10240x128xf32, #tpu.memory_space<hbm>> -> memref<1x80x128xf32, #tpu.memory_space<hbm>>
      %dma_start3A_92 = tpu.memref_squeeze %dma_start3A_91 : memref<1x80x128xf32, #tpu.memory_space<hbm>> -> memref<80x128xf32, #tpu.memory_space<hbm>>
      tpu.enqueue_dma source(%arg8 : memref<80x128xf32, #tpu.memory_space<vmem>>) target(%dma_start3A_92 : memref<80x128xf32, #tpu.memory_space<hbm>>) target_semaphore(%run_scoped3A_86 : memref<!tpu.dma_semaphore, #tpu.memory_space<semaphore_mem>>)
      %dma_wait3A_93 = arith.constant 0 : i32
      %dma_wait3A_94 = tpu.memref_slice %arg5[%arg0, %multiple_of3A_66, %dma_wait3A_93] : memref<2x10240x128xf32, #tpu.memory_space<hbm>> -> memref<1x80x128xf32, #tpu.memory_space<hbm>>
      %dma_wait3A_95 = tpu.memref_squeeze %dma_wait3A_94 : memref<1x80x128xf32, #tpu.memory_space<hbm>> -> memref<80x128xf32, #tpu.memory_space<hbm>>
      %dma_wait3A_96 = arith.constant 0 : i32
      %dma_wait3A_97 = tpu.memref_slice %arg5[%arg0, %multiple_of3A_66, %dma_wait3A_96] : memref<2x10240x128xf32, #tpu.memory_space<hbm>> -> memref<1x80x128xf32, #tpu.memory_space<hbm>>
      %dma_wait3A_98 = tpu.memref_squeeze %dma_wait3A_97 : memref<1x80x128xf32, #tpu.memory_space<hbm>> -> memref<80x128xf32, #tpu.memory_space<hbm>>
      tpu.wait_dma2 semaphore(%run_scoped3A_86 : memref<!tpu.dma_semaphore, #tpu.memory_space<semaphore_mem>>) src(%arg8 : memref<80x128xf32, #tpu.memory_space<vmem>>) dst(%dma_wait3A_98 : memref<80x128xf32, #tpu.memory_space<hbm>>)
      tpu.yield
    }) : () -> ()
    %mul3A_68 = arith.constant 640 : i32
    %mul3A_69 = arith.muli %arg1, %mul3A_68 : i32
    %add3A_70 = arith.constant 400 : i32
    %add3A_71 = arith.addi %mul3A_69, %add3A_70 : i32
    %multiple_of3A_72 = tpu.assume_multiple %add3A_71, 8 : i32
    %run_scoped3A_73 = arith.constant 5 : i32
    "tpu.region"() ({
      %run_scoped3A_86 = tpu.sem_alloc : memref<!tpu.dma_semaphore, #tpu.memory_space<semaphore_mem>>
      %dma_start3A_87 = arith.constant 0 : i32
      %dma_start3A_88 = tpu.memref_slice %arg12[%run_scoped3A_73, %dma_start3A_87] : memref<8x80xi32, #tpu.memory_space<vmem>> -> memref<1x80xi32, #tpu.memory_space<vmem>>
      %dma_start3A_89 = tpu.memref_squeeze %dma_start3A_88 : memref<1x80xi32, #tpu.memory_space<vmem>> -> memref<80xi32, #tpu.memory_space<vmem>>
      %dma_start3A_90 = arith.constant 0 : i32
      %dma_start3A_91 = arith.constant 0 : i32
      %dma_start3A_92 = tpu.memref_slice %arg15[%dma_start3A_90, %dma_start3A_91] : memref<10240x128xf32, #tpu.memory_space<vmem_shared>> -> memref<10240x128xf32, #tpu.memory_space<vmem_shared>>
      tpu.enqueue_indirect_dma source(%dma_start3A_92 : memref<10240x128xf32, #tpu.memory_space<vmem_shared>>) target(%arg8 : memref<80x128xf32, #tpu.memory_space<vmem>>) offsets(%dma_start3A_89 : memref<80xi32, #tpu.memory_space<vmem>>) semaphore(%run_scoped3A_86 : memref<!tpu.dma_semaphore, #tpu.memory_space<semaphore_mem>>)
      %dma_wait3A_93 = arith.constant 0 : i32
      %dma_wait3A_94 = tpu.memref_slice %arg12[%run_scoped3A_73, %dma_wait3A_93] : memref<8x80xi32, #tpu.memory_space<vmem>> -> memref<1x80xi32, #tpu.memory_space<vmem>>
      %dma_wait3A_95 = tpu.memref_squeeze %dma_wait3A_94 : memref<1x80xi32, #tpu.memory_space<vmem>> -> memref<80xi32, #tpu.memory_space<vmem>>
      %dma_wait3A_96 = arith.constant 0 : i32
      %dma_wait3A_97 = arith.constant 0 : i32
      %dma_wait3A_98 = tpu.memref_slice %arg15[%dma_wait3A_96, %dma_wait3A_97] : memref<10240x128xf32, #tpu.memory_space<vmem_shared>> -> memref<10240x128xf32, #tpu.memory_space<vmem_shared>>
      tpu.wait_indirect_dma semaphore(%run_scoped3A_86 : memref<!tpu.dma_semaphore, #tpu.memory_space<semaphore_mem>>) src(%dma_wait3A_98 : memref<10240x128xf32, #tpu.memory_space<vmem_shared>>) dst(%arg8 : memref<80x128xf32, #tpu.memory_space<vmem>>)
      tpu.yield
    }) : () -> ()
    "tpu.region"() ({
      %run_scoped3A_86 = tpu.sem_alloc : memref<!tpu.dma_semaphore, #tpu.memory_space<semaphore_mem>>
      %dma_start3A_87 = arith.constant 0 : i32
      %dma_start3A_88 = tpu.memref_slice %arg5[%arg0, %multiple_of3A_72, %dma_start3A_87] : memref<2x10240x128xf32, #tpu.memory_space<hbm>> -> memref<1x80x128xf32, #tpu.memory_space<hbm>>
      %dma_start3A_89 = tpu.memref_squeeze %dma_start3A_88 : memref<1x80x128xf32, #tpu.memory_space<hbm>> -> memref<80x128xf32, #tpu.memory_space<hbm>>
      %dma_start3A_90 = arith.constant 0 : i32
      %dma_start3A_91 = tpu.memref_slice %arg5[%arg0, %multiple_of3A_72, %dma_start3A_90] : memref<2x10240x128xf32, #tpu.memory_space<hbm>> -> memref<1x80x128xf32, #tpu.memory_space<hbm>>
      %dma_start3A_92 = tpu.memref_squeeze %dma_start3A_91 : memref<1x80x128xf32, #tpu.memory_space<hbm>> -> memref<80x128xf32, #tpu.memory_space<hbm>>
      tpu.enqueue_dma source(%arg8 : memref<80x128xf32, #tpu.memory_space<vmem>>) target(%dma_start3A_92 : memref<80x128xf32, #tpu.memory_space<hbm>>) target_semaphore(%run_scoped3A_86 : memref<!tpu.dma_semaphore, #tpu.memory_space<semaphore_mem>>)
      %dma_wait3A_93 = arith.constant 0 : i32
      %dma_wait3A_94 = tpu.memref_slice %arg5[%arg0, %multiple_of3A_72, %dma_wait3A_93] : memref<2x10240x128xf32, #tpu.memory_space<hbm>> -> memref<1x80x128xf32, #tpu.memory_space<hbm>>
      %dma_wait3A_95 = tpu.memref_squeeze %dma_wait3A_94 : memref<1x80x128xf32, #tpu.memory_space<hbm>> -> memref<80x128xf32, #tpu.memory_space<hbm>>
      %dma_wait3A_96 = arith.constant 0 : i32
      %dma_wait3A_97 = tpu.memref_slice %arg5[%arg0, %multiple_of3A_72, %dma_wait3A_96] : memref<2x10240x128xf32, #tpu.memory_space<hbm>> -> memref<1x80x128xf32, #tpu.memory_space<hbm>>
      %dma_wait3A_98 = tpu.memref_squeeze %dma_wait3A_97 : memref<1x80x128xf32, #tpu.memory_space<hbm>> -> memref<80x128xf32, #tpu.memory_space<hbm>>
      tpu.wait_dma2 semaphore(%run_scoped3A_86 : memref<!tpu.dma_semaphore, #tpu.memory_space<semaphore_mem>>) src(%arg8 : memref<80x128xf32, #tpu.memory_space<vmem>>) dst(%dma_wait3A_98 : memref<80x128xf32, #tpu.memory_space<hbm>>)
      tpu.yield
    }) : () -> ()
    %mul3A_74 = arith.constant 640 : i32
    %mul3A_75 = arith.muli %arg1, %mul3A_74 : i32
    %add3A_76 = arith.constant 480 : i32
    %add3A_77 = arith.addi %mul3A_75, %add3A_76 : i32
    %multiple_of3A_78 = tpu.assume_multiple %add3A_77, 8 : i32
    %run_scoped3A_79 = arith.constant 6 : i32
    "tpu.region"() ({
      %run_scoped3A_86 = tpu.sem_alloc : memref<!tpu.dma_semaphore, #tpu.memory_space<semaphore_mem>>
      %dma_start3A_87 = arith.constant 0 : i32
      %dma_start3A_88 = tpu.memref_slice %arg12[%run_scoped3A_79, %dma_start3A_87] : memref<8x80xi32, #tpu.memory_space<vmem>> -> memref<1x80xi32, #tpu.memory_space<vmem>>
      %dma_start3A_89 = tpu.memref_squeeze %dma_start3A_88 : memref<1x80xi32, #tpu.memory_space<vmem>> -> memref<80xi32, #tpu.memory_space<vmem>>
      %dma_start3A_90 = arith.constant 0 : i32
      %dma_start3A_91 = arith.constant 0 : i32
      %dma_start3A_92 = tpu.memref_slice %arg15[%dma_start3A_90, %dma_start3A_91] : memref<10240x128xf32, #tpu.memory_space<vmem_shared>> -> memref<10240x128xf32, #tpu.memory_space<vmem_shared>>
      tpu.enqueue_indirect_dma source(%dma_start3A_92 : memref<10240x128xf32, #tpu.memory_space<vmem_shared>>) target(%arg8 : memref<80x128xf32, #tpu.memory_space<vmem>>) offsets(%dma_start3A_89 : memref<80xi32, #tpu.memory_space<vmem>>) semaphore(%run_scoped3A_86 : memref<!tpu.dma_semaphore, #tpu.memory_space<semaphore_mem>>)
      %dma_wait3A_93 = arith.constant 0 : i32
      %dma_wait3A_94 = tpu.memref_slice %arg12[%run_scoped3A_79, %dma_wait3A_93] : memref<8x80xi32, #tpu.memory_space<vmem>> -> memref<1x80xi32, #tpu.memory_space<vmem>>
      %dma_wait3A_95 = tpu.memref_squeeze %dma_wait3A_94 : memref<1x80xi32, #tpu.memory_space<vmem>> -> memref<80xi32, #tpu.memory_space<vmem>>
      %dma_wait3A_96 = arith.constant 0 : i32
      %dma_wait3A_97 = arith.constant 0 : i32
      %dma_wait3A_98 = tpu.memref_slice %arg15[%dma_wait3A_96, %dma_wait3A_97] : memref<10240x128xf32, #tpu.memory_space<vmem_shared>> -> memref<10240x128xf32, #tpu.memory_space<vmem_shared>>
      tpu.wait_indirect_dma semaphore(%run_scoped3A_86 : memref<!tpu.dma_semaphore, #tpu.memory_space<semaphore_mem>>) src(%dma_wait3A_98 : memref<10240x128xf32, #tpu.memory_space<vmem_shared>>) dst(%arg8 : memref<80x128xf32, #tpu.memory_space<vmem>>)
      tpu.yield
    }) : () -> ()
    "tpu.region"() ({
      %run_scoped3A_86 = tpu.sem_alloc : memref<!tpu.dma_semaphore, #tpu.memory_space<semaphore_mem>>
      %dma_start3A_87 = arith.constant 0 : i32
      %dma_start3A_88 = tpu.memref_slice %arg5[%arg0, %multiple_of3A_78, %dma_start3A_87] : memref<2x10240x128xf32, #tpu.memory_space<hbm>> -> memref<1x80x128xf32, #tpu.memory_space<hbm>>
      %dma_start3A_89 = tpu.memref_squeeze %dma_start3A_88 : memref<1x80x128xf32, #tpu.memory_space<hbm>> -> memref<80x128xf32, #tpu.memory_space<hbm>>
      %dma_start3A_90 = arith.constant 0 : i32
      %dma_start3A_91 = tpu.memref_slice %arg5[%arg0, %multiple_of3A_78, %dma_start3A_90] : memref<2x10240x128xf32, #tpu.memory_space<hbm>> -> memref<1x80x128xf32, #tpu.memory_space<hbm>>
      %dma_start3A_92 = tpu.memref_squeeze %dma_start3A_91 : memref<1x80x128xf32, #tpu.memory_space<hbm>> -> memref<80x128xf32, #tpu.memory_space<hbm>>
      tpu.enqueue_dma source(%arg8 : memref<80x128xf32, #tpu.memory_space<vmem>>) target(%dma_start3A_92 : memref<80x128xf32, #tpu.memory_space<hbm>>) target_semaphore(%run_scoped3A_86 : memref<!tpu.dma_semaphore, #tpu.memory_space<semaphore_mem>>)
      %dma_wait3A_93 = arith.constant 0 : i32
      %dma_wait3A_94 = tpu.memref_slice %arg5[%arg0, %multiple_of3A_78, %dma_wait3A_93] : memref<2x10240x128xf32, #tpu.memory_space<hbm>> -> memref<1x80x128xf32, #tpu.memory_space<hbm>>
      %dma_wait3A_95 = tpu.memref_squeeze %dma_wait3A_94 : memref<1x80x128xf32, #tpu.memory_space<hbm>> -> memref<80x128xf32, #tpu.memory_space<hbm>>
      %dma_wait3A_96 = arith.constant 0 : i32
      %dma_wait3A_97 = tpu.memref_slice %arg5[%arg0, %multiple_of3A_78, %dma_wait3A_96] : memref<2x10240x128xf32, #tpu.memory_space<hbm>> -> memref<1x80x128xf32, #tpu.memory_space<hbm>>
      %dma_wait3A_98 = tpu.memref_squeeze %dma_wait3A_97 : memref<1x80x128xf32, #tpu.memory_space<hbm>> -> memref<80x128xf32, #tpu.memory_space<hbm>>
      tpu.wait_dma2 semaphore(%run_scoped3A_86 : memref<!tpu.dma_semaphore, #tpu.memory_space<semaphore_mem>>) src(%arg8 : memref<80x128xf32, #tpu.memory_space<vmem>>) dst(%dma_wait3A_98 : memref<80x128xf32, #tpu.memory_space<hbm>>)
      tpu.yield
    }) : () -> ()
    %mul3A_80 = arith.constant 640 : i32
    %mul3A_81 = arith.muli %arg1, %mul3A_80 : i32
    %add3A_82 = arith.constant 560 : i32
    %add3A_83 = arith.addi %mul3A_81, %add3A_82 : i32
    %multiple_of3A_84 = tpu.assume_multiple %add3A_83, 8 : i32
    %run_scoped3A_85 = arith.constant 7 : i32
    "tpu.region"() ({
      %run_scoped3A_86 = tpu.sem_alloc : memref<!tpu.dma_semaphore, #tpu.memory_space<semaphore_mem>>
      %dma_start3A_87 = arith.constant 0 : i32
      %dma_start3A_88 = tpu.memref_slice %arg12[%run_scoped3A_85, %dma_start3A_87] : memref<8x80xi32, #tpu.memory_space<vmem>> -> memref<1x80xi32, #tpu.memory_space<vmem>>
      %dma_start3A_89 = tpu.memref_squeeze %dma_start3A_88 : memref<1x80xi32, #tpu.memory_space<vmem>> -> memref<80xi32, #tpu.memory_space<vmem>>
      %dma_start3A_90 = arith.constant 0 : i32
      %dma_start3A_91 = arith.constant 0 : i32
      %dma_start3A_92 = tpu.memref_slice %arg15[%dma_start3A_90, %dma_start3A_91] : memref<10240x128xf32, #tpu.memory_space<vmem_shared>> -> memref<10240x128xf32, #tpu.memory_space<vmem_shared>>
      tpu.enqueue_indirect_dma source(%dma_start3A_92 : memref<10240x128xf32, #tpu.memory_space<vmem_shared>>) target(%arg8 : memref<80x128xf32, #tpu.memory_space<vmem>>) offsets(%dma_start3A_89 : memref<80xi32, #tpu.memory_space<vmem>>) semaphore(%run_scoped3A_86 : memref<!tpu.dma_semaphore, #tpu.memory_space<semaphore_mem>>)
      %dma_wait3A_93 = arith.constant 0 : i32
      %dma_wait3A_94 = tpu.memref_slice %arg12[%run_scoped3A_85, %dma_wait3A_93] : memref<8x80xi32, #tpu.memory_space<vmem>> -> memref<1x80xi32, #tpu.memory_space<vmem>>
      %dma_wait3A_95 = tpu.memref_squeeze %dma_wait3A_94 : memref<1x80xi32, #tpu.memory_space<vmem>> -> memref<80xi32, #tpu.memory_space<vmem>>
      %dma_wait3A_96 = arith.constant 0 : i32
      %dma_wait3A_97 = arith.constant 0 : i32
      %dma_wait3A_98 = tpu.memref_slice %arg15[%dma_wait3A_96, %dma_wait3A_97] : memref<10240x128xf32, #tpu.memory_space<vmem_shared>> -> memref<10240x128xf32, #tpu.memory_space<vmem_shared>>
      tpu.wait_indirect_dma semaphore(%run_scoped3A_86 : memref<!tpu.dma_semaphore, #tpu.memory_space<semaphore_mem>>) src(%dma_wait3A_98 : memref<10240x128xf32, #tpu.memory_space<vmem_shared>>) dst(%arg8 : memref<80x128xf32, #tpu.memory_space<vmem>>)
      tpu.yield
    }) : () -> ()
    "tpu.region"() ({
      %run_scoped3A_86 = tpu.sem_alloc : memref<!tpu.dma_semaphore, #tpu.memory_space<semaphore_mem>>
      %dma_start3A_87 = arith.constant 0 : i32
      %dma_start3A_88 = tpu.memref_slice %arg5[%arg0, %multiple_of3A_84, %dma_start3A_87] : memref<2x10240x128xf32, #tpu.memory_space<hbm>> -> memref<1x80x128xf32, #tpu.memory_space<hbm>>
      %dma_start3A_89 = tpu.memref_squeeze %dma_start3A_88 : memref<1x80x128xf32, #tpu.memory_space<hbm>> -> memref<80x128xf32, #tpu.memory_space<hbm>>
      %dma_start3A_90 = arith.constant 0 : i32
      %dma_start3A_91 = tpu.memref_slice %arg5[%arg0, %multiple_of3A_84, %dma_start3A_90] : memref<2x10240x128xf32, #tpu.memory_space<hbm>> -> memref<1x80x128xf32, #tpu.memory_space<hbm>>
      %dma_start3A_92 = tpu.memref_squeeze %dma_start3A_91 : memref<1x80x128xf32, #tpu.memory_space<hbm>> -> memref<80x128xf32, #tpu.memory_space<hbm>>
      tpu.enqueue_dma source(%arg8 : memref<80x128xf32, #tpu.memory_space<vmem>>) target(%dma_start3A_92 : memref<80x128xf32, #tpu.memory_space<hbm>>) target_semaphore(%run_scoped3A_86 : memref<!tpu.dma_semaphore, #tpu.memory_space<semaphore_mem>>)
      %dma_wait3A_93 = arith.constant 0 : i32
      %dma_wait3A_94 = tpu.memref_slice %arg5[%arg0, %multiple_of3A_84, %dma_wait3A_93] : memref<2x10240x128xf32, #tpu.memory_space<hbm>> -> memref<1x80x128xf32, #tpu.memory_space<hbm>>
      %dma_wait3A_95 = tpu.memref_squeeze %dma_wait3A_94 : memref<1x80x128xf32, #tpu.memory_space<hbm>> -> memref<80x128xf32, #tpu.memory_space<hbm>>
      %dma_wait3A_96 = arith.constant 0 : i32
      %dma_wait3A_97 = tpu.memref_slice %arg5[%arg0, %multiple_of3A_84, %dma_wait3A_96] : memref<2x10240x128xf32, #tpu.memory_space<hbm>> -> memref<1x80x128xf32, #tpu.memory_space<hbm>>
      %dma_wait3A_98 = tpu.memref_squeeze %dma_wait3A_97 : memref<1x80x128xf32, #tpu.memory_space<hbm>> -> memref<80x128xf32, #tpu.memory_space<hbm>>
      tpu.wait_dma2 semaphore(%run_scoped3A_86 : memref<!tpu.dma_semaphore, #tpu.memory_space<semaphore_mem>>) src(%arg8 : memref<80x128xf32, #tpu.memory_space<vmem>>) dst(%dma_wait3A_98 : memref<80x128xf32, #tpu.memory_space<hbm>>)
      tpu.yield
    }) : () -> ()
    return
  }
}

module attributes {stable_mosaic.version = 14 : i64} {
  func.func @_tc1_body(%arg0: i32, %arg1: memref<2x1024x128xf32, #tpu.memory_space<vmem>>, %arg2: memref<1024x2xf32, #tpu.memory_space<vmem>>, %arg3: memref<1024x128xf32, #tpu.memory_space<vmem>>, %arg4: memref<128x128xf32, #tpu.memory_space<vmem>>, %arg5: memref<128xf32, #tpu.memory_space<vmem>>, %arg6: memref<128x128xf32, #tpu.memory_space<vmem>>, %arg7: memref<1024x128xf32, #tpu.memory_space<vmem>>) attributes {dimension_semantics = [#tpu.dimension_semantics<arbitrary>], iteration_bounds = array<i64: 10>, scalar_prefetch = 0 : i64, scratch_operands = 0 : i64, tpu.core_type = #tpu.core_type<tc>, window_params = [{transform_indices = @transform_0, window_bounds = array<i64: 2, 1024, 128>}, {transform_indices = @transform_1, window_bounds = array<i64: 1024, 2>}, {transform_indices = @transform_2, window_bounds = array<i64: 1024, 128>}, {pipeline_mode = #tpu.pipeline_mode<synchronous>, transform_indices = @transform_3, window_bounds = array<i64: 128, 128>}, {pipeline_mode = #tpu.pipeline_mode<synchronous>, transform_indices = @transform_4, window_bounds = array<i64: 128>}, {pipeline_mode = #tpu.pipeline_mode<synchronous>, transform_indices = @transform_5, window_bounds = array<i64: 128, 128>}, {transform_indices = @transform_6, window_bounds = array<i64: 1024, 128>}]} {
    %get3A = arith.constant 0 : index
    %get3A_0 = arith.constant 0 : index
    %get3A_1 = vector.load %arg2[%get3A, %get3A_0] : memref<1024x2xf32, #tpu.memory_space<vmem>>, vector<1024x1xf32>
    %get3A_2 = vector.shape_cast %get3A_1 : vector<1024x1xf32> to vector<1024xf32>
    %get3A_3 = arith.constant 0 : index
    %get3A_4 = arith.constant 1 : index
    %get3A_5 = vector.load %arg2[%get3A_3, %get3A_4] : memref<1024x2xf32, #tpu.memory_space<vmem>>, vector<1024x1xf32>
    %get3A_6 = vector.shape_cast %get3A_5 : vector<1024x1xf32> to vector<1024xf32>
    %add3A = arith.addf %get3A_2, %get3A_6 : vector<1024xf32>
    %max3A = arith.constant 1.000000e+00 : f32
    %max3A_7 = vector.broadcast %max3A : f32 to vector<1024xf32>
    %max3A_8 = arith.maximumf %add3A, %max3A_7 : vector<1024xf32>
    %get3A_9 = arith.constant 0 : index
    %get3A_10 = arith.constant 0 : index
    %get3A_11 = arith.constant 0 : index
    %get3A_12 = vector.load %arg1[%get3A_9, %get3A_10, %get3A_11] : memref<2x1024x128xf32, #tpu.memory_space<vmem>>, vector<1x1024x128xf32>
    %get3A_13 = vector.shape_cast %get3A_12 : vector<1x1024x128xf32> to vector<1024x128xf32>
    %get3A_14 = arith.constant 1 : index
    %get3A_15 = arith.constant 0 : index
    %get3A_16 = arith.constant 0 : index
    %get3A_17 = vector.load %arg1[%get3A_14, %get3A_15, %get3A_16] : memref<2x1024x128xf32, #tpu.memory_space<vmem>>, vector<1x1024x128xf32>
    %get3A_18 = vector.shape_cast %get3A_17 : vector<1x1024x128xf32> to vector<1024x128xf32>
    %add3A_19 = arith.addf %get3A_13, %get3A_18 : vector<1024x128xf32>
    %div3A = arith.constant 1.000000e+00 : f32
    %div3A_20 = vector.broadcast %div3A : f32 to vector<1024xf32>
    %div3A_21 = arith.divf %div3A_20, %max3A_8 : vector<1024xf32>
    %broadcast_in_dim3A = vector.shape_cast %div3A_21 : vector<1024xf32> to vector<1024x1xf32>
    %mul3A = vector.broadcast %broadcast_in_dim3A : vector<1024x1xf32> to vector<1024x128xf32>
    %mul3A_22 = arith.mulf %add3A_19, %mul3A : vector<1024x128xf32>
    %get3A_23 = arith.constant 0 : index
    %get3A_24 = arith.constant 0 : index
    %get3A_25 = vector.load %arg4[%get3A_23, %get3A_24] : memref<128x128xf32, #tpu.memory_space<vmem>>, vector<128x128xf32>
    %dot_general3A = arith.constant dense<0.000000e+00> : vector<1024x128xf32>
    %dot_general3A_26 = tpu.matmul %mul3A_22, %get3A_25, %dot_general3A {dimension_numbers = #tpu.dot_dimension_numbers<[1], [0], [0], [1], [0, 0, 1, 1], [], []>, transpose_lhs_hint = false} : vector<1024x128xf32>, vector<128x128xf32>, vector<1024x128xf32> -> vector<1024x128xf32>
    %get3A_27 = arith.constant 0 : index
    %get3A_28 = arith.constant 0 : index
    %get3A_29 = vector.load %arg3[%get3A_27, %get3A_28] : memref<1024x128xf32, #tpu.memory_space<vmem>>, vector<1024x128xf32>
    %get3A_30 = arith.constant 0 : index
    %get3A_31 = arith.constant 0 : index
    %get3A_32 = vector.load %arg6[%get3A_30, %get3A_31] : memref<128x128xf32, #tpu.memory_space<vmem>>, vector<128x128xf32>
    %dot_general3A_33 = arith.constant dense<0.000000e+00> : vector<1024x128xf32>
    %dot_general3A_34 = tpu.matmul %get3A_29, %get3A_32, %dot_general3A_33 {dimension_numbers = #tpu.dot_dimension_numbers<[1], [0], [0], [1], [0, 0, 1, 1], [], []>, transpose_lhs_hint = false} : vector<1024x128xf32>, vector<128x128xf32>, vector<1024x128xf32> -> vector<1024x128xf32>
    %add3A_35 = arith.addf %dot_general3A_26, %dot_general3A_34 : vector<1024x128xf32>
    %get3A_36 = arith.constant 0 : index
    %get3A_37 = vector.load %arg5[%get3A_36] : memref<128xf32, #tpu.memory_space<vmem>>, vector<128xf32>
    %broadcast_in_dim3A_38 = vector.shape_cast %get3A_37 : vector<128xf32> to vector<1x128xf32>
    %add3A_39 = vector.broadcast %broadcast_in_dim3A_38 : vector<1x128xf32> to vector<1024x128xf32>
    %add3A_40 = arith.addf %add3A_35, %add3A_39 : vector<1024x128xf32>
    %gt3A = arith.constant 0.000000e+00 : f32
    %gt3A_41 = vector.broadcast %gt3A : f32 to vector<1024x128xf32>
    %gt3A_42 = arith.cmpf ogt, %add3A_40, %gt3A_41 : vector<1024x128xf32>
    %min3A = arith.constant 0.000000e+00 : f32
    %min3A_43 = vector.broadcast %min3A : f32 to vector<1024x128xf32>
    %min3A_44 = arith.minimumf %add3A_40, %min3A_43 : vector<1024x128xf32>
    %exp3A = math.exp %min3A_44 : vector<1024x128xf32>
    %sub3A = arith.constant 1.000000e+00 : f32
    %sub3A_45 = vector.broadcast %sub3A : f32 to vector<1024x128xf32>
    %sub3A_46 = arith.subf %exp3A, %sub3A_45 : vector<1024x128xf32>
    %select_n3A = arith.select %gt3A_42, %add3A_40, %sub3A_46 : vector<1024x128xi1>, vector<1024x128xf32>
    %swap3A = arith.constant 0 : index
    %swap3A_47 = arith.constant 0 : index
    %swap3A_48 = vector.load %arg7[%swap3A, %swap3A_47] : memref<1024x128xf32, #tpu.memory_space<vmem>>, vector<1024x128xf32>
    tpu.vector_store %arg7[%swap3A, %swap3A_47], %select_n3A {strides = array<i32>} : memref<1024x128xf32, #tpu.memory_space<vmem>>, vector<1024x128xf32>,
    return
  }
  func.func @transform_0(%arg0: i32) -> (i32, i32, i32) {
    %c0_i32 = arith.constant 0 : i32
    %c0_i32_0 = arith.constant 0 : i32
    %c0_i32_1 = arith.constant 0 : i32
    return %c0_i32, %arg0, %c0_i32_0 : i32, i32, i32
  }
  func.func @transform_1(%arg0: i32) -> (i32, i32) {
    %c0_i32 = arith.constant 0 : i32
    %c0_i32_0 = arith.constant 0 : i32
    return %arg0, %c0_i32 : i32, i32
  }
  func.func @transform_2(%arg0: i32) -> (i32, i32) {
    %c0_i32 = arith.constant 0 : i32
    %c0_i32_0 = arith.constant 0 : i32
    return %arg0, %c0_i32 : i32, i32
  }
  func.func @transform_3(%arg0: i32) -> (i32, i32) {
    %c0_i32 = arith.constant 0 : i32
    %c0_i32_0 = arith.constant 0 : i32
    %c0_i32_1 = arith.constant 0 : i32
    return %c0_i32, %c0_i32_0 : i32, i32
  }
  func.func @transform_4(%arg0: i32) -> i32 {
    %c0_i32 = arith.constant 0 : i32
    %c0_i32_0 = arith.constant 0 : i32
    return %c0_i32 : i32
  }
  func.func @transform_5(%arg0: i32) -> (i32, i32) {
    %c0_i32 = arith.constant 0 : i32
    %c0_i32_0 = arith.constant 0 : i32
    %c0_i32_1 = arith.constant 0 : i32
    return %c0_i32, %c0_i32_0 : i32, i32
  }
  func.func @transform_6(%arg0: i32) -> (i32, i32) {
    %c0_i32 = arith.constant 0 : i32
    %c0_i32_0 = arith.constant 0 : i32
    return %arg0, %c0_i32 : i32, i32
  }
}

module attributes {stable_mosaic.version = 14 : i64} {
  func.func @_tc2_body(%arg0: i32, %arg1: memref<2x1024x128xf32, #tpu.memory_space<vmem>>, %arg2: memref<1024x2xf32, #tpu.memory_space<vmem>>, %arg3: memref<1024x128xf32, #tpu.memory_space<vmem>>, %arg4: memref<128x128xf32, #tpu.memory_space<vmem>>, %arg5: memref<128xf32, #tpu.memory_space<vmem>>, %arg6: memref<128x128xf32, #tpu.memory_space<vmem>>, %arg7: memref<128x64xf32, #tpu.memory_space<vmem>>, %arg8: memref<64xf32, #tpu.memory_space<vmem>>, %arg9: memref<64xf32, #tpu.memory_space<vmem>>, %arg10: memref<1xf32, #tpu.memory_space<vmem>>, %arg11: memref<1024xf32, #tpu.memory_space<vmem>>) attributes {dimension_semantics = [#tpu.dimension_semantics<arbitrary>], iteration_bounds = array<i64: 10>, scalar_prefetch = 0 : i64, scratch_operands = 0 : i64, tpu.core_type = #tpu.core_type<tc>, window_params = [{transform_indices = @transform_0, window_bounds = array<i64: 2, 1024, 128>}, {transform_indices = @transform_1, window_bounds = array<i64: 1024, 2>}, {transform_indices = @transform_2, window_bounds = array<i64: 1024, 128>}, {pipeline_mode = #tpu.pipeline_mode<synchronous>, transform_indices = @transform_3, window_bounds = array<i64: 128, 128>}, {pipeline_mode = #tpu.pipeline_mode<synchronous>, transform_indices = @transform_4, window_bounds = array<i64: 128>}, {pipeline_mode = #tpu.pipeline_mode<synchronous>, transform_indices = @transform_5, window_bounds = array<i64: 128, 128>}, {pipeline_mode = #tpu.pipeline_mode<synchronous>, transform_indices = @transform_6, window_bounds = array<i64: 128, 64>}, {pipeline_mode = #tpu.pipeline_mode<synchronous>, transform_indices = @transform_7, window_bounds = array<i64: 64>}, {pipeline_mode = #tpu.pipeline_mode<synchronous>, transform_indices = @transform_8, window_bounds = array<i64: 64>}, {pipeline_mode = #tpu.pipeline_mode<synchronous>, transform_indices = @transform_9, window_bounds = array<i64: 1>}, {transform_indices = @transform_10, window_bounds = array<i64: 1024>}]} {
    %get3A = arith.constant 0 : index
    %get3A_0 = arith.constant 0 : index
    %get3A_1 = vector.load %arg2[%get3A, %get3A_0] : memref<1024x2xf32, #tpu.memory_space<vmem>>, vector<1024x1xf32>
    %get3A_2 = vector.shape_cast %get3A_1 : vector<1024x1xf32> to vector<1024xf32>
    %get3A_3 = arith.constant 0 : index
    %get3A_4 = arith.constant 1 : index
    %get3A_5 = vector.load %arg2[%get3A_3, %get3A_4] : memref<1024x2xf32, #tpu.memory_space<vmem>>, vector<1024x1xf32>
    %get3A_6 = vector.shape_cast %get3A_5 : vector<1024x1xf32> to vector<1024xf32>
    %add3A = arith.addf %get3A_2, %get3A_6 : vector<1024xf32>
    %max3A = arith.constant 1.000000e+00 : f32
    %max3A_7 = vector.broadcast %max3A : f32 to vector<1024xf32>
    %max3A_8 = arith.maximumf %add3A, %max3A_7 : vector<1024xf32>
    %get3A_9 = arith.constant 0 : index
    %get3A_10 = arith.constant 0 : index
    %get3A_11 = arith.constant 0 : index
    %get3A_12 = vector.load %arg1[%get3A_9, %get3A_10, %get3A_11] : memref<2x1024x128xf32, #tpu.memory_space<vmem>>, vector<1x1024x128xf32>
    %get3A_13 = vector.shape_cast %get3A_12 : vector<1x1024x128xf32> to vector<1024x128xf32>
    %get3A_14 = arith.constant 1 : index
    %get3A_15 = arith.constant 0 : index
    %get3A_16 = arith.constant 0 : index
    %get3A_17 = vector.load %arg1[%get3A_14, %get3A_15, %get3A_16] : memref<2x1024x128xf32, #tpu.memory_space<vmem>>, vector<1x1024x128xf32>
    %get3A_18 = vector.shape_cast %get3A_17 : vector<1x1024x128xf32> to vector<1024x128xf32>
    %add3A_19 = arith.addf %get3A_13, %get3A_18 : vector<1024x128xf32>
    %div3A = arith.constant 1.000000e+00 : f32
    %div3A_20 = vector.broadcast %div3A : f32 to vector<1024xf32>
    %div3A_21 = arith.divf %div3A_20, %max3A_8 : vector<1024xf32>
    %broadcast_in_dim3A = vector.shape_cast %div3A_21 : vector<1024xf32> to vector<1024x1xf32>
    %mul3A = vector.broadcast %broadcast_in_dim3A : vector<1024x1xf32> to vector<1024x128xf32>
    %mul3A_22 = arith.mulf %add3A_19, %mul3A : vector<1024x128xf32>
    %get3A_23 = arith.constant 0 : index
    %get3A_24 = arith.constant 0 : index
    %get3A_25 = vector.load %arg4[%get3A_23, %get3A_24] : memref<128x128xf32, #tpu.memory_space<vmem>>, vector<128x128xf32>
    %dot_general3A = arith.constant dense<0.000000e+00> : vector<1024x128xf32>
    %dot_general3A_26 = tpu.matmul %mul3A_22, %get3A_25, %dot_general3A {dimension_numbers = #tpu.dot_dimension_numbers<[1], [0], [0], [1], [0, 0, 1, 1], [], []>, transpose_lhs_hint = false} : vector<1024x128xf32>, vector<128x128xf32>, vector<1024x128xf32> -> vector<1024x128xf32>
    %get3A_27 = arith.constant 0 : index
    %get3A_28 = arith.constant 0 : index
    %get3A_29 = vector.load %arg3[%get3A_27, %get3A_28] : memref<1024x128xf32, #tpu.memory_space<vmem>>, vector<1024x128xf32>
    %get3A_30 = arith.constant 0 : index
    %get3A_31 = arith.constant 0 : index
    %get3A_32 = vector.load %arg6[%get3A_30, %get3A_31] : memref<128x128xf32, #tpu.memory_space<vmem>>, vector<128x128xf32>
    %dot_general3A_33 = arith.constant dense<0.000000e+00> : vector<1024x128xf32>
    %dot_general3A_34 = tpu.matmul %get3A_29, %get3A_32, %dot_general3A_33 {dimension_numbers = #tpu.dot_dimension_numbers<[1], [0], [0], [1], [0, 0, 1, 1], [], []>, transpose_lhs_hint = false} : vector<1024x128xf32>, vector<128x128xf32>, vector<1024x128xf32> -> vector<1024x128xf32>
    %add3A_35 = arith.addf %dot_general3A_26, %dot_general3A_34 : vector<1024x128xf32>
    %get3A_36 = arith.constant 0 : index
    %get3A_37 = vector.load %arg5[%get3A_36] : memref<128xf32, #tpu.memory_space<vmem>>, vector<128xf32>
    %broadcast_in_dim3A_38 = vector.shape_cast %get3A_37 : vector<128xf32> to vector<1x128xf32>
    %add3A_39 = vector.broadcast %broadcast_in_dim3A_38 : vector<1x128xf32> to vector<1024x128xf32>
    %add3A_40 = arith.addf %add3A_35, %add3A_39 : vector<1024x128xf32>
    %gt3A = arith.constant 0.000000e+00 : f32
    %gt3A_41 = vector.broadcast %gt3A : f32 to vector<1024x128xf32>
    %gt3A_42 = arith.cmpf ogt, %add3A_40, %gt3A_41 : vector<1024x128xf32>
    %min3A = arith.constant 0.000000e+00 : f32
    %min3A_43 = vector.broadcast %min3A : f32 to vector<1024x128xf32>
    %min3A_44 = arith.minimumf %add3A_40, %min3A_43 : vector<1024x128xf32>
    %exp3A = math.exp %min3A_44 : vector<1024x128xf32>
    %sub3A = arith.constant 1.000000e+00 : f32
    %sub3A_45 = vector.broadcast %sub3A : f32 to vector<1024x128xf32>
    %sub3A_46 = arith.subf %exp3A, %sub3A_45 : vector<1024x128xf32>
    %select_n3A = arith.select %gt3A_42, %add3A_40, %sub3A_46 : vector<1024x128xi1>, vector<1024x128xf32>
    %get3A_47 = arith.constant 0 : index
    %get3A_48 = arith.constant 0 : index
    %get3A_49 = vector.load %arg7[%get3A_47, %get3A_48] : memref<128x64xf32, #tpu.memory_space<vmem>>, vector<128x64xf32>
    %dot_general3A_50 = arith.constant dense<0.000000e+00> : vector<1024x64xf32>
    %dot_general3A_51 = tpu.matmul %select_n3A, %get3A_49, %dot_general3A_50 {dimension_numbers = #tpu.dot_dimension_numbers<[1], [0], [0], [1], [0, 0, 1, 1], [], []>, transpose_lhs_hint = false} : vector<1024x128xf32>, vector<128x64xf32>, vector<1024x64xf32> -> vector<1024x64xf32>
    %get3A_52 = arith.constant 0 : index
    %get3A_53 = vector.load %arg8[%get3A_52] : memref<64xf32, #tpu.memory_space<vmem>>, vector<64xf32>
    %broadcast_in_dim3A_54 = vector.shape_cast %get3A_53 : vector<64xf32> to vector<1x64xf32>
    %add3A_55 = vector.broadcast %broadcast_in_dim3A_54 : vector<1x64xf32> to vector<1024x64xf32>
    %add3A_56 = arith.addf %dot_general3A_51, %add3A_55 : vector<1024x64xf32>
    %max3A_57 = arith.constant 0.000000e+00 : f32
    %max3A_58 = vector.broadcast %max3A_57 : f32 to vector<1024x64xf32>
    %max3A_59 = arith.maximumf %add3A_56, %max3A_58 : vector<1024x64xf32>
    %get3A_60 = arith.constant 0 : index
    %get3A_61 = vector.load %arg9[%get3A_60] : memref<64xf32, #tpu.memory_space<vmem>>, vector<64xf32>
    %broadcast_in_dim3A_62 = vector.shape_cast %get3A_61 : vector<64xf32> to vector<1x64xf32>
    %mul3A_63 = vector.broadcast %broadcast_in_dim3A_62 : vector<1x64xf32> to vector<1024x64xf32>
    %mul3A_64 = arith.mulf %max3A_59, %mul3A_63 : vector<1024x64xf32>
    %reduce_sum3A = arith.constant dense<0.000000e+00> : vector<1024xf32>
    %reduce_sum3A_65 = vector.multi_reduction <add>, %mul3A_64, %reduce_sum3A [1] : vector<1024x64xf32> to vector<1024xf32>
    %get3A_66 = arith.constant 0 : index
    %get3A_67 = vector.load %arg10[%get3A_66] : memref<1xf32, #tpu.memory_space<vmem>>, vector<1xf32>
    %add3A_68 = vector.broadcast %get3A_67 : vector<1xf32> to vector<1024xf32>
    %add3A_69 = arith.addf %reduce_sum3A_65, %add3A_68 : vector<1024xf32>
    %swap3A = arith.constant 0 : index
    %swap3A_70 = vector.load %arg11[%swap3A] : memref<1024xf32, #tpu.memory_space<vmem>>, vector<1024xf32>
    tpu.vector_store %arg11[%swap3A], %add3A_69 {strides = array<i32>} : memref<1024xf32, #tpu.memory_space<vmem>>, vector<1024xf32>,
    return
  }
  func.func @transform_0(%arg0: i32) -> (i32, i32, i32) {
    %c0_i32 = arith.constant 0 : i32
    %c0_i32_0 = arith.constant 0 : i32
    %c0_i32_1 = arith.constant 0 : i32
    return %c0_i32, %arg0, %c0_i32_0 : i32, i32, i32
  }
  func.func @transform_1(%arg0: i32) -> (i32, i32) {
    %c0_i32 = arith.constant 0 : i32
    %c0_i32_0 = arith.constant 0 : i32
    return %arg0, %c0_i32 : i32, i32
  }
  func.func @transform_2(%arg0: i32) -> (i32, i32) {
    %c0_i32 = arith.constant 0 : i32
    %c0_i32_0 = arith.constant 0 : i32
    return %arg0, %c0_i32 : i32, i32
  }
  func.func @transform_3(%arg0: i32) -> (i32, i32) {
    %c0_i32 = arith.constant 0 : i32
    %c0_i32_0 = arith.constant 0 : i32
    %c0_i32_1 = arith.constant 0 : i32
    return %c0_i32, %c0_i32_0 : i32, i32
  }
  func.func @transform_4(%arg0: i32) -> i32 {
    %c0_i32 = arith.constant 0 : i32
    %c0_i32_0 = arith.constant 0 : i32
    return %c0_i32 : i32
  }
  func.func @transform_5(%arg0: i32) -> (i32, i32) {
    %c0_i32 = arith.constant 0 : i32
    %c0_i32_0 = arith.constant 0 : i32
    %c0_i32_1 = arith.constant 0 : i32
    return %c0_i32, %c0_i32_0 : i32, i32
  }
  func.func @transform_6(%arg0: i32) -> (i32, i32) {
    %c0_i32 = arith.constant 0 : i32
    %c0_i32_0 = arith.constant 0 : i32
    %c0_i32_1 = arith.constant 0 : i32
    return %c0_i32, %c0_i32_0 : i32, i32
  }
  func.func @transform_7(%arg0: i32) -> i32 {
    %c0_i32 = arith.constant 0 : i32
    %c0_i32_0 = arith.constant 0 : i32
    return %c0_i32 : i32
  }
  func.func @transform_8(%arg0: i32) -> i32 {
    %c0_i32 = arith.constant 0 : i32
    %c0_i32_0 = arith.constant 0 : i32
    return %c0_i32 : i32
  }
  func.func @transform_9(%arg0: i32) -> i32 {
    %c0_i32 = arith.constant 0 : i32
    %c0_i32_0 = arith.constant 0 : i32
    return %c0_i32 : i32
  }
  func.func @transform_10(%arg0: i32) -> i32 {
    %c0_i32 = arith.constant 0 : i32
    return %arg0 : i32
  }
}

</mosaic_0001>

<sc_bundles>
// kernel: kernel.10.cloned.1.call-start
scs
__scs_entry_jumppad:
0x0: {  	(pc) =	sbr.rel $0x88, $3  }
0x1: {  	(tag) =	ssettag $0x0;
	lr =	simm.s32 $0x1  }
0x2: {  	[smem:$0x3F95] =	sst lr;
	_ =	strace $0xD0000000  }
0x3: {  	_ = 	snop  }
0x4: {  	_ = 	snop  }
0x5: {  	_ = 	snop  }
0x6: {  	_ = 	snop  }
0x7: {  	_ = 	snop  }
__scs_overlays_trampoline_lowered:
0x8: {  	[smem:$0x3FA4] =	sst s0  }
0x9: {  	[smem:$0x3FA5] =	sst s1  }
0xa: {  	[smem:$0x3FA6] =	sst s2  }
0xb: {  	[smem:$0x3FA7] =	sst s3  }
0xc: {  	[smem:$0x3FA8] =	sst s4  }
0xd: {  	[smem:$0x3FA9] =	sst s5  }
0xe: {  	[smem:$0x3FAA] =	sst s6  }
0xf: {  	[smem:$0x3FAB] =	sst s7  }
0x10: {  	[smem:$0x3FAC] =	sst s8  }
0x11: {  	[smem:$0x3FAD] =	sst s9;
	s0 =	simm.s32 @!p0 $0x0  }
0x12: {  	s1 =	sld [smem:$0x3F93];
	s0 =	simm.s32 @p0 $0x1  }
0x13: {  	[smem:$0x3FAE] =	sst s0;
	s0 =	simm.s32 @!p1 $0x0  }
0x14: {  	s2 =	sld [smem:$0x3F92];
	s0 =	simm.s32 @p1 $0x1  }
0x15: {  	[smem:$0x3FAF] =	sst s0;
	s0 =	simm.s32 @!p2 $0x0  }
0x16: {  	s3 =	sld [smem:$0x3FDB];
	s0 =	simm.s32 @p2 $0x1  }
0x17: {  	s4 =	simm.s32 $0x1BF5;
	[smem:$0x3FB1] =	sst s0  }
0x18: {  	s0 =	sld [smem:$0x3F94];
	_ =	swait.ge [sflag:s4], $0x0  }
0x19: {  	s7 =	sld [smem:$0x3F95]  }
0x1a: {  	s8 =	sadd.s32 $0xFFFFE003, lr  }
0x1b: {  	s9 =	sadd.s32 $0xFFFFFEF7, lr;
	s5 =	simm.s32 $0xFFFFFFFF;
	p2 =	slt.u32 s8, $0xFFFFF086  }
0x1c: {  	p1 =	slt.u32 s9, $0xF7A;
	s5 =	simm.s32 @!p2 $0x0  }
0x1d: {  	s5 =	simm.s32 @p1 $0x1;
	p0 =	seq.s32 s7, s2  }
0x1e: {  	s7 =	smul.u32 @!p0 $0xF7A, s2;
	p2 =	seq.s32 @!p0 s5, $0x0  }
0x1f: {  	s9 =	smul.u32 $0xF7A, s1;
	s8 =	simm.s32 @!p0 $0x1BF5;
	p2 =	por !p2, p0  }
0x20: {  	[sflag:s8] =	ssyncset.s32 @!p0 $0xFFFFF086;
	s6 =	sadd.s32 @!p0 s3, s7;
	s7 =	simm.s32 @!p0 $0x108  }
0x21: {  	s3 =	sadd.s32 s3, s9;
	s6 =	sadd.s32 @!p0 $0x88, s6;
	s7 =	simm.s32 @p2 $0x1082  }
0x22: {  	[simem:s7], [sflag:s8] =	dma.local @!p0 [hbm:s6], $0xF7A  }
0x23: {  	s9 =	sor.u32 $0xD0000000, s2;
	s6 =	simm.s32 $0x108;
	_ =	swait.ge @!p0 [sflag:s8], $0x0  }
0x24: {  	s3 =	sadd.s32 $0x88, s3;
	s6 =	simm.s32 @!p1 $0x1082;
	[sflag:s4] =	ssyncset.s32 $0xFFFFF086  }
0x25: {  	[simem:s6], [sflag:s4] =	dma.local [hbm:s3], $0xF7A  }
0x26: {  	[smem:$0x3F95] =	sst s1;
	(tag) =	ssettag s2;
	_ =	strace s9  }
0x27: {  	s1 =	sld [smem:$0x3FA5]  }
0x28: {  	s2 =	sld [smem:$0x3FA6]  }
0x29: {  	s4 =	sld [smem:$0x3FA8]  }
0x2a: {  	p0 =	seq.s32 s5, $0x0;
	s5 =	sld [smem:$0x3FA9]  }
0x2b: {  	s6 =	sld [smem:$0x3FAA]  }
0x2c: {  	s7 =	sld [smem:$0x3FAB]  }
0x2d: {  	s3 =	simm.s32 $0x108;
	s8 =	sld [smem:$0x3FAC]  }
0x2e: {  	s3 =	simm.s32 @!p0 $0x1082;
	s9 =	sld [smem:$0x3FAD]  }
0x2f: {  	lr =	sadd.s32 s0, s3;
	s0 =	sld [smem:$0x3FA4]  }
0x30: {  	s3 =	sld [smem:$0x3FA7]  }
0x31: {  	[smem:$0x3FB0] =	sst s10  }
0x32: {  	s10 =	sld [smem:$0x3FAE];
	_ =	sdelay $0x3  }
0x33: {  	p0 =	seq.s32 s10, $0x1;
	s10 =	sld [smem:$0x3FB0];
	_ =	sdelay $0x3  }
0x34: {  	[smem:$0x3FB0] =	sst s10  }
0x35: {  	s10 =	sld [smem:$0x3FAF];
	_ =	sdelay $0x3  }
0x36: {  	p1 =	seq.s32 s10, $0x1;
	s10 =	sld [smem:$0x3FB0];
	_ =	sdelay $0x3  }
0x37: {  	[smem:$0x3FB0] =	sst s10  }
0x38: {  	s10 =	sld [smem:$0x3FB1]  }
0x39: {  	_ = 	snop;
	(pc) =	sbr.ind lr, $3  }
0x3a: {  	_ = 	snop  }
0x3b: {  	_ = 	snop  }
0x3c: {  	p2 =	seq.s32 s10, $0x1;
	s10 =	sld [smem:$0x3FB0]  }
0x3d: {  	_ =	shalt  }
0x3e: {  	_ =	shalt  }
0x3f: {  	_ =	shalt  }
0x40: {  	_ =	shalt  }
0x41: {  	_ =	shalt  }
0x42: {  	_ =	shalt  }
0x43: {  	_ =	shalt  }
0x44: {  	_ =	shalt  }
0x45: {  	_ =	shalt  }
0x46: {  	_ =	shalt  }
0x47: {  	_ =	shalt  }
0x48: {  	_ =	shalt  }
0x49: {  	_ =	shalt  }
0x4a: {  	_ =	shalt  }
0x4b: {  	_ =	shalt  }
0x4c: {  	_ =	shalt  }
0x4d: {  	_ =	shalt  }
0x4e: {  	_ =	shalt  }
0x4f: {  	_ =	shalt  }
0x50: {  	_ =	shalt  }
0x51: {  	_ =	shalt  }
0x52: {  	_ =	shalt  }
0x53: {  	_ =	shalt  }
0x54: {  	_ =	shalt  }
0x55: {  	_ =	shalt  }
0x56: {  	_ =	shalt  }
0x57: {  	_ =	shalt  }
0x58: {  	_ =	shalt  }
0x59: {  	_ =	shalt  }
0x5a: {  	_ =	shalt  }
0x5b: {  	_ =	shalt  }
0x5c: {  	_ =	shalt  }
0x5d: {  	_ =	shalt  }
0x5e: {  	_ =	shalt  }
0x5f: {  	_ =	shalt  }
0x60: {  	_ =	shalt  }
0x61: {  	_ =	shalt  }
0x62: {  	_ =	shalt  }
0x63: {  	_ =	shalt  }
0x64: {  	_ =	shalt  }
0x65: {  	_ =	shalt  }
0x66: {  	_ =	shalt  }
0x67: {  	_ =	shalt  }
0x68: {  	_ =	shalt  }
0x69: {  	_ =	shalt  }
0x6a: {  	_ =	shalt  }
0x6b: {  	_ =	shalt  }
0x6c: {  	_ =	shalt  }
0x6d: {  	_ =	shalt  }
0x6e: {  	_ =	shalt  }
0x6f: {  	_ =	shalt  }
0x70: {  	_ =	shalt  }
0x71: {  	_ =	shalt  }
0x72: {  	_ =	shalt  }
0x73: {  	_ =	shalt  }
0x74: {  	_ =	shalt  }
0x75: {  	_ =	shalt  }
0x76: {  	_ =	shalt  }
0x77: {  	_ =	shalt  }
0x78: {  	_ =	shalt  }
0x79: {  	_ =	shalt  }
0x7a: {  	_ =	shalt  }
0x7b: {  	_ =	shalt  }
0x7c: {  	_ =	shalt  }
0x7d: {  	_ =	shalt  }
0x7e: {  	_ =	shalt  }
0x7f: {  	_ =	shalt  }
0x80: {  	_ =	shalt  }
0x81: {  	_ =	shalt  }
0x82: {  	_ =	shalt  }
0x83: {  	_ =	shalt  }
0x84: {  	_ =	shalt  }
0x85: {  	_ =	shalt  }
0x86: {  	_ =	shalt  }
0x87: {  	_ =	shalt  }
.Lfunc_end0:
.L_simem_size_0:
called_computation.1_lowered:
.L_overlay_start_0:
0x88: {  	s2 =	sld [smem:$0x3FD9]  }
0x89: {  	s3 =	sld [smem:$0x3FFE];
	_ =	sdelay $0x1  }
0x8a: {  	s1 =	srdreg.scid  }
0x8b: {  	s0 =	sand.u32 $0x1, s1  }
0x8c: {  	s17 =	sshll.u32 s0, $0xA;
	s2 =	sadd.s32 s3, s2  }
0x8d: {  	s2 =	sadd.s32 s2, s17  }
0x8e: {  	[smem:$0x3FBC] =	sst s2  }
0x8f: {  	_ = 	snop  }
0x90: {  	s18 =	sld [smem:$0x3FC9];
	(tm) =	ssettm $0x1  }
0x91: {  	s19 =	sld [smem:$0x3FFB];
	_ =	sdelay $0x3  }
0x92: {  	_ =	strace s19  }
0x93: {  	s2 =	sld [smem:$0x3FFC];
	_ =	sdelay $0x3  }
0x94: {  	_ =	strace s2  }
0x95: {  	s2 =	sld [smem:$0x3FFD];
	_ =	sdelay $0x3  }
0x96: {  	_ =	strace s2  }
0x97: {  	_ =	strace $0x8FFFFFFF  }
0x98: {  	s20 =	sld [smem:$0x3FDB];
	_ =	sdelay $0x1  }
0x99: {  	s4 =	simm.s32 $_scs_section_size  }
0x9a: {  	s5 =	simm.s32 $_size__tile_overlayer_lowered;
	s6 =	simm.s32 $_tile_overlayer_lowered  }
0x9b: {  	s7 =	simm.s32 $0x1BFF;
	s21 =	sshll.u32 s6, $0x1;
	s4 =	sadd.s32 s4, s20  }
0x9c: {  	s22 =	simm.s32 $0x0;
	s5 =	sshll.u32 s5, $0x1;
	s6 =	sadd.s32 s21, s4  }
0x9d: {  	[timem:s22], [sflag:s7] =	dma.local [hbm:s6], s5  }
0x9e: {  	_ =	swait.ge [sflag:s7], s5  }
0x9f: {  	s5 =	ssub.s32 $0x0, s5;
	[sflag:s7] =	ssyncset.done $0x0  }
0xa0: {  	[sflag:s7] =	ssyncadd.s32 s5;
	_ =	sdelay $0x1  }
0xa1: {  	s23 =	simm.s32 $0x1B8B  }
0xa2: {  	_ =	swait.ge [sflag:s23], $0x1  }
0xa3: {  	[sflag:s23] =	ssyncset.done $0x0  }
0xa4: {  	[sflag:s23] =	ssyncadd.s32 $0xFFFFFFFF  }
0xa5: {  	s5 =	sld [smem:$0x0]  }
0xa6: {  	s6 =	sand.u32 $0xFFFFFFFE, s1  }
0xa7: {  	p0 =	sne.s32 s1, s6  }
0xa8: {  	s6 =	sshll.u32 @p0 s6, $0xE  }
0xa9: {  	s6 =	sadd.s32 @p0 $0x11B8D, s6;
	s7 =	sshll.u32 @p0 s5, $0x11  }
0xaa: {  	s6 =	sor.u32 @p0 s7, s6  }
0xab: {  	[sflag:s6] =	ssyncadd.remote.s32 @p0 $0x1;
	_ =	sdelay $0x1  }
0xac: {  	s6 =	simm.s32 @p0 $0x1B8D  }
0xad: {  	_ =	swait.eq @p0 [sflag:s6], $0x1  }
0xae: {  	[sflag:s6] =	ssyncadd.s32 @p0 $0xFFFFFFFF  }
0xaf: {  	s7 =	sshll.u32 @!p0 s1, $0xE  }
0xb0: {  	s7 =	sor.u32 @!p0 $0x4000, s7;
	s6 =	simm.s32 @!p0 $0x1B8D  }
0xb1: {  	s5 =	sshll.u32 @!p0 s5, $0x11;
	s7 =	sadd.s32 @!p0 $0x11B8D, s7;
	_ =	swait.eq @!p0 [sflag:s6], $0x1  }
0xb2: {  	s5 =	sor.u32 @!p0 s5, s7;
	[sflag:s6] =	ssyncadd.s32 @!p0 $0xFFFFFFFF  }
0xb3: {  	s25 =	simm.s32 $0x1B8E;
	s24 =	sld [smem:$0x3FFE];
	[sflag:s5] =	ssyncadd.remote.s32 @!p0 $0x1  }
0xb4: {  	s26 =	simm.s32 $execute0_lowered;
	[smem:$0x3FD2] =	sst s25  }
0xb5: {  	s6 =	sshll.u32 s26, $0x1;
	_ =	strace $0x80000049;
	[dreg:$0x1] =	wrdreg $0xFFFFFFFF  }
0xb6: {  	s28 =	simm.s32 $_size_execute0_lowered;
	s4 =	sadd.s32 s4, s6;
	[dreg:$0x0] =	wrdreg $0x0  }
0xb7: {  	s6 =	sshll.u32 s28, $0x1;
	[dreg:$0x2] =	wrdreg s4  }
0xb8: {  	[dreg:$0x3] =	wrdreg s6  }
0xb9: {  	[dreg:$0x4] =	wrdreg $0xC0  }
0xba: {  	_ =	task [dreg:s22], $0x5FFFF  }
0xbb: {  	[dreg:$0x1] =	wrdreg $0xFFFFFFFF  }
0xbc: {  	[dreg:$0x0] =	wrdreg $0x60  }
0xbd: {  	[dreg:$0x2] =	wrdreg s18  }
0xbe: {  	[dreg:$0x3] =	wrdreg s24  }
0xbf: {  	[dreg:$0x4] =	wrdreg $0x56000  }
0xc0: {  	[dreg:$0x5] =	wrdreg $0xA  }
0xc1: {  	_ =	task.clear_ibuf [dreg:s22], $0x6FFFF;
	_ =	strace $0x90000049  }
0xc2: {  	s29 =	simm.s32 $0xA;
	_ =	strace $0x8000004B  }
0xc3: {  	_ =	swait.ge [sflag:s29], $0x1  }
0xc4: {  	[sflag:s29] =	ssyncadd.s32 $0xFFFFFFFF  }
0xc5: {  	_ =	strace $0x9000004B  }
0xc6: {  	_ =	sfence  }
0xc7: {  	s30 =	sld [smem:$0x0];
	_ =	sdelay $0x2  }
0xc8: {  	s31 =	sshll.u32 s1, $0xD;
	s1 =	sshrl.u32 s1, $0x2  }
0xc9: {  	s4 =	sand.u32 $0x4000, s31;
	s1 =	sadd.s32 s1, s30  }
0xca: {  	s0 =	sor.u32 s4, s0;
	s1 =	sshll.u32 s1, $0x11  }
0xcb: {  	s0 =	sor.u32 s1, s0  }
0xcc: {  	s0 =	sadd.s32 $0x8F2B, s0  }
0xcd: {  	[sflag:s0] =	ssyncadd.remote.s32 $0x1  }
0xce: {  	_ =	sfence.sel $0xFFFF  }
0xcf: {  	[dreg:$0x0] =	wrdreg $0xFFFFFFFF;
	(pc) =	sbr.abs _section_cstart, $3  }
0xd0: {  	[dreg:$0x1] =	wrdreg $0xFFFFFFFF  }
0xd1: {  	_ =	task.clear_ibuf [dreg:s22], $0x2FFFF;
	_ =	strace $0x9FFFFFFF  }
0xd2: {  	(tm) =	ssettm $0x7FFFFFFF  }
0xd3: {  	_ =	shalt  }
tec
execute0_lowered:
.L_overlay_start_1:
0x0: {  	(tag) =	ssettag $0x1  }
0x1: {  	s1 =	rddreg [dreg:$0x0]  }
0x2: {  	s0 =	rddreg [dreg:$0x1]  }
0x3: {  	s2 =	rddreg [dreg:$0x2]  }
0x4: {  	s3 =	srdreg.scid;
	s4 =	simm.s32 $0x0;
	s11 =	stileid.u32  }
0x5: {  	s29 =	simm.s32 $0x5380;
	s30 =	simm.s32 $0x5400;
	s31 =	simm.s32 $0x5480  }
0x6: {  	s12 =	simm.s32 $0x1;
	s13 =	simm.s32 $0x2;
	s8 =	smul.u32 $0x14000, s11  }
0x7: {  	s3 =	sand.u32 $0x1, s3;
	[smem:$0x7FF] =	sst s4;
	s16 =	smul.u32 $0x4E20, s11  }
0x8: {  	s5 =	sadd.s32 $0xC200, s0;
	s9 =	sshll.u32 s11, $0x1;
	s7 =	smul.u32 $0x140000, s3  }
0x9: {  	s14 =	sor.u32 s3, s9;
	s15 =	ssub.s32 $0x2, s3;
	s3 =	smul.u32 $0x2710, s3  }
0xa: {  	s10 =	sshrl.u32 s15, $0x1;
	s7 =	sadd.s32 s8, s7;
	s8 =	smul.u32 $0x2710, s14  }
0xb: {  	s6 =	sadd.s32 $0x2400, s0;
	_ =	strace $0x8000004A;
	s9 =	ssub.s32 s15, s10  }
0xc: {  	s3 =	sadd.s32 s3, s16;
	s26 =	smax.u32 s9, $0x1;
	s8 =	sshrl.u32 s8, $0x3  }
0xd: {  	s7 =	sshrl.u32 s7, $0x3;
	[dreg:$0xe] =	wrdreg s26;
	s17 =	sadd.s32 s5, s8  }
0xe: {  	s0 =	sadd.s32 s7, s0;
	s8 =	sadd.s32 s6, s8;
	[dreg:$0x4] =	wrdreg s17  }
0xf: {  	s10 =	simm.s32 $0x2980;
	s18 =	sadd.s32 $0x66000, s0;
	[dreg:$0x5] =	wrdreg s8  }
0x10: {  	s14 =	simm.s32 $0x0;
	s19 =	sadd.s32 $0x66500, s0;
	[dreg:$0x6] =	wrdreg s18  }
0x11: {  	s25 =	sadd.s32 $0x50, s3;
	s20 =	sadd.s32 $0x66A00, s0;
	[dreg:$0x7] =	wrdreg s19  }
0x12: {  	s9 =	simm.s32 $0x2900;
	s21 =	sadd.s32 $0x66F00, s0;
	[dreg:$0x8] =	wrdreg s20  }
0x13: {  	s7 =	smul.u32 $0x280, s11;
	s22 =	sadd.s32 $0x67400, s0;
	[dreg:$0x9] =	wrdreg s21  }
0x14: {  	s28 =	sshrl.u32 s25, $0x3;
	s23 =	sadd.s32 $0x67900, s0;
	[dreg:$0xa] =	wrdreg s22  }
0x15: {  	s25 =	simm.s32 $0x3;
	s24 =	sadd.s32 $0x67E00, s0;
	[dreg:$0xb] =	wrdreg s23  }
0x16: {  	s11 =	simm.s32 $0x2A00;
	s0 =	sadd.s32 $0x68300, s0;
	[dreg:$0xc] =	wrdreg s24  }
0x17: {  	[dreg:$0xd] =	wrdreg s0;
	s19 =	sadd.s32 $0xA0, s3;
	s20 =	sadd.s32 s28, s6  }
0x18: {  	s21 =	sadd.s32 s28, s5;
	s22 =	simm.s32 $0x50;
	s24 =	simm.s32 $0x100  }
0x19: {  	v0 =	vlaneseq.u32;
	v1 =	vimm.f32 $0.0e+00;
	s0 =	simm.s32 $0x5500;
	s3 =	simm.s32 $0x5580;
	s8 =	simm.s32 $0x80  }
.LBB2_1:
0x1a: {  	s15 =	smul.u32 $0xCD, s4;
	_ =	sdelay $0x1  }
0x1b: {  	s15 =	sshrl.u32 s15, $0xA  }
0x1c: {  	s16 =	smul.u32 $0x5, s15  }
0x1d: {  	s18 =	sand.u32 $0x3F, s15  }
0x1e: {  	s15 =	simm.s32 $0x1;
	s17 =	smul.u32 $0x50, s18;
	s16 =	ssub.s32 $0x0, s16  }
0x1f: {  	s23 =	smul.u32 $0xCD, s15;
	s16 =	sshll.u32 s16, $0x4  }
0x20: {  	s26 =	sadd.s32 s7, s17;
	s28 =	sand.u32 $0xF0, s16  }
0x21: {  	s17 =	sshrl.u32 s23, $0xA;
	s23 =	sadd.s32 s28, s26;
	s26 =	sshll.u32 s18, $0x7  }
0x22: {  	s16 =	simm.s32 $0x2;
	s18 =	smul.u32 $0x5, s17;
	v2 =	vor.u32 s23, v0;
	s23 =	sor.u32 s28, s26  }
.LBB2_2:
0x23: {  	s26 =	smul.u32 $0xCD, s16;
	s28 =	sand.u32 $0x3F, s17;
	s17 =	smov.u32 s16  }
0x24: {  	[tilespmem:s23+$0x5200] =	vst v2;
	p0 =	sne.s32 s16, $0x27;
	s15 =	ssub.s32 s15, s18;
	s18 =	smul.u32 $0x50, s28  }
.Ltmp0:
0x25: {  	(pc) =	sbr.rel @p0 .LBB2_2-.Ltmp0, $4  }
0x26: {  	s16 =	sadd.s32 $0x1, s16;
	s15 =	sshll.u32 s15, $0x4  }
0x27: {  	s18 =	sadd.s32 s7, s18;
	s23 =	sand.u32 $0xF0, s15;
	s15 =	smov.u32 s17  }
0x28: {  	s28 =	sshll.u32 s28, $0x7;
	s17 =	sshrl.u32 s26, $0xA;
	s26 =	sadd.s32 s23, s18  }
0x29: {  	s18 =	smul.u32 $0x5, s17;
	s23 =	sor.u32 s23, s28;
	v2 =	vor.u32 s26, v0  }
0x2a: {  	s16 =	sand.u32 $0x3F, s17  }
0x2b: {  	s15 =	ssub.s32 s15, s18;
	s17 =	smul.u32 $0x50, s16  }
0x2c: {  	s15 =	sshll.u32 s15, $0x4  }
0x2d: {  	s17 =	sadd.s32 s7, s17;
	s15 =	sand.u32 $0xF0, s15  }
0x2e: {  	s16 =	sshll.u32 s16, $0x7;
	s17 =	sadd.s32 s15, s17  }
0x2f: {  	[tilespmem:s23+$0x5200] =	vst v2;
	s15 =	sor.u32 s15, s16;
	v2 =	vor.u32 s17, v0  }
0x30: {  	s28 =	simm.s32 $0x5200;
	s16 =	simm.s32 $0x200;
	[tilespmem:s15+$0x5200] =	vst v2;
	s15 =	simm.s32 $0x0  }
.LBB2_4:
0x31: {  	p0 =	sne.s32 s16, $0x9E00;
	[tilespmem:s15+$0x170] =	vst v1  }
0x32: {  	[tilespmem:s15+$0x100] =	vst v1  }
0x33: {  	[tilespmem:s15+$0x110] =	vst v1  }
.Ltmp1:
0x34: {  	[tilespmem:s15+$0x120] =	vst v1;
	(pc) =	sbr.rel @p0 .LBB2_4-.Ltmp1, $4  }
0x35: {  	[tilespmem:s15+$0x130] =	vst v1  }
0x36: {  	[tilespmem:s15+$0x140] =	vst v1  }
0x37: {  	[tilespmem:s15+$0x150] =	vst v1  }
0x38: {  	[tilespmem:s15+$0x160] =	vst v1;
	s15 =	sshra.s32 s16, $0x2;
	s16 =	sadd.s32 $0x200, s16  }
0x39: {  	[tilespmem:s15+$0x170] =	vst v1  }
0x3a: {  	[tilespmem:s15+$0x100] =	vst v1  }
0x3b: {  	[tilespmem:s15+$0x110] =	vst v1  }
0x3c: {  	[tilespmem:s15+$0x120] =	vst v1  }
0x3d: {  	[tilespmem:s15+$0x130] =	vst v1  }
0x3e: {  	[tilespmem:s15+$0x140] =	vst v1  }
0x3f: {  	[tilespmem:s15+$0x150] =	vst v1  }
0x40: {  	[tilespmem:s15+$0x160] =	vst v1  }
0x41: {  	[spmem:s2] =	stream.indirect.scatter [tilespmem:s24], [sflag:$0x3], $0x80, s28, s22, $0xb8;
	[tilespmem:$0x19600] =	vst v63  }
0x42: {  	_ =	swait.ge [sflag:s25], $0x2800  }
0x43: {  	[sflag:s25] =	ssyncset.done $0x0  }
0x44: {  	s17 =	simm.s32 $0x5280;
	[sflag:s25] =	ssyncadd.s32 $0xFFFFD800  }
0x45: {  	[spmem:s2] =	stream.indirect.scatter [tilespmem:s24], [sflag:$0x3], $0x80, s17, s22, $0xb8;
	[tilespmem:$0x19600] =	vst v63  }
0x46: {  	_ =	swait.ge [sflag:s25], $0x2800  }
0x47: {  	[sflag:s25] =	ssyncset.done $0x0  }
0x48: {  	s18 =	simm.s32 $0x5300;
	[sflag:s25] =	ssyncadd.s32 $0xFFFFD800  }
0x49: {  	[spmem:s2] =	stream.indirect.scatter [tilespmem:s24], [sflag:$0x3], $0x80, s18, s22, $0xb8;
	[tilespmem:$0x19600] =	vst v63  }
0x4a: {  	_ =	swait.ge [sflag:s25], $0x2800  }
0x4b: {  	[sflag:s25] =	ssyncset.done $0x0  }
0x4c: {  	[sflag:s25] =	ssyncadd.s32 $0xFFFFD800  }
0x4d: {  	[spmem:s2] =	stream.indirect.scatter [tilespmem:s24], [sflag:$0x3], $0x80, s29, s22, $0xb8;
	[tilespmem:$0x19600] =	vst v63  }
0x4e: {  	_ =	swait.ge [sflag:s25], $0x2800  }
0x4f: {  	[sflag:s25] =	ssyncset.done $0x0  }
0x50: {  	[sflag:s25] =	ssyncadd.s32 $0xFFFFD800  }
0x51: {  	[spmem:s2] =	stream.indirect.scatter [tilespmem:s24], [sflag:$0x3], $0x80, s30, s22, $0xb8;
	[tilespmem:$0x19600] =	vst v63  }
0x52: {  	_ =	swait.ge [sflag:s25], $0x2800  }
0x53: {  	[sflag:s25] =	ssyncset.done $0x0  }
0x54: {  	[sflag:s25] =	ssyncadd.s32 $0xFFFFD800  }
0x55: {  	[spmem:s2] =	stream.indirect.scatter [tilespmem:s24], [sflag:$0x3], $0x80, s31, s22, $0xb8;
	[tilespmem:$0x19600] =	vst v63  }
0x56: {  	_ =	swait.ge [sflag:s25], $0x2800  }
0x57: {  	[sflag:s25] =	ssyncset.done $0x0  }
0x58: {  	[sflag:s25] =	ssyncadd.s32 $0xFFFFD800  }
0x59: {  	[spmem:s2] =	stream.indirect.scatter [tilespmem:s24], [sflag:$0x3], $0x80, s0, s22, $0xb8;
	[tilespmem:$0x19600] =	vst v63  }
0x5a: {  	_ =	swait.ge [sflag:s25], $0x2800  }
0x5b: {  	[sflag:s25] =	ssyncset.done $0x0  }
0x5c: {  	[sflag:s25] =	ssyncadd.s32 $0xFFFFD800  }
0x5d: {  	[spmem:s2] =	stream.indirect.scatter [tilespmem:s24], [sflag:$0x3], $0x80, s3, s22, $0xb8;
	[tilespmem:$0x19600] =	vst v63  }
0x5e: {  	_ =	swait.ge [sflag:s25], $0x2800  }
0x5f: {  	[sflag:s25] =	ssyncset.done $0x0  }
0x60: {  	[sflag:s25] =	ssyncadd.s32 $0xFFFFD800  }
0x61: {  	[bflag:$0x0] =	sbarrier.arrive $0xFFFF  }
0x62: {  	s23 =	simm.s32 $0x0;
	s16 =	rddreg [dreg:$0x4]  }
0x63: {  	[tilespmem:s23], [sflag:$0x3] =	stream.linear.gather [hbm4b:s16+s23], $0x50, $0x38;
	[tilespmem:$0x19600] =	vst v63  }
0x64: {  	_ =	swait.ge [sflag:s25], $0x50  }
0x65: {  	[sflag:s25] =	ssyncset.done $0x0  }
0x66: {  	s26 =	rddreg [dreg:$0x5];
	[sflag:s25] =	ssyncadd.s32 $0xFFFFFFB0  }
0x67: {  	[tilespmem:s8], [sflag:$0x3] =	stream.linear.gather [hbm4b:s26+s23], $0x50, $0x38;
	[tilespmem:$0x19600] =	vst v63  }
0x68: {  	_ =	swait.ge [sflag:s25], $0x50  }
0x69: {  	[sflag:s25] =	ssyncset.done $0x0  }
0x6a: {  	[sflag:s25] =	ssyncadd.s32 $0xFFFFFFB0  }
0x6b: {  	[tilespmem:s24], [sflag:$0x1] =	stream.indirect.gather [hbm4b:s1+s22], $0x80, s23, s22, $0xb8;
	[tilespmem:$0x19600] =	vst v63  }
0x6c: {  	s17 =	sadd.s32 $0x0, s21  }
0x6d: {  	[tilespmem:s9], [sflag:$0x3] =	stream.linear.gather [hbm4b:s17+s4], $0x50, $0x38;
	[tilespmem:$0x19600] =	vst v63  }
0x6e: {  	_ =	swait.ge [sflag:s25], $0x50  }
0x6f: {  	[sflag:s25] =	ssyncset.done $0x0  }
0x70: {  	s18 =	sadd.s32 $0x0, s20;
	[sflag:s25] =	ssyncadd.s32 $0xFFFFFFB0  }
0x71: {  	[tilespmem:s10], [sflag:$0x3] =	stream.linear.gather [hbm4b:s18+s4], $0x50, $0x38;
	[tilespmem:$0x19600] =	vst v63  }
0x72: {  	_ =	swait.ge [sflag:s25], $0x50  }
0x73: {  	[sflag:s25] =	ssyncset.done $0x0  }
0x74: {  	[sflag:s25] =	ssyncadd.s32 $0xFFFFFFB0  }
0x75: {  	[tilespmem:s11], [sflag:$0x2] =	stream.indirect.gather [hbm4b:s1+s22], $0x80, s9, s22, $0xb8;
	[tilespmem:$0x19600] =	vst v63  }
0x76: {  	_ =	swait.ge [sflag:s12], $0x2800  }
0x77: {  	[sflag:s12] =	ssyncset.done $0x0  }
0x78: {  	[sflag:s12] =	ssyncadd.s32 $0xFFFFD800  }
0x79: {  	[spmem:s2] =	stream.indirect.scatter.add.f32 [tilespmem:s24], [sflag:$0x3], $0x80, s8, s22, $0xb8;
	[tilespmem:$0x19600] =	vst v63  }
0x7a: {  	_ =	swait.ge [sflag:s25], $0x2800  }
0x7b: {  	s23 =	sshrl.u32 s19, $0x3;
	[sflag:s25] =	ssyncset.done $0x0  }
0x7c: {  	s26 =	sadd.s32 s5, s23;
	[sflag:s25] =	ssyncadd.s32 $0xFFFFD800  }
0x7d: {  	[tilespmem:s4], [sflag:$0x3] =	stream.linear.gather [hbm4b:s26+s4], $0x50, $0x38;
	[tilespmem:$0x19600] =	vst v63  }
0x7e: {  	_ =	swait.ge [sflag:s25], $0x50  }
0x7f: {  	[sflag:s25] =	ssyncset.done $0x0  }
0x80: {  	s15 =	sadd.s32 s6, s23;
	[sflag:s25] =	ssyncadd.s32 $0xFFFFFFB0  }
0x81: {  	[tilespmem:s8], [sflag:$0x3] =	stream.linear.gather [hbm4b:s15+s4], $0x50, $0x38;
	[tilespmem:$0x19600] =	vst v63  }
0x82: {  	_ =	swait.ge [sflag:s25], $0x50  }
0x83: {  	[sflag:s25] =	ssyncset.done $0x0  }
0x84: {  	[sflag:s25] =	ssyncadd.s32 $0xFFFFFFB0  }
0x85: {  	[tilespmem:s24], [sflag:$0x1] =	stream.indirect.gather [hbm4b:s1+s22], $0x80, s4, s22, $0xb8;
	[tilespmem:$0x19600] =	vst v63  }
0x86: {  	_ =	swait.ge [sflag:s13], $0x2800  }
0x87: {  	[sflag:s13] =	ssyncset.done $0x0  }
0x88: {  	[sflag:s13] =	ssyncadd.s32 $0xFFFFD800  }
0x89: {  	[spmem:s2] =	stream.indirect.scatter.add.f32 [tilespmem:s11], [sflag:$0x3], $0x80, s10, s22, $0xb8;
	[tilespmem:$0x19600] =	vst v63  }
0x8a: {  	s16 =	simm.s32 $0x14;
	_ =	swait.ge [sflag:s25], $0x2800  }
0x8b: {  	s18 =	simm.s32 $0x28;
	s15 =	sadd.s32 $0xA0, s19;
	[sflag:s25] =	ssyncset.done $0x0  }
.LBB2_6:
0x8c: {  	s23 =	sadd.s32 s16, s21  }
0x8d: {  	[sflag:s25] =	ssyncadd.s32 $0xFFFFD800;
	s26 =	smov.u32 s18;
	s17 =	sadd.s32 $0x14, s18  }
0x8e: {  	[tilespmem:s9], [sflag:$0x3] =	stream.linear.gather [hbm4b:s23+s4], $0x50, $0x38;
	[tilespmem:$0x19600] =	vst v63  }
0x8f: {  	p0 =	sne.s32 s18, $0x4C4;
	_ =	swait.ge [sflag:s25], $0x50  }
0x90: {  	[sflag:s25] =	ssyncset.done $0x0  }
0x91: {  	s18 =	sadd.s32 s16, s20;
	s16 =	smov.u32 s26;
	[sflag:s25] =	ssyncadd.s32 $0xFFFFFFB0  }
0x92: {  	[tilespmem:s10], [sflag:$0x3] =	stream.linear.gather [hbm4b:s18+s4], $0x50, $0x38;
	[tilespmem:$0x19600] =	vst v63  }
0x93: {  	_ =	swait.ge [sflag:s25], $0x50  }
0x94: {  	[sflag:s25] =	ssyncset.done $0x0  }
0x95: {  	[sflag:s25] =	ssyncadd.s32 $0xFFFFFFB0  }
0x96: {  	[tilespmem:s11], [sflag:$0x2] =	stream.indirect.gather [hbm4b:s1+s22], $0x80, s9, s22, $0xb8;
	[tilespmem:$0x19600] =	vst v63  }
0x97: {  	_ =	swait.ge [sflag:s12], $0x2800  }
0x98: {  	[sflag:s12] =	ssyncset.done $0x0  }
0x99: {  	[sflag:s12] =	ssyncadd.s32 $0xFFFFD800  }
0x9a: {  	[spmem:s2] =	stream.indirect.scatter.add.f32 [tilespmem:s24], [sflag:$0x3], $0x80, s8, s22, $0xb8;
	[tilespmem:$0x19600] =	vst v63  }
0x9b: {  	_ =	swait.ge [sflag:s25], $0x2800  }
0x9c: {  	s18 =	sshrl.u32 s15, $0x3;
	[sflag:s25] =	ssyncset.done $0x0  }
0x9d: {  	s23 =	sadd.s32 s5, s18;
	[sflag:s25] =	ssyncadd.s32 $0xFFFFD800  }
0x9e: {  	[tilespmem:s4], [sflag:$0x3] =	stream.linear.gather [hbm4b:s23+s4], $0x50, $0x38;
	[tilespmem:$0x19600] =	vst v63  }
0x9f: {  	_ =	swait.ge [sflag:s25], $0x50  }
0xa0: {  	[sflag:s25] =	ssyncset.done $0x0  }
0xa1: {  	s18 =	sadd.s32 s6, s18;
	[sflag:s25] =	ssyncadd.s32 $0xFFFFFFB0  }
0xa2: {  	[tilespmem:s8], [sflag:$0x3] =	stream.linear.gather [hbm4b:s18+s4], $0x50, $0x38;
	[tilespmem:$0x19600] =	vst v63  }
0xa3: {  	_ =	swait.ge [sflag:s25], $0x50  }
0xa4: {  	[sflag:s25] =	ssyncset.done $0x0  }
0xa5: {  	[sflag:s25] =	ssyncadd.s32 $0xFFFFFFB0  }
0xa6: {  	[tilespmem:s24], [sflag:$0x1] =	stream.indirect.gather [hbm4b:s1+s22], $0x80, s4, s22, $0xb8;
	[tilespmem:$0x19600] =	vst v63  }
0xa7: {  	_ =	swait.ge [sflag:s13], $0x2800  }
.Ltmp2:
0xa8: {  	[sflag:s13] =	ssyncset.done $0x0;
	(pc) =	sbr.rel @p0 .LBB2_6-.Ltmp2, $4  }
0xa9: {  	[sflag:s13] =	ssyncadd.s32 $0xFFFFD800  }
0xaa: {  	[spmem:s2] =	stream.indirect.scatter.add.f32 [tilespmem:s11], [sflag:$0x3], $0x80, s10, s22, $0xb8;
	[tilespmem:$0x19600] =	vst v63  }
0xab: {  	_ =	swait.ge [sflag:s25], $0x2800  }
0xac: {  	s15 =	sadd.s32 $0xA0, s15;
	s18 =	smov.u32 s17;
	[sflag:s25] =	ssyncset.done $0x0  }
0xad: {  	s17 =	sadd.s32 s16, s21;
	[sflag:s25] =	ssyncadd.s32 $0xFFFFD800  }
0xae: {  	[tilespmem:s9], [sflag:$0x3] =	stream.linear.gather [hbm4b:s17+s4], $0x50, $0x38;
	[tilespmem:$0x19600] =	vst v63  }
0xaf: {  	_ =	swait.ge [sflag:s25], $0x50  }
0xb0: {  	[sflag:s25] =	ssyncset.done $0x0  }
0xb1: {  	s23 =	sadd.s32 s16, s20;
	[sflag:s25] =	ssyncadd.s32 $0xFFFFFFB0  }
0xb2: {  	[tilespmem:s10], [sflag:$0x3] =	stream.linear.gather [hbm4b:s23+s4], $0x50, $0x38;
	[tilespmem:$0x19600] =	vst v63  }
0xb3: {  	_ =	swait.ge [sflag:s25], $0x50  }
0xb4: {  	[sflag:s25] =	ssyncset.done $0x0  }
0xb5: {  	[sflag:s25] =	ssyncadd.s32 $0xFFFFFFB0  }
0xb6: {  	[tilespmem:s11], [sflag:$0x2] =	stream.indirect.gather [hbm4b:s1+s22], $0x80, s9, s22, $0xb8;
	[tilespmem:$0x19600] =	vst v63  }
0xb7: {  	_ =	swait.ge [sflag:s12], $0x2800  }
0xb8: {  	[sflag:s12] =	ssyncset.done $0x0  }
0xb9: {  	[sflag:s12] =	ssyncadd.s32 $0xFFFFD800  }
0xba: {  	[spmem:s2] =	stream.indirect.scatter.add.f32 [tilespmem:s24], [sflag:$0x3], $0x80, s8, s22, $0xb8;
	[tilespmem:$0x19600] =	vst v63  }
0xbb: {  	_ =	swait.ge [sflag:s25], $0x2800  }
0xbc: {  	s15 =	sshrl.u32 s15, $0x3;
	[sflag:s25] =	ssyncset.done $0x0  }
0xbd: {  	s26 =	sadd.s32 s5, s15;
	[sflag:s25] =	ssyncadd.s32 $0xFFFFD800  }
0xbe: {  	[tilespmem:s4], [sflag:$0x3] =	stream.linear.gather [hbm4b:s26+s4], $0x50, $0x38;
	[tilespmem:$0x19600] =	vst v63  }
0xbf: {  	_ =	swait.ge [sflag:s25], $0x50  }
0xc0: {  	[sflag:s25] =	ssyncset.done $0x0  }
0xc1: {  	s15 =	sadd.s32 s6, s15;
	[sflag:s25] =	ssyncadd.s32 $0xFFFFFFB0  }
0xc2: {  	[tilespmem:s8], [sflag:$0x3] =	stream.linear.gather [hbm4b:s15+s4], $0x50, $0x38;
	[tilespmem:$0x19600] =	vst v63  }
0xc3: {  	_ =	swait.ge [sflag:s25], $0x50  }
0xc4: {  	[sflag:s25] =	ssyncset.done $0x0  }
0xc5: {  	[sflag:s25] =	ssyncadd.s32 $0xFFFFFFB0  }
0xc6: {  	[tilespmem:s24], [sflag:$0x1] =	stream.indirect.gather [hbm4b:s1+s22], $0x80, s4, s22, $0xb8;
	[tilespmem:$0x19600] =	vst v63  }
0xc7: {  	_ =	swait.ge [sflag:s13], $0x2800  }
0xc8: {  	[sflag:s13] =	ssyncset.done $0x0  }
0xc9: {  	[sflag:s13] =	ssyncadd.s32 $0xFFFFD800  }
0xca: {  	[spmem:s2] =	stream.indirect.scatter.add.f32 [tilespmem:s11], [sflag:$0x3], $0x80, s10, s22, $0xb8;
	[tilespmem:$0x19600] =	vst v63  }
0xcb: {  	_ =	swait.ge [sflag:s25], $0x2800  }
0xcc: {  	[sflag:s25] =	ssyncset.done $0x0  }
0xcd: {  	[sflag:s25] =	ssyncadd.s32 $0xFFFFD800  }
0xce: {  	_ =	swait.ge [sflag:s12], $0x2800  }
0xcf: {  	[sflag:s12] =	ssyncset.done $0x0  }
0xd0: {  	[sflag:s12] =	ssyncadd.s32 $0xFFFFD800  }
0xd1: {  	[spmem:s2] =	stream.indirect.scatter.add.f32 [tilespmem:s24], [sflag:$0x3], $0x80, s8, s22, $0xb8;
	[tilespmem:$0x19600] =	vst v63  }
0xd2: {  	_ =	swait.ge [sflag:s25], $0x2800  }
0xd3: {  	[sflag:s25] =	ssyncset.done $0x0  }
0xd4: {  	[sflag:s25] =	ssyncadd.s32 $0xFFFFD800  }
0xd5: {  	[bflag:$0x0] =	sbarrier.arrive $0xFFFF  }
0xd6: {  	[tilespmem:s24], [sflag:$0x3] =	stream.indirect.gather [spmem:s2], $0x80, s28, s22, $0xb8;
	[tilespmem:$0x19600] =	vst v63  }
0xd7: {  	_ =	swait.ge [sflag:s25], $0x2800  }
0xd8: {  	[sflag:s25] =	ssyncset.done $0x0  }
0xd9: {  	s17 =	rddreg [dreg:$0x6];
	[sflag:s25] =	ssyncadd.s32 $0xFFFFD800  }
0xda: {  	[hbm4b:s17+s4] =	stream.linear.scatter [tilespmem:s24], [sflag:$0x3], $0x2800, $0x38;
	[tilespmem:$0x19600] =	vst v63  }
0xdb: {  	_ =	swait.ge [sflag:s25], $0x2800  }
0xdc: {  	[sflag:s25] =	ssyncset.done $0x0  }
0xdd: {  	s18 =	simm.s32 $0x5280;
	[sflag:s25] =	ssyncadd.s32 $0xFFFFD800  }
0xde: {  	[tilespmem:s24], [sflag:$0x3] =	stream.indirect.gather [spmem:s2], $0x80, s18, s22, $0xb8;
	[tilespmem:$0x19600] =	vst v63  }
0xdf: {  	_ =	swait.ge [sflag:s25], $0x2800  }
0xe0: {  	[sflag:s25] =	ssyncset.done $0x0  }
0xe1: {  	s23 =	rddreg [dreg:$0x7];
	[sflag:s25] =	ssyncadd.s32 $0xFFFFD800  }
0xe2: {  	[hbm4b:s23+s4] =	stream.linear.scatter [tilespmem:s24], [sflag:$0x3], $0x2800, $0x38;
	[tilespmem:$0x19600] =	vst v63  }
0xe3: {  	_ =	swait.ge [sflag:s25], $0x2800  }
0xe4: {  	[sflag:s25] =	ssyncset.done $0x0  }
0xe5: {  	s26 =	simm.s32 $0x5300;
	[sflag:s25] =	ssyncadd.s32 $0xFFFFD800  }
0xe6: {  	[tilespmem:s24], [sflag:$0x3] =	stream.indirect.gather [spmem:s2], $0x80, s26, s22, $0xb8;
	[tilespmem:$0x19600] =	vst v63  }
0xe7: {  	_ =	swait.ge [sflag:s25], $0x2800  }
0xe8: {  	[sflag:s25] =	ssyncset.done $0x0  }
0xe9: {  	s28 =	rddreg [dreg:$0x8];
	[sflag:s25] =	ssyncadd.s32 $0xFFFFD800  }
0xea: {  	[hbm4b:s28+s4] =	stream.linear.scatter [tilespmem:s24], [sflag:$0x3], $0x2800, $0x38;
	[tilespmem:$0x19600] =	vst v63  }
0xeb: {  	_ =	swait.ge [sflag:s25], $0x2800  }
0xec: {  	[sflag:s25] =	ssyncset.done $0x0  }
0xed: {  	[sflag:s25] =	ssyncadd.s32 $0xFFFFD800  }
0xee: {  	[tilespmem:s24], [sflag:$0x3] =	stream.indirect.gather [spmem:s2], $0x80, s29, s22, $0xb8;
	[tilespmem:$0x19600] =	vst v63  }
0xef: {  	_ =	swait.ge [sflag:s25], $0x2800  }
0xf0: {  	[sflag:s25] =	ssyncset.done $0x0  }
0xf1: {  	s16 =	rddreg [dreg:$0x9];
	[sflag:s25] =	ssyncadd.s32 $0xFFFFD800  }
0xf2: {  	[hbm4b:s16+s4] =	stream.linear.scatter [tilespmem:s24], [sflag:$0x3], $0x2800, $0x38;
	[tilespmem:$0x19600] =	vst v63  }
0xf3: {  	_ =	swait.ge [sflag:s25], $0x2800  }
0xf4: {  	[sflag:s25] =	ssyncset.done $0x0  }
0xf5: {  	[sflag:s25] =	ssyncadd.s32 $0xFFFFD800  }
0xf6: {  	[tilespmem:s24], [sflag:$0x3] =	stream.indirect.gather [spmem:s2], $0x80, s30, s22, $0xb8;
	[tilespmem:$0x19600] =	vst v63  }
0xf7: {  	_ =	swait.ge [sflag:s25], $0x2800  }
0xf8: {  	[sflag:s25] =	ssyncset.done $0x0  }
0xf9: {  	s17 =	rddreg [dreg:$0xa];
	[sflag:s25] =	ssyncadd.s32 $0xFFFFD800  }
0xfa: {  	[hbm4b:s17+s4] =	stream.linear.scatter [tilespmem:s24], [sflag:$0x3], $0x2800, $0x38;
	[tilespmem:$0x19600] =	vst v63  }
0xfb: {  	_ =	swait.ge [sflag:s25], $0x2800  }
0xfc: {  	[sflag:s25] =	ssyncset.done $0x0  }
0xfd: {  	[sflag:s25] =	ssyncadd.s32 $0xFFFFD800  }
0xfe: {  	[tilespmem:s24], [sflag:$0x3] =	stream.indirect.gather [spmem:s2], $0x80, s31, s22, $0xb8;
	[tilespmem:$0x19600] =	vst v63  }
0xff: {  	_ =	swait.ge [sflag:s25], $0x2800  }
0x100: {  	[sflag:s25] =	ssyncset.done $0x0  }
0x101: {  	s18 =	rddreg [dreg:$0xb];
	[sflag:s25] =	ssyncadd.s32 $0xFFFFD800  }
0x102: {  	[hbm4b:s18+s4] =	stream.linear.scatter [tilespmem:s24], [sflag:$0x3], $0x2800, $0x38;
	[tilespmem:$0x19600] =	vst v63  }
0x103: {  	_ =	swait.ge [sflag:s25], $0x2800  }
0x104: {  	[sflag:s25] =	ssyncset.done $0x0  }
0x105: {  	[sflag:s25] =	ssyncadd.s32 $0xFFFFD800  }
0x106: {  	[tilespmem:s24], [sflag:$0x3] =	stream.indirect.gather [spmem:s2], $0x80, s0, s22, $0xb8;
	[tilespmem:$0x19600] =	vst v63  }
0x107: {  	_ =	swait.ge [sflag:s25], $0x2800  }
0x108: {  	[sflag:s25] =	ssyncset.done $0x0  }
0x109: {  	s23 =	rddreg [dreg:$0xc];
	[sflag:s25] =	ssyncadd.s32 $0xFFFFD800  }
0x10a: {  	[hbm4b:s23+s4] =	stream.linear.scatter [tilespmem:s24], [sflag:$0x3], $0x2800, $0x38;
	[tilespmem:$0x19600] =	vst v63  }
0x10b: {  	_ =	swait.ge [sflag:s25], $0x2800  }
0x10c: {  	[sflag:s25] =	ssyncset.done $0x0  }
0x10d: {  	[sflag:s25] =	ssyncadd.s32 $0xFFFFD800  }
0x10e: {  	[tilespmem:s24], [sflag:$0x3] =	stream.indirect.gather [spmem:s2], $0x80, s3, s22, $0xb8;
	[tilespmem:$0x19600] =	vst v63  }
0x10f: {  	_ =	swait.ge [sflag:s25], $0x2800  }
0x110: {  	[sflag:s25] =	ssyncset.done $0x0  }
0x111: {  	s26 =	rddreg [dreg:$0xd];
	[sflag:s25] =	ssyncadd.s32 $0xFFFFD800  }
0x112: {  	[hbm4b:s26+s4] =	stream.linear.scatter [tilespmem:s24], [sflag:$0x3], $0x2800, $0x38;
	[tilespmem:$0x19600] =	vst v63  }
0x113: {  	_ =	swait.ge [sflag:s25], $0x2800  }
0x114: {  	s14 =	sadd.s32 $0x1, s14;
	s28 =	rddreg [dreg:$0xe]  }
0x115: {  	p0 =	sne.s32 s14, s28  }
.Ltmp3:
0x116: {  	_ = 	snop;
	(pc) =	sbr.rel @p0 .LBB2_1-.Ltmp3, $3  }
0x117: {  	_ =	sdelay $0x1  }
0x118: {  	[sflag:s25] =	ssyncset.done $0x0  }
0x119: {  	[sflag:s25] =	ssyncadd.s32 $0xFFFFD800  }
0x11a: {  	_ =	sfence.sel $0x180000  }
0x11b: {  	[bflag:$0x0] =	sbarrier.arrive $0xFFFF  }
0x11c: {  	_ =	strace $0x9000004A  }
0x11d: {  	s0 =	stileid.u32;
	[bflag:$0x2] =	sbarrier.arrive $0xFFFF  }
0x11e: {  	p0 =	sne.s32 s0, $0x0;
	s0 =	rddreg [dreg:$0x3]  }
0x11f: {  	s0 =	sadd.s32 @!p0 $0x100000, s0  }
0x120: {  	[sflag:s0] =	ssyncadd.tile.s32 @!p0 $0x1;
	_ =	shalt  }
.Lfunc_end2:
_tile_overlayer_lowered:
.L_overlay_start_2:
0x121: {  	(tag) =	ssettag $0x2  }
0x122: {  	s0 =	rddreg [dreg:$0x0];
	s2 =	stileid.u32  }
0x123: {  	s1 =	rddreg [dreg:$0x1];
	p0 =	sne.s32 s2, $0x0  }
0x124: {  	s3 =	rddreg [dreg:$0x2];
	[bflag:$0x3] =	sbarrier.arrive $0xFFFF;
	s2 =	simm.s32 @!p0 $0x1C03  }
0x125: {  	[timem:s3], [sflag:s2] =	dma.local @!p0 [hbm:s0], s1  }
0x126: {  	s0 =	simm.s32 @!p0 $0x3  }
0x127: {  	_ =	swait.ge @!p0 [sflag:s0], s1  }
0x128: {  	s1 =	ssub.s32 @!p0 $0x0, s1;
	[sflag:s0] =	ssyncset.done @!p0 $0x0  }
0x129: {  	[sflag:s0] =	ssyncadd.s32 @!p0 s1  }
0x12a: {  	[bflag:$0x3] =	sbarrier.arrive $0xFFFF  }
0x12b: {  	_ =	shalt  }

// kernel: kernel.13.cloned.1.call-start
scs
__scs_entry_jumppad:
0x0: {  	(pc) =	sbr.rel $0x88, $3  }
0x1: {  	(tag) =	ssettag $0x0;
	lr =	simm.s32 $0x1  }
0x2: {  	[smem:$0x3F95] =	sst lr;
	_ =	strace $0xD0000000  }
0x3: {  	_ = 	snop  }
0x4: {  	_ = 	snop  }
0x5: {  	_ = 	snop  }
0x6: {  	_ = 	snop  }
0x7: {  	_ = 	snop  }
__scs_overlays_trampoline_lowered:
0x8: {  	[smem:$0x3FA4] =	sst s0  }
0x9: {  	[smem:$0x3FA5] =	sst s1  }
0xa: {  	[smem:$0x3FA6] =	sst s2  }
0xb: {  	[smem:$0x3FA7] =	sst s3  }
0xc: {  	[smem:$0x3FA8] =	sst s4  }
0xd: {  	[smem:$0x3FA9] =	sst s5  }
0xe: {  	[smem:$0x3FAA] =	sst s6  }
0xf: {  	[smem:$0x3FAB] =	sst s7  }
0x10: {  	[smem:$0x3FAC] =	sst s8  }
0x11: {  	[smem:$0x3FAD] =	sst s9;
	s0 =	simm.s32 @!p0 $0x0  }
0x12: {  	s1 =	sld [smem:$0x3F93];
	s0 =	simm.s32 @p0 $0x1  }
0x13: {  	[smem:$0x3FAE] =	sst s0;
	s0 =	simm.s32 @!p1 $0x0  }
0x14: {  	s2 =	sld [smem:$0x3F92];
	s0 =	simm.s32 @p1 $0x1  }
0x15: {  	[smem:$0x3FAF] =	sst s0;
	s0 =	simm.s32 @!p2 $0x0  }
0x16: {  	s3 =	sld [smem:$0x3FDB];
	s0 =	simm.s32 @p2 $0x1  }
0x17: {  	s4 =	simm.s32 $0x1BF5;
	[smem:$0x3FB1] =	sst s0  }
0x18: {  	s0 =	sld [smem:$0x3F94];
	_ =	swait.ge [sflag:s4], $0x0  }
0x19: {  	s7 =	sld [smem:$0x3F95]  }
0x1a: {  	s8 =	sadd.s32 $0xFFFFE003, lr  }
0x1b: {  	s9 =	sadd.s32 $0xFFFFFEF7, lr;
	s5 =	simm.s32 $0xFFFFFFFF;
	p2 =	slt.u32 s8, $0xFFFFF086  }
0x1c: {  	p1 =	slt.u32 s9, $0xF7A;
	s5 =	simm.s32 @!p2 $0x0  }
0x1d: {  	s5 =	simm.s32 @p1 $0x1;
	p0 =	seq.s32 s7, s2  }
0x1e: {  	s7 =	smul.u32 @!p0 $0xF7A, s2;
	p2 =	seq.s32 @!p0 s5, $0x0  }
0x1f: {  	s9 =	smul.u32 $0xF7A, s1;
	s8 =	simm.s32 @!p0 $0x1BF5;
	p2 =	por !p2, p0  }
0x20: {  	[sflag:s8] =	ssyncset.s32 @!p0 $0xFFFFF086;
	s6 =	sadd.s32 @!p0 s3, s7;
	s7 =	simm.s32 @!p0 $0x108  }
0x21: {  	s3 =	sadd.s32 s3, s9;
	s6 =	sadd.s32 @!p0 $0x88, s6;
	s7 =	simm.s32 @p2 $0x1082  }
0x22: {  	[simem:s7], [sflag:s8] =	dma.local @!p0 [hbm:s6], $0xF7A  }
0x23: {  	s9 =	sor.u32 $0xD0000000, s2;
	s6 =	simm.s32 $0x108;
	_ =	swait.ge @!p0 [sflag:s8], $0x0  }
0x24: {  	s3 =	sadd.s32 $0x88, s3;
	s6 =	simm.s32 @!p1 $0x1082;
	[sflag:s4] =	ssyncset.s32 $0xFFFFF086  }
0x25: {  	[simem:s6], [sflag:s4] =	dma.local [hbm:s3], $0xF7A  }
0x26: {  	[smem:$0x3F95] =	sst s1;
	(tag) =	ssettag s2;
	_ =	strace s9  }
0x27: {  	s1 =	sld [smem:$0x3FA5]  }
0x28: {  	s2 =	sld [smem:$0x3FA6]  }
0x29: {  	s4 =	sld [smem:$0x3FA8]  }
0x2a: {  	p0 =	seq.s32 s5, $0x0;
	s5 =	sld [smem:$0x3FA9]  }
0x2b: {  	s6 =	sld [smem:$0x3FAA]  }
0x2c: {  	s7 =	sld [smem:$0x3FAB]  }
0x2d: {  	s3 =	simm.s32 $0x108;
	s8 =	sld [smem:$0x3FAC]  }
0x2e: {  	s3 =	simm.s32 @!p0 $0x1082;
	s9 =	sld [smem:$0x3FAD]  }
0x2f: {  	lr =	sadd.s32 s0, s3;
	s0 =	sld [smem:$0x3FA4]  }
0x30: {  	s3 =	sld [smem:$0x3FA7]  }
0x31: {  	[smem:$0x3FB0] =	sst s10  }
0x32: {  	s10 =	sld [smem:$0x3FAE];
	_ =	sdelay $0x3  }
0x33: {  	p0 =	seq.s32 s10, $0x1;
	s10 =	sld [smem:$0x3FB0];
	_ =	sdelay $0x3  }
0x34: {  	[smem:$0x3FB0] =	sst s10  }
0x35: {  	s10 =	sld [smem:$0x3FAF];
	_ =	sdelay $0x3  }
0x36: {  	p1 =	seq.s32 s10, $0x1;
	s10 =	sld [smem:$0x3FB0];
	_ =	sdelay $0x3  }
0x37: {  	[smem:$0x3FB0] =	sst s10  }
0x38: {  	s10 =	sld [smem:$0x3FB1]  }
0x39: {  	_ = 	snop;
	(pc) =	sbr.ind lr, $3  }
0x3a: {  	_ = 	snop  }
0x3b: {  	_ = 	snop  }
0x3c: {  	p2 =	seq.s32 s10, $0x1;
	s10 =	sld [smem:$0x3FB0]  }
0x3d: {  	_ =	shalt  }
0x3e: {  	_ =	shalt  }
0x3f: {  	_ =	shalt  }
0x40: {  	_ =	shalt  }
0x41: {  	_ =	shalt  }
0x42: {  	_ =	shalt  }
0x43: {  	_ =	shalt  }
0x44: {  	_ =	shalt  }
0x45: {  	_ =	shalt  }
0x46: {  	_ =	shalt  }
0x47: {  	_ =	shalt  }
0x48: {  	_ =	shalt  }
0x49: {  	_ =	shalt  }
0x4a: {  	_ =	shalt  }
0x4b: {  	_ =	shalt  }
0x4c: {  	_ =	shalt  }
0x4d: {  	_ =	shalt  }
0x4e: {  	_ =	shalt  }
0x4f: {  	_ =	shalt  }
0x50: {  	_ =	shalt  }
0x51: {  	_ =	shalt  }
0x52: {  	_ =	shalt  }
0x53: {  	_ =	shalt  }
0x54: {  	_ =	shalt  }
0x55: {  	_ =	shalt  }
0x56: {  	_ =	shalt  }
0x57: {  	_ =	shalt  }
0x58: {  	_ =	shalt  }
0x59: {  	_ =	shalt  }
0x5a: {  	_ =	shalt  }
0x5b: {  	_ =	shalt  }
0x5c: {  	_ =	shalt  }
0x5d: {  	_ =	shalt  }
0x5e: {  	_ =	shalt  }
0x5f: {  	_ =	shalt  }
0x60: {  	_ =	shalt  }
0x61: {  	_ =	shalt  }
0x62: {  	_ =	shalt  }
0x63: {  	_ =	shalt  }
0x64: {  	_ =	shalt  }
0x65: {  	_ =	shalt  }
0x66: {  	_ =	shalt  }
0x67: {  	_ =	shalt  }
0x68: {  	_ =	shalt  }
0x69: {  	_ =	shalt  }
0x6a: {  	_ =	shalt  }
0x6b: {  	_ =	shalt  }
0x6c: {  	_ =	shalt  }
0x6d: {  	_ =	shalt  }
0x6e: {  	_ =	shalt  }
0x6f: {  	_ =	shalt  }
0x70: {  	_ =	shalt  }
0x71: {  	_ =	shalt  }
0x72: {  	_ =	shalt  }
0x73: {  	_ =	shalt  }
0x74: {  	_ =	shalt  }
0x75: {  	_ =	shalt  }
0x76: {  	_ =	shalt  }
0x77: {  	_ =	shalt  }
0x78: {  	_ =	shalt  }
0x79: {  	_ =	shalt  }
0x7a: {  	_ =	shalt  }
0x7b: {  	_ =	shalt  }
0x7c: {  	_ =	shalt  }
0x7d: {  	_ =	shalt  }
0x7e: {  	_ =	shalt  }
0x7f: {  	_ =	shalt  }
0x80: {  	_ =	shalt  }
0x81: {  	_ =	shalt  }
0x82: {  	_ =	shalt  }
0x83: {  	_ =	shalt  }
0x84: {  	_ =	shalt  }
0x85: {  	_ =	shalt  }
0x86: {  	_ =	shalt  }
0x87: {  	_ =	shalt  }
.Lfunc_end0:
.L_simem_size_0:
called_computation.2_lowered:
.L_overlay_start_0:
0x88: {  	s2 =	sld [smem:$0x3FD9]  }
0x89: {  	s3 =	sld [smem:$0x3FFE];
	_ =	sdelay $0x1  }
0x8a: {  	s1 =	srdreg.scid  }
0x8b: {  	s0 =	sand.u32 $0x1, s1  }
0x8c: {  	s16 =	sshll.u32 s0, $0xA;
	s2 =	sadd.s32 s3, s2  }
0x8d: {  	s2 =	sadd.s32 s2, s16  }
0x8e: {  	[smem:$0x3FBC] =	sst s2  }
0x8f: {  	_ = 	snop  }
0x90: {  	(tm) =	ssettm $0x1  }
0x91: {  	s17 =	sld [smem:$0x3FFB];
	_ =	sdelay $0x3  }
0x92: {  	_ =	strace s17  }
0x93: {  	s2 =	sld [smem:$0x3FFC];
	_ =	sdelay $0x3  }
0x94: {  	_ =	strace s2  }
0x95: {  	s2 =	sld [smem:$0x3FFD];
	_ =	sdelay $0x3  }
0x96: {  	_ =	strace s2  }
0x97: {  	_ =	strace $0x8FFFFFFF  }
0x98: {  	s18 =	sld [smem:$0x3FDB];
	_ =	sdelay $0x1  }
0x99: {  	s19 =	simm.s32 $_scs_section_size  }
0x9a: {  	s4 =	simm.s32 $_size__tile_overlayer_lowered;
	s5 =	simm.s32 $_tile_overlayer_lowered  }
0x9b: {  	s22 =	simm.s32 $0x1BFF;
	s21 =	sshll.u32 s5, $0x1;
	s2 =	sadd.s32 s19, s18  }
0x9c: {  	s6 =	simm.s32 $0x0;
	s20 =	sshll.u32 s4, $0x1;
	s4 =	sadd.s32 s21, s2  }
0x9d: {  	[timem:s6], [sflag:s22] =	dma.local [hbm:s4], s20  }
0x9e: {  	_ =	swait.ge [sflag:s22], s20  }
0x9f: {  	s3 =	ssub.s32 $0x0, s20;
	[sflag:s22] =	ssyncset.done $0x0  }
0xa0: {  	[sflag:s22] =	ssyncadd.s32 s3;
	_ =	sdelay $0x1  }
0xa1: {  	s23 =	simm.s32 $0x1B8B  }
0xa2: {  	_ =	swait.ge [sflag:s23], $0x1  }
0xa3: {  	[sflag:s23] =	ssyncset.done $0x0  }
0xa4: {  	s25 =	simm.s32 $0x1B8E;
	s24 =	sld [smem:$0x3FFE];
	[sflag:s23] =	ssyncadd.s32 $0xFFFFFFFF  }
0xa5: {  	s26 =	simm.s32 $execute0_lowered;
	[smem:$0x3FD2] =	sst s25  }
0xa6: {  	s4 =	sshll.u32 s26, $0x1;
	_ =	strace $0x8000004C;
	[dreg:$0x1] =	wrdreg $0xFFFFFFFF  }
0xa7: {  	s28 =	simm.s32 $_size_execute0_lowered;
	s2 =	sadd.s32 s2, s4;
	[dreg:$0x0] =	wrdreg $0x0  }
0xa8: {  	s4 =	sshll.u32 s28, $0x1;
	[dreg:$0x2] =	wrdreg s2  }
0xa9: {  	[dreg:$0x3] =	wrdreg s4  }
0xaa: {  	[dreg:$0x4] =	wrdreg $0xC0  }
0xab: {  	_ =	task [dreg:s6], $0x5FFFF  }
0xac: {  	[dreg:$0x1] =	wrdreg $0xFFFFFFFF  }
0xad: {  	[dreg:$0x0] =	wrdreg $0x60  }
0xae: {  	[dreg:$0x2] =	wrdreg s24  }
0xaf: {  	[dreg:$0x3] =	wrdreg $0x56000  }
0xb0: {  	[dreg:$0x4] =	wrdreg $0x9  }
0xb1: {  	_ =	task.clear_ibuf [dreg:s6], $0x5FFFF;
	_ =	strace $0x9000004C  }
0xb2: {  	s29 =	simm.s32 $0x9;
	_ =	strace $0x8000004E  }
0xb3: {  	_ =	swait.ge [sflag:s29], $0x1  }
0xb4: {  	[sflag:s29] =	ssyncadd.s32 $0xFFFFFFFF  }
0xb5: {  	_ =	strace $0x9000004E  }
0xb6: {  	_ =	sfence  }
0xb7: {  	s30 =	sld [smem:$0x0];
	_ =	sdelay $0x2  }
0xb8: {  	s31 =	sshll.u32 s1, $0xD;
	s1 =	sshrl.u32 s1, $0x2  }
0xb9: {  	s3 =	sand.u32 $0x4000, s31;
	s1 =	sadd.s32 s1, s30  }
0xba: {  	s0 =	sor.u32 s3, s0;
	s1 =	sshll.u32 s1, $0x11  }
0xbb: {  	s0 =	sor.u32 s1, s0  }
0xbc: {  	s0 =	sadd.s32 $0x8F2B, s0  }
0xbd: {  	[sflag:s0] =	ssyncadd.remote.s32 $0x1  }
0xbe: {  	_ =	sfence.sel $0xFFFF  }
0xbf: {  	[dreg:$0x0] =	wrdreg $0xFFFFFFFF;
	(pc) =	sbr.abs _section_cstart, $3  }
0xc0: {  	[dreg:$0x1] =	wrdreg $0xFFFFFFFF  }
0xc1: {  	_ =	task.clear_ibuf [dreg:s6], $0x2FFFF;
	_ =	strace $0x9FFFFFFF  }
0xc2: {  	(tm) =	ssettm $0x7FFFFFFF  }
0xc3: {  	_ =	shalt  }
tec
execute0_lowered:
.L_overlay_start_1:
0x0: {  	(tag) =	ssettag $0x1  }
0x1: {  	s0 =	rddreg [dreg:$0x0]  }
0x2: {  	s1 =	rddreg [dreg:$0x1];
	s3 =	simm.s32 $0x0  }
0x3: {  	s2 =	srdreg.scid;
	s11 =	stileid.u32;
	s29 =	simm.s32 $0x5380  }
0x4: {  	s30 =	simm.s32 $0x5400;
	s31 =	simm.s32 $0x5480;
	s12 =	simm.s32 $0x1  }
0x5: {  	s13 =	simm.s32 $0x2;
	[smem:$0x7FF] =	sst s3;
	s8 =	smul.u32 $0x14000, s11  }
0x6: {  	s2 =	sand.u32 $0x1, s2;
	s4 =	sadd.s32 $0x16000, s0;
	s16 =	smul.u32 $0x4E20, s11  }
0x7: {  	s5 =	sadd.s32 $0xC200, s0;
	s9 =	sshll.u32 s11, $0x1;
	s7 =	smul.u32 $0x140000, s2  }
0x8: {  	s14 =	sor.u32 s2, s9;
	s15 =	ssub.s32 $0x2, s2;
	s2 =	smul.u32 $0x2710, s2  }
0x9: {  	s10 =	sshrl.u32 s15, $0x1;
	s7 =	sadd.s32 s8, s7;
	s8 =	smul.u32 $0x2710, s14  }
0xa: {  	s6 =	sadd.s32 $0x2400, s0;
	_ =	strace $0x8000004D;
	s9 =	ssub.s32 s15, s10  }
0xb: {  	s2 =	sadd.s32 s2, s16;
	s26 =	smax.u32 s9, $0x1;
	s8 =	sshrl.u32 s8, $0x3  }
0xc: {  	s7 =	sshrl.u32 s7, $0x3;
	[dreg:$0xd] =	wrdreg s26;
	s17 =	sadd.s32 s5, s8  }
0xd: {  	s0 =	sadd.s32 s7, s0;
	s8 =	sadd.s32 s6, s8;
	[dreg:$0x3] =	wrdreg s17  }
0xe: {  	s10 =	simm.s32 $0x2980;
	s18 =	sadd.s32 $0x3D200, s0;
	[dreg:$0x4] =	wrdreg s8  }
0xf: {  	s14 =	simm.s32 $0x0;
	s19 =	sadd.s32 $0x3D700, s0;
	[dreg:$0x5] =	wrdreg s18  }
0x10: {  	s25 =	sadd.s32 $0x50, s2;
	s20 =	sadd.s32 $0x3DC00, s0;
	[dreg:$0x6] =	wrdreg s19  }
0x11: {  	s9 =	simm.s32 $0x2900;
	s21 =	sadd.s32 $0x3E100, s0;
	[dreg:$0x7] =	wrdreg s20  }
0x12: {  	s7 =	smul.u32 $0x280, s11;
	s22 =	sadd.s32 $0x3E600, s0;
	[dreg:$0x8] =	wrdreg s21  }
0x13: {  	s28 =	sshrl.u32 s25, $0x3;
	s23 =	sadd.s32 $0x3EB00, s0;
	[dreg:$0x9] =	wrdreg s22  }
0x14: {  	s25 =	simm.s32 $0x3;
	s24 =	sadd.s32 $0x3F000, s0;
	[dreg:$0xa] =	wrdreg s23  }
0x15: {  	s11 =	simm.s32 $0x2A00;
	s0 =	sadd.s32 $0x3F500, s0;
	[dreg:$0xb] =	wrdreg s24  }
0x16: {  	[dreg:$0xc] =	wrdreg s0;
	s19 =	sadd.s32 $0xA0, s2;
	s20 =	sadd.s32 s28, s6  }
0x17: {  	s21 =	sadd.s32 s28, s5;
	s22 =	simm.s32 $0x50;
	s24 =	simm.s32 $0x100  }
0x18: {  	v0 =	vlaneseq.u32;
	v1 =	vimm.f32 $0.0e+00;
	s0 =	simm.s32 $0x5500;
	s2 =	simm.s32 $0x5580;
	s8 =	simm.s32 $0x80  }
.LBB2_1:
0x19: {  	s15 =	smul.u32 $0xCD, s3;
	_ =	sdelay $0x1  }
0x1a: {  	s15 =	sshrl.u32 s15, $0xA  }
0x1b: {  	s16 =	smul.u32 $0x5, s15  }
0x1c: {  	s18 =	sand.u32 $0x3F, s15  }
0x1d: {  	s15 =	simm.s32 $0x1;
	s17 =	smul.u32 $0x50, s18;
	s16 =	ssub.s32 $0x0, s16  }
0x1e: {  	s23 =	smul.u32 $0xCD, s15;
	s16 =	sshll.u32 s16, $0x4  }
0x1f: {  	s26 =	sadd.s32 s7, s17;
	s28 =	sand.u32 $0xF0, s16  }
0x20: {  	s17 =	sshrl.u32 s23, $0xA;
	s23 =	sadd.s32 s28, s26;
	s26 =	sshll.u32 s18, $0x7  }
0x21: {  	s16 =	simm.s32 $0x2;
	s18 =	smul.u32 $0x5, s17;
	v2 =	vor.u32 s23, v0;
	s23 =	sor.u32 s28, s26  }
.LBB2_2:
0x22: {  	s26 =	smul.u32 $0xCD, s16;
	s28 =	sand.u32 $0x3F, s17;
	s17 =	smov.u32 s16  }
0x23: {  	[tilespmem:s23+$0x5200] =	vst v2;
	p0 =	sne.s32 s16, $0x27;
	s15 =	ssub.s32 s15, s18;
	s18 =	smul.u32 $0x50, s28  }
.Ltmp0:
0x24: {  	(pc) =	sbr.rel @p0 .LBB2_2-.Ltmp0, $4  }
0x25: {  	s16 =	sadd.s32 $0x1, s16;
	s15 =	sshll.u32 s15, $0x4  }
0x26: {  	s18 =	sadd.s32 s7, s18;
	s23 =	sand.u32 $0xF0, s15;
	s15 =	smov.u32 s17  }
0x27: {  	s28 =	sshll.u32 s28, $0x7;
	s17 =	sshrl.u32 s26, $0xA;
	s26 =	sadd.s32 s23, s18  }
0x28: {  	s18 =	smul.u32 $0x5, s17;
	s23 =	sor.u32 s23, s28;
	v2 =	vor.u32 s26, v0  }
0x29: {  	s16 =	sand.u32 $0x3F, s17  }
0x2a: {  	s15 =	ssub.s32 s15, s18;
	s17 =	smul.u32 $0x50, s16  }
0x2b: {  	s15 =	sshll.u32 s15, $0x4  }
0x2c: {  	s17 =	sadd.s32 s7, s17;
	s15 =	sand.u32 $0xF0, s15  }
0x2d: {  	s16 =	sshll.u32 s16, $0x7;
	s17 =	sadd.s32 s15, s17  }
0x2e: {  	[tilespmem:s23+$0x5200] =	vst v2;
	s15 =	sor.u32 s15, s16;
	v2 =	vor.u32 s17, v0  }
0x2f: {  	s28 =	simm.s32 $0x5200;
	s16 =	simm.s32 $0x200;
	[tilespmem:s15+$0x5200] =	vst v2;
	s15 =	simm.s32 $0x0  }
.LBB2_4:
0x30: {  	p0 =	sne.s32 s16, $0x9E00;
	[tilespmem:s15+$0x170] =	vst v1  }
0x31: {  	[tilespmem:s15+$0x100] =	vst v1  }
0x32: {  	[tilespmem:s15+$0x110] =	vst v1  }
.Ltmp1:
0x33: {  	[tilespmem:s15+$0x120] =	vst v1;
	(pc) =	sbr.rel @p0 .LBB2_4-.Ltmp1, $4  }
0x34: {  	[tilespmem:s15+$0x130] =	vst v1  }
0x35: {  	[tilespmem:s15+$0x140] =	vst v1  }
0x36: {  	[tilespmem:s15+$0x150] =	vst v1  }
0x37: {  	[tilespmem:s15+$0x160] =	vst v1;
	s15 =	sshra.s32 s16, $0x2;
	s16 =	sadd.s32 $0x200, s16  }
0x38: {  	[tilespmem:s15+$0x170] =	vst v1  }
0x39: {  	[tilespmem:s15+$0x100] =	vst v1  }
0x3a: {  	[tilespmem:s15+$0x110] =	vst v1  }
0x3b: {  	[tilespmem:s15+$0x120] =	vst v1  }
0x3c: {  	[tilespmem:s15+$0x130] =	vst v1  }
0x3d: {  	[tilespmem:s15+$0x140] =	vst v1  }
0x3e: {  	[tilespmem:s15+$0x150] =	vst v1  }
0x3f: {  	[tilespmem:s15+$0x160] =	vst v1  }
0x40: {  	[spmem:s1] =	stream.indirect.scatter [tilespmem:s24], [sflag:$0x3], $0x80, s28, s22, $0xb8;
	[tilespmem:$0x19600] =	vst v63  }
0x41: {  	_ =	swait.ge [sflag:s25], $0x2800  }
0x42: {  	[sflag:s25] =	ssyncset.done $0x0  }
0x43: {  	s17 =	simm.s32 $0x5280;
	[sflag:s25] =	ssyncadd.s32 $0xFFFFD800  }
0x44: {  	[spmem:s1] =	stream.indirect.scatter [tilespmem:s24], [sflag:$0x3], $0x80, s17, s22, $0xb8;
	[tilespmem:$0x19600] =	vst v63  }
0x45: {  	_ =	swait.ge [sflag:s25], $0x2800  }
0x46: {  	[sflag:s25] =	ssyncset.done $0x0  }
0x47: {  	s18 =	simm.s32 $0x5300;
	[sflag:s25] =	ssyncadd.s32 $0xFFFFD800  }
0x48: {  	[spmem:s1] =	stream.indirect.scatter [tilespmem:s24], [sflag:$0x3], $0x80, s18, s22, $0xb8;
	[tilespmem:$0x19600] =	vst v63  }
0x49: {  	_ =	swait.ge [sflag:s25], $0x2800  }
0x4a: {  	[sflag:s25] =	ssyncset.done $0x0  }
0x4b: {  	[sflag:s25] =	ssyncadd.s32 $0xFFFFD800  }
0x4c: {  	[spmem:s1] =	stream.indirect.scatter [tilespmem:s24], [sflag:$0x3], $0x80, s29, s22, $0xb8;
	[tilespmem:$0x19600] =	vst v63  }
0x4d: {  	_ =	swait.ge [sflag:s25], $0x2800  }
0x4e: {  	[sflag:s25] =	ssyncset.done $0x0  }
0x4f: {  	[sflag:s25] =	ssyncadd.s32 $0xFFFFD800  }
0x50: {  	[spmem:s1] =	stream.indirect.scatter [tilespmem:s24], [sflag:$0x3], $0x80, s30, s22, $0xb8;
	[tilespmem:$0x19600] =	vst v63  }
0x51: {  	_ =	swait.ge [sflag:s25], $0x2800  }
0x52: {  	[sflag:s25] =	ssyncset.done $0x0  }
0x53: {  	[sflag:s25] =	ssyncadd.s32 $0xFFFFD800  }
0x54: {  	[spmem:s1] =	stream.indirect.scatter [tilespmem:s24], [sflag:$0x3], $0x80, s31, s22, $0xb8;
	[tilespmem:$0x19600] =	vst v63  }
0x55: {  	_ =	swait.ge [sflag:s25], $0x2800  }
0x56: {  	[sflag:s25] =	ssyncset.done $0x0  }
0x57: {  	[sflag:s25] =	ssyncadd.s32 $0xFFFFD800  }
0x58: {  	[spmem:s1] =	stream.indirect.scatter [tilespmem:s24], [sflag:$0x3], $0x80, s0, s22, $0xb8;
	[tilespmem:$0x19600] =	vst v63  }
0x59: {  	_ =	swait.ge [sflag:s25], $0x2800  }
0x5a: {  	[sflag:s25] =	ssyncset.done $0x0  }
0x5b: {  	[sflag:s25] =	ssyncadd.s32 $0xFFFFD800  }
0x5c: {  	[spmem:s1] =	stream.indirect.scatter [tilespmem:s24], [sflag:$0x3], $0x80, s2, s22, $0xb8;
	[tilespmem:$0x19600] =	vst v63  }
0x5d: {  	_ =	swait.ge [sflag:s25], $0x2800  }
0x5e: {  	[sflag:s25] =	ssyncset.done $0x0  }
0x5f: {  	[sflag:s25] =	ssyncadd.s32 $0xFFFFD800  }
0x60: {  	[bflag:$0x0] =	sbarrier.arrive $0xFFFF  }
0x61: {  	s23 =	simm.s32 $0x0;
	s16 =	rddreg [dreg:$0x3]  }
0x62: {  	[tilespmem:s23], [sflag:$0x3] =	stream.linear.gather [hbm4b:s16+s23], $0x50, $0x38;
	[tilespmem:$0x19600] =	vst v63  }
0x63: {  	_ =	swait.ge [sflag:s25], $0x50  }
0x64: {  	[sflag:s25] =	ssyncset.done $0x0  }
0x65: {  	s26 =	rddreg [dreg:$0x4];
	[sflag:s25] =	ssyncadd.s32 $0xFFFFFFB0  }
0x66: {  	[tilespmem:s8], [sflag:$0x3] =	stream.linear.gather [hbm4b:s26+s23], $0x50, $0x38;
	[tilespmem:$0x19600] =	vst v63  }
0x67: {  	_ =	swait.ge [sflag:s25], $0x50  }
0x68: {  	[sflag:s25] =	ssyncset.done $0x0  }
0x69: {  	[sflag:s25] =	ssyncadd.s32 $0xFFFFFFB0  }
0x6a: {  	[tilespmem:s24], [sflag:$0x1] =	stream.indirect.gather [hbm4b:s4+s22], $0x80, s23, s22, $0xb8;
	[tilespmem:$0x19600] =	vst v63  }
0x6b: {  	s17 =	sadd.s32 $0x0, s21  }
0x6c: {  	[tilespmem:s9], [sflag:$0x3] =	stream.linear.gather [hbm4b:s17+s3], $0x50, $0x38;
	[tilespmem:$0x19600] =	vst v63  }
0x6d: {  	_ =	swait.ge [sflag:s25], $0x50  }
0x6e: {  	[sflag:s25] =	ssyncset.done $0x0  }
0x6f: {  	s18 =	sadd.s32 $0x0, s20;
	[sflag:s25] =	ssyncadd.s32 $0xFFFFFFB0  }
0x70: {  	[tilespmem:s10], [sflag:$0x3] =	stream.linear.gather [hbm4b:s18+s3], $0x50, $0x38;
	[tilespmem:$0x19600] =	vst v63  }
0x71: {  	_ =	swait.ge [sflag:s25], $0x50  }
0x72: {  	[sflag:s25] =	ssyncset.done $0x0  }
0x73: {  	[sflag:s25] =	ssyncadd.s32 $0xFFFFFFB0  }
0x74: {  	[tilespmem:s11], [sflag:$0x2] =	stream.indirect.gather [hbm4b:s4+s22], $0x80, s9, s22, $0xb8;
	[tilespmem:$0x19600] =	vst v63  }
0x75: {  	_ =	swait.ge [sflag:s12], $0x2800  }
0x76: {  	[sflag:s12] =	ssyncset.done $0x0  }
0x77: {  	[sflag:s12] =	ssyncadd.s32 $0xFFFFD800  }
0x78: {  	[spmem:s1] =	stream.indirect.scatter.add.f32 [tilespmem:s24], [sflag:$0x3], $0x80, s8, s22, $0xb8;
	[tilespmem:$0x19600] =	vst v63  }
0x79: {  	_ =	swait.ge [sflag:s25], $0x2800  }
0x7a: {  	s23 =	sshrl.u32 s19, $0x3;
	[sflag:s25] =	ssyncset.done $0x0  }
0x7b: {  	s26 =	sadd.s32 s5, s23;
	[sflag:s25] =	ssyncadd.s32 $0xFFFFD800  }
0x7c: {  	[tilespmem:s3], [sflag:$0x3] =	stream.linear.gather [hbm4b:s26+s3], $0x50, $0x38;
	[tilespmem:$0x19600] =	vst v63  }
0x7d: {  	_ =	swait.ge [sflag:s25], $0x50  }
0x7e: {  	[sflag:s25] =	ssyncset.done $0x0  }
0x7f: {  	s15 =	sadd.s32 s6, s23;
	[sflag:s25] =	ssyncadd.s32 $0xFFFFFFB0  }
0x80: {  	[tilespmem:s8], [sflag:$0x3] =	stream.linear.gather [hbm4b:s15+s3], $0x50, $0x38;
	[tilespmem:$0x19600] =	vst v63  }
0x81: {  	_ =	swait.ge [sflag:s25], $0x50  }
0x82: {  	[sflag:s25] =	ssyncset.done $0x0  }
0x83: {  	[sflag:s25] =	ssyncadd.s32 $0xFFFFFFB0  }
0x84: {  	[tilespmem:s24], [sflag:$0x1] =	stream.indirect.gather [hbm4b:s4+s22], $0x80, s3, s22, $0xb8;
	[tilespmem:$0x19600] =	vst v63  }
0x85: {  	_ =	swait.ge [sflag:s13], $0x2800  }
0x86: {  	[sflag:s13] =	ssyncset.done $0x0  }
0x87: {  	[sflag:s13] =	ssyncadd.s32 $0xFFFFD800  }
0x88: {  	[spmem:s1] =	stream.indirect.scatter.add.f32 [tilespmem:s11], [sflag:$0x3], $0x80, s10, s22, $0xb8;
	[tilespmem:$0x19600] =	vst v63  }
0x89: {  	s16 =	simm.s32 $0x14;
	_ =	swait.ge [sflag:s25], $0x2800  }
0x8a: {  	s18 =	simm.s32 $0x28;
	s15 =	sadd.s32 $0xA0, s19;
	[sflag:s25] =	ssyncset.done $0x0  }
.LBB2_6:
0x8b: {  	s23 =	sadd.s32 s16, s21  }
0x8c: {  	[sflag:s25] =	ssyncadd.s32 $0xFFFFD800;
	s26 =	smov.u32 s18;
	s17 =	sadd.s32 $0x14, s18  }
0x8d: {  	[tilespmem:s9], [sflag:$0x3] =	stream.linear.gather [hbm4b:s23+s3], $0x50, $0x38;
	[tilespmem:$0x19600] =	vst v63  }
0x8e: {  	p0 =	sne.s32 s18, $0x4C4;
	_ =	swait.ge [sflag:s25], $0x50  }
0x8f: {  	[sflag:s25] =	ssyncset.done $0x0  }
0x90: {  	s18 =	sadd.s32 s16, s20;
	s16 =	smov.u32 s26;
	[sflag:s25] =	ssyncadd.s32 $0xFFFFFFB0  }
0x91: {  	[tilespmem:s10], [sflag:$0x3] =	stream.linear.gather [hbm4b:s18+s3], $0x50, $0x38;
	[tilespmem:$0x19600] =	vst v63  }
0x92: {  	_ =	swait.ge [sflag:s25], $0x50  }
0x93: {  	[sflag:s25] =	ssyncset.done $0x0  }
0x94: {  	[sflag:s25] =	ssyncadd.s32 $0xFFFFFFB0  }
0x95: {  	[tilespmem:s11], [sflag:$0x2] =	stream.indirect.gather [hbm4b:s4+s22], $0x80, s9, s22, $0xb8;
	[tilespmem:$0x19600] =	vst v63  }
0x96: {  	_ =	swait.ge [sflag:s12], $0x2800  }
0x97: {  	[sflag:s12] =	ssyncset.done $0x0  }
0x98: {  	[sflag:s12] =	ssyncadd.s32 $0xFFFFD800  }
0x99: {  	[spmem:s1] =	stream.indirect.scatter.add.f32 [tilespmem:s24], [sflag:$0x3], $0x80, s8, s22, $0xb8;
	[tilespmem:$0x19600] =	vst v63  }
0x9a: {  	_ =	swait.ge [sflag:s25], $0x2800  }
0x9b: {  	s18 =	sshrl.u32 s15, $0x3;
	[sflag:s25] =	ssyncset.done $0x0  }
0x9c: {  	s23 =	sadd.s32 s5, s18;
	[sflag:s25] =	ssyncadd.s32 $0xFFFFD800  }
0x9d: {  	[tilespmem:s3], [sflag:$0x3] =	stream.linear.gather [hbm4b:s23+s3], $0x50, $0x38;
	[tilespmem:$0x19600] =	vst v63  }
0x9e: {  	_ =	swait.ge [sflag:s25], $0x50  }
0x9f: {  	[sflag:s25] =	ssyncset.done $0x0  }
0xa0: {  	s18 =	sadd.s32 s6, s18;
	[sflag:s25] =	ssyncadd.s32 $0xFFFFFFB0  }
0xa1: {  	[tilespmem:s8], [sflag:$0x3] =	stream.linear.gather [hbm4b:s18+s3], $0x50, $0x38;
	[tilespmem:$0x19600] =	vst v63  }
0xa2: {  	_ =	swait.ge [sflag:s25], $0x50  }
0xa3: {  	[sflag:s25] =	ssyncset.done $0x0  }
0xa4: {  	[sflag:s25] =	ssyncadd.s32 $0xFFFFFFB0  }
0xa5: {  	[tilespmem:s24], [sflag:$0x1] =	stream.indirect.gather [hbm4b:s4+s22], $0x80, s3, s22, $0xb8;
	[tilespmem:$0x19600] =	vst v63  }
0xa6: {  	_ =	swait.ge [sflag:s13], $0x2800  }
.Ltmp2:
0xa7: {  	[sflag:s13] =	ssyncset.done $0x0;
	(pc) =	sbr.rel @p0 .LBB2_6-.Ltmp2, $4  }
0xa8: {  	[sflag:s13] =	ssyncadd.s32 $0xFFFFD800  }
0xa9: {  	[spmem:s1] =	stream.indirect.scatter.add.f32 [tilespmem:s11], [sflag:$0x3], $0x80, s10, s22, $0xb8;
	[tilespmem:$0x19600] =	vst v63  }
0xaa: {  	_ =	swait.ge [sflag:s25], $0x2800  }
0xab: {  	s15 =	sadd.s32 $0xA0, s15;
	s18 =	smov.u32 s17;
	[sflag:s25] =	ssyncset.done $0x0  }
0xac: {  	s17 =	sadd.s32 s16, s21;
	[sflag:s25] =	ssyncadd.s32 $0xFFFFD800  }
0xad: {  	[tilespmem:s9], [sflag:$0x3] =	stream.linear.gather [hbm4b:s17+s3], $0x50, $0x38;
	[tilespmem:$0x19600] =	vst v63  }
0xae: {  	_ =	swait.ge [sflag:s25], $0x50  }
0xaf: {  	[sflag:s25] =	ssyncset.done $0x0  }
0xb0: {  	s23 =	sadd.s32 s16, s20;
	[sflag:s25] =	ssyncadd.s32 $0xFFFFFFB0  }
0xb1: {  	[tilespmem:s10], [sflag:$0x3] =	stream.linear.gather [hbm4b:s23+s3], $0x50, $0x38;
	[tilespmem:$0x19600] =	vst v63  }
0xb2: {  	_ =	swait.ge [sflag:s25], $0x50  }
0xb3: {  	[sflag:s25] =	ssyncset.done $0x0  }
0xb4: {  	[sflag:s25] =	ssyncadd.s32 $0xFFFFFFB0  }
0xb5: {  	[tilespmem:s11], [sflag:$0x2] =	stream.indirect.gather [hbm4b:s4+s22], $0x80, s9, s22, $0xb8;
	[tilespmem:$0x19600] =	vst v63  }
0xb6: {  	_ =	swait.ge [sflag:s12], $0x2800  }
0xb7: {  	[sflag:s12] =	ssyncset.done $0x0  }
0xb8: {  	[sflag:s12] =	ssyncadd.s32 $0xFFFFD800  }
0xb9: {  	[spmem:s1] =	stream.indirect.scatter.add.f32 [tilespmem:s24], [sflag:$0x3], $0x80, s8, s22, $0xb8;
	[tilespmem:$0x19600] =	vst v63  }
0xba: {  	_ =	swait.ge [sflag:s25], $0x2800  }
0xbb: {  	s15 =	sshrl.u32 s15, $0x3;
	[sflag:s25] =	ssyncset.done $0x0  }
0xbc: {  	s26 =	sadd.s32 s5, s15;
	[sflag:s25] =	ssyncadd.s32 $0xFFFFD800  }
0xbd: {  	[tilespmem:s3], [sflag:$0x3] =	stream.linear.gather [hbm4b:s26+s3], $0x50, $0x38;
	[tilespmem:$0x19600] =	vst v63  }
0xbe: {  	_ =	swait.ge [sflag:s25], $0x50  }
0xbf: {  	[sflag:s25] =	ssyncset.done $0x0  }
0xc0: {  	s15 =	sadd.s32 s6, s15;
	[sflag:s25] =	ssyncadd.s32 $0xFFFFFFB0  }
0xc1: {  	[tilespmem:s8], [sflag:$0x3] =	stream.linear.gather [hbm4b:s15+s3], $0x50, $0x38;
	[tilespmem:$0x19600] =	vst v63  }
0xc2: {  	_ =	swait.ge [sflag:s25], $0x50  }
0xc3: {  	[sflag:s25] =	ssyncset.done $0x0  }
0xc4: {  	[sflag:s25] =	ssyncadd.s32 $0xFFFFFFB0  }
0xc5: {  	[tilespmem:s24], [sflag:$0x1] =	stream.indirect.gather [hbm4b:s4+s22], $0x80, s3, s22, $0xb8;
	[tilespmem:$0x19600] =	vst v63  }
0xc6: {  	_ =	swait.ge [sflag:s13], $0x2800  }
0xc7: {  	[sflag:s13] =	ssyncset.done $0x0  }
0xc8: {  	[sflag:s13] =	ssyncadd.s32 $0xFFFFD800  }
0xc9: {  	[spmem:s1] =	stream.indirect.scatter.add.f32 [tilespmem:s11], [sflag:$0x3], $0x80, s10, s22, $0xb8;
	[tilespmem:$0x19600] =	vst v63  }
0xca: {  	_ =	swait.ge [sflag:s25], $0x2800  }
0xcb: {  	[sflag:s25] =	ssyncset.done $0x0  }
0xcc: {  	[sflag:s25] =	ssyncadd.s32 $0xFFFFD800  }
0xcd: {  	_ =	swait.ge [sflag:s12], $0x2800  }
0xce: {  	[sflag:s12] =	ssyncset.done $0x0  }
0xcf: {  	[sflag:s12] =	ssyncadd.s32 $0xFFFFD800  }
0xd0: {  	[spmem:s1] =	stream.indirect.scatter.add.f32 [tilespmem:s24], [sflag:$0x3], $0x80, s8, s22, $0xb8;
	[tilespmem:$0x19600] =	vst v63  }
0xd1: {  	_ =	swait.ge [sflag:s25], $0x2800  }
0xd2: {  	[sflag:s25] =	ssyncset.done $0x0  }
0xd3: {  	[sflag:s25] =	ssyncadd.s32 $0xFFFFD800  }
0xd4: {  	[bflag:$0x0] =	sbarrier.arrive $0xFFFF  }
0xd5: {  	[tilespmem:s24], [sflag:$0x3] =	stream.indirect.gather [spmem:s1], $0x80, s28, s22, $0xb8;
	[tilespmem:$0x19600] =	vst v63  }
0xd6: {  	_ =	swait.ge [sflag:s25], $0x2800  }
0xd7: {  	[sflag:s25] =	ssyncset.done $0x0  }
0xd8: {  	s17 =	rddreg [dreg:$0x5];
	[sflag:s25] =	ssyncadd.s32 $0xFFFFD800  }
0xd9: {  	[hbm4b:s17+s3] =	stream.linear.scatter [tilespmem:s24], [sflag:$0x3], $0x2800, $0x38;
	[tilespmem:$0x19600] =	vst v63  }
0xda: {  	_ =	swait.ge [sflag:s25], $0x2800  }
0xdb: {  	[sflag:s25] =	ssyncset.done $0x0  }
0xdc: {  	s18 =	simm.s32 $0x5280;
	[sflag:s25] =	ssyncadd.s32 $0xFFFFD800  }
0xdd: {  	[tilespmem:s24], [sflag:$0x3] =	stream.indirect.gather [spmem:s1], $0x80, s18, s22, $0xb8;
	[tilespmem:$0x19600] =	vst v63  }
0xde: {  	_ =	swait.ge [sflag:s25], $0x2800  }
0xdf: {  	[sflag:s25] =	ssyncset.done $0x0  }
0xe0: {  	s23 =	rddreg [dreg:$0x6];
	[sflag:s25] =	ssyncadd.s32 $0xFFFFD800  }
0xe1: {  	[hbm4b:s23+s3] =	stream.linear.scatter [tilespmem:s24], [sflag:$0x3], $0x2800, $0x38;
	[tilespmem:$0x19600] =	vst v63  }
0xe2: {  	_ =	swait.ge [sflag:s25], $0x2800  }
0xe3: {  	[sflag:s25] =	ssyncset.done $0x0  }
0xe4: {  	s26 =	simm.s32 $0x5300;
	[sflag:s25] =	ssyncadd.s32 $0xFFFFD800  }
0xe5: {  	[tilespmem:s24], [sflag:$0x3] =	stream.indirect.gather [spmem:s1], $0x80, s26, s22, $0xb8;
	[tilespmem:$0x19600] =	vst v63  }
0xe6: {  	_ =	swait.ge [sflag:s25], $0x2800  }
0xe7: {  	[sflag:s25] =	ssyncset.done $0x0  }
0xe8: {  	s28 =	rddreg [dreg:$0x7];
	[sflag:s25] =	ssyncadd.s32 $0xFFFFD800  }
0xe9: {  	[hbm4b:s28+s3] =	stream.linear.scatter [tilespmem:s24], [sflag:$0x3], $0x2800, $0x38;
	[tilespmem:$0x19600] =	vst v63  }
0xea: {  	_ =	swait.ge [sflag:s25], $0x2800  }
0xeb: {  	[sflag:s25] =	ssyncset.done $0x0  }
0xec: {  	[sflag:s25] =	ssyncadd.s32 $0xFFFFD800  }
0xed: {  	[tilespmem:s24], [sflag:$0x3] =	stream.indirect.gather [spmem:s1], $0x80, s29, s22, $0xb8;
	[tilespmem:$0x19600] =	vst v63  }
0xee: {  	_ =	swait.ge [sflag:s25], $0x2800  }
0xef: {  	[sflag:s25] =	ssyncset.done $0x0  }
0xf0: {  	s16 =	rddreg [dreg:$0x8];
	[sflag:s25] =	ssyncadd.s32 $0xFFFFD800  }
0xf1: {  	[hbm4b:s16+s3] =	stream.linear.scatter [tilespmem:s24], [sflag:$0x3], $0x2800, $0x38;
	[tilespmem:$0x19600] =	vst v63  }
0xf2: {  	_ =	swait.ge [sflag:s25], $0x2800  }
0xf3: {  	[sflag:s25] =	ssyncset.done $0x0  }
0xf4: {  	[sflag:s25] =	ssyncadd.s32 $0xFFFFD800  }
0xf5: {  	[tilespmem:s24], [sflag:$0x3] =	stream.indirect.gather [spmem:s1], $0x80, s30, s22, $0xb8;
	[tilespmem:$0x19600] =	vst v63  }
0xf6: {  	_ =	swait.ge [sflag:s25], $0x2800  }
0xf7: {  	[sflag:s25] =	ssyncset.done $0x0  }
0xf8: {  	s17 =	rddreg [dreg:$0x9];
	[sflag:s25] =	ssyncadd.s32 $0xFFFFD800  }
0xf9: {  	[hbm4b:s17+s3] =	stream.linear.scatter [tilespmem:s24], [sflag:$0x3], $0x2800, $0x38;
	[tilespmem:$0x19600] =	vst v63  }
0xfa: {  	_ =	swait.ge [sflag:s25], $0x2800  }
0xfb: {  	[sflag:s25] =	ssyncset.done $0x0  }
0xfc: {  	[sflag:s25] =	ssyncadd.s32 $0xFFFFD800  }
0xfd: {  	[tilespmem:s24], [sflag:$0x3] =	stream.indirect.gather [spmem:s1], $0x80, s31, s22, $0xb8;
	[tilespmem:$0x19600] =	vst v63  }
0xfe: {  	_ =	swait.ge [sflag:s25], $0x2800  }
0xff: {  	[sflag:s25] =	ssyncset.done $0x0  }
0x100: {  	s18 =	rddreg [dreg:$0xa];
	[sflag:s25] =	ssyncadd.s32 $0xFFFFD800  }
0x101: {  	[hbm4b:s18+s3] =	stream.linear.scatter [tilespmem:s24], [sflag:$0x3], $0x2800, $0x38;
	[tilespmem:$0x19600] =	vst v63  }
0x102: {  	_ =	swait.ge [sflag:s25], $0x2800  }
0x103: {  	[sflag:s25] =	ssyncset.done $0x0  }
0x104: {  	[sflag:s25] =	ssyncadd.s32 $0xFFFFD800  }
0x105: {  	[tilespmem:s24], [sflag:$0x3] =	stream.indirect.gather [spmem:s1], $0x80, s0, s22, $0xb8;
	[tilespmem:$0x19600] =	vst v63  }
0x106: {  	_ =	swait.ge [sflag:s25], $0x2800  }
0x107: {  	[sflag:s25] =	ssyncset.done $0x0  }
0x108: {  	s23 =	rddreg [dreg:$0xb];
	[sflag:s25] =	ssyncadd.s32 $0xFFFFD800  }
0x109: {  	[hbm4b:s23+s3] =	stream.linear.scatter [tilespmem:s24], [sflag:$0x3], $0x2800, $0x38;
	[tilespmem:$0x19600] =	vst v63  }
0x10a: {  	_ =	swait.ge [sflag:s25], $0x2800  }
0x10b: {  	[sflag:s25] =	ssyncset.done $0x0  }
0x10c: {  	[sflag:s25] =	ssyncadd.s32 $0xFFFFD800  }
0x10d: {  	[tilespmem:s24], [sflag:$0x3] =	stream.indirect.gather [spmem:s1], $0x80, s2, s22, $0xb8;
	[tilespmem:$0x19600] =	vst v63  }
0x10e: {  	_ =	swait.ge [sflag:s25], $0x2800  }
0x10f: {  	[sflag:s25] =	ssyncset.done $0x0  }
0x110: {  	s26 =	rddreg [dreg:$0xc];
	[sflag:s25] =	ssyncadd.s32 $0xFFFFD800  }
0x111: {  	[hbm4b:s26+s3] =	stream.linear.scatter [tilespmem:s24], [sflag:$0x3], $0x2800, $0x38;
	[tilespmem:$0x19600] =	vst v63  }
0x112: {  	_ =	swait.ge [sflag:s25], $0x2800  }
0x113: {  	s14 =	sadd.s32 $0x1, s14;
	s28 =	rddreg [dreg:$0xd]  }
0x114: {  	p0 =	sne.s32 s14, s28  }
.Ltmp3:
0x115: {  	_ = 	snop;
	(pc) =	sbr.rel @p0 .LBB2_1-.Ltmp3, $3  }
0x116: {  	_ =	sdelay $0x1  }
0x117: {  	[sflag:s25] =	ssyncset.done $0x0  }
0x118: {  	[sflag:s25] =	ssyncadd.s32 $0xFFFFD800  }
0x119: {  	_ =	sfence.sel $0x180000  }
0x11a: {  	[bflag:$0x0] =	sbarrier.arrive $0xFFFF  }
0x11b: {  	_ =	strace $0x9000004D  }
0x11c: {  	s0 =	stileid.u32;
	[bflag:$0x2] =	sbarrier.arrive $0xFFFF  }
0x11d: {  	p0 =	sne.s32 s0, $0x0;
	s0 =	rddreg [dreg:$0x2]  }
0x11e: {  	s0 =	sadd.s32 @!p0 $0x100000, s0  }
0x11f: {  	[sflag:s0] =	ssyncadd.tile.s32 @!p0 $0x1;
	_ =	shalt  }
.Lfunc_end2:
_tile_overlayer_lowered:
.L_overlay_start_2:
0x120: {  	(tag) =	ssettag $0x2  }
0x121: {  	s0 =	rddreg [dreg:$0x0];
	s2 =	stileid.u32  }
0x122: {  	s1 =	rddreg [dreg:$0x1];
	p0 =	sne.s32 s2, $0x0  }
0x123: {  	s3 =	rddreg [dreg:$0x2];
	[bflag:$0x3] =	sbarrier.arrive $0xFFFF;
	s2 =	simm.s32 @!p0 $0x1C03  }
0x124: {  	[timem:s3], [sflag:s2] =	dma.local @!p0 [hbm:s0], s1  }
0x125: {  	s0 =	simm.s32 @!p0 $0x3  }
0x126: {  	_ =	swait.ge @!p0 [sflag:s0], s1  }
0x127: {  	s1 =	ssub.s32 @!p0 $0x0, s1;
	[sflag:s0] =	ssyncset.done @!p0 $0x0  }
0x128: {  	[sflag:s0] =	ssyncadd.s32 @!p0 s1  }
0x129: {  	[bflag:$0x3] =	sbarrier.arrive $0xFFFF  }
0x12a: {  	_ =	shalt  }

// kernel: kernel.7.cloned.1.call-start
scs
__scs_entry_jumppad:
0x0: {  	(pc) =	sbr.rel $0x88, $3  }
0x1: {  	(tag) =	ssettag $0x0;
	lr =	simm.s32 $0x1  }
0x2: {  	[smem:$0x3F95] =	sst lr;
	_ =	strace $0xD0000000  }
0x3: {  	_ = 	snop  }
0x4: {  	_ = 	snop  }
0x5: {  	_ = 	snop  }
0x6: {  	_ = 	snop  }
0x7: {  	_ = 	snop  }
__scs_overlays_trampoline_lowered:
0x8: {  	[smem:$0x3FA4] =	sst s0  }
0x9: {  	[smem:$0x3FA5] =	sst s1  }
0xa: {  	[smem:$0x3FA6] =	sst s2  }
0xb: {  	[smem:$0x3FA7] =	sst s3  }
0xc: {  	[smem:$0x3FA8] =	sst s4  }
0xd: {  	[smem:$0x3FA9] =	sst s5  }
0xe: {  	[smem:$0x3FAA] =	sst s6  }
0xf: {  	[smem:$0x3FAB] =	sst s7  }
0x10: {  	[smem:$0x3FAC] =	sst s8  }
0x11: {  	[smem:$0x3FAD] =	sst s9;
	s0 =	simm.s32 @!p0 $0x0  }
0x12: {  	s1 =	sld [smem:$0x3F93];
	s0 =	simm.s32 @p0 $0x1  }
0x13: {  	[smem:$0x3FAE] =	sst s0;
	s0 =	simm.s32 @!p1 $0x0  }
0x14: {  	s2 =	sld [smem:$0x3F92];
	s0 =	simm.s32 @p1 $0x1  }
0x15: {  	[smem:$0x3FAF] =	sst s0;
	s0 =	simm.s32 @!p2 $0x0  }
0x16: {  	s3 =	sld [smem:$0x3FDB];
	s0 =	simm.s32 @p2 $0x1  }
0x17: {  	s4 =	simm.s32 $0x1BF5;
	[smem:$0x3FB1] =	sst s0  }
0x18: {  	s0 =	sld [smem:$0x3F94];
	_ =	swait.ge [sflag:s4], $0x0  }
0x19: {  	s7 =	sld [smem:$0x3F95]  }
0x1a: {  	s8 =	sadd.s32 $0xFFFFE003, lr  }
0x1b: {  	s9 =	sadd.s32 $0xFFFFFEF7, lr;
	s5 =	simm.s32 $0xFFFFFFFF;
	p2 =	slt.u32 s8, $0xFFFFF086  }
0x1c: {  	p1 =	slt.u32 s9, $0xF7A;
	s5 =	simm.s32 @!p2 $0x0  }
0x1d: {  	s5 =	simm.s32 @p1 $0x1;
	p0 =	seq.s32 s7, s2  }
0x1e: {  	s7 =	smul.u32 @!p0 $0xF7A, s2;
	p2 =	seq.s32 @!p0 s5, $0x0  }
0x1f: {  	s9 =	smul.u32 $0xF7A, s1;
	s8 =	simm.s32 @!p0 $0x1BF5;
	p2 =	por !p2, p0  }
0x20: {  	[sflag:s8] =	ssyncset.s32 @!p0 $0xFFFFF086;
	s6 =	sadd.s32 @!p0 s3, s7;
	s7 =	simm.s32 @!p0 $0x108  }
0x21: {  	s3 =	sadd.s32 s3, s9;
	s6 =	sadd.s32 @!p0 $0x88, s6;
	s7 =	simm.s32 @p2 $0x1082  }
0x22: {  	[simem:s7], [sflag:s8] =	dma.local @!p0 [hbm:s6], $0xF7A  }
0x23: {  	s9 =	sor.u32 $0xD0000000, s2;
	s6 =	simm.s32 $0x108;
	_ =	swait.ge @!p0 [sflag:s8], $0x0  }
0x24: {  	s3 =	sadd.s32 $0x88, s3;
	s6 =	simm.s32 @!p1 $0x1082;
	[sflag:s4] =	ssyncset.s32 $0xFFFFF086  }
0x25: {  	[simem:s6], [sflag:s4] =	dma.local [hbm:s3], $0xF7A  }
0x26: {  	[smem:$0x3F95] =	sst s1;
	(tag) =	ssettag s2;
	_ =	strace s9  }
0x27: {  	s1 =	sld [smem:$0x3FA5]  }
0x28: {  	s2 =	sld [smem:$0x3FA6]  }
0x29: {  	s4 =	sld [smem:$0x3FA8]  }
0x2a: {  	p0 =	seq.s32 s5, $0x0;
	s5 =	sld [smem:$0x3FA9]  }
0x2b: {  	s6 =	sld [smem:$0x3FAA]  }
0x2c: {  	s7 =	sld [smem:$0x3FAB]  }
0x2d: {  	s3 =	simm.s32 $0x108;
	s8 =	sld [smem:$0x3FAC]  }
0x2e: {  	s3 =	simm.s32 @!p0 $0x1082;
	s9 =	sld [smem:$0x3FAD]  }
0x2f: {  	lr =	sadd.s32 s0, s3;
	s0 =	sld [smem:$0x3FA4]  }
0x30: {  	s3 =	sld [smem:$0x3FA7]  }
0x31: {  	[smem:$0x3FB0] =	sst s10  }
0x32: {  	s10 =	sld [smem:$0x3FAE];
	_ =	sdelay $0x3  }
0x33: {  	p0 =	seq.s32 s10, $0x1;
	s10 =	sld [smem:$0x3FB0];
	_ =	sdelay $0x3  }
0x34: {  	[smem:$0x3FB0] =	sst s10  }
0x35: {  	s10 =	sld [smem:$0x3FAF];
	_ =	sdelay $0x3  }
0x36: {  	p1 =	seq.s32 s10, $0x1;
	s10 =	sld [smem:$0x3FB0];
	_ =	sdelay $0x3  }
0x37: {  	[smem:$0x3FB0] =	sst s10  }
0x38: {  	s10 =	sld [smem:$0x3FB1]  }
0x39: {  	_ = 	snop;
	(pc) =	sbr.ind lr, $3  }
0x3a: {  	_ = 	snop  }
0x3b: {  	_ = 	snop  }
0x3c: {  	p2 =	seq.s32 s10, $0x1;
	s10 =	sld [smem:$0x3FB0]  }
0x3d: {  	_ =	shalt  }
0x3e: {  	_ =	shalt  }
0x3f: {  	_ =	shalt  }
0x40: {  	_ =	shalt  }
0x41: {  	_ =	shalt  }
0x42: {  	_ =	shalt  }
0x43: {  	_ =	shalt  }
0x44: {  	_ =	shalt  }
0x45: {  	_ =	shalt  }
0x46: {  	_ =	shalt  }
0x47: {  	_ =	shalt  }
0x48: {  	_ =	shalt  }
0x49: {  	_ =	shalt  }
0x4a: {  	_ =	shalt  }
0x4b: {  	_ =	shalt  }
0x4c: {  	_ =	shalt  }
0x4d: {  	_ =	shalt  }
0x4e: {  	_ =	shalt  }
0x4f: {  	_ =	shalt  }
0x50: {  	_ =	shalt  }
0x51: {  	_ =	shalt  }
0x52: {  	_ =	shalt  }
0x53: {  	_ =	shalt  }
0x54: {  	_ =	shalt  }
0x55: {  	_ =	shalt  }
0x56: {  	_ =	shalt  }
0x57: {  	_ =	shalt  }
0x58: {  	_ =	shalt  }
0x59: {  	_ =	shalt  }
0x5a: {  	_ =	shalt  }
0x5b: {  	_ =	shalt  }
0x5c: {  	_ =	shalt  }
0x5d: {  	_ =	shalt  }
0x5e: {  	_ =	shalt  }
0x5f: {  	_ =	shalt  }
0x60: {  	_ =	shalt  }
0x61: {  	_ =	shalt  }
0x62: {  	_ =	shalt  }
0x63: {  	_ =	shalt  }
0x64: {  	_ =	shalt  }
0x65: {  	_ =	shalt  }
0x66: {  	_ =	shalt  }
0x67: {  	_ =	shalt  }
0x68: {  	_ =	shalt  }
0x69: {  	_ =	shalt  }
0x6a: {  	_ =	shalt  }
0x6b: {  	_ =	shalt  }
0x6c: {  	_ =	shalt  }
0x6d: {  	_ =	shalt  }
0x6e: {  	_ =	shalt  }
0x6f: {  	_ =	shalt  }
0x70: {  	_ =	shalt  }
0x71: {  	_ =	shalt  }
0x72: {  	_ =	shalt  }
0x73: {  	_ =	shalt  }
0x74: {  	_ =	shalt  }
0x75: {  	_ =	shalt  }
0x76: {  	_ =	shalt  }
0x77: {  	_ =	shalt  }
0x78: {  	_ =	shalt  }
0x79: {  	_ =	shalt  }
0x7a: {  	_ =	shalt  }
0x7b: {  	_ =	shalt  }
0x7c: {  	_ =	shalt  }
0x7d: {  	_ =	shalt  }
0x7e: {  	_ =	shalt  }
0x7f: {  	_ =	shalt  }
0x80: {  	_ =	shalt  }
0x81: {  	_ =	shalt  }
0x82: {  	_ =	shalt  }
0x83: {  	_ =	shalt  }
0x84: {  	_ =	shalt  }
0x85: {  	_ =	shalt  }
0x86: {  	_ =	shalt  }
0x87: {  	_ =	shalt  }
.Lfunc_end0:
.L_simem_size_0:
called_computation_lowered:
.L_overlay_start_0:
0x88: {  	s2 =	sld [smem:$0x3FD9]  }
0x89: {  	s3 =	sld [smem:$0x3FFE];
	_ =	sdelay $0x1  }
0x8a: {  	s1 =	srdreg.scid  }
0x8b: {  	s0 =	sand.u32 $0x1, s1  }
0x8c: {  	s16 =	sshll.u32 s0, $0xA;
	s2 =	sadd.s32 s3, s2  }
0x8d: {  	s2 =	sadd.s32 s2, s16  }
0x8e: {  	[smem:$0x3FBC] =	sst s2  }
0x8f: {  	_ = 	snop  }
0x90: {  	(tm) =	ssettm $0x1  }
0x91: {  	s17 =	sld [smem:$0x3FFB];
	_ =	sdelay $0x3  }
0x92: {  	_ =	strace s17  }
0x93: {  	s2 =	sld [smem:$0x3FFC];
	_ =	sdelay $0x3  }
0x94: {  	_ =	strace s2  }
0x95: {  	s2 =	sld [smem:$0x3FFD];
	_ =	sdelay $0x3  }
0x96: {  	_ =	strace s2  }
0x97: {  	_ =	strace $0x8FFFFFFF  }
0x98: {  	s18 =	sld [smem:$0x3FDB];
	_ =	sdelay $0x1  }
0x99: {  	s19 =	simm.s32 $_scs_section_size  }
0x9a: {  	s4 =	simm.s32 $_size__tile_overlayer_lowered;
	s5 =	simm.s32 $_tile_overlayer_lowered  }
0x9b: {  	s22 =	simm.s32 $0x1BFF;
	s21 =	sshll.u32 s5, $0x1;
	s2 =	sadd.s32 s19, s18  }
0x9c: {  	s6 =	simm.s32 $0x0;
	s20 =	sshll.u32 s4, $0x1;
	s4 =	sadd.s32 s21, s2  }
0x9d: {  	[timem:s6], [sflag:s22] =	dma.local [hbm:s4], s20  }
0x9e: {  	_ =	swait.ge [sflag:s22], s20  }
0x9f: {  	s3 =	ssub.s32 $0x0, s20;
	[sflag:s22] =	ssyncset.done $0x0  }
0xa0: {  	[sflag:s22] =	ssyncadd.s32 s3;
	_ =	sdelay $0x1  }
0xa1: {  	s23 =	simm.s32 $0x1B8B  }
0xa2: {  	_ =	swait.ge [sflag:s23], $0x1  }
0xa3: {  	[sflag:s23] =	ssyncset.done $0x0  }
0xa4: {  	s25 =	simm.s32 $0x1B8E;
	s24 =	sld [smem:$0x3FFE];
	[sflag:s23] =	ssyncadd.s32 $0xFFFFFFFF  }
0xa5: {  	s26 =	simm.s32 $execute0_lowered;
	[smem:$0x3FD2] =	sst s25  }
0xa6: {  	s4 =	sshll.u32 s26, $0x1;
	_ =	strace $0x80000046;
	[dreg:$0x1] =	wrdreg $0xFFFFFFFF  }
0xa7: {  	s28 =	simm.s32 $_size_execute0_lowered;
	s2 =	sadd.s32 s2, s4;
	[dreg:$0x0] =	wrdreg $0x0  }
0xa8: {  	s4 =	sshll.u32 s28, $0x1;
	[dreg:$0x2] =	wrdreg s2  }
0xa9: {  	[dreg:$0x3] =	wrdreg s4  }
0xaa: {  	[dreg:$0x4] =	wrdreg $0xC0  }
0xab: {  	_ =	task [dreg:s6], $0x5FFFF  }
0xac: {  	[dreg:$0x1] =	wrdreg $0xFFFFFFFF  }
0xad: {  	[dreg:$0x0] =	wrdreg $0x60  }
0xae: {  	[dreg:$0x2] =	wrdreg s24  }
0xaf: {  	[dreg:$0x3] =	wrdreg $0x55000  }
0xb0: {  	[dreg:$0x4] =	wrdreg $0x9  }
0xb1: {  	_ =	task.clear_ibuf [dreg:s6], $0x5FFFF;
	_ =	strace $0x90000046  }
0xb2: {  	s29 =	simm.s32 $0x9;
	_ =	strace $0x80000048  }
0xb3: {  	_ =	swait.ge [sflag:s29], $0x1  }
0xb4: {  	[sflag:s29] =	ssyncadd.s32 $0xFFFFFFFF  }
0xb5: {  	_ =	strace $0x90000048  }
0xb6: {  	_ =	sfence  }
0xb7: {  	s30 =	sld [smem:$0x0];
	_ =	sdelay $0x2  }
0xb8: {  	s31 =	sshll.u32 s1, $0xD;
	s1 =	sshrl.u32 s1, $0x2  }
0xb9: {  	s3 =	sand.u32 $0x4000, s31;
	s1 =	sadd.s32 s1, s30  }
0xba: {  	s0 =	sor.u32 s3, s0;
	s1 =	sshll.u32 s1, $0x11  }
0xbb: {  	s0 =	sor.u32 s1, s0  }
0xbc: {  	s0 =	sadd.s32 $0x8F2B, s0  }
0xbd: {  	[sflag:s0] =	ssyncadd.remote.s32 $0x1  }
0xbe: {  	_ =	sfence.sel $0xFFFF  }
0xbf: {  	[dreg:$0x0] =	wrdreg $0xFFFFFFFF;
	(pc) =	sbr.abs _section_cstart, $3  }
0xc0: {  	[dreg:$0x1] =	wrdreg $0xFFFFFFFF  }
0xc1: {  	_ =	task.clear_ibuf [dreg:s6], $0x2FFFF;
	_ =	strace $0x9FFFFFFF  }
0xc2: {  	(tm) =	ssettm $0x7FFFFFFF  }
0xc3: {  	_ =	shalt  }
tec
execute0_lowered:
.L_overlay_start_1:
0x0: {  	(tag) =	ssettag $0x1  }
0x1: {  	s0 =	rddreg [dreg:$0x0];
	s1 =	srdreg.scid  }
0x2: {  	s2 =	rddreg [dreg:$0x1];
	s9 =	stileid.u32  }
0x3: {  	s1 =	sand.u32 $0x1, s1;
	s5 =	smul.u32 $0x14000, s9;
	s6 =	sshll.u32 s9, $0x1  }
0x4: {  	s3 =	simm.s32 $0x0;
	s4 =	smul.u32 $0x140000, s1;
	s6 =	sor.u32 s1, s6  }
0x5: {  	s28 =	simm.s32 $0x5400;
	s29 =	simm.s32 $0x5480;
	s6 =	smul.u32 $0x2710, s6  }
0x6: {  	s30 =	simm.s32 $0x100;
	s31 =	simm.s32 $0x80;
	s5 =	sadd.s32 s5, s4  }
0x7: {  	s4 =	sadd.s32 $0x2400, s0;
	s5 =	sshrl.u32 s5, $0x3;
	s6 =	sshrl.u32 s6, $0x3  }
0x8: {  	[smem:$0x7FF] =	sst s3;
	s0 =	sadd.s32 s5, s0;
	s6 =	sadd.s32 s4, s6  }
0x9: {  	_ =	strace $0x80000047;
	[dreg:$0x3] =	wrdreg s6;
	s18 =	sadd.s32 $0x16000, s0  }
0xa: {  	s7 =	ssub.s32 $0x2, s1;
	s19 =	sadd.s32 $0x16500, s0;
	[dreg:$0x4] =	wrdreg s18  }
0xb: {  	s1 =	smul.u32 $0x2710, s1;
	s20 =	sadd.s32 $0x16A00, s0;
	[dreg:$0x5] =	wrdreg s19  }
0xc: {  	s8 =	sshrl.u32 s7, $0x1;
	s21 =	sadd.s32 $0x16F00, s0;
	[dreg:$0x6] =	wrdreg s20  }
0xd: {  	s7 =	ssub.s32 s7, s8;
	s22 =	sadd.s32 $0x17400, s0;
	[dreg:$0x7] =	wrdreg s21  }
0xe: {  	s5 =	smul.u32 $0x280, s9;
	s23 =	sadd.s32 $0x17900, s0;
	[dreg:$0x8] =	wrdreg s22  }
0xf: {  	s9 =	smul.u32 $0x4E20, s9;
	s24 =	sadd.s32 $0x17E00, s0;
	[dreg:$0x9] =	wrdreg s23  }
0x10: {  	s15 =	smax.u32 s7, $0x1;
	s0 =	sadd.s32 $0x18300, s0;
	[dreg:$0xa] =	wrdreg s24  }
0x11: {  	s6 =	simm.s32 $0x0;
	s1 =	sadd.s32 s1, s9;
	[dreg:$0xb] =	wrdreg s0  }
0x12: {  	s18 =	simm.s32 $0x50;
	s19 =	simm.s32 $0x5100;
	s20 =	simm.s32 $0x2900  }
0x13: {  	s21 =	simm.s32 $0x3;
	s22 =	simm.s32 $0x5180;
	s23 =	simm.s32 $0x5200  }
0x14: {  	s24 =	simm.s32 $0x5280;
	s0 =	simm.s32 $0x1;
	s25 =	sadd.s32 $0x50, s1  }
0x15: {  	s16 =	sadd.s32 $0xA0, s1;
	s1 =	simm.s32 $0x2;
	s26 =	sshrl.u32 s25, $0x3  }
0x16: {  	v0 =	vlaneseq.u32;
	v1 =	vimm.f32 $1.000000000e+00;
	v2 =	vimm.f32 $0.0e+00;
	s25 =	simm.s32 $0x5300;
	s17 =	sadd.s32 s26, s4;
	s26 =	simm.s32 $0x5380  }
.LBB2_1:
0x17: {  	s7 =	smul.u32 $0xCD, s3;
	_ =	sdelay $0x1  }
0x18: {  	s7 =	sshrl.u32 s7, $0xA  }
0x19: {  	s8 =	smul.u32 $0x5, s7  }
0x1a: {  	s10 =	sand.u32 $0x3F, s7  }
0x1b: {  	s7 =	simm.s32 $0x1;
	s9 =	smul.u32 $0x50, s10;
	s8 =	ssub.s32 $0x0, s8  }
0x1c: {  	s11 =	smul.u32 $0xCD, s7;
	s8 =	sshll.u32 s8, $0x4  }
0x1d: {  	s12 =	sadd.s32 s5, s9;
	s13 =	sand.u32 $0xF0, s8  }
0x1e: {  	s10 =	sshll.u32 s10, $0x7;
	s9 =	sshrl.u32 s11, $0xA;
	s12 =	sadd.s32 s13, s12  }
0x1f: {  	s8 =	simm.s32 $0x2;
	s11 =	smul.u32 $0x5, s9;
	s10 =	sor.u32 s13, s10;
	v3 =	vor.u32 s12, v0  }
.LBB2_2:
0x20: {  	s12 =	smul.u32 $0xCD, s8;
	s13 =	sand.u32 $0x3F, s9  }
0x21: {  	[tilespmem:s10+$0x5100] =	vst v3;
	s9 =	smov.u32 s8;
	p0 =	sne.s32 s8, $0x27;
	s10 =	smul.u32 $0x50, s13  }
.Ltmp0:
0x22: {  	s7 =	ssub.s32 s7, s11;
	(pc) =	sbr.rel @p0 .LBB2_2-.Ltmp0, $4  }
0x23: {  	s8 =	sadd.s32 $0x1, s8;
	s7 =	sshll.u32 s7, $0x4  }
0x24: {  	s10 =	sadd.s32 s5, s10;
	s14 =	sand.u32 $0xF0, s7;
	s7 =	smov.u32 s9  }
0x25: {  	s9 =	sshrl.u32 s12, $0xA;
	s12 =	sshll.u32 s13, $0x7;
	s10 =	sadd.s32 s14, s10  }
0x26: {  	s11 =	smul.u32 $0x5, s9;
	v3 =	vor.u32 s10, v0;
	s10 =	sor.u32 s14, s12  }
0x27: {  	s8 =	sand.u32 $0x3F, s9  }
0x28: {  	s7 =	ssub.s32 s7, s11;
	s9 =	smul.u32 $0x50, s8  }
0x29: {  	s7 =	sshll.u32 s7, $0x4  }
0x2a: {  	s9 =	sadd.s32 s5, s9;
	s7 =	sand.u32 $0xF0, s7  }
0x2b: {  	s8 =	sshll.u32 s8, $0x7;
	s9 =	sadd.s32 s7, s9  }
0x2c: {  	[tilespmem:s10+$0x5100] =	vst v3;
	s7 =	sor.u32 s7, s8;
	v3 =	vor.u32 s9, v0  }
0x2d: {  	s8 =	simm.s32 $0x200;
	[tilespmem:s7+$0x5100] =	vst v3;
	s7 =	simm.s32 $0x0  }
.LBB2_4:
0x2e: {  	p0 =	sne.s32 s8, $0x9E00;
	[tilespmem:s7+$0x170] =	vst v1  }
0x2f: {  	[tilespmem:s7+$0x100] =	vst v1  }
0x30: {  	[tilespmem:s7+$0x110] =	vst v1  }
.Ltmp1:
0x31: {  	[tilespmem:s7+$0x120] =	vst v1;
	(pc) =	sbr.rel @p0 .LBB2_4-.Ltmp1, $4  }
0x32: {  	[tilespmem:s7+$0x130] =	vst v1  }
0x33: {  	[tilespmem:s7+$0x140] =	vst v1  }
0x34: {  	[tilespmem:s7+$0x150] =	vst v1  }
0x35: {  	[tilespmem:s7+$0x160] =	vst v1;
	s7 =	sshra.s32 s8, $0x2;
	s8 =	sadd.s32 $0x200, s8  }
0x36: {  	[tilespmem:s7+$0x170] =	vst v1  }
0x37: {  	[tilespmem:s7+$0x100] =	vst v1  }
0x38: {  	[tilespmem:s7+$0x110] =	vst v1  }
0x39: {  	[tilespmem:s7+$0x120] =	vst v1  }
0x3a: {  	[tilespmem:s7+$0x130] =	vst v1  }
0x3b: {  	[tilespmem:s7+$0x140] =	vst v1  }
0x3c: {  	[tilespmem:s7+$0x150] =	vst v1  }
0x3d: {  	[tilespmem:s7+$0x160] =	vst v1;
	s7 =	simm.s32 $0x0;
	s8 =	simm.s32 $0x200  }
.LBB2_6:
0x3e: {  	p0 =	sne.s32 s8, $0x9E00;
	[tilespmem:s7+$0x2970] =	vst v2  }
0x3f: {  	[tilespmem:s7+$0x2900] =	vst v2  }
0x40: {  	[tilespmem:s7+$0x2910] =	vst v2  }
.Ltmp2:
0x41: {  	[tilespmem:s7+$0x2920] =	vst v2;
	(pc) =	sbr.rel @p0 .LBB2_6-.Ltmp2, $4  }
0x42: {  	[tilespmem:s7+$0x2930] =	vst v2  }
0x43: {  	[tilespmem:s7+$0x2940] =	vst v2  }
0x44: {  	[tilespmem:s7+$0x2950] =	vst v2  }
0x45: {  	[tilespmem:s7+$0x2960] =	vst v2;
	s7 =	sshra.s32 s8, $0x2;
	s8 =	sadd.s32 $0x200, s8  }
0x46: {  	[tilespmem:s7+$0x2970] =	vst v2  }
0x47: {  	[tilespmem:s7+$0x2900] =	vst v2  }
0x48: {  	[tilespmem:s7+$0x2910] =	vst v2  }
0x49: {  	[tilespmem:s7+$0x2920] =	vst v2  }
0x4a: {  	[tilespmem:s7+$0x2930] =	vst v2  }
0x4b: {  	[tilespmem:s7+$0x2940] =	vst v2  }
0x4c: {  	[tilespmem:s7+$0x2950] =	vst v2  }
0x4d: {  	[tilespmem:s7+$0x2960] =	vst v2  }
0x4e: {  	[spmem:s2] =	stream.indirect.scatter [tilespmem:s20], [sflag:$0x3], $0x80, s19, s18, $0xb8;
	[tilespmem:$0x19500] =	vst v63  }
0x4f: {  	_ =	swait.ge [sflag:s21], $0x2800  }
0x50: {  	[sflag:s21] =	ssyncset.done $0x0  }
0x51: {  	[sflag:s21] =	ssyncadd.s32 $0xFFFFD800  }
0x52: {  	[spmem:s2] =	stream.indirect.scatter [tilespmem:s20], [sflag:$0x3], $0x80, s22, s18, $0xb8;
	[tilespmem:$0x19500] =	vst v63  }
0x53: {  	_ =	swait.ge [sflag:s21], $0x2800  }
0x54: {  	[sflag:s21] =	ssyncset.done $0x0  }
0x55: {  	[sflag:s21] =	ssyncadd.s32 $0xFFFFD800  }
0x56: {  	[spmem:s2] =	stream.indirect.scatter [tilespmem:s20], [sflag:$0x3], $0x80, s23, s18, $0xb8;
	[tilespmem:$0x19500] =	vst v63  }
0x57: {  	_ =	swait.ge [sflag:s21], $0x2800  }
0x58: {  	[sflag:s21] =	ssyncset.done $0x0  }
0x59: {  	[sflag:s21] =	ssyncadd.s32 $0xFFFFD800  }
0x5a: {  	[spmem:s2] =	stream.indirect.scatter [tilespmem:s20], [sflag:$0x3], $0x80, s24, s18, $0xb8;
	[tilespmem:$0x19500] =	vst v63  }
0x5b: {  	_ =	swait.ge [sflag:s21], $0x2800  }
0x5c: {  	[sflag:s21] =	ssyncset.done $0x0  }
0x5d: {  	[sflag:s21] =	ssyncadd.s32 $0xFFFFD800  }
0x5e: {  	[spmem:s2] =	stream.indirect.scatter [tilespmem:s20], [sflag:$0x3], $0x80, s25, s18, $0xb8;
	[tilespmem:$0x19500] =	vst v63  }
0x5f: {  	_ =	swait.ge [sflag:s21], $0x2800  }
0x60: {  	[sflag:s21] =	ssyncset.done $0x0  }
0x61: {  	[sflag:s21] =	ssyncadd.s32 $0xFFFFD800  }
0x62: {  	[spmem:s2] =	stream.indirect.scatter [tilespmem:s20], [sflag:$0x3], $0x80, s26, s18, $0xb8;
	[tilespmem:$0x19500] =	vst v63  }
0x63: {  	_ =	swait.ge [sflag:s21], $0x2800  }
0x64: {  	[sflag:s21] =	ssyncset.done $0x0  }
0x65: {  	[sflag:s21] =	ssyncadd.s32 $0xFFFFD800  }
0x66: {  	[spmem:s2] =	stream.indirect.scatter [tilespmem:s20], [sflag:$0x3], $0x80, s28, s18, $0xb8;
	[tilespmem:$0x19500] =	vst v63  }
0x67: {  	_ =	swait.ge [sflag:s21], $0x2800  }
0x68: {  	[sflag:s21] =	ssyncset.done $0x0  }
0x69: {  	[sflag:s21] =	ssyncadd.s32 $0xFFFFD800  }
0x6a: {  	[spmem:s2] =	stream.indirect.scatter [tilespmem:s20], [sflag:$0x3], $0x80, s29, s18, $0xb8;
	[tilespmem:$0x19500] =	vst v63  }
0x6b: {  	_ =	swait.ge [sflag:s21], $0x2800  }
0x6c: {  	[sflag:s21] =	ssyncset.done $0x0  }
0x6d: {  	[sflag:s21] =	ssyncadd.s32 $0xFFFFD800  }
0x6e: {  	[bflag:$0x0] =	sbarrier.arrive $0xFFFF  }
0x6f: {  	s12 =	simm.s32 $0x0;
	s8 =	rddreg [dreg:$0x3]  }
0x70: {  	[tilespmem:s12], [sflag:$0x3] =	stream.linear.gather [hbm4b:s8+s12], $0x50, $0x38;
	[tilespmem:$0x19500] =	vst v63  }
0x71: {  	_ =	swait.ge [sflag:s21], $0x50  }
0x72: {  	[sflag:s21] =	ssyncset.done $0x0  }
0x73: {  	[sflag:s21] =	ssyncadd.s32 $0xFFFFFFB0  }
0x74: {  	[spmem:s2] =	stream.indirect.scatter.add.f32 [tilespmem:s30], [sflag:$0x1], $0x80, s12, s18, $0xb8;
	[tilespmem:$0x19500] =	vst v63  }
0x75: {  	s13 =	sadd.s32 $0x0, s17  }
0x76: {  	[tilespmem:s31], [sflag:$0x3] =	stream.linear.gather [hbm4b:s13+s3], $0x50, $0x38;
	[tilespmem:$0x19500] =	vst v63  }
0x77: {  	_ =	swait.ge [sflag:s21], $0x50  }
0x78: {  	[sflag:s21] =	ssyncset.done $0x0  }
0x79: {  	[sflag:s21] =	ssyncadd.s32 $0xFFFFFFB0  }
0x7a: {  	[spmem:s2] =	stream.indirect.scatter.add.f32 [tilespmem:s30], [sflag:$0x2], $0x80, s31, s18, $0xb8;
	[tilespmem:$0x19500] =	vst v63  }
0x7b: {  	_ =	swait.ge [sflag:s0], $0x2800  }
0x7c: {  	s14 =	sshrl.u32 s16, $0x3;
	[sflag:s0] =	ssyncset.done $0x0  }
0x7d: {  	s7 =	sadd.s32 s4, s14;
	[sflag:s0] =	ssyncadd.s32 $0xFFFFD800  }
0x7e: {  	[tilespmem:s3], [sflag:$0x3] =	stream.linear.gather [hbm4b:s7+s3], $0x50, $0x38;
	[tilespmem:$0x19500] =	vst v63  }
0x7f: {  	_ =	swait.ge [sflag:s21], $0x50  }
0x80: {  	[sflag:s21] =	ssyncset.done $0x0  }
0x81: {  	[sflag:s21] =	ssyncadd.s32 $0xFFFFFFB0  }
0x82: {  	[spmem:s2] =	stream.indirect.scatter.add.f32 [tilespmem:s30], [sflag:$0x1], $0x80, s3, s18, $0xb8;
	[tilespmem:$0x19500] =	vst v63  }
0x83: {  	s9 =	simm.s32 $0x28;
	_ =	swait.ge [sflag:s1], $0x2800  }
0x84: {  	s8 =	simm.s32 $0x14;
	s7 =	sadd.s32 $0xA0, s16;
	[sflag:s1] =	ssyncset.done $0x0  }
.LBB2_8:
0x85: {  	s10 =	sadd.s32 s8, s17  }
0x86: {  	[sflag:s1] =	ssyncadd.s32 $0xFFFFD800;
	s8 =	smov.u32 s9;
	s11 =	sadd.s32 $0x14, s9  }
0x87: {  	[tilespmem:s31], [sflag:$0x3] =	stream.linear.gather [hbm4b:s10+s3], $0x50, $0x38;
	[tilespmem:$0x19500] =	vst v63  }
0x88: {  	p0 =	sne.s32 s9, $0x4C4;
	_ =	swait.ge [sflag:s21], $0x50  }
0x89: {  	[sflag:s21] =	ssyncset.done $0x0  }
0x8a: {  	[sflag:s21] =	ssyncadd.s32 $0xFFFFFFB0  }
0x8b: {  	[spmem:s2] =	stream.indirect.scatter.add.f32 [tilespmem:s30], [sflag:$0x2], $0x80, s31, s18, $0xb8;
	[tilespmem:$0x19500] =	vst v63  }
0x8c: {  	_ =	swait.ge [sflag:s0], $0x2800  }
0x8d: {  	s9 =	sshrl.u32 s7, $0x3;
	[sflag:s0] =	ssyncset.done $0x0  }
0x8e: {  	s9 =	sadd.s32 s4, s9;
	[sflag:s0] =	ssyncadd.s32 $0xFFFFD800  }
0x8f: {  	[tilespmem:s3], [sflag:$0x3] =	stream.linear.gather [hbm4b:s9+s3], $0x50, $0x38;
	[tilespmem:$0x19500] =	vst v63  }
0x90: {  	_ =	swait.ge [sflag:s21], $0x50  }
.Ltmp3:
0x91: {  	[sflag:s21] =	ssyncset.done $0x0;
	(pc) =	sbr.rel @p0 .LBB2_8-.Ltmp3, $4  }
0x92: {  	[sflag:s21] =	ssyncadd.s32 $0xFFFFFFB0  }
0x93: {  	[spmem:s2] =	stream.indirect.scatter.add.f32 [tilespmem:s30], [sflag:$0x1], $0x80, s3, s18, $0xb8;
	[tilespmem:$0x19500] =	vst v63  }
0x94: {  	_ =	swait.ge [sflag:s1], $0x2800  }
0x95: {  	s7 =	sadd.s32 $0xA0, s7;
	s9 =	smov.u32 s11;
	[sflag:s1] =	ssyncset.done $0x0  }
0x96: {  	s8 =	sadd.s32 s8, s17;
	[sflag:s1] =	ssyncadd.s32 $0xFFFFD800  }
0x97: {  	[tilespmem:s31], [sflag:$0x3] =	stream.linear.gather [hbm4b:s8+s3], $0x50, $0x38;
	[tilespmem:$0x19500] =	vst v63  }
0x98: {  	_ =	swait.ge [sflag:s21], $0x50  }
0x99: {  	[sflag:s21] =	ssyncset.done $0x0  }
0x9a: {  	[sflag:s21] =	ssyncadd.s32 $0xFFFFFFB0  }
0x9b: {  	[spmem:s2] =	stream.indirect.scatter.add.f32 [tilespmem:s30], [sflag:$0x2], $0x80, s31, s18, $0xb8;
	[tilespmem:$0x19500] =	vst v63  }
0x9c: {  	_ =	swait.ge [sflag:s0], $0x2800  }
0x9d: {  	s7 =	sshrl.u32 s7, $0x3;
	[sflag:s0] =	ssyncset.done $0x0  }
0x9e: {  	s7 =	sadd.s32 s4, s7;
	[sflag:s0] =	ssyncadd.s32 $0xFFFFD800  }
0x9f: {  	[tilespmem:s3], [sflag:$0x3] =	stream.linear.gather [hbm4b:s7+s3], $0x50, $0x38;
	[tilespmem:$0x19500] =	vst v63  }
0xa0: {  	_ =	swait.ge [sflag:s21], $0x50  }
0xa1: {  	[sflag:s21] =	ssyncset.done $0x0  }
0xa2: {  	[sflag:s21] =	ssyncadd.s32 $0xFFFFFFB0  }
0xa3: {  	[spmem:s2] =	stream.indirect.scatter.add.f32 [tilespmem:s30], [sflag:$0x1], $0x80, s3, s18, $0xb8;
	[tilespmem:$0x19500] =	vst v63  }
0xa4: {  	_ =	swait.ge [sflag:s1], $0x2800  }
0xa5: {  	[sflag:s1] =	ssyncset.done $0x0  }
0xa6: {  	[sflag:s1] =	ssyncadd.s32 $0xFFFFD800  }
0xa7: {  	_ =	swait.ge [sflag:s0], $0x2800  }
0xa8: {  	[sflag:s0] =	ssyncset.done $0x0  }
0xa9: {  	[sflag:s0] =	ssyncadd.s32 $0xFFFFD800  }
0xaa: {  	[bflag:$0x0] =	sbarrier.arrive $0xFFFF  }
0xab: {  	[tilespmem:s20], [sflag:$0x3] =	stream.indirect.gather [spmem:s2], $0x80, s19, s18, $0xb8;
	[tilespmem:$0x19500] =	vst v63  }
0xac: {  	_ =	swait.ge [sflag:s21], $0x2800  }
0xad: {  	[sflag:s21] =	ssyncset.done $0x0  }
0xae: {  	s14 =	rddreg [dreg:$0x4];
	[sflag:s21] =	ssyncadd.s32 $0xFFFFD800  }
0xaf: {  	[hbm4b:s14+s3] =	stream.linear.scatter [tilespmem:s20], [sflag:$0x3], $0x2800, $0x38;
	[tilespmem:$0x19500] =	vst v63  }
0xb0: {  	_ =	swait.ge [sflag:s21], $0x2800  }
0xb1: {  	[sflag:s21] =	ssyncset.done $0x0  }
0xb2: {  	[sflag:s21] =	ssyncadd.s32 $0xFFFFD800  }
0xb3: {  	[tilespmem:s20], [sflag:$0x3] =	stream.indirect.gather [spmem:s2], $0x80, s22, s18, $0xb8;
	[tilespmem:$0x19500] =	vst v63  }
0xb4: {  	_ =	swait.ge [sflag:s21], $0x2800  }
0xb5: {  	[sflag:s21] =	ssyncset.done $0x0  }
0xb6: {  	s8 =	rddreg [dreg:$0x5];
	[sflag:s21] =	ssyncadd.s32 $0xFFFFD800  }
0xb7: {  	[hbm4b:s8+s3] =	stream.linear.scatter [tilespmem:s20], [sflag:$0x3], $0x2800, $0x38;
	[tilespmem:$0x19500] =	vst v63  }
0xb8: {  	_ =	swait.ge [sflag:s21], $0x2800  }
0xb9: {  	[sflag:s21] =	ssyncset.done $0x0  }
0xba: {  	[sflag:s21] =	ssyncadd.s32 $0xFFFFD800  }
0xbb: {  	[tilespmem:s20], [sflag:$0x3] =	stream.indirect.gather [spmem:s2], $0x80, s23, s18, $0xb8;
	[tilespmem:$0x19500] =	vst v63  }
0xbc: {  	_ =	swait.ge [sflag:s21], $0x2800  }
0xbd: {  	[sflag:s21] =	ssyncset.done $0x0  }
0xbe: {  	s9 =	rddreg [dreg:$0x6];
	[sflag:s21] =	ssyncadd.s32 $0xFFFFD800  }
0xbf: {  	[hbm4b:s9+s3] =	stream.linear.scatter [tilespmem:s20], [sflag:$0x3], $0x2800, $0x38;
	[tilespmem:$0x19500] =	vst v63  }
0xc0: {  	_ =	swait.ge [sflag:s21], $0x2800  }
0xc1: {  	[sflag:s21] =	ssyncset.done $0x0  }
0xc2: {  	[sflag:s21] =	ssyncadd.s32 $0xFFFFD800  }
0xc3: {  	[tilespmem:s20], [sflag:$0x3] =	stream.indirect.gather [spmem:s2], $0x80, s24, s18, $0xb8;
	[tilespmem:$0x19500] =	vst v63  }
0xc4: {  	_ =	swait.ge [sflag:s21], $0x2800  }
0xc5: {  	[sflag:s21] =	ssyncset.done $0x0  }
0xc6: {  	s10 =	rddreg [dreg:$0x7];
	[sflag:s21] =	ssyncadd.s32 $0xFFFFD800  }
0xc7: {  	[hbm4b:s10+s3] =	stream.linear.scatter [tilespmem:s20], [sflag:$0x3], $0x2800, $0x38;
	[tilespmem:$0x19500] =	vst v63  }
0xc8: {  	_ =	swait.ge [sflag:s21], $0x2800  }
0xc9: {  	[sflag:s21] =	ssyncset.done $0x0  }
0xca: {  	[sflag:s21] =	ssyncadd.s32 $0xFFFFD800  }
0xcb: {  	[tilespmem:s20], [sflag:$0x3] =	stream.indirect.gather [spmem:s2], $0x80, s25, s18, $0xb8;
	[tilespmem:$0x19500] =	vst v63  }
0xcc: {  	_ =	swait.ge [sflag:s21], $0x2800  }
0xcd: {  	[sflag:s21] =	ssyncset.done $0x0  }
0xce: {  	s11 =	rddreg [dreg:$0x8];
	[sflag:s21] =	ssyncadd.s32 $0xFFFFD800  }
0xcf: {  	[hbm4b:s11+s3] =	stream.linear.scatter [tilespmem:s20], [sflag:$0x3], $0x2800, $0x38;
	[tilespmem:$0x19500] =	vst v63  }
0xd0: {  	_ =	swait.ge [sflag:s21], $0x2800  }
0xd1: {  	[sflag:s21] =	ssyncset.done $0x0  }
0xd2: {  	[sflag:s21] =	ssyncadd.s32 $0xFFFFD800  }
0xd3: {  	[tilespmem:s20], [sflag:$0x3] =	stream.indirect.gather [spmem:s2], $0x80, s26, s18, $0xb8;
	[tilespmem:$0x19500] =	vst v63  }
0xd4: {  	_ =	swait.ge [sflag:s21], $0x2800  }
0xd5: {  	[sflag:s21] =	ssyncset.done $0x0  }
0xd6: {  	s12 =	rddreg [dreg:$0x9];
	[sflag:s21] =	ssyncadd.s32 $0xFFFFD800  }
0xd7: {  	[hbm4b:s12+s3] =	stream.linear.scatter [tilespmem:s20], [sflag:$0x3], $0x2800, $0x38;
	[tilespmem:$0x19500] =	vst v63  }
0xd8: {  	_ =	swait.ge [sflag:s21], $0x2800  }
0xd9: {  	[sflag:s21] =	ssyncset.done $0x0  }
0xda: {  	[sflag:s21] =	ssyncadd.s32 $0xFFFFD800  }
0xdb: {  	[tilespmem:s20], [sflag:$0x3] =	stream.indirect.gather [spmem:s2], $0x80, s28, s18, $0xb8;
	[tilespmem:$0x19500] =	vst v63  }
0xdc: {  	_ =	swait.ge [sflag:s21], $0x2800  }
0xdd: {  	[sflag:s21] =	ssyncset.done $0x0  }
0xde: {  	s13 =	rddreg [dreg:$0xa];
	[sflag:s21] =	ssyncadd.s32 $0xFFFFD800  }
0xdf: {  	[hbm4b:s13+s3] =	stream.linear.scatter [tilespmem:s20], [sflag:$0x3], $0x2800, $0x38;
	[tilespmem:$0x19500] =	vst v63  }
0xe0: {  	_ =	swait.ge [sflag:s21], $0x2800  }
0xe1: {  	[sflag:s21] =	ssyncset.done $0x0  }
0xe2: {  	[sflag:s21] =	ssyncadd.s32 $0xFFFFD800  }
0xe3: {  	[tilespmem:s20], [sflag:$0x3] =	stream.indirect.gather [spmem:s2], $0x80, s29, s18, $0xb8;
	[tilespmem:$0x19500] =	vst v63  }
0xe4: {  	s6 =	sadd.s32 $0x1, s6;
	_ =	swait.ge [sflag:s21], $0x2800  }
0xe5: {  	p0 =	sne.s32 s6, s15;
	[sflag:s21] =	ssyncset.done $0x0  }
.Ltmp4:
0xe6: {  	s14 =	rddreg [dreg:$0xb];
	[sflag:s21] =	ssyncadd.s32 $0xFFFFD800;
	(pc) =	sbr.rel @p0 .LBB2_1-.Ltmp4, $4  }
0xe7: {  	[hbm4b:s14+s3] =	stream.linear.scatter [tilespmem:s20], [sflag:$0x3], $0x2800, $0x38;
	[tilespmem:$0x19500] =	vst v63  }
0xe8: {  	_ =	swait.ge [sflag:s21], $0x2800  }
0xe9: {  	[sflag:s21] =	ssyncset.done $0x0  }
0xea: {  	[sflag:s21] =	ssyncadd.s32 $0xFFFFD800  }
0xeb: {  	_ =	sfence.sel $0x180000  }
0xec: {  	[bflag:$0x0] =	sbarrier.arrive $0xFFFF  }
0xed: {  	_ =	strace $0x90000047  }
0xee: {  	s0 =	stileid.u32;
	[bflag:$0x2] =	sbarrier.arrive $0xFFFF  }
0xef: {  	p0 =	sne.s32 s0, $0x0;
	s0 =	rddreg [dreg:$0x2]  }
0xf0: {  	s0 =	sadd.s32 @!p0 $0x100000, s0  }
0xf1: {  	[sflag:s0] =	ssyncadd.tile.s32 @!p0 $0x1;
	_ =	shalt  }
.Lfunc_end2:
_tile_overlayer_lowered:
.L_overlay_start_2:
0xf2: {  	(tag) =	ssettag $0x2  }
0xf3: {  	s0 =	rddreg [dreg:$0x0];
	s2 =	stileid.u32  }
0xf4: {  	s1 =	rddreg [dreg:$0x1];
	p0 =	sne.s32 s2, $0x0  }
0xf5: {  	s3 =	rddreg [dreg:$0x2];
	[bflag:$0x3] =	sbarrier.arrive $0xFFFF;
	s2 =	simm.s32 @!p0 $0x1C03  }
0xf6: {  	[timem:s3], [sflag:s2] =	dma.local @!p0 [hbm:s0], s1  }
0xf7: {  	s0 =	simm.s32 @!p0 $0x3  }
0xf8: {  	_ =	swait.ge @!p0 [sflag:s0], s1  }
0xf9: {  	s1 =	ssub.s32 @!p0 $0x0, s1;
	[sflag:s0] =	ssyncset.done @!p0 $0x0  }
0xfa: {  	[sflag:s0] =	ssyncadd.s32 @!p0 s1  }
0xfb: {  	[bflag:$0x3] =	sbarrier.arrive $0xFFFF  }
0xfc: {  	_ =	shalt  }

</sc_bundles>
